<compile_context>
chip_gen: v7x
topology: tpu7x:2x2x1
jax: 0.10.2.dev20260603
libtpu: 0.0.44.dev20260713+nightly
codegen_flags: <defaults>
</compile_context>

<pallas_src>
import functools

import jax
import jax.numpy as jnp
from jax import lax
from jax.experimental import pallas as pl
from jax.experimental.pallas import tpu as pltpu
from jax.experimental.pallas import tpu_sc as plsc

N = 320000
D = 128
S = 1024
HALF = S // 2

NC = 2
NS = 16

CHUNK = 128
NCHUNKS = N // CHUNK
BLK_CHUNKS = 2
BLK = BLK_CHUNKS * CHUNK
LANES = 16
NSEG_V = D // LANES
TRASH = S
INIT_ROWS = S // NS
PUB_ROWS = HALF // NS

IB_W = 192
IB_TAIL = 4
IB_LAST = 2304

_mesh = plsc.VectorSubcoreMesh(core_axis_name="c", subcore_axis_name="s")


@functools.partial(
    pl.kernel,
    mesh=_mesh,
    out_type=jax.ShapeDtypeStruct((S, D), jnp.float32),
    scratch_types=[
        pltpu.VMEM((2, BLK, D), jnp.float32),
        pltpu.VMEM((IB_W + IB_TAIL, CHUNK), jnp.int32),
        pltpu.VMEM((INIT_ROWS, D), jnp.float32),
        pltpu.VMEM((LANES, D), jnp.float32),
        pltpu.VMEM((LANES,), jnp.int32),
        pltpu.VMEM((LANES,), jnp.int32),
        pltpu.VMEM_SHARED((S + 8, D), jnp.float32),
        pltpu.SemaphoreType.DMA,
        pltpu.SemaphoreType.DMA,
    ],
)
def _segsum_sc(v_hbm, batch_hbm, u_hbm, zeros_hbm, p_hbm, out_hbm,
               vbuf, ibuf, obuf, sbuf, idbuf, pbuf, acc, sem0, sem1):
    c = lax.axis_index("c")
    s = lax.axis_index("s")
    lane_iota = lax.iota(jnp.int32, LANES)

    pltpu.sync_copy(p_hbm, pbuf)
    pv = pbuf[...]
    n0 = pv[0]
    s1f = pv[1]
    my_n = jnp.where(c == 0, n0, NCHUNKS - s1f)
    my_base = jnp.where(c == 0, 0, s1f)
    q = my_n // NS
    r = my_n - q * NS
    cnt = q + (s < r).astype(jnp.int32)
    tstart = my_base + s * q + jnp.minimum(s, r)
    row0 = tstart * CHUNK

    def vload(g, slot, sem):
        off = jnp.minimum(row0 + g * BLK, N - BLK)
        return pltpu.make_async_copy(
            v_hbm.at[pl.ds(off, BLK), :], vbuf.at[slot], sem)

    vload(0, 0, sem0).start()
    vload(1, 1, sem1).start()
    ib_start = pl.multiple_of(
        jnp.minimum((tstart // 8) * 8, IB_LAST), 8)
    ib_off = tstart - ib_start
    pltpu.sync_copy(batch_hbm.at[pl.ds(ib_start, IB_W)],
                    ibuf.at[pl.ds(0, IB_W)])
    pltpu.sync_copy(batch_hbm.at[pl.ds(NCHUNKS - IB_TAIL, IB_TAIL)],
                    ibuf.at[pl.ds(IB_W, IB_TAIL)])

    init_u = (s < NS // 2) == (c == 0)

    @pl.when(init_u)
    def _():
        pltpu.sync_copy(u_hbm.at[pl.ds(s * INIT_ROWS, INIT_ROWS), :], obuf)

    @pl.when(jnp.logical_not(init_u))
    def _():
        pltpu.sync_copy(zeros_hbm, obuf)

    pltpu.sync_copy(obuf, acc.at[pl.ds(s * INIT_ROWS, INIT_ROWS)])
    plsc.subcore_barrier()

    def reduce_chunk(slot, base):
        def rbody(rr, accs):
            out = accs
            for ru in range(4):
                row = base + 4 * rr + ru
                out = tuple(
                    a + jnp.reshape(
                        vbuf[slot, pl.ds(row, 1), pl.ds(j * LANES, LANES)],
                        (LANES,))
                    for j, a in enumerate(out))
            return out

        zero = tuple(jnp.zeros((LANES,), jnp.float32) for _ in range(NSEG_V))
        return lax.fori_loop(0, CHUNK // 4, rbody, zero)

    def fold_chunk(k, irow, slot, base):
        fv = jnp.reshape(ibuf[pl.ds(irow, 1), pl.ds(0, LANES)], (LANES,))
        lv = jnp.reshape(
            ibuf[pl.ds(irow, 1), pl.ds(CHUNK - LANES, LANES)], (LANES,))
        single = fv[0] == lv[LANES - 1]

        @pl.when(single)
        def _():
            sums = reduce_chunk(slot, base)
            for j in range(NSEG_V):
                sbuf[k, pl.ds(j * LANES, LANES)] = sums[j]
            idbuf[...] = jnp.where(lane_iota == k, fv, idbuf[...])

        @pl.when(jnp.logical_not(single))
        def _():
            pltpu.sync_copy(vbuf.at[slot, pl.ds(base, CHUNK)],
                            acc.at[ibuf.at[irow]], add=True)

    def fold_block(g, slot, kbase):
        for k in range(BLK_CHUNKS):
            fold_chunk(kbase + k, ib_off + g * BLK_CHUNKS + k, slot,
                       k * CHUNK)

    nblk = cnt // BLK_CHUNKS

    def body(gg, carry):
        g0 = 2 * gg
        idbuf[...] = jnp.full((LANES,), TRASH, jnp.int32)
        vload(g0, 0, sem0).wait()
        fold_block(g0, 0, 0)

        @pl.when(g0 + 2 < nblk)
        def _():
            vload(g0 + 2, 0, sem0).start()

        vload(g0 + 1, 1, sem1).wait()
        fold_block(g0 + 1, 1, BLK_CHUNKS)

        @pl.when(g0 + 3 < nblk)
        def _():
            vload(g0 + 3, 1, sem1).start()

        pltpu.sync_copy(sbuf, acc.at[idbuf], add=True)
        return carry

    lax.fori_loop(0, nblk // 2, body, 0)

    @pl.when(nblk % 2 == 1)
    def _():
        vload(nblk - 1, 0, sem0).wait()
        idbuf[...] = jnp.full((LANES,), TRASH, jnp.int32)
        fold_block(nblk - 1, 0, 0)
        pltpu.sync_copy(sbuf, acc.at[idbuf], add=True)

    @pl.when(nblk == 0)
    def _():
        vload(0, 0, sem0).wait()

    @pl.when(nblk <= 1)
    def _():
        vload(1, 1, sem1).wait()

    @pl.when(cnt % 2 == 1)
    def _():
        last = cnt - 1
        pltpu.sync_copy(
            v_hbm.at[pl.ds((tstart + last) * CHUNK, CHUNK), :],
            vbuf.at[0, pl.ds(0, CHUNK)])
        idbuf[...] = jnp.full((LANES,), TRASH, jnp.int32)
        fold_chunk(0, ib_off + last, 0, 0)
        pltpu.sync_copy(sbuf, acc.at[idbuf], add=True)

    plsc.subcore_barrier()

    orow = c * HALF + s * PUB_ROWS
    pltpu.sync_copy(acc.at[pl.ds(orow, PUB_ROWS)],
                    obuf.at[pl.ds(0, PUB_ROWS)])
    pltpu.sync_copy(obuf.at[pl.ds(0, PUB_ROWS)],
                    out_hbm.at[pl.ds(orow, PUB_ROWS), :])


def kernel(u, v, batch):
    batch32 = batch.astype(jnp.int32)
    batch2d = batch32.reshape(NCHUNKS, CHUNK)
    n0 = jnp.sum((batch2d[:, 0] < HALF).astype(jnp.int32))
    s1f = NCHUNKS - jnp.sum((batch2d[:, CHUNK - 1] >= HALF).astype(jnp.int32))
    p_arr = jnp.stack([n0, s1f])[
        jnp.minimum(jnp.arange(LANES), 1)].astype(jnp.int32)
    zeros = jnp.zeros((INIT_ROWS, D), jnp.float32)
    return _segsum_sc(v, batch2d, u, zeros, p_arr)

# --- scband reference (transcript-rebuilt; emitter-appended) ---
"""Pipeline reference for scband-update-u-4879082848305 (READ-ONLY COPY).

The authoritative reference and input builder live on the scoring server;
editing this copy changes nothing except your own understanding.
"""

import jax, jax.numpy as jnp
import numpy as np

N = 320000
D = 128
S = 1024

def setup_inputs(seed: int = 0) -> dict:
    key = jax.random.key(seed)
    k1, k2, k3 = jax.random.split(key, 3)
    u = jax.random.normal(k1, (S, D), dtype=jnp.float32)
    v = jax.random.normal(k2, (N, D), dtype=jnp.float32)
    batch = jnp.sort(jax.random.randint(k3, (N,), 0, S, dtype=jnp.int64))
    return {"u": u, "v": v, "batch": batch}

def reference(u, v, batch):
    # u += scatter(v, batch, dim=0)  (scatter-add / segment sum)
    seg = jax.ops.segment_sum(v, batch, num_segments=u.shape[0])
    return u + seg

if __name__ == "__main__":
    import jax
    _d = setup_inputs()
    print(jax.jit(kernel)(*tuple(_d.values())))

</pallas_src>

<mosaic_0001>
#map = affine_map<(d0, d1) -> (0, 0)>
#map1 = affine_map<(d0, d1) -> (0)>
module attributes {stable_mosaic.version = 14 : i64} {
  func.func @_segsum_sc(%arg0: i32, %arg1: i32, %arg2: memref<320000x128xf32, #tpu.memory_space<hbm>>, %arg3: memref<2500x128xi32, #tpu.memory_space<hbm>>, %arg4: memref<1024x128xf32, #tpu.memory_space<hbm>>, %arg5: memref<64x128xf32, #tpu.memory_space<hbm>>, %arg6: memref<16xi32, #tpu.memory_space<hbm>>, %arg7: memref<1024x128xf32, #tpu.memory_space<hbm>>, %arg8: memref<2x256x128xf32, #tpu.memory_space<vmem>>, %arg9: memref<196x128xi32, #tpu.memory_space<vmem>>, %arg10: memref<64x128xf32, #tpu.memory_space<vmem>>, %arg11: memref<16x128xf32, #tpu.memory_space<vmem>>, %arg12: memref<16xi32, #tpu.memory_space<vmem>>, %arg13: memref<16xi32, #tpu.memory_space<vmem>>, %arg14: memref<1032x128xf32, #tpu.memory_space<vmem_shared>>, %arg15: memref<!tpu.dma_semaphore, #tpu.memory_space<semaphore_mem>>, %arg16: memref<!tpu.dma_semaphore, #tpu.memory_space<semaphore_mem>>) attributes {dimension_semantics = [#tpu.dimension_semantics<core_parallel>, #tpu.dimension_semantics<subcore_parallel>], iteration_bounds = array<i64: 2, 16>, scalar_prefetch = 0 : i64, scratch_operands = 9 : i64, tpu.core_type = #tpu.core_type<sc_vector_subcore>, window_params = [{transform_indices = #map}, {transform_indices = #map}, {transform_indices = #map}, {transform_indices = #map}, {transform_indices = #map1}, {transform_indices = #map}]} {
    %iota3A = tpu.iota {dimensions = array<i32: 0>} : vector<16xi32>
    "tpu.region"() ({
      %run_scoped3A = tpu.sem_alloc : memref<!tpu.dma_semaphore, #tpu.memory_space<semaphore_mem>>
      tpu.enqueue_dma source(%arg6 : memref<16xi32, #tpu.memory_space<hbm>>) target(%arg13 : memref<16xi32, #tpu.memory_space<vmem>>) target_semaphore(%run_scoped3A : memref<!tpu.dma_semaphore, #tpu.memory_space<semaphore_mem>>)
      tpu.wait_dma2 semaphore(%run_scoped3A : memref<!tpu.dma_semaphore, #tpu.memory_space<semaphore_mem>>) src(%arg6 : memref<16xi32, #tpu.memory_space<hbm>>) dst(%arg13 : memref<16xi32, #tpu.memory_space<vmem>>)
      tpu.yield
    }) : () -> ()
    %get3A = arith.constant 0 : index
    %get3A_0 = tpu.vector_load %arg13[%get3A] {strides = array<i32>} : memref<16xi32, #tpu.memory_space<vmem>>, vector<16xi32>,
    %get3A_1 = vector.shape_cast %get3A_0 : vector<16xi32> to vector<16xi32>
    %slice3A = vector.extract_strided_slice %get3A_1 {offsets = [0], sizes = [1], strides = [1]} : vector<16xi32> to vector<1xi32>
    %squeeze3A = vector.extract %slice3A[0] : i32 from vector<1xi32>
    %slice3A_2 = vector.extract_strided_slice %get3A_1 {offsets = [1], sizes = [1], strides = [1]} : vector<16xi32> to vector<1xi32>
    %squeeze3A_3 = vector.extract %slice3A_2[0] : i32 from vector<1xi32>
    %eq3A = arith.constant 0 : i32
    %eq3A_4 = arith.cmpi eq, %arg0, %eq3A : i32
    %sub3A = arith.constant 2500 : i32
    %sub3A_5 = arith.subi %sub3A, %squeeze3A_3 : i32
    %select_n3A = arith.select %eq3A_4, %squeeze3A, %sub3A_5 : i32
    %eq3A_6 = arith.constant 0 : i32
    %eq3A_7 = arith.cmpi eq, %arg0, %eq3A_6 : i32
    %jit3A = arith.constant 0 : i32
    %select_n3A_8 = arith.select %eq3A_7, %jit3A, %squeeze3A_3 : i32
    %jit3A_9 = arith.constant 16 : i32
    %div3A = arith.divsi %select_n3A, %jit3A_9 : i32
    %sign3A = arith.constant 0 : i32
    %sign3A_10 = arith.cmpi sgt, %select_n3A, %sign3A : i32
    %sign3A_11 = arith.extui %sign3A_10 : i1 to i32
    %sign3A_12 = arith.constant 0 : i32
    %sign3A_13 = arith.cmpi slt, %select_n3A, %sign3A_12 : i32
    %sign3A_14 = arith.extui %sign3A_13 : i1 to i32
    %sign3A_15 = arith.subi %sign3A_11, %sign3A_14 : i32
    %sign3A_16 = arith.constant 0 : i32
    %sign3A_17 = arith.cmpi sgt, %jit3A_9, %sign3A_16 : i32
    %sign3A_18 = arith.extui %sign3A_17 : i1 to i32
    %sign3A_19 = arith.constant 0 : i32
    %sign3A_20 = arith.cmpi slt, %jit3A_9, %sign3A_19 : i32
    %sign3A_21 = arith.extui %sign3A_20 : i1 to i32
    %sign3A_22 = arith.subi %sign3A_18, %sign3A_21 : i32
    %ne3A = arith.cmpi ne, %sign3A_15, %sign3A_22 : i32
    %rem3A = arith.remsi %select_n3A, %jit3A_9 : i32
    %ne3A_23 = arith.constant 0 : i32
    %ne3A_24 = arith.cmpi ne, %rem3A, %ne3A_23 : i32
    %and3A = arith.andi %ne3A, %ne3A_24 : i1
    %sub3A_25 = arith.constant 1 : i32
    %sub3A_26 = arith.subi %div3A, %sub3A_25 : i32
    %select_n3A_27 = arith.select %and3A, %sub3A_26, %div3A : i32
    %mul3A = arith.constant 16 : i32
    %mul3A_28 = arith.muli %select_n3A_27, %mul3A : i32
    %sub3A_29 = arith.subi %select_n3A, %mul3A_28 : i32
    %lt3A = arith.cmpi slt, %arg1, %sub3A_29 : i32
    %convert_element_type3A = arith.extui %lt3A : i1 to i32
    %add3A = arith.addi %select_n3A_27, %convert_element_type3A : i32
    %mul3A_30 = arith.muli %arg1, %select_n3A_27 : i32
    %add3A_31 = arith.addi %select_n3A_8, %mul3A_30 : i32
    %min3A = arith.minsi %arg1, %sub3A_29 : i32
    %add3A_32 = arith.addi %add3A_31, %min3A : i32
    %mul3A_33 = arith.constant 128 : i32
    %mul3A_34 = arith.muli %add3A_32, %mul3A_33 : i32
    %add3A_35 = arith.constant 0 : i32
    %add3A_36 = arith.addi %mul3A_34, %add3A_35 : i32
    %min3A_37 = arith.constant 319744 : i32
    %min3A_38 = arith.minsi %add3A_36, %min3A_37 : i32
    %dma_start3A = arith.constant 0 : i32
    %dma_start3A_39 = arith.constant 0 : i32
    %dma_start3A_40 = arith.constant 0 : i32
    %dma_start3A_41 = tpu.memref_slice %arg8[%dma_start3A, %dma_start3A_39, %dma_start3A_40] : memref<2x256x128xf32, #tpu.memory_space<vmem>> -> memref<1x256x128xf32, #tpu.memory_space<vmem>>
    %dma_start3A_42 = tpu.memref_squeeze %dma_start3A_41 : memref<1x256x128xf32, #tpu.memory_space<vmem>> -> memref<256x128xf32, #tpu.memory_space<vmem>>
    %dma_start3A_43 = arith.constant 0 : i32
    %dma_start3A_44 = tpu.memref_slice %arg2[%min3A_38, %dma_start3A_43] : memref<320000x128xf32, #tpu.memory_space<hbm>> -> memref<256x128xf32, #tpu.memory_space<hbm>>
    %dma_start3A_45 = arith.constant 0 : i32
    %dma_start3A_46 = arith.constant 0 : i32
    %dma_start3A_47 = tpu.memref_slice %arg8[%dma_start3A, %dma_start3A_45, %dma_start3A_46] : memref<2x256x128xf32, #tpu.memory_space<vmem>> -> memref<1x256x128xf32, #tpu.memory_space<vmem>>
    %dma_start3A_48 = tpu.memref_squeeze %dma_start3A_47 : memref<1x256x128xf32, #tpu.memory_space<vmem>> -> memref<256x128xf32, #tpu.memory_space<vmem>>
    %dma_start3A_49 = arith.constant 0 : i32
    %dma_start3A_50 = tpu.memref_slice %arg2[%min3A_38, %dma_start3A_49] : memref<320000x128xf32, #tpu.memory_space<hbm>> -> memref<256x128xf32, #tpu.memory_space<hbm>>
    tpu.enqueue_dma source(%dma_start3A_50 : memref<256x128xf32, #tpu.memory_space<hbm>>) target(%dma_start3A_48 : memref<256x128xf32, #tpu.memory_space<vmem>>) target_semaphore(%arg15 : memref<!tpu.dma_semaphore, #tpu.memory_space<semaphore_mem>>)
    %add3A_51 = arith.constant 256 : i32
    %add3A_52 = arith.addi %mul3A_34, %add3A_51 : i32
    %min3A_53 = arith.constant 319744 : i32
    %min3A_54 = arith.minsi %add3A_52, %min3A_53 : i32
    %dma_start3A_55 = arith.constant 1 : i32
    %dma_start3A_56 = arith.constant 0 : i32
    %dma_start3A_57 = arith.constant 0 : i32
    %dma_start3A_58 = tpu.memref_slice %arg8[%dma_start3A_55, %dma_start3A_56, %dma_start3A_57] : memref<2x256x128xf32, #tpu.memory_space<vmem>> -> memref<1x256x128xf32, #tpu.memory_space<vmem>>
    %dma_start3A_59 = tpu.memref_squeeze %dma_start3A_58 : memref<1x256x128xf32, #tpu.memory_space<vmem>> -> memref<256x128xf32, #tpu.memory_space<vmem>>
    %dma_start3A_60 = arith.constant 0 : i32
    %dma_start3A_61 = tpu.memref_slice %arg2[%min3A_54, %dma_start3A_60] : memref<320000x128xf32, #tpu.memory_space<hbm>> -> memref<256x128xf32, #tpu.memory_space<hbm>>
    %dma_start3A_62 = arith.constant 0 : i32
    %dma_start3A_63 = arith.constant 0 : i32
    %dma_start3A_64 = tpu.memref_slice %arg8[%dma_start3A_55, %dma_start3A_62, %dma_start3A_63] : memref<2x256x128xf32, #tpu.memory_space<vmem>> -> memref<1x256x128xf32, #tpu.memory_space<vmem>>
    %dma_start3A_65 = tpu.memref_squeeze %dma_start3A_64 : memref<1x256x128xf32, #tpu.memory_space<vmem>> -> memref<256x128xf32, #tpu.memory_space<vmem>>
    %dma_start3A_66 = arith.constant 0 : i32
    %dma_start3A_67 = tpu.memref_slice %arg2[%min3A_54, %dma_start3A_66] : memref<320000x128xf32, #tpu.memory_space<hbm>> -> memref<256x128xf32, #tpu.memory_space<hbm>>
    tpu.enqueue_dma source(%dma_start3A_67 : memref<256x128xf32, #tpu.memory_space<hbm>>) target(%dma_start3A_65 : memref<256x128xf32, #tpu.memory_space<vmem>>) target_semaphore(%arg16 : memref<!tpu.dma_semaphore, #tpu.memory_space<semaphore_mem>>)
    %jit3A_68 = arith.constant 8 : i32
    %div3A_69 = arith.divsi %add3A_32, %jit3A_68 : i32
    %sign3A_70 = arith.constant 0 : i32
    %sign3A_71 = arith.cmpi sgt, %add3A_32, %sign3A_70 : i32
    %sign3A_72 = arith.extui %sign3A_71 : i1 to i32
    %sign3A_73 = arith.constant 0 : i32
    %sign3A_74 = arith.cmpi slt, %add3A_32, %sign3A_73 : i32
    %sign3A_75 = arith.extui %sign3A_74 : i1 to i32
    %sign3A_76 = arith.subi %sign3A_72, %sign3A_75 : i32
    %sign3A_77 = arith.constant 0 : i32
    %sign3A_78 = arith.cmpi sgt, %jit3A_68, %sign3A_77 : i32
    %sign3A_79 = arith.extui %sign3A_78 : i1 to i32
    %sign3A_80 = arith.constant 0 : i32
    %sign3A_81 = arith.cmpi slt, %jit3A_68, %sign3A_80 : i32
    %sign3A_82 = arith.extui %sign3A_81 : i1 to i32
    %sign3A_83 = arith.subi %sign3A_79, %sign3A_82 : i32
    %ne3A_84 = arith.cmpi ne, %sign3A_76, %sign3A_83 : i32
    %rem3A_85 = arith.remsi %add3A_32, %jit3A_68 : i32
    %ne3A_86 = arith.constant 0 : i32
    %ne3A_87 = arith.cmpi ne, %rem3A_85, %ne3A_86 : i32
    %and3A_88 = arith.andi %ne3A_84, %ne3A_87 : i1
    %sub3A_89 = arith.constant 1 : i32
    %sub3A_90 = arith.subi %div3A_69, %sub3A_89 : i32
    %select_n3A_91 = arith.select %and3A_88, %sub3A_90, %div3A_69 : i32
    %mul3A_92 = arith.constant 8 : i32
    %mul3A_93 = arith.muli %select_n3A_91, %mul3A_92 : i32
    %min3A_94 = arith.constant 2304 : i32
    %min3A_95 = arith.minsi %mul3A_93, %min3A_94 : i32
    %multiple_of3A = tpu.assume_multiple %min3A_95, 8 : i32
    %sub3A_96 = arith.subi %add3A_32, %multiple_of3A : i32
    "tpu.region"() ({
      %run_scoped3A = tpu.sem_alloc : memref<!tpu.dma_semaphore, #tpu.memory_space<semaphore_mem>>
      %dma_start3A_226 = arith.constant 0 : i32
      %dma_start3A_227 = arith.constant 0 : i32
      %dma_start3A_228 = tpu.memref_slice %arg9[%dma_start3A_226, %dma_start3A_227] : memref<196x128xi32, #tpu.memory_space<vmem>> -> memref<192x128xi32, #tpu.memory_space<vmem>>
      %dma_start3A_229 = arith.constant 0 : i32
      %dma_start3A_230 = tpu.memref_slice %arg3[%multiple_of3A, %dma_start3A_229] : memref<2500x128xi32, #tpu.memory_space<hbm>> -> memref<192x128xi32, #tpu.memory_space<hbm>>
      %dma_start3A_231 = arith.constant 0 : i32
      %dma_start3A_232 = arith.constant 0 : i32
      %dma_start3A_233 = tpu.memref_slice %arg9[%dma_start3A_231, %dma_start3A_232] : memref<196x128xi32, #tpu.memory_space<vmem>> -> memref<192x128xi32, #tpu.memory_space<vmem>>
      %dma_start3A_234 = arith.constant 0 : i32
      %dma_start3A_235 = tpu.memref_slice %arg3[%multiple_of3A, %dma_start3A_234] : memref<2500x128xi32, #tpu.memory_space<hbm>> -> memref<192x128xi32, #tpu.memory_space<hbm>>
      tpu.enqueue_dma source(%dma_start3A_235 : memref<192x128xi32, #tpu.memory_space<hbm>>) target(%dma_start3A_233 : memref<192x128xi32, #tpu.memory_space<vmem>>) target_semaphore(%run_scoped3A : memref<!tpu.dma_semaphore, #tpu.memory_space<semaphore_mem>>)
      %dma_wait3A = arith.constant 0 : i32
      %dma_wait3A_236 = arith.constant 0 : i32
      %dma_wait3A_237 = tpu.memref_slice %arg9[%dma_wait3A, %dma_wait3A_236] : memref<196x128xi32, #tpu.memory_space<vmem>> -> memref<192x128xi32, #tpu.memory_space<vmem>>
      %dma_wait3A_238 = arith.constant 0 : i32
      %dma_wait3A_239 = tpu.memref_slice %arg3[%multiple_of3A, %dma_wait3A_238] : memref<2500x128xi32, #tpu.memory_space<hbm>> -> memref<192x128xi32, #tpu.memory_space<hbm>>
      %dma_wait3A_240 = arith.constant 0 : i32
      %dma_wait3A_241 = arith.constant 0 : i32
      %dma_wait3A_242 = tpu.memref_slice %arg9[%dma_wait3A_240, %dma_wait3A_241] : memref<196x128xi32, #tpu.memory_space<vmem>> -> memref<192x128xi32, #tpu.memory_space<vmem>>
      %dma_wait3A_243 = arith.constant 0 : i32
      %dma_wait3A_244 = tpu.memref_slice %arg3[%multiple_of3A, %dma_wait3A_243] : memref<2500x128xi32, #tpu.memory_space<hbm>> -> memref<192x128xi32, #tpu.memory_space<hbm>>
      tpu.wait_dma2 semaphore(%run_scoped3A : memref<!tpu.dma_semaphore, #tpu.memory_space<semaphore_mem>>) src(%dma_wait3A_244 : memref<192x128xi32, #tpu.memory_space<hbm>>) dst(%dma_wait3A_242 : memref<192x128xi32, #tpu.memory_space<vmem>>)
      tpu.yield
    }) : () -> ()
    "tpu.region"() ({
      %run_scoped3A = tpu.sem_alloc : memref<!tpu.dma_semaphore, #tpu.memory_space<semaphore_mem>>
      %dma_start3A_226 = arith.constant 192 : i32
      %dma_start3A_227 = arith.constant 0 : i32
      %dma_start3A_228 = tpu.memref_slice %arg9[%dma_start3A_226, %dma_start3A_227] : memref<196x128xi32, #tpu.memory_space<vmem>> -> memref<4x128xi32, #tpu.memory_space<vmem>>
      %dma_start3A_229 = arith.constant 2496 : i32
      %dma_start3A_230 = arith.constant 0 : i32
      %dma_start3A_231 = tpu.memref_slice %arg3[%dma_start3A_229, %dma_start3A_230] : memref<2500x128xi32, #tpu.memory_space<hbm>> -> memref<4x128xi32, #tpu.memory_space<hbm>>
      %dma_start3A_232 = arith.constant 192 : i32
      %dma_start3A_233 = arith.constant 0 : i32
      %dma_start3A_234 = tpu.memref_slice %arg9[%dma_start3A_232, %dma_start3A_233] : memref<196x128xi32, #tpu.memory_space<vmem>> -> memref<4x128xi32, #tpu.memory_space<vmem>>
      %dma_start3A_235 = arith.constant 2496 : i32
      %dma_start3A_236 = arith.constant 0 : i32
      %dma_start3A_237 = tpu.memref_slice %arg3[%dma_start3A_235, %dma_start3A_236] : memref<2500x128xi32, #tpu.memory_space<hbm>> -> memref<4x128xi32, #tpu.memory_space<hbm>>
      tpu.enqueue_dma source(%dma_start3A_237 : memref<4x128xi32, #tpu.memory_space<hbm>>) target(%dma_start3A_234 : memref<4x128xi32, #tpu.memory_space<vmem>>) target_semaphore(%run_scoped3A : memref<!tpu.dma_semaphore, #tpu.memory_space<semaphore_mem>>)
      %dma_wait3A = arith.constant 192 : i32
      %dma_wait3A_238 = arith.constant 0 : i32
      %dma_wait3A_239 = tpu.memref_slice %arg9[%dma_wait3A, %dma_wait3A_238] : memref<196x128xi32, #tpu.memory_space<vmem>> -> memref<4x128xi32, #tpu.memory_space<vmem>>
      %dma_wait3A_240 = arith.constant 2496 : i32
      %dma_wait3A_241 = arith.constant 0 : i32
      %dma_wait3A_242 = tpu.memref_slice %arg3[%dma_wait3A_240, %dma_wait3A_241] : memref<2500x128xi32, #tpu.memory_space<hbm>> -> memref<4x128xi32, #tpu.memory_space<hbm>>
      %dma_wait3A_243 = arith.constant 192 : i32
      %dma_wait3A_244 = arith.constant 0 : i32
      %dma_wait3A_245 = tpu.memref_slice %arg9[%dma_wait3A_243, %dma_wait3A_244] : memref<196x128xi32, #tpu.memory_space<vmem>> -> memref<4x128xi32, #tpu.memory_space<vmem>>
      %dma_wait3A_246 = arith.constant 2496 : i32
      %dma_wait3A_247 = arith.constant 0 : i32
      %dma_wait3A_248 = tpu.memref_slice %arg3[%dma_wait3A_246, %dma_wait3A_247] : memref<2500x128xi32, #tpu.memory_space<hbm>> -> memref<4x128xi32, #tpu.memory_space<hbm>>
      tpu.wait_dma2 semaphore(%run_scoped3A : memref<!tpu.dma_semaphore, #tpu.memory_space<semaphore_mem>>) src(%dma_wait3A_248 : memref<4x128xi32, #tpu.memory_space<hbm>>) dst(%dma_wait3A_245 : memref<4x128xi32, #tpu.memory_space<vmem>>)
      tpu.yield
    }) : () -> ()
    %lt3A_97 = arith.constant 8 : i32
    %lt3A_98 = arith.cmpi slt, %arg1, %lt3A_97 : i32
    %eq3A_99 = arith.constant 0 : i32
    %eq3A_100 = arith.cmpi eq, %arg0, %eq3A_99 : i32
    %eq3A_101 = arith.xori %lt3A_98, %eq3A_100 : i1
    %eq3A_102 = arith.constant true
    %eq3A_103 = arith.xori %eq3A_101, %eq3A_102 : i1
    %convert_element_type3A_104 = arith.extui %eq3A_103 : i1 to i32
    %cond3A = arith.constant 0 : i32
    %cond3A_105 = arith.cmpi ne, %convert_element_type3A_104, %cond3A : i32
    scf.if %cond3A_105 {
      %mul3A_226 = arith.constant 64 : i32
      %mul3A_227 = arith.muli %arg1, %mul3A_226 : i32
      "tpu.region"() ({
        %run_scoped3A = tpu.sem_alloc : memref<!tpu.dma_semaphore, #tpu.memory_space<semaphore_mem>>
        %dma_start3A_228 = arith.constant 0 : i32
        %dma_start3A_229 = tpu.memref_slice %arg4[%mul3A_227, %dma_start3A_228] : memref<1024x128xf32, #tpu.memory_space<hbm>> -> memref<64x128xf32, #tpu.memory_space<hbm>>
        %dma_start3A_230 = arith.constant 0 : i32
        %dma_start3A_231 = tpu.memref_slice %arg4[%mul3A_227, %dma_start3A_230] : memref<1024x128xf32, #tpu.memory_space<hbm>> -> memref<64x128xf32, #tpu.memory_space<hbm>>
        tpu.enqueue_dma source(%dma_start3A_231 : memref<64x128xf32, #tpu.memory_space<hbm>>) target(%arg10 : memref<64x128xf32, #tpu.memory_space<vmem>>) target_semaphore(%run_scoped3A : memref<!tpu.dma_semaphore, #tpu.memory_space<semaphore_mem>>)
        %dma_wait3A = arith.constant 0 : i32
        %dma_wait3A_232 = tpu.memref_slice %arg4[%mul3A_227, %dma_wait3A] : memref<1024x128xf32, #tpu.memory_space<hbm>> -> memref<64x128xf32, #tpu.memory_space<hbm>>
        %dma_wait3A_233 = arith.constant 0 : i32
        %dma_wait3A_234 = tpu.memref_slice %arg4[%mul3A_227, %dma_wait3A_233] : memref<1024x128xf32, #tpu.memory_space<hbm>> -> memref<64x128xf32, #tpu.memory_space<hbm>>
        tpu.wait_dma2 semaphore(%run_scoped3A : memref<!tpu.dma_semaphore, #tpu.memory_space<semaphore_mem>>) src(%dma_wait3A_234 : memref<64x128xf32, #tpu.memory_space<hbm>>) dst(%arg10 : memref<64x128xf32, #tpu.memory_space<vmem>>)
        tpu.yield
      }) : () -> ()
    } else {
    }
    %not3A = arith.constant true
    %not3A_106 = arith.xori %eq3A_103, %not3A : i1
    %convert_element_type3A_107 = arith.extui %not3A_106 : i1 to i32
    %cond3A_108 = arith.constant 0 : i32
    %cond3A_109 = arith.cmpi ne, %convert_element_type3A_107, %cond3A_108 : i32
    scf.if %cond3A_109 {
      "tpu.region"() ({
        %run_scoped3A = tpu.sem_alloc : memref<!tpu.dma_semaphore, #tpu.memory_space<semaphore_mem>>
        tpu.enqueue_dma source(%arg5 : memref<64x128xf32, #tpu.memory_space<hbm>>) target(%arg10 : memref<64x128xf32, #tpu.memory_space<vmem>>) target_semaphore(%run_scoped3A : memref<!tpu.dma_semaphore, #tpu.memory_space<semaphore_mem>>)
        tpu.wait_dma2 semaphore(%run_scoped3A : memref<!tpu.dma_semaphore, #tpu.memory_space<semaphore_mem>>) src(%arg5 : memref<64x128xf32, #tpu.memory_space<hbm>>) dst(%arg10 : memref<64x128xf32, #tpu.memory_space<vmem>>)
        tpu.yield
      }) : () -> ()
    } else {
    }
    %mul3A_110 = arith.constant 64 : i32
    %mul3A_111 = arith.muli %arg1, %mul3A_110 : i32
    "tpu.region"() ({
      %run_scoped3A = tpu.sem_alloc : memref<!tpu.dma_semaphore, #tpu.memory_space<semaphore_mem>>
      %dma_start3A_226 = arith.constant 0 : i32
      %dma_start3A_227 = tpu.memref_slice %arg14[%mul3A_111, %dma_start3A_226] : memref<1032x128xf32, #tpu.memory_space<vmem_shared>> -> memref<64x128xf32, #tpu.memory_space<vmem_shared>>
      %dma_start3A_228 = arith.constant 0 : i32
      %dma_start3A_229 = tpu.memref_slice %arg14[%mul3A_111, %dma_start3A_228] : memref<1032x128xf32, #tpu.memory_space<vmem_shared>> -> memref<64x128xf32, #tpu.memory_space<vmem_shared>>
      tpu.enqueue_dma source(%arg10 : memref<64x128xf32, #tpu.memory_space<vmem>>) target(%dma_start3A_229 : memref<64x128xf32, #tpu.memory_space<vmem_shared>>) target_semaphore(%run_scoped3A : memref<!tpu.dma_semaphore, #tpu.memory_space<semaphore_mem>>)
      %dma_wait3A = arith.constant 0 : i32
      %dma_wait3A_230 = tpu.memref_slice %arg14[%mul3A_111, %dma_wait3A] : memref<1032x128xf32, #tpu.memory_space<vmem_shared>> -> memref<64x128xf32, #tpu.memory_space<vmem_shared>>
      %dma_wait3A_231 = arith.constant 0 : i32
      %dma_wait3A_232 = tpu.memref_slice %arg14[%mul3A_111, %dma_wait3A_231] : memref<1032x128xf32, #tpu.memory_space<vmem_shared>> -> memref<64x128xf32, #tpu.memory_space<vmem_shared>>
      tpu.wait_dma2 semaphore(%run_scoped3A : memref<!tpu.dma_semaphore, #tpu.memory_space<semaphore_mem>>) src(%arg10 : memref<64x128xf32, #tpu.memory_space<vmem>>) dst(%dma_wait3A_232 : memref<64x128xf32, #tpu.memory_space<vmem_shared>>)
      tpu.yield
    }) : () -> ()
    %barrier3A = arith.constant 0 : index
    tpu.barrier barrier_id(%barrier3A)
    %jit3A_112 = arith.constant 2 : i32
    %div3A_113 = arith.divsi %add3A, %jit3A_112 : i32
    %sign3A_114 = arith.constant 0 : i32
    %sign3A_115 = arith.cmpi sgt, %add3A, %sign3A_114 : i32
    %sign3A_116 = arith.extui %sign3A_115 : i1 to i32
    %sign3A_117 = arith.constant 0 : i32
    %sign3A_118 = arith.cmpi slt, %add3A, %sign3A_117 : i32
    %sign3A_119 = arith.extui %sign3A_118 : i1 to i32
    %sign3A_120 = arith.subi %sign3A_116, %sign3A_119 : i32
    %sign3A_121 = arith.constant 0 : i32
    %sign3A_122 = arith.cmpi sgt, %jit3A_112, %sign3A_121 : i32
    %sign3A_123 = arith.extui %sign3A_122 : i1 to i32
    %sign3A_124 = arith.constant 0 : i32
    %sign3A_125 = arith.cmpi slt, %jit3A_112, %sign3A_124 : i32
    %sign3A_126 = arith.extui %sign3A_125 : i1 to i32
    %sign3A_127 = arith.subi %sign3A_123, %sign3A_126 : i32
    %ne3A_128 = arith.cmpi ne, %sign3A_120, %sign3A_127 : i32
    %rem3A_129 = arith.remsi %add3A, %jit3A_112 : i32
    %ne3A_130 = arith.constant 0 : i32
    %ne3A_131 = arith.cmpi ne, %rem3A_129, %ne3A_130 : i32
    %and3A_132 = arith.andi %ne3A_128, %ne3A_131 : i1
    %sub3A_133 = arith.constant 1 : i32
    %sub3A_134 = arith.subi %div3A_113, %sub3A_133 : i32
    %select_n3A_135 = arith.select %and3A_132, %sub3A_134, %div3A_113 : i32
    %jit3A_136 = arith.constant 2 : i32
    %div3A_137 = arith.divsi %select_n3A_135, %jit3A_136 : i32
    %sign3A_138 = arith.constant 0 : i32
    %sign3A_139 = arith.cmpi sgt, %select_n3A_135, %sign3A_138 : i32
    %sign3A_140 = arith.extui %sign3A_139 : i1 to i32
    %sign3A_141 = arith.constant 0 : i32
    %sign3A_142 = arith.cmpi slt, %select_n3A_135, %sign3A_141 : i32
    %sign3A_143 = arith.extui %sign3A_142 : i1 to i32
    %sign3A_144 = arith.subi %sign3A_140, %sign3A_143 : i32
    %sign3A_145 = arith.constant 0 : i32
    %sign3A_146 = arith.cmpi sgt, %jit3A_136, %sign3A_145 : i32
    %sign3A_147 = arith.extui %sign3A_146 : i1 to i32
    %sign3A_148 = arith.constant 0 : i32
    %sign3A_149 = arith.cmpi slt, %jit3A_136, %sign3A_148 : i32
    %sign3A_150 = arith.extui %sign3A_149 : i1 to i32
    %sign3A_151 = arith.subi %sign3A_147, %sign3A_150 : i32
    %ne3A_152 = arith.cmpi ne, %sign3A_144, %sign3A_151 : i32
    %rem3A_153 = arith.remsi %select_n3A_135, %jit3A_136 : i32
    %ne3A_154 = arith.constant 0 : i32
    %ne3A_155 = arith.cmpi ne, %rem3A_153, %ne3A_154 : i32
    %and3A_156 = arith.andi %ne3A_152, %ne3A_155 : i1
    %sub3A_157 = arith.constant 1 : i32
    %sub3A_158 = arith.subi %div3A_137, %sub3A_157 : i32
    %select_n3A_159 = arith.select %and3A_156, %sub3A_158, %div3A_137 : i32
    %while3A = arith.constant 0 : i32
    %while3A_160 = arith.constant 0 : i32
    %while3A_161 = arith.subi %select_n3A_159, %while3A_160 : i32
    %while3A_162 = arith.addi %while3A_160, %while3A_161 : i32
    %while3A_163 = arith.constant 1 : i32
    %while3A_164 = arith.divsi %while3A_161, %while3A_163 : i32
    %while3A_165 = arith.muli %while3A_164, %while3A_163 : i32
    %while3A_166 = arith.addi %while3A_160, %while3A_165 : i32
    %while3A_167 = arith.constant 1 : i32
    scf.for %while3A_226 = %while3A_160 to %while3A_166 step %while3A_167  : i32 {
      %mul3A_227 = arith.constant 2 : i32
      %mul3A_228 = arith.muli %mul3A_227, %while3A_226 : i32
      %broadcast_in_dim3A = arith.constant 1024 : i32
      %broadcast_in_dim3A_229 = vector.broadcast %broadcast_in_dim3A : i32 to vector<16xi32>
      %swap3A = arith.constant 0 : index
      %swap3A_230 = tpu.vector_load %arg12[%swap3A] {strides = array<i32>} : memref<16xi32, #tpu.memory_space<vmem>>, vector<16xi32>,
      %swap3A_231 = vector.shape_cast %swap3A_230 : vector<16xi32> to vector<16xi32>
      %swap3A_232 = vector.shape_cast %broadcast_in_dim3A_229 : vector<16xi32> to vector<16xi32>
      tpu.vector_store %arg12[%swap3A], %swap3A_232 {strides = array<i32>} : memref<16xi32, #tpu.memory_space<vmem>>, vector<16xi32>,
      %mul3A_233 = arith.constant 256 : i32
      %mul3A_234 = arith.muli %mul3A_228, %mul3A_233 : i32
      %add3A_235 = arith.addi %mul3A_34, %mul3A_234 : i32
      %min3A_236 = arith.constant 319744 : i32
      %min3A_237 = arith.minsi %add3A_235, %min3A_236 : i32
      %dma_wait3A = arith.constant 0 : i32
      %dma_wait3A_238 = arith.constant 0 : i32
      %dma_wait3A_239 = arith.constant 0 : i32
      %dma_wait3A_240 = tpu.memref_slice %arg8[%dma_wait3A, %dma_wait3A_238, %dma_wait3A_239] : memref<2x256x128xf32, #tpu.memory_space<vmem>> -> memref<1x256x128xf32, #tpu.memory_space<vmem>>
      %dma_wait3A_241 = tpu.memref_squeeze %dma_wait3A_240 : memref<1x256x128xf32, #tpu.memory_space<vmem>> -> memref<256x128xf32, #tpu.memory_space<vmem>>
      %dma_wait3A_242 = arith.constant 0 : i32
      %dma_wait3A_243 = tpu.memref_slice %arg2[%min3A_237, %dma_wait3A_242] : memref<320000x128xf32, #tpu.memory_space<hbm>> -> memref<256x128xf32, #tpu.memory_space<hbm>>
      %dma_wait3A_244 = arith.constant 0 : i32
      %dma_wait3A_245 = arith.constant 0 : i32
      %dma_wait3A_246 = tpu.memref_slice %arg8[%dma_wait3A, %dma_wait3A_244, %dma_wait3A_245] : memref<2x256x128xf32, #tpu.memory_space<vmem>> -> memref<1x256x128xf32, #tpu.memory_space<vmem>>
      %dma_wait3A_247 = tpu.memref_squeeze %dma_wait3A_246 : memref<1x256x128xf32, #tpu.memory_space<vmem>> -> memref<256x128xf32, #tpu.memory_space<vmem>>
      %dma_wait3A_248 = arith.constant 0 : i32
      %dma_wait3A_249 = tpu.memref_slice %arg2[%min3A_237, %dma_wait3A_248] : memref<320000x128xf32, #tpu.memory_space<hbm>> -> memref<256x128xf32, #tpu.memory_space<hbm>>
      tpu.wait_dma2 semaphore(%arg15 : memref<!tpu.dma_semaphore, #tpu.memory_space<semaphore_mem>>) src(%dma_wait3A_249 : memref<256x128xf32, #tpu.memory_space<hbm>>) dst(%dma_wait3A_247 : memref<256x128xf32, #tpu.memory_space<vmem>>)
      %mul3A_250 = arith.constant 2 : i32
      %mul3A_251 = arith.muli %mul3A_228, %mul3A_250 : i32
      %add3A_252 = arith.addi %sub3A_96, %mul3A_251 : i32
      %add3A_253 = arith.constant 0 : i32
      %add3A_254 = arith.addi %add3A_252, %add3A_253 : i32
      %get3A_255 = arith.index_cast %add3A_254 : i32 to index
      %get3A_256 = arith.constant 0 : index
      %get3A_257 = tpu.vector_load %arg9[%get3A_255, %get3A_256] {strides = array<i32>} : memref<196x128xi32, #tpu.memory_space<vmem>>, vector<1x16xi32>,
      %get3A_258 = vector.shape_cast %get3A_257 : vector<1x16xi32> to vector<1x16xi32>
      %reshape3A = vector.shape_cast %get3A_258 : vector<1x16xi32> to vector<16xi32>
      %get3A_259 = arith.index_cast %add3A_254 : i32 to index
      %get3A_260 = arith.constant 112 : index
      %get3A_261 = tpu.vector_load %arg9[%get3A_259, %get3A_260] {strides = array<i32>} : memref<196x128xi32, #tpu.memory_space<vmem>>, vector<1x16xi32>,
      %get3A_262 = vector.shape_cast %get3A_261 : vector<1x16xi32> to vector<1x16xi32>
      %reshape3A_263 = vector.shape_cast %get3A_262 : vector<1x16xi32> to vector<16xi32>
      %slice3A_264 = vector.extract_strided_slice %reshape3A {offsets = [0], sizes = [1], strides = [1]} : vector<16xi32> to vector<1xi32>
      %squeeze3A_265 = vector.extract %slice3A_264[0] : i32 from vector<1xi32>
      %slice3A_266 = vector.extract_strided_slice %reshape3A_263 {offsets = [15], sizes = [1], strides = [1]} : vector<16xi32> to vector<1xi32>
      %squeeze3A_267 = vector.extract %slice3A_266[0] : i32 from vector<1xi32>
      %eq3A_268 = arith.cmpi eq, %squeeze3A_265, %squeeze3A_267 : i32
      %convert_element_type3A_269 = arith.extui %eq3A_268 : i1 to i32
      %cond3A_270 = arith.constant 0 : i32
      %cond3A_271 = arith.cmpi ne, %convert_element_type3A_269, %cond3A_270 : i32
      scf.if %cond3A_271 {
        %broadcast_in_dim3A_395 = arith.constant 0.000000e+00 : f32
        %broadcast_in_dim3A_396 = vector.broadcast %broadcast_in_dim3A_395 : f32 to vector<16xf32>
        %broadcast_in_dim3A_397 = arith.constant 0.000000e+00 : f32
        %broadcast_in_dim3A_398 = vector.broadcast %broadcast_in_dim3A_397 : f32 to vector<16xf32>
        %broadcast_in_dim3A_399 = arith.constant 0.000000e+00 : f32
        %broadcast_in_dim3A_400 = vector.broadcast %broadcast_in_dim3A_399 : f32 to vector<16xf32>
        %broadcast_in_dim3A_401 = arith.constant 0.000000e+00 : f32
        %broadcast_in_dim3A_402 = vector.broadcast %broadcast_in_dim3A_401 : f32 to vector<16xf32>
        %broadcast_in_dim3A_403 = arith.constant 0.000000e+00 : f32
        %broadcast_in_dim3A_404 = vector.broadcast %broadcast_in_dim3A_403 : f32 to vector<16xf32>
        %broadcast_in_dim3A_405 = arith.constant 0.000000e+00 : f32
        %broadcast_in_dim3A_406 = vector.broadcast %broadcast_in_dim3A_405 : f32 to vector<16xf32>
        %broadcast_in_dim3A_407 = arith.constant 0.000000e+00 : f32
        %broadcast_in_dim3A_408 = vector.broadcast %broadcast_in_dim3A_407 : f32 to vector<16xf32>
        %broadcast_in_dim3A_409 = arith.constant 0.000000e+00 : f32
        %broadcast_in_dim3A_410 = vector.broadcast %broadcast_in_dim3A_409 : f32 to vector<16xf32>
        %scan3A = arith.constant 0 : i32
        %scan3A_411 = arith.constant 32 : i32
        %scan3A_412 = arith.addi %scan3A, %scan3A_411 : i32
        %scan3A_413 = arith.constant 1 : i32
        %scan3A_414:8 = scf.for %scan3A_475 = %scan3A to %scan3A_412 step %scan3A_413 iter_args(%scan3A_476 = %broadcast_in_dim3A_396, %scan3A_477 = %broadcast_in_dim3A_398, %scan3A_478 = %broadcast_in_dim3A_400, %scan3A_479 = %broadcast_in_dim3A_402, %scan3A_480 = %broadcast_in_dim3A_404, %scan3A_481 = %broadcast_in_dim3A_406, %scan3A_482 = %broadcast_in_dim3A_408, %scan3A_483 = %broadcast_in_dim3A_410) -> (vector<16xf32>, vector<16xf32>, vector<16xf32>, vector<16xf32>, vector<16xf32>, vector<16xf32>, vector<16xf32>, vector<16xf32>)  : i32 {
          %mul3A_484 = arith.constant 4 : i32
          %mul3A_485 = arith.muli %mul3A_484, %scan3A_475 : i32
          %add3A_486 = arith.constant 0 : i32
          %add3A_487 = arith.addi %add3A_486, %mul3A_485 : i32
          %add3A_488 = arith.constant 0 : i32
          %add3A_489 = arith.addi %add3A_487, %add3A_488 : i32
          %get3A_490 = arith.constant 0 : i32
          %get3A_491 = arith.index_cast %get3A_490 : i32 to index
          %get3A_492 = arith.index_cast %add3A_489 : i32 to index
          %get3A_493 = arith.constant 0 : index
          %get3A_494 = tpu.vector_load %arg8[%get3A_491, %get3A_492, %get3A_493] {strides = array<i32>} : memref<2x256x128xf32, #tpu.memory_space<vmem>>, vector<1x1x16xf32>,
          %get3A_495 = vector.shape_cast %get3A_494 : vector<1x1x16xf32> to vector<1x16xf32>
          %reshape3A_496 = vector.shape_cast %get3A_495 : vector<1x16xf32> to vector<16xf32>
          %add3A_497 = arith.addf %scan3A_476, %reshape3A_496 : vector<16xf32>
          %get3A_498 = arith.constant 0 : i32
          %get3A_499 = arith.index_cast %get3A_498 : i32 to index
          %get3A_500 = arith.index_cast %add3A_489 : i32 to index
          %get3A_501 = arith.constant 16 : index
          %get3A_502 = tpu.vector_load %arg8[%get3A_499, %get3A_500, %get3A_501] {strides = array<i32>} : memref<2x256x128xf32, #tpu.memory_space<vmem>>, vector<1x1x16xf32>,
          %get3A_503 = vector.shape_cast %get3A_502 : vector<1x1x16xf32> to vector<1x16xf32>
          %reshape3A_504 = vector.shape_cast %get3A_503 : vector<1x16xf32> to vector<16xf32>
          %add3A_505 = arith.addf %scan3A_477, %reshape3A_504 : vector<16xf32>
          %get3A_506 = arith.constant 0 : i32
          %get3A_507 = arith.index_cast %get3A_506 : i32 to index
          %get3A_508 = arith.index_cast %add3A_489 : i32 to index
          %get3A_509 = arith.constant 32 : index
          %get3A_510 = tpu.vector_load %arg8[%get3A_507, %get3A_508, %get3A_509] {strides = array<i32>} : memref<2x256x128xf32, #tpu.memory_space<vmem>>, vector<1x1x16xf32>,
          %get3A_511 = vector.shape_cast %get3A_510 : vector<1x1x16xf32> to vector<1x16xf32>
          %reshape3A_512 = vector.shape_cast %get3A_511 : vector<1x16xf32> to vector<16xf32>
          %add3A_513 = arith.addf %scan3A_478, %reshape3A_512 : vector<16xf32>
          %get3A_514 = arith.constant 0 : i32
          %get3A_515 = arith.index_cast %get3A_514 : i32 to index
          %get3A_516 = arith.index_cast %add3A_489 : i32 to index
          %get3A_517 = arith.constant 48 : index
          %get3A_518 = tpu.vector_load %arg8[%get3A_515, %get3A_516, %get3A_517] {strides = array<i32>} : memref<2x256x128xf32, #tpu.memory_space<vmem>>, vector<1x1x16xf32>,
          %get3A_519 = vector.shape_cast %get3A_518 : vector<1x1x16xf32> to vector<1x16xf32>
          %reshape3A_520 = vector.shape_cast %get3A_519 : vector<1x16xf32> to vector<16xf32>
          %add3A_521 = arith.addf %scan3A_479, %reshape3A_520 : vector<16xf32>
          %get3A_522 = arith.constant 0 : i32
          %get3A_523 = arith.index_cast %get3A_522 : i32 to index
          %get3A_524 = arith.index_cast %add3A_489 : i32 to index
          %get3A_525 = arith.constant 64 : index
          %get3A_526 = tpu.vector_load %arg8[%get3A_523, %get3A_524, %get3A_525] {strides = array<i32>} : memref<2x256x128xf32, #tpu.memory_space<vmem>>, vector<1x1x16xf32>,
          %get3A_527 = vector.shape_cast %get3A_526 : vector<1x1x16xf32> to vector<1x16xf32>
          %reshape3A_528 = vector.shape_cast %get3A_527 : vector<1x16xf32> to vector<16xf32>
          %add3A_529 = arith.addf %scan3A_480, %reshape3A_528 : vector<16xf32>
          %get3A_530 = arith.constant 0 : i32
          %get3A_531 = arith.index_cast %get3A_530 : i32 to index
          %get3A_532 = arith.index_cast %add3A_489 : i32 to index
          %get3A_533 = arith.constant 80 : index
          %get3A_534 = tpu.vector_load %arg8[%get3A_531, %get3A_532, %get3A_533] {strides = array<i32>} : memref<2x256x128xf32, #tpu.memory_space<vmem>>, vector<1x1x16xf32>,
          %get3A_535 = vector.shape_cast %get3A_534 : vector<1x1x16xf32> to vector<1x16xf32>
          %reshape3A_536 = vector.shape_cast %get3A_535 : vector<1x16xf32> to vector<16xf32>
          %add3A_537 = arith.addf %scan3A_481, %reshape3A_536 : vector<16xf32>
          %get3A_538 = arith.constant 0 : i32
          %get3A_539 = arith.index_cast %get3A_538 : i32 to index
          %get3A_540 = arith.index_cast %add3A_489 : i32 to index
          %get3A_541 = arith.constant 96 : index
          %get3A_542 = tpu.vector_load %arg8[%get3A_539, %get3A_540, %get3A_541] {strides = array<i32>} : memref<2x256x128xf32, #tpu.memory_space<vmem>>, vector<1x1x16xf32>,
          %get3A_543 = vector.shape_cast %get3A_542 : vector<1x1x16xf32> to vector<1x16xf32>
          %reshape3A_544 = vector.shape_cast %get3A_543 : vector<1x16xf32> to vector<16xf32>
          %add3A_545 = arith.addf %scan3A_482, %reshape3A_544 : vector<16xf32>
          %get3A_546 = arith.constant 0 : i32
          %get3A_547 = arith.index_cast %get3A_546 : i32 to index
          %get3A_548 = arith.index_cast %add3A_489 : i32 to index
          %get3A_549 = arith.constant 112 : index
          %get3A_550 = tpu.vector_load %arg8[%get3A_547, %get3A_548, %get3A_549] {strides = array<i32>} : memref<2x256x128xf32, #tpu.memory_space<vmem>>, vector<1x1x16xf32>,
          %get3A_551 = vector.shape_cast %get3A_550 : vector<1x1x16xf32> to vector<1x16xf32>
          %reshape3A_552 = vector.shape_cast %get3A_551 : vector<1x16xf32> to vector<16xf32>
          %add3A_553 = arith.addf %scan3A_483, %reshape3A_552 : vector<16xf32>
          %mul3A_554 = arith.constant 4 : i32
          %mul3A_555 = arith.muli %mul3A_554, %scan3A_475 : i32
          %add3A_556 = arith.constant 0 : i32
          %add3A_557 = arith.addi %add3A_556, %mul3A_555 : i32
          %add3A_558 = arith.constant 1 : i32
          %add3A_559 = arith.addi %add3A_557, %add3A_558 : i32
          %get3A_560 = arith.constant 0 : i32
          %get3A_561 = arith.index_cast %get3A_560 : i32 to index
          %get3A_562 = arith.index_cast %add3A_559 : i32 to index
          %get3A_563 = arith.constant 0 : index
          %get3A_564 = tpu.vector_load %arg8[%get3A_561, %get3A_562, %get3A_563] {strides = array<i32>} : memref<2x256x128xf32, #tpu.memory_space<vmem>>, vector<1x1x16xf32>,
          %get3A_565 = vector.shape_cast %get3A_564 : vector<1x1x16xf32> to vector<1x16xf32>
          %reshape3A_566 = vector.shape_cast %get3A_565 : vector<1x16xf32> to vector<16xf32>
          %add3A_567 = arith.addf %add3A_497, %reshape3A_566 : vector<16xf32>
          %get3A_568 = arith.constant 0 : i32
          %get3A_569 = arith.index_cast %get3A_568 : i32 to index
          %get3A_570 = arith.index_cast %add3A_559 : i32 to index
          %get3A_571 = arith.constant 16 : index
          %get3A_572 = tpu.vector_load %arg8[%get3A_569, %get3A_570, %get3A_571] {strides = array<i32>} : memref<2x256x128xf32, #tpu.memory_space<vmem>>, vector<1x1x16xf32>,
          %get3A_573 = vector.shape_cast %get3A_572 : vector<1x1x16xf32> to vector<1x16xf32>
          %reshape3A_574 = vector.shape_cast %get3A_573 : vector<1x16xf32> to vector<16xf32>
          %add3A_575 = arith.addf %add3A_505, %reshape3A_574 : vector<16xf32>
          %get3A_576 = arith.constant 0 : i32
          %get3A_577 = arith.index_cast %get3A_576 : i32 to index
          %get3A_578 = arith.index_cast %add3A_559 : i32 to index
          %get3A_579 = arith.constant 32 : index
          %get3A_580 = tpu.vector_load %arg8[%get3A_577, %get3A_578, %get3A_579] {strides = array<i32>} : memref<2x256x128xf32, #tpu.memory_space<vmem>>, vector<1x1x16xf32>,
          %get3A_581 = vector.shape_cast %get3A_580 : vector<1x1x16xf32> to vector<1x16xf32>
          %reshape3A_582 = vector.shape_cast %get3A_581 : vector<1x16xf32> to vector<16xf32>
          %add3A_583 = arith.addf %add3A_513, %reshape3A_582 : vector<16xf32>
          %get3A_584 = arith.constant 0 : i32
          %get3A_585 = arith.index_cast %get3A_584 : i32 to index
          %get3A_586 = arith.index_cast %add3A_559 : i32 to index
          %get3A_587 = arith.constant 48 : index
          %get3A_588 = tpu.vector_load %arg8[%get3A_585, %get3A_586, %get3A_587] {strides = array<i32>} : memref<2x256x128xf32, #tpu.memory_space<vmem>>, vector<1x1x16xf32>,
          %get3A_589 = vector.shape_cast %get3A_588 : vector<1x1x16xf32> to vector<1x16xf32>
          %reshape3A_590 = vector.shape_cast %get3A_589 : vector<1x16xf32> to vector<16xf32>
          %add3A_591 = arith.addf %add3A_521, %reshape3A_590 : vector<16xf32>
          %get3A_592 = arith.constant 0 : i32
          %get3A_593 = arith.index_cast %get3A_592 : i32 to index
          %get3A_594 = arith.index_cast %add3A_559 : i32 to index
          %get3A_595 = arith.constant 64 : index
          %get3A_596 = tpu.vector_load %arg8[%get3A_593, %get3A_594, %get3A_595] {strides = array<i32>} : memref<2x256x128xf32, #tpu.memory_space<vmem>>, vector<1x1x16xf32>,
          %get3A_597 = vector.shape_cast %get3A_596 : vector<1x1x16xf32> to vector<1x16xf32>
          %reshape3A_598 = vector.shape_cast %get3A_597 : vector<1x16xf32> to vector<16xf32>
          %add3A_599 = arith.addf %add3A_529, %reshape3A_598 : vector<16xf32>
          %get3A_600 = arith.constant 0 : i32
          %get3A_601 = arith.index_cast %get3A_600 : i32 to index
          %get3A_602 = arith.index_cast %add3A_559 : i32 to index
          %get3A_603 = arith.constant 80 : index
          %get3A_604 = tpu.vector_load %arg8[%get3A_601, %get3A_602, %get3A_603] {strides = array<i32>} : memref<2x256x128xf32, #tpu.memory_space<vmem>>, vector<1x1x16xf32>,
          %get3A_605 = vector.shape_cast %get3A_604 : vector<1x1x16xf32> to vector<1x16xf32>
          %reshape3A_606 = vector.shape_cast %get3A_605 : vector<1x16xf32> to vector<16xf32>
          %add3A_607 = arith.addf %add3A_537, %reshape3A_606 : vector<16xf32>
          %get3A_608 = arith.constant 0 : i32
          %get3A_609 = arith.index_cast %get3A_608 : i32 to index
          %get3A_610 = arith.index_cast %add3A_559 : i32 to index
          %get3A_611 = arith.constant 96 : index
          %get3A_612 = tpu.vector_load %arg8[%get3A_609, %get3A_610, %get3A_611] {strides = array<i32>} : memref<2x256x128xf32, #tpu.memory_space<vmem>>, vector<1x1x16xf32>,
          %get3A_613 = vector.shape_cast %get3A_612 : vector<1x1x16xf32> to vector<1x16xf32>
          %reshape3A_614 = vector.shape_cast %get3A_613 : vector<1x16xf32> to vector<16xf32>
          %add3A_615 = arith.addf %add3A_545, %reshape3A_614 : vector<16xf32>
          %get3A_616 = arith.constant 0 : i32
          %get3A_617 = arith.index_cast %get3A_616 : i32 to index
          %get3A_618 = arith.index_cast %add3A_559 : i32 to index
          %get3A_619 = arith.constant 112 : index
          %get3A_620 = tpu.vector_load %arg8[%get3A_617, %get3A_618, %get3A_619] {strides = array<i32>} : memref<2x256x128xf32, #tpu.memory_space<vmem>>, vector<1x1x16xf32>,
          %get3A_621 = vector.shape_cast %get3A_620 : vector<1x1x16xf32> to vector<1x16xf32>
          %reshape3A_622 = vector.shape_cast %get3A_621 : vector<1x16xf32> to vector<16xf32>
          %add3A_623 = arith.addf %add3A_553, %reshape3A_622 : vector<16xf32>
          %mul3A_624 = arith.constant 4 : i32
          %mul3A_625 = arith.muli %mul3A_624, %scan3A_475 : i32
          %add3A_626 = arith.constant 0 : i32
          %add3A_627 = arith.addi %add3A_626, %mul3A_625 : i32
          %add3A_628 = arith.constant 2 : i32
          %add3A_629 = arith.addi %add3A_627, %add3A_628 : i32
          %get3A_630 = arith.constant 0 : i32
          %get3A_631 = arith.index_cast %get3A_630 : i32 to index
          %get3A_632 = arith.index_cast %add3A_629 : i32 to index
          %get3A_633 = arith.constant 0 : index
          %get3A_634 = tpu.vector_load %arg8[%get3A_631, %get3A_632, %get3A_633] {strides = array<i32>} : memref<2x256x128xf32, #tpu.memory_space<vmem>>, vector<1x1x16xf32>,
          %get3A_635 = vector.shape_cast %get3A_634 : vector<1x1x16xf32> to vector<1x16xf32>
          %reshape3A_636 = vector.shape_cast %get3A_635 : vector<1x16xf32> to vector<16xf32>
          %add3A_637 = arith.addf %add3A_567, %reshape3A_636 : vector<16xf32>
          %get3A_638 = arith.constant 0 : i32
          %get3A_639 = arith.index_cast %get3A_638 : i32 to index
          %get3A_640 = arith.index_cast %add3A_629 : i32 to index
          %get3A_641 = arith.constant 16 : index
          %get3A_642 = tpu.vector_load %arg8[%get3A_639, %get3A_640, %get3A_641] {strides = array<i32>} : memref<2x256x128xf32, #tpu.memory_space<vmem>>, vector<1x1x16xf32>,
          %get3A_643 = vector.shape_cast %get3A_642 : vector<1x1x16xf32> to vector<1x16xf32>
          %reshape3A_644 = vector.shape_cast %get3A_643 : vector<1x16xf32> to vector<16xf32>
          %add3A_645 = arith.addf %add3A_575, %reshape3A_644 : vector<16xf32>
          %get3A_646 = arith.constant 0 : i32
          %get3A_647 = arith.index_cast %get3A_646 : i32 to index
          %get3A_648 = arith.index_cast %add3A_629 : i32 to index
          %get3A_649 = arith.constant 32 : index
          %get3A_650 = tpu.vector_load %arg8[%get3A_647, %get3A_648, %get3A_649] {strides = array<i32>} : memref<2x256x128xf32, #tpu.memory_space<vmem>>, vector<1x1x16xf32>,
          %get3A_651 = vector.shape_cast %get3A_650 : vector<1x1x16xf32> to vector<1x16xf32>
          %reshape3A_652 = vector.shape_cast %get3A_651 : vector<1x16xf32> to vector<16xf32>
          %add3A_653 = arith.addf %add3A_583, %reshape3A_652 : vector<16xf32>
          %get3A_654 = arith.constant 0 : i32
          %get3A_655 = arith.index_cast %get3A_654 : i32 to index
          %get3A_656 = arith.index_cast %add3A_629 : i32 to index
          %get3A_657 = arith.constant 48 : index
          %get3A_658 = tpu.vector_load %arg8[%get3A_655, %get3A_656, %get3A_657] {strides = array<i32>} : memref<2x256x128xf32, #tpu.memory_space<vmem>>, vector<1x1x16xf32>,
          %get3A_659 = vector.shape_cast %get3A_658 : vector<1x1x16xf32> to vector<1x16xf32>
          %reshape3A_660 = vector.shape_cast %get3A_659 : vector<1x16xf32> to vector<16xf32>
          %add3A_661 = arith.addf %add3A_591, %reshape3A_660 : vector<16xf32>
          %get3A_662 = arith.constant 0 : i32
          %get3A_663 = arith.index_cast %get3A_662 : i32 to index
          %get3A_664 = arith.index_cast %add3A_629 : i32 to index
          %get3A_665 = arith.constant 64 : index
          %get3A_666 = tpu.vector_load %arg8[%get3A_663, %get3A_664, %get3A_665] {strides = array<i32>} : memref<2x256x128xf32, #tpu.memory_space<vmem>>, vector<1x1x16xf32>,
          %get3A_667 = vector.shape_cast %get3A_666 : vector<1x1x16xf32> to vector<1x16xf32>
          %reshape3A_668 = vector.shape_cast %get3A_667 : vector<1x16xf32> to vector<16xf32>
          %add3A_669 = arith.addf %add3A_599, %reshape3A_668 : vector<16xf32>
          %get3A_670 = arith.constant 0 : i32
          %get3A_671 = arith.index_cast %get3A_670 : i32 to index
          %get3A_672 = arith.index_cast %add3A_629 : i32 to index
          %get3A_673 = arith.constant 80 : index
          %get3A_674 = tpu.vector_load %arg8[%get3A_671, %get3A_672, %get3A_673] {strides = array<i32>} : memref<2x256x128xf32, #tpu.memory_space<vmem>>, vector<1x1x16xf32>,
          %get3A_675 = vector.shape_cast %get3A_674 : vector<1x1x16xf32> to vector<1x16xf32>
          %reshape3A_676 = vector.shape_cast %get3A_675 : vector<1x16xf32> to vector<16xf32>
          %add3A_677 = arith.addf %add3A_607, %reshape3A_676 : vector<16xf32>
          %get3A_678 = arith.constant 0 : i32
          %get3A_679 = arith.index_cast %get3A_678 : i32 to index
          %get3A_680 = arith.index_cast %add3A_629 : i32 to index
          %get3A_681 = arith.constant 96 : index
          %get3A_682 = tpu.vector_load %arg8[%get3A_679, %get3A_680, %get3A_681] {strides = array<i32>} : memref<2x256x128xf32, #tpu.memory_space<vmem>>, vector<1x1x16xf32>,
          %get3A_683 = vector.shape_cast %get3A_682 : vector<1x1x16xf32> to vector<1x16xf32>
          %reshape3A_684 = vector.shape_cast %get3A_683 : vector<1x16xf32> to vector<16xf32>
          %add3A_685 = arith.addf %add3A_615, %reshape3A_684 : vector<16xf32>
          %get3A_686 = arith.constant 0 : i32
          %get3A_687 = arith.index_cast %get3A_686 : i32 to index
          %get3A_688 = arith.index_cast %add3A_629 : i32 to index
          %get3A_689 = arith.constant 112 : index
          %get3A_690 = tpu.vector_load %arg8[%get3A_687, %get3A_688, %get3A_689] {strides = array<i32>} : memref<2x256x128xf32, #tpu.memory_space<vmem>>, vector<1x1x16xf32>,
          %get3A_691 = vector.shape_cast %get3A_690 : vector<1x1x16xf32> to vector<1x16xf32>
          %reshape3A_692 = vector.shape_cast %get3A_691 : vector<1x16xf32> to vector<16xf32>
          %add3A_693 = arith.addf %add3A_623, %reshape3A_692 : vector<16xf32>
          %mul3A_694 = arith.constant 4 : i32
          %mul3A_695 = arith.muli %mul3A_694, %scan3A_475 : i32
          %add3A_696 = arith.constant 0 : i32
          %add3A_697 = arith.addi %add3A_696, %mul3A_695 : i32
          %add3A_698 = arith.constant 3 : i32
          %add3A_699 = arith.addi %add3A_697, %add3A_698 : i32
          %get3A_700 = arith.constant 0 : i32
          %get3A_701 = arith.index_cast %get3A_700 : i32 to index
          %get3A_702 = arith.index_cast %add3A_699 : i32 to index
          %get3A_703 = arith.constant 0 : index
          %get3A_704 = tpu.vector_load %arg8[%get3A_701, %get3A_702, %get3A_703] {strides = array<i32>} : memref<2x256x128xf32, #tpu.memory_space<vmem>>, vector<1x1x16xf32>,
          %get3A_705 = vector.shape_cast %get3A_704 : vector<1x1x16xf32> to vector<1x16xf32>
          %reshape3A_706 = vector.shape_cast %get3A_705 : vector<1x16xf32> to vector<16xf32>
          %add3A_707 = arith.addf %add3A_637, %reshape3A_706 : vector<16xf32>
          %get3A_708 = arith.constant 0 : i32
          %get3A_709 = arith.index_cast %get3A_708 : i32 to index
          %get3A_710 = arith.index_cast %add3A_699 : i32 to index
          %get3A_711 = arith.constant 16 : index
          %get3A_712 = tpu.vector_load %arg8[%get3A_709, %get3A_710, %get3A_711] {strides = array<i32>} : memref<2x256x128xf32, #tpu.memory_space<vmem>>, vector<1x1x16xf32>,
          %get3A_713 = vector.shape_cast %get3A_712 : vector<1x1x16xf32> to vector<1x16xf32>
          %reshape3A_714 = vector.shape_cast %get3A_713 : vector<1x16xf32> to vector<16xf32>
          %add3A_715 = arith.addf %add3A_645, %reshape3A_714 : vector<16xf32>
          %get3A_716 = arith.constant 0 : i32
          %get3A_717 = arith.index_cast %get3A_716 : i32 to index
          %get3A_718 = arith.index_cast %add3A_699 : i32 to index
          %get3A_719 = arith.constant 32 : index
          %get3A_720 = tpu.vector_load %arg8[%get3A_717, %get3A_718, %get3A_719] {strides = array<i32>} : memref<2x256x128xf32, #tpu.memory_space<vmem>>, vector<1x1x16xf32>,
          %get3A_721 = vector.shape_cast %get3A_720 : vector<1x1x16xf32> to vector<1x16xf32>
          %reshape3A_722 = vector.shape_cast %get3A_721 : vector<1x16xf32> to vector<16xf32>
          %add3A_723 = arith.addf %add3A_653, %reshape3A_722 : vector<16xf32>
          %get3A_724 = arith.constant 0 : i32
          %get3A_725 = arith.index_cast %get3A_724 : i32 to index
          %get3A_726 = arith.index_cast %add3A_699 : i32 to index
          %get3A_727 = arith.constant 48 : index
          %get3A_728 = tpu.vector_load %arg8[%get3A_725, %get3A_726, %get3A_727] {strides = array<i32>} : memref<2x256x128xf32, #tpu.memory_space<vmem>>, vector<1x1x16xf32>,
          %get3A_729 = vector.shape_cast %get3A_728 : vector<1x1x16xf32> to vector<1x16xf32>
          %reshape3A_730 = vector.shape_cast %get3A_729 : vector<1x16xf32> to vector<16xf32>
          %add3A_731 = arith.addf %add3A_661, %reshape3A_730 : vector<16xf32>
          %get3A_732 = arith.constant 0 : i32
          %get3A_733 = arith.index_cast %get3A_732 : i32 to index
          %get3A_734 = arith.index_cast %add3A_699 : i32 to index
          %get3A_735 = arith.constant 64 : index
          %get3A_736 = tpu.vector_load %arg8[%get3A_733, %get3A_734, %get3A_735] {strides = array<i32>} : memref<2x256x128xf32, #tpu.memory_space<vmem>>, vector<1x1x16xf32>,
          %get3A_737 = vector.shape_cast %get3A_736 : vector<1x1x16xf32> to vector<1x16xf32>
          %reshape3A_738 = vector.shape_cast %get3A_737 : vector<1x16xf32> to vector<16xf32>
          %add3A_739 = arith.addf %add3A_669, %reshape3A_738 : vector<16xf32>
          %get3A_740 = arith.constant 0 : i32
          %get3A_741 = arith.index_cast %get3A_740 : i32 to index
          %get3A_742 = arith.index_cast %add3A_699 : i32 to index
          %get3A_743 = arith.constant 80 : index
          %get3A_744 = tpu.vector_load %arg8[%get3A_741, %get3A_742, %get3A_743] {strides = array<i32>} : memref<2x256x128xf32, #tpu.memory_space<vmem>>, vector<1x1x16xf32>,
          %get3A_745 = vector.shape_cast %get3A_744 : vector<1x1x16xf32> to vector<1x16xf32>
          %reshape3A_746 = vector.shape_cast %get3A_745 : vector<1x16xf32> to vector<16xf32>
          %add3A_747 = arith.addf %add3A_677, %reshape3A_746 : vector<16xf32>
          %get3A_748 = arith.constant 0 : i32
          %get3A_749 = arith.index_cast %get3A_748 : i32 to index
          %get3A_750 = arith.index_cast %add3A_699 : i32 to index
          %get3A_751 = arith.constant 96 : index
          %get3A_752 = tpu.vector_load %arg8[%get3A_749, %get3A_750, %get3A_751] {strides = array<i32>} : memref<2x256x128xf32, #tpu.memory_space<vmem>>, vector<1x1x16xf32>,
          %get3A_753 = vector.shape_cast %get3A_752 : vector<1x1x16xf32> to vector<1x16xf32>
          %reshape3A_754 = vector.shape_cast %get3A_753 : vector<1x16xf32> to vector<16xf32>
          %add3A_755 = arith.addf %add3A_685, %reshape3A_754 : vector<16xf32>
          %get3A_756 = arith.constant 0 : i32
          %get3A_757 = arith.index_cast %get3A_756 : i32 to index
          %get3A_758 = arith.index_cast %add3A_699 : i32 to index
          %get3A_759 = arith.constant 112 : index
          %get3A_760 = tpu.vector_load %arg8[%get3A_757, %get3A_758, %get3A_759] {strides = array<i32>} : memref<2x256x128xf32, #tpu.memory_space<vmem>>, vector<1x1x16xf32>,
          %get3A_761 = vector.shape_cast %get3A_760 : vector<1x1x16xf32> to vector<1x16xf32>
          %reshape3A_762 = vector.shape_cast %get3A_761 : vector<1x16xf32> to vector<16xf32>
          %add3A_763 = arith.addf %add3A_693, %reshape3A_762 : vector<16xf32>
          scf.yield %add3A_707, %add3A_715, %add3A_723, %add3A_731, %add3A_739, %add3A_747, %add3A_755, %add3A_763 : vector<16xf32>, vector<16xf32>, vector<16xf32>, vector<16xf32>, vector<16xf32>, vector<16xf32>, vector<16xf32>, vector<16xf32>
        }
        %scan3A_415 = arith.constant 32 : i32
        %swap3A_416 = arith.constant 0 : i32
        %swap3A_417 = arith.index_cast %swap3A_416 : i32 to index
        %swap3A_418 = arith.constant 0 : index
        %swap3A_419 = tpu.vector_load %arg11[%swap3A_417, %swap3A_418] {strides = array<i32>} : memref<16x128xf32, #tpu.memory_space<vmem>>, vector<1x16xf32>,
        %swap3A_420 = vector.shape_cast %swap3A_419 : vector<1x16xf32> to vector<16xf32>
        %swap3A_421 = vector.shape_cast %scan3A_414#0 : vector<16xf32> to vector<1x16xf32>
        tpu.vector_store %arg11[%swap3A_417, %swap3A_418], %swap3A_421 {strides = array<i32>} : memref<16x128xf32, #tpu.memory_space<vmem>>, vector<1x16xf32>,
        %swap3A_422 = arith.constant 0 : i32
        %swap3A_423 = arith.index_cast %swap3A_422 : i32 to index
        %swap3A_424 = arith.constant 16 : index
        %swap3A_425 = tpu.vector_load %arg11[%swap3A_423, %swap3A_424] {strides = array<i32>} : memref<16x128xf32, #tpu.memory_space<vmem>>, vector<1x16xf32>,
        %swap3A_426 = vector.shape_cast %swap3A_425 : vector<1x16xf32> to vector<16xf32>
        %swap3A_427 = vector.shape_cast %scan3A_414#1 : vector<16xf32> to vector<1x16xf32>
        tpu.vector_store %arg11[%swap3A_423, %swap3A_424], %swap3A_427 {strides = array<i32>} : memref<16x128xf32, #tpu.memory_space<vmem>>, vector<1x16xf32>,
        %swap3A_428 = arith.constant 0 : i32
        %swap3A_429 = arith.index_cast %swap3A_428 : i32 to index
        %swap3A_430 = arith.constant 32 : index
        %swap3A_431 = tpu.vector_load %arg11[%swap3A_429, %swap3A_430] {strides = array<i32>} : memref<16x128xf32, #tpu.memory_space<vmem>>, vector<1x16xf32>,
        %swap3A_432 = vector.shape_cast %swap3A_431 : vector<1x16xf32> to vector<16xf32>
        %swap3A_433 = vector.shape_cast %scan3A_414#2 : vector<16xf32> to vector<1x16xf32>
        tpu.vector_store %arg11[%swap3A_429, %swap3A_430], %swap3A_433 {strides = array<i32>} : memref<16x128xf32, #tpu.memory_space<vmem>>, vector<1x16xf32>,
        %swap3A_434 = arith.constant 0 : i32
        %swap3A_435 = arith.index_cast %swap3A_434 : i32 to index
        %swap3A_436 = arith.constant 48 : index
        %swap3A_437 = tpu.vector_load %arg11[%swap3A_435, %swap3A_436] {strides = array<i32>} : memref<16x128xf32, #tpu.memory_space<vmem>>, vector<1x16xf32>,
        %swap3A_438 = vector.shape_cast %swap3A_437 : vector<1x16xf32> to vector<16xf32>
        %swap3A_439 = vector.shape_cast %scan3A_414#3 : vector<16xf32> to vector<1x16xf32>
        tpu.vector_store %arg11[%swap3A_435, %swap3A_436], %swap3A_439 {strides = array<i32>} : memref<16x128xf32, #tpu.memory_space<vmem>>, vector<1x16xf32>,
        %swap3A_440 = arith.constant 0 : i32
        %swap3A_441 = arith.index_cast %swap3A_440 : i32 to index
        %swap3A_442 = arith.constant 64 : index
        %swap3A_443 = tpu.vector_load %arg11[%swap3A_441, %swap3A_442] {strides = array<i32>} : memref<16x128xf32, #tpu.memory_space<vmem>>, vector<1x16xf32>,
        %swap3A_444 = vector.shape_cast %swap3A_443 : vector<1x16xf32> to vector<16xf32>
        %swap3A_445 = vector.shape_cast %scan3A_414#4 : vector<16xf32> to vector<1x16xf32>
        tpu.vector_store %arg11[%swap3A_441, %swap3A_442], %swap3A_445 {strides = array<i32>} : memref<16x128xf32, #tpu.memory_space<vmem>>, vector<1x16xf32>,
        %swap3A_446 = arith.constant 0 : i32
        %swap3A_447 = arith.index_cast %swap3A_446 : i32 to index
        %swap3A_448 = arith.constant 80 : index
        %swap3A_449 = tpu.vector_load %arg11[%swap3A_447, %swap3A_448] {strides = array<i32>} : memref<16x128xf32, #tpu.memory_space<vmem>>, vector<1x16xf32>,
        %swap3A_450 = vector.shape_cast %swap3A_449 : vector<1x16xf32> to vector<16xf32>
        %swap3A_451 = vector.shape_cast %scan3A_414#5 : vector<16xf32> to vector<1x16xf32>
        tpu.vector_store %arg11[%swap3A_447, %swap3A_448], %swap3A_451 {strides = array<i32>} : memref<16x128xf32, #tpu.memory_space<vmem>>, vector<1x16xf32>,
        %swap3A_452 = arith.constant 0 : i32
        %swap3A_453 = arith.index_cast %swap3A_452 : i32 to index
        %swap3A_454 = arith.constant 96 : index
        %swap3A_455 = tpu.vector_load %arg11[%swap3A_453, %swap3A_454] {strides = array<i32>} : memref<16x128xf32, #tpu.memory_space<vmem>>, vector<1x16xf32>,
        %swap3A_456 = vector.shape_cast %swap3A_455 : vector<1x16xf32> to vector<16xf32>
        %swap3A_457 = vector.shape_cast %scan3A_414#6 : vector<16xf32> to vector<1x16xf32>
        tpu.vector_store %arg11[%swap3A_453, %swap3A_454], %swap3A_457 {strides = array<i32>} : memref<16x128xf32, #tpu.memory_space<vmem>>, vector<1x16xf32>,
        %swap3A_458 = arith.constant 0 : i32
        %swap3A_459 = arith.index_cast %swap3A_458 : i32 to index
        %swap3A_460 = arith.constant 112 : index
        %swap3A_461 = tpu.vector_load %arg11[%swap3A_459, %swap3A_460] {strides = array<i32>} : memref<16x128xf32, #tpu.memory_space<vmem>>, vector<1x16xf32>,
        %swap3A_462 = vector.shape_cast %swap3A_461 : vector<1x16xf32> to vector<16xf32>
        %swap3A_463 = vector.shape_cast %scan3A_414#7 : vector<16xf32> to vector<1x16xf32>
        tpu.vector_store %arg11[%swap3A_459, %swap3A_460], %swap3A_463 {strides = array<i32>} : memref<16x128xf32, #tpu.memory_space<vmem>>, vector<1x16xf32>,
        %eq3A_464 = arith.constant 0 : i32
        %eq3A_465 = vector.broadcast %eq3A_464 : i32 to vector<16xi32>
        %eq3A_466 = arith.cmpi eq, %iota3A, %eq3A_465 : vector<16xi32>
        %get3A_467 = arith.constant 0 : index
        %get3A_468 = tpu.vector_load %arg12[%get3A_467] {strides = array<i32>} : memref<16xi32, #tpu.memory_space<vmem>>, vector<16xi32>,
        %get3A_469 = vector.shape_cast %get3A_468 : vector<16xi32> to vector<16xi32>
        %select_n3A_470 = arith.select %eq3A_466, %reshape3A, %get3A_469 : vector<16xi1>, vector<16xi32>
        %swap3A_471 = arith.constant 0 : index
        %swap3A_472 = tpu.vector_load %arg12[%swap3A_471] {strides = array<i32>} : memref<16xi32, #tpu.memory_space<vmem>>, vector<16xi32>,
        %swap3A_473 = vector.shape_cast %swap3A_472 : vector<16xi32> to vector<16xi32>
        %swap3A_474 = vector.shape_cast %select_n3A_470 : vector<16xi32> to vector<16xi32>
        tpu.vector_store %arg12[%swap3A_471], %swap3A_474 {strides = array<i32>} : memref<16xi32, #tpu.memory_space<vmem>>, vector<16xi32>,
      } else {
      }
      %not3A_272 = arith.constant true
      %not3A_273 = arith.xori %eq3A_268, %not3A_272 : i1
      %convert_element_type3A_274 = arith.extui %not3A_273 : i1 to i32
      %cond3A_275 = arith.constant 0 : i32
      %cond3A_276 = arith.cmpi ne, %convert_element_type3A_274, %cond3A_275 : i32
      scf.if %cond3A_276 {
        %run_scoped3A = arith.constant 0 : i32
        "tpu.region"() ({
          %run_scoped3A_395 = tpu.sem_alloc : memref<!tpu.dma_semaphore, #tpu.memory_space<semaphore_mem>>
          %dma_start3A_396 = arith.constant 0 : i32
          %dma_start3A_397 = arith.constant 0 : i32
          %dma_start3A_398 = tpu.memref_slice %arg8[%run_scoped3A, %dma_start3A_396, %dma_start3A_397] : memref<2x256x128xf32, #tpu.memory_space<vmem>> -> memref<1x128x128xf32, #tpu.memory_space<vmem>>
          %dma_start3A_399 = tpu.memref_squeeze %dma_start3A_398 : memref<1x128x128xf32, #tpu.memory_space<vmem>> -> memref<128x128xf32, #tpu.memory_space<vmem>>
          %dma_start3A_400 = arith.constant 0 : i32
          %dma_start3A_401 = tpu.memref_slice %arg9[%add3A_254, %dma_start3A_400] : memref<196x128xi32, #tpu.memory_space<vmem>> -> memref<1x128xi32, #tpu.memory_space<vmem>>
          %dma_start3A_402 = tpu.memref_squeeze %dma_start3A_401 : memref<1x128xi32, #tpu.memory_space<vmem>> -> memref<128xi32, #tpu.memory_space<vmem>>
          %dma_start3A_403 = arith.constant 0 : i32
          %dma_start3A_404 = arith.constant 0 : i32
          %dma_start3A_405 = tpu.memref_slice %arg14[%dma_start3A_403, %dma_start3A_404] : memref<1032x128xf32, #tpu.memory_space<vmem_shared>> -> memref<1032x128xf32, #tpu.memory_space<vmem_shared>>
          tpu.enqueue_indirect_dma source(%dma_start3A_399 : memref<128x128xf32, #tpu.memory_space<vmem>>) target(%dma_start3A_405 : memref<1032x128xf32, #tpu.memory_space<vmem_shared>>) offsets(%dma_start3A_402 : memref<128xi32, #tpu.memory_space<vmem>>) semaphore(%run_scoped3A_395 : memref<!tpu.dma_semaphore, #tpu.memory_space<semaphore_mem>>) {add = true}
          %dma_wait3A_406 = arith.constant 0 : i32
          %dma_wait3A_407 = arith.constant 0 : i32
          %dma_wait3A_408 = tpu.memref_slice %arg8[%run_scoped3A, %dma_wait3A_406, %dma_wait3A_407] : memref<2x256x128xf32, #tpu.memory_space<vmem>> -> memref<1x128x128xf32, #tpu.memory_space<vmem>>
          %dma_wait3A_409 = tpu.memref_squeeze %dma_wait3A_408 : memref<1x128x128xf32, #tpu.memory_space<vmem>> -> memref<128x128xf32, #tpu.memory_space<vmem>>
          %dma_wait3A_410 = arith.constant 0 : i32
          %dma_wait3A_411 = tpu.memref_slice %arg9[%add3A_254, %dma_wait3A_410] : memref<196x128xi32, #tpu.memory_space<vmem>> -> memref<1x128xi32, #tpu.memory_space<vmem>>
          %dma_wait3A_412 = tpu.memref_squeeze %dma_wait3A_411 : memref<1x128xi32, #tpu.memory_space<vmem>> -> memref<128xi32, #tpu.memory_space<vmem>>
          %dma_wait3A_413 = arith.constant 0 : i32
          %dma_wait3A_414 = arith.constant 0 : i32
          %dma_wait3A_415 = tpu.memref_slice %arg14[%dma_wait3A_413, %dma_wait3A_414] : memref<1032x128xf32, #tpu.memory_space<vmem_shared>> -> memref<1032x128xf32, #tpu.memory_space<vmem_shared>>
          tpu.wait_indirect_dma semaphore(%run_scoped3A_395 : memref<!tpu.dma_semaphore, #tpu.memory_space<semaphore_mem>>) src(%dma_wait3A_409 : memref<128x128xf32, #tpu.memory_space<vmem>>) dst(%dma_wait3A_415 : memref<1032x128xf32, #tpu.memory_space<vmem_shared>>)
          tpu.yield
        }) : () -> ()
      } else {
      }
      %mul3A_277 = arith.constant 2 : i32
      %mul3A_278 = arith.muli %mul3A_228, %mul3A_277 : i32
      %add3A_279 = arith.addi %sub3A_96, %mul3A_278 : i32
      %add3A_280 = arith.constant 1 : i32
      %add3A_281 = arith.addi %add3A_279, %add3A_280 : i32
      %get3A_282 = arith.index_cast %add3A_281 : i32 to index
      %get3A_283 = arith.constant 0 : index
      %get3A_284 = tpu.vector_load %arg9[%get3A_282, %get3A_283] {strides = array<i32>} : memref<196x128xi32, #tpu.memory_space<vmem>>, vector<1x16xi32>,
      %get3A_285 = vector.shape_cast %get3A_284 : vector<1x16xi32> to vector<1x16xi32>
      %reshape3A_286 = vector.shape_cast %get3A_285 : vector<1x16xi32> to vector<16xi32>
      %get3A_287 = arith.index_cast %add3A_281 : i32 to index
      %get3A_288 = arith.constant 112 : index
      %get3A_289 = tpu.vector_load %arg9[%get3A_287, %get3A_288] {strides = array<i32>} : memref<196x128xi32, #tpu.memory_space<vmem>>, vector<1x16xi32>,
      %get3A_290 = vector.shape_cast %get3A_289 : vector<1x16xi32> to vector<1x16xi32>
      %reshape3A_291 = vector.shape_cast %get3A_290 : vector<1x16xi32> to vector<16xi32>
      %slice3A_292 = vector.extract_strided_slice %reshape3A_286 {offsets = [0], sizes = [1], strides = [1]} : vector<16xi32> to vector<1xi32>
      %squeeze3A_293 = vector.extract %slice3A_292[0] : i32 from vector<1xi32>
      %slice3A_294 = vector.extract_strided_slice %reshape3A_291 {offsets = [15], sizes = [1], strides = [1]} : vector<16xi32> to vector<1xi32>
      %squeeze3A_295 = vector.extract %slice3A_294[0] : i32 from vector<1xi32>
      %eq3A_296 = arith.cmpi eq, %squeeze3A_293, %squeeze3A_295 : i32
      %convert_element_type3A_297 = arith.extui %eq3A_296 : i1 to i32
      %cond3A_298 = arith.constant 0 : i32
      %cond3A_299 = arith.cmpi ne, %convert_element_type3A_297, %cond3A_298 : i32
      scf.if %cond3A_299 {
        %broadcast_in_dim3A_395 = arith.constant 0.000000e+00 : f32
        %broadcast_in_dim3A_396 = vector.broadcast %broadcast_in_dim3A_395 : f32 to vector<16xf32>
        %broadcast_in_dim3A_397 = arith.constant 0.000000e+00 : f32
        %broadcast_in_dim3A_398 = vector.broadcast %broadcast_in_dim3A_397 : f32 to vector<16xf32>
        %broadcast_in_dim3A_399 = arith.constant 0.000000e+00 : f32
        %broadcast_in_dim3A_400 = vector.broadcast %broadcast_in_dim3A_399 : f32 to vector<16xf32>
        %broadcast_in_dim3A_401 = arith.constant 0.000000e+00 : f32
        %broadcast_in_dim3A_402 = vector.broadcast %broadcast_in_dim3A_401 : f32 to vector<16xf32>
        %broadcast_in_dim3A_403 = arith.constant 0.000000e+00 : f32
        %broadcast_in_dim3A_404 = vector.broadcast %broadcast_in_dim3A_403 : f32 to vector<16xf32>
        %broadcast_in_dim3A_405 = arith.constant 0.000000e+00 : f32
        %broadcast_in_dim3A_406 = vector.broadcast %broadcast_in_dim3A_405 : f32 to vector<16xf32>
        %broadcast_in_dim3A_407 = arith.constant 0.000000e+00 : f32
        %broadcast_in_dim3A_408 = vector.broadcast %broadcast_in_dim3A_407 : f32 to vector<16xf32>
        %broadcast_in_dim3A_409 = arith.constant 0.000000e+00 : f32
        %broadcast_in_dim3A_410 = vector.broadcast %broadcast_in_dim3A_409 : f32 to vector<16xf32>
        %scan3A = arith.constant 0 : i32
        %scan3A_411 = arith.constant 32 : i32
        %scan3A_412 = arith.addi %scan3A, %scan3A_411 : i32
        %scan3A_413 = arith.constant 1 : i32
        %scan3A_414:8 = scf.for %scan3A_475 = %scan3A to %scan3A_412 step %scan3A_413 iter_args(%scan3A_476 = %broadcast_in_dim3A_396, %scan3A_477 = %broadcast_in_dim3A_398, %scan3A_478 = %broadcast_in_dim3A_400, %scan3A_479 = %broadcast_in_dim3A_402, %scan3A_480 = %broadcast_in_dim3A_404, %scan3A_481 = %broadcast_in_dim3A_406, %scan3A_482 = %broadcast_in_dim3A_408, %scan3A_483 = %broadcast_in_dim3A_410) -> (vector<16xf32>, vector<16xf32>, vector<16xf32>, vector<16xf32>, vector<16xf32>, vector<16xf32>, vector<16xf32>, vector<16xf32>)  : i32 {
          %mul3A_484 = arith.constant 4 : i32
          %mul3A_485 = arith.muli %mul3A_484, %scan3A_475 : i32
          %add3A_486 = arith.constant 128 : i32
          %add3A_487 = arith.addi %add3A_486, %mul3A_485 : i32
          %add3A_488 = arith.constant 0 : i32
          %add3A_489 = arith.addi %add3A_487, %add3A_488 : i32
          %get3A_490 = arith.constant 0 : i32
          %get3A_491 = arith.index_cast %get3A_490 : i32 to index
          %get3A_492 = arith.index_cast %add3A_489 : i32 to index
          %get3A_493 = arith.constant 0 : index
          %get3A_494 = tpu.vector_load %arg8[%get3A_491, %get3A_492, %get3A_493] {strides = array<i32>} : memref<2x256x128xf32, #tpu.memory_space<vmem>>, vector<1x1x16xf32>,
          %get3A_495 = vector.shape_cast %get3A_494 : vector<1x1x16xf32> to vector<1x16xf32>
          %reshape3A_496 = vector.shape_cast %get3A_495 : vector<1x16xf32> to vector<16xf32>
          %add3A_497 = arith.addf %scan3A_476, %reshape3A_496 : vector<16xf32>
          %get3A_498 = arith.constant 0 : i32
          %get3A_499 = arith.index_cast %get3A_498 : i32 to index
          %get3A_500 = arith.index_cast %add3A_489 : i32 to index
          %get3A_501 = arith.constant 16 : index
          %get3A_502 = tpu.vector_load %arg8[%get3A_499, %get3A_500, %get3A_501] {strides = array<i32>} : memref<2x256x128xf32, #tpu.memory_space<vmem>>, vector<1x1x16xf32>,
          %get3A_503 = vector.shape_cast %get3A_502 : vector<1x1x16xf32> to vector<1x16xf32>
          %reshape3A_504 = vector.shape_cast %get3A_503 : vector<1x16xf32> to vector<16xf32>
          %add3A_505 = arith.addf %scan3A_477, %reshape3A_504 : vector<16xf32>
          %get3A_506 = arith.constant 0 : i32
          %get3A_507 = arith.index_cast %get3A_506 : i32 to index
          %get3A_508 = arith.index_cast %add3A_489 : i32 to index
          %get3A_509 = arith.constant 32 : index
          %get3A_510 = tpu.vector_load %arg8[%get3A_507, %get3A_508, %get3A_509] {strides = array<i32>} : memref<2x256x128xf32, #tpu.memory_space<vmem>>, vector<1x1x16xf32>,
          %get3A_511 = vector.shape_cast %get3A_510 : vector<1x1x16xf32> to vector<1x16xf32>
          %reshape3A_512 = vector.shape_cast %get3A_511 : vector<1x16xf32> to vector<16xf32>
          %add3A_513 = arith.addf %scan3A_478, %reshape3A_512 : vector<16xf32>
          %get3A_514 = arith.constant 0 : i32
          %get3A_515 = arith.index_cast %get3A_514 : i32 to index
          %get3A_516 = arith.index_cast %add3A_489 : i32 to index
          %get3A_517 = arith.constant 48 : index
          %get3A_518 = tpu.vector_load %arg8[%get3A_515, %get3A_516, %get3A_517] {strides = array<i32>} : memref<2x256x128xf32, #tpu.memory_space<vmem>>, vector<1x1x16xf32>,
          %get3A_519 = vector.shape_cast %get3A_518 : vector<1x1x16xf32> to vector<1x16xf32>
          %reshape3A_520 = vector.shape_cast %get3A_519 : vector<1x16xf32> to vector<16xf32>
          %add3A_521 = arith.addf %scan3A_479, %reshape3A_520 : vector<16xf32>
          %get3A_522 = arith.constant 0 : i32
          %get3A_523 = arith.index_cast %get3A_522 : i32 to index
          %get3A_524 = arith.index_cast %add3A_489 : i32 to index
          %get3A_525 = arith.constant 64 : index
          %get3A_526 = tpu.vector_load %arg8[%get3A_523, %get3A_524, %get3A_525] {strides = array<i32>} : memref<2x256x128xf32, #tpu.memory_space<vmem>>, vector<1x1x16xf32>,
          %get3A_527 = vector.shape_cast %get3A_526 : vector<1x1x16xf32> to vector<1x16xf32>
          %reshape3A_528 = vector.shape_cast %get3A_527 : vector<1x16xf32> to vector<16xf32>
          %add3A_529 = arith.addf %scan3A_480, %reshape3A_528 : vector<16xf32>
          %get3A_530 = arith.constant 0 : i32
          %get3A_531 = arith.index_cast %get3A_530 : i32 to index
          %get3A_532 = arith.index_cast %add3A_489 : i32 to index
          %get3A_533 = arith.constant 80 : index
          %get3A_534 = tpu.vector_load %arg8[%get3A_531, %get3A_532, %get3A_533] {strides = array<i32>} : memref<2x256x128xf32, #tpu.memory_space<vmem>>, vector<1x1x16xf32>,
          %get3A_535 = vector.shape_cast %get3A_534 : vector<1x1x16xf32> to vector<1x16xf32>
          %reshape3A_536 = vector.shape_cast %get3A_535 : vector<1x16xf32> to vector<16xf32>
          %add3A_537 = arith.addf %scan3A_481, %reshape3A_536 : vector<16xf32>
          %get3A_538 = arith.constant 0 : i32
          %get3A_539 = arith.index_cast %get3A_538 : i32 to index
          %get3A_540 = arith.index_cast %add3A_489 : i32 to index
          %get3A_541 = arith.constant 96 : index
          %get3A_542 = tpu.vector_load %arg8[%get3A_539, %get3A_540, %get3A_541] {strides = array<i32>} : memref<2x256x128xf32, #tpu.memory_space<vmem>>, vector<1x1x16xf32>,
          %get3A_543 = vector.shape_cast %get3A_542 : vector<1x1x16xf32> to vector<1x16xf32>
          %reshape3A_544 = vector.shape_cast %get3A_543 : vector<1x16xf32> to vector<16xf32>
          %add3A_545 = arith.addf %scan3A_482, %reshape3A_544 : vector<16xf32>
          %get3A_546 = arith.constant 0 : i32
          %get3A_547 = arith.index_cast %get3A_546 : i32 to index
          %get3A_548 = arith.index_cast %add3A_489 : i32 to index
          %get3A_549 = arith.constant 112 : index
          %get3A_550 = tpu.vector_load %arg8[%get3A_547, %get3A_548, %get3A_549] {strides = array<i32>} : memref<2x256x128xf32, #tpu.memory_space<vmem>>, vector<1x1x16xf32>,
          %get3A_551 = vector.shape_cast %get3A_550 : vector<1x1x16xf32> to vector<1x16xf32>
          %reshape3A_552 = vector.shape_cast %get3A_551 : vector<1x16xf32> to vector<16xf32>
          %add3A_553 = arith.addf %scan3A_483, %reshape3A_552 : vector<16xf32>
          %mul3A_554 = arith.constant 4 : i32
          %mul3A_555 = arith.muli %mul3A_554, %scan3A_475 : i32
          %add3A_556 = arith.constant 128 : i32
          %add3A_557 = arith.addi %add3A_556, %mul3A_555 : i32
          %add3A_558 = arith.constant 1 : i32
          %add3A_559 = arith.addi %add3A_557, %add3A_558 : i32
          %get3A_560 = arith.constant 0 : i32
          %get3A_561 = arith.index_cast %get3A_560 : i32 to index
          %get3A_562 = arith.index_cast %add3A_559 : i32 to index
          %get3A_563 = arith.constant 0 : index
          %get3A_564 = tpu.vector_load %arg8[%get3A_561, %get3A_562, %get3A_563] {strides = array<i32>} : memref<2x256x128xf32, #tpu.memory_space<vmem>>, vector<1x1x16xf32>,
          %get3A_565 = vector.shape_cast %get3A_564 : vector<1x1x16xf32> to vector<1x16xf32>
          %reshape3A_566 = vector.shape_cast %get3A_565 : vector<1x16xf32> to vector<16xf32>
          %add3A_567 = arith.addf %add3A_497, %reshape3A_566 : vector<16xf32>
          %get3A_568 = arith.constant 0 : i32
          %get3A_569 = arith.index_cast %get3A_568 : i32 to index
          %get3A_570 = arith.index_cast %add3A_559 : i32 to index
          %get3A_571 = arith.constant 16 : index
          %get3A_572 = tpu.vector_load %arg8[%get3A_569, %get3A_570, %get3A_571] {strides = array<i32>} : memref<2x256x128xf32, #tpu.memory_space<vmem>>, vector<1x1x16xf32>,
          %get3A_573 = vector.shape_cast %get3A_572 : vector<1x1x16xf32> to vector<1x16xf32>
          %reshape3A_574 = vector.shape_cast %get3A_573 : vector<1x16xf32> to vector<16xf32>
          %add3A_575 = arith.addf %add3A_505, %reshape3A_574 : vector<16xf32>
          %get3A_576 = arith.constant 0 : i32
          %get3A_577 = arith.index_cast %get3A_576 : i32 to index
          %get3A_578 = arith.index_cast %add3A_559 : i32 to index
          %get3A_579 = arith.constant 32 : index
          %get3A_580 = tpu.vector_load %arg8[%get3A_577, %get3A_578, %get3A_579] {strides = array<i32>} : memref<2x256x128xf32, #tpu.memory_space<vmem>>, vector<1x1x16xf32>,
          %get3A_581 = vector.shape_cast %get3A_580 : vector<1x1x16xf32> to vector<1x16xf32>
          %reshape3A_582 = vector.shape_cast %get3A_581 : vector<1x16xf32> to vector<16xf32>
          %add3A_583 = arith.addf %add3A_513, %reshape3A_582 : vector<16xf32>
          %get3A_584 = arith.constant 0 : i32
          %get3A_585 = arith.index_cast %get3A_584 : i32 to index
          %get3A_586 = arith.index_cast %add3A_559 : i32 to index
          %get3A_587 = arith.constant 48 : index
          %get3A_588 = tpu.vector_load %arg8[%get3A_585, %get3A_586, %get3A_587] {strides = array<i32>} : memref<2x256x128xf32, #tpu.memory_space<vmem>>, vector<1x1x16xf32>,
          %get3A_589 = vector.shape_cast %get3A_588 : vector<1x1x16xf32> to vector<1x16xf32>
          %reshape3A_590 = vector.shape_cast %get3A_589 : vector<1x16xf32> to vector<16xf32>
          %add3A_591 = arith.addf %add3A_521, %reshape3A_590 : vector<16xf32>
          %get3A_592 = arith.constant 0 : i32
          %get3A_593 = arith.index_cast %get3A_592 : i32 to index
          %get3A_594 = arith.index_cast %add3A_559 : i32 to index
          %get3A_595 = arith.constant 64 : index
          %get3A_596 = tpu.vector_load %arg8[%get3A_593, %get3A_594, %get3A_595] {strides = array<i32>} : memref<2x256x128xf32, #tpu.memory_space<vmem>>, vector<1x1x16xf32>,
          %get3A_597 = vector.shape_cast %get3A_596 : vector<1x1x16xf32> to vector<1x16xf32>
          %reshape3A_598 = vector.shape_cast %get3A_597 : vector<1x16xf32> to vector<16xf32>
          %add3A_599 = arith.addf %add3A_529, %reshape3A_598 : vector<16xf32>
          %get3A_600 = arith.constant 0 : i32
          %get3A_601 = arith.index_cast %get3A_600 : i32 to index
          %get3A_602 = arith.index_cast %add3A_559 : i32 to index
          %get3A_603 = arith.constant 80 : index
          %get3A_604 = tpu.vector_load %arg8[%get3A_601, %get3A_602, %get3A_603] {strides = array<i32>} : memref<2x256x128xf32, #tpu.memory_space<vmem>>, vector<1x1x16xf32>,
          %get3A_605 = vector.shape_cast %get3A_604 : vector<1x1x16xf32> to vector<1x16xf32>
          %reshape3A_606 = vector.shape_cast %get3A_605 : vector<1x16xf32> to vector<16xf32>
          %add3A_607 = arith.addf %add3A_537, %reshape3A_606 : vector<16xf32>
          %get3A_608 = arith.constant 0 : i32
          %get3A_609 = arith.index_cast %get3A_608 : i32 to index
          %get3A_610 = arith.index_cast %add3A_559 : i32 to index
          %get3A_611 = arith.constant 96 : index
          %get3A_612 = tpu.vector_load %arg8[%get3A_609, %get3A_610, %get3A_611] {strides = array<i32>} : memref<2x256x128xf32, #tpu.memory_space<vmem>>, vector<1x1x16xf32>,
          %get3A_613 = vector.shape_cast %get3A_612 : vector<1x1x16xf32> to vector<1x16xf32>
          %reshape3A_614 = vector.shape_cast %get3A_613 : vector<1x16xf32> to vector<16xf32>
          %add3A_615 = arith.addf %add3A_545, %reshape3A_614 : vector<16xf32>
          %get3A_616 = arith.constant 0 : i32
          %get3A_617 = arith.index_cast %get3A_616 : i32 to index
          %get3A_618 = arith.index_cast %add3A_559 : i32 to index
          %get3A_619 = arith.constant 112 : index
          %get3A_620 = tpu.vector_load %arg8[%get3A_617, %get3A_618, %get3A_619] {strides = array<i32>} : memref<2x256x128xf32, #tpu.memory_space<vmem>>, vector<1x1x16xf32>,
          %get3A_621 = vector.shape_cast %get3A_620 : vector<1x1x16xf32> to vector<1x16xf32>
          %reshape3A_622 = vector.shape_cast %get3A_621 : vector<1x16xf32> to vector<16xf32>
          %add3A_623 = arith.addf %add3A_553, %reshape3A_622 : vector<16xf32>
          %mul3A_624 = arith.constant 4 : i32
          %mul3A_625 = arith.muli %mul3A_624, %scan3A_475 : i32
          %add3A_626 = arith.constant 128 : i32
          %add3A_627 = arith.addi %add3A_626, %mul3A_625 : i32
          %add3A_628 = arith.constant 2 : i32
          %add3A_629 = arith.addi %add3A_627, %add3A_628 : i32
          %get3A_630 = arith.constant 0 : i32
          %get3A_631 = arith.index_cast %get3A_630 : i32 to index
          %get3A_632 = arith.index_cast %add3A_629 : i32 to index
          %get3A_633 = arith.constant 0 : index
          %get3A_634 = tpu.vector_load %arg8[%get3A_631, %get3A_632, %get3A_633] {strides = array<i32>} : memref<2x256x128xf32, #tpu.memory_space<vmem>>, vector<1x1x16xf32>,
          %get3A_635 = vector.shape_cast %get3A_634 : vector<1x1x16xf32> to vector<1x16xf32>
          %reshape3A_636 = vector.shape_cast %get3A_635 : vector<1x16xf32> to vector<16xf32>
          %add3A_637 = arith.addf %add3A_567, %reshape3A_636 : vector<16xf32>
          %get3A_638 = arith.constant 0 : i32
          %get3A_639 = arith.index_cast %get3A_638 : i32 to index
          %get3A_640 = arith.index_cast %add3A_629 : i32 to index
          %get3A_641 = arith.constant 16 : index
          %get3A_642 = tpu.vector_load %arg8[%get3A_639, %get3A_640, %get3A_641] {strides = array<i32>} : memref<2x256x128xf32, #tpu.memory_space<vmem>>, vector<1x1x16xf32>,
          %get3A_643 = vector.shape_cast %get3A_642 : vector<1x1x16xf32> to vector<1x16xf32>
          %reshape3A_644 = vector.shape_cast %get3A_643 : vector<1x16xf32> to vector<16xf32>
          %add3A_645 = arith.addf %add3A_575, %reshape3A_644 : vector<16xf32>
          %get3A_646 = arith.constant 0 : i32
          %get3A_647 = arith.index_cast %get3A_646 : i32 to index
          %get3A_648 = arith.index_cast %add3A_629 : i32 to index
          %get3A_649 = arith.constant 32 : index
          %get3A_650 = tpu.vector_load %arg8[%get3A_647, %get3A_648, %get3A_649] {strides = array<i32>} : memref<2x256x128xf32, #tpu.memory_space<vmem>>, vector<1x1x16xf32>,
          %get3A_651 = vector.shape_cast %get3A_650 : vector<1x1x16xf32> to vector<1x16xf32>
          %reshape3A_652 = vector.shape_cast %get3A_651 : vector<1x16xf32> to vector<16xf32>
          %add3A_653 = arith.addf %add3A_583, %reshape3A_652 : vector<16xf32>
          %get3A_654 = arith.constant 0 : i32
          %get3A_655 = arith.index_cast %get3A_654 : i32 to index
          %get3A_656 = arith.index_cast %add3A_629 : i32 to index
          %get3A_657 = arith.constant 48 : index
          %get3A_658 = tpu.vector_load %arg8[%get3A_655, %get3A_656, %get3A_657] {strides = array<i32>} : memref<2x256x128xf32, #tpu.memory_space<vmem>>, vector<1x1x16xf32>,
          %get3A_659 = vector.shape_cast %get3A_658 : vector<1x1x16xf32> to vector<1x16xf32>
          %reshape3A_660 = vector.shape_cast %get3A_659 : vector<1x16xf32> to vector<16xf32>
          %add3A_661 = arith.addf %add3A_591, %reshape3A_660 : vector<16xf32>
          %get3A_662 = arith.constant 0 : i32
          %get3A_663 = arith.index_cast %get3A_662 : i32 to index
          %get3A_664 = arith.index_cast %add3A_629 : i32 to index
          %get3A_665 = arith.constant 64 : index
          %get3A_666 = tpu.vector_load %arg8[%get3A_663, %get3A_664, %get3A_665] {strides = array<i32>} : memref<2x256x128xf32, #tpu.memory_space<vmem>>, vector<1x1x16xf32>,
          %get3A_667 = vector.shape_cast %get3A_666 : vector<1x1x16xf32> to vector<1x16xf32>
          %reshape3A_668 = vector.shape_cast %get3A_667 : vector<1x16xf32> to vector<16xf32>
          %add3A_669 = arith.addf %add3A_599, %reshape3A_668 : vector<16xf32>
          %get3A_670 = arith.constant 0 : i32
          %get3A_671 = arith.index_cast %get3A_670 : i32 to index
          %get3A_672 = arith.index_cast %add3A_629 : i32 to index
          %get3A_673 = arith.constant 80 : index
          %get3A_674 = tpu.vector_load %arg8[%get3A_671, %get3A_672, %get3A_673] {strides = array<i32>} : memref<2x256x128xf32, #tpu.memory_space<vmem>>, vector<1x1x16xf32>,
          %get3A_675 = vector.shape_cast %get3A_674 : vector<1x1x16xf32> to vector<1x16xf32>
          %reshape3A_676 = vector.shape_cast %get3A_675 : vector<1x16xf32> to vector<16xf32>
          %add3A_677 = arith.addf %add3A_607, %reshape3A_676 : vector<16xf32>
          %get3A_678 = arith.constant 0 : i32
          %get3A_679 = arith.index_cast %get3A_678 : i32 to index
          %get3A_680 = arith.index_cast %add3A_629 : i32 to index
          %get3A_681 = arith.constant 96 : index
          %get3A_682 = tpu.vector_load %arg8[%get3A_679, %get3A_680, %get3A_681] {strides = array<i32>} : memref<2x256x128xf32, #tpu.memory_space<vmem>>, vector<1x1x16xf32>,
          %get3A_683 = vector.shape_cast %get3A_682 : vector<1x1x16xf32> to vector<1x16xf32>
          %reshape3A_684 = vector.shape_cast %get3A_683 : vector<1x16xf32> to vector<16xf32>
          %add3A_685 = arith.addf %add3A_615, %reshape3A_684 : vector<16xf32>
          %get3A_686 = arith.constant 0 : i32
          %get3A_687 = arith.index_cast %get3A_686 : i32 to index
          %get3A_688 = arith.index_cast %add3A_629 : i32 to index
          %get3A_689 = arith.constant 112 : index
          %get3A_690 = tpu.vector_load %arg8[%get3A_687, %get3A_688, %get3A_689] {strides = array<i32>} : memref<2x256x128xf32, #tpu.memory_space<vmem>>, vector<1x1x16xf32>,
          %get3A_691 = vector.shape_cast %get3A_690 : vector<1x1x16xf32> to vector<1x16xf32>
          %reshape3A_692 = vector.shape_cast %get3A_691 : vector<1x16xf32> to vector<16xf32>
          %add3A_693 = arith.addf %add3A_623, %reshape3A_692 : vector<16xf32>
          %mul3A_694 = arith.constant 4 : i32
          %mul3A_695 = arith.muli %mul3A_694, %scan3A_475 : i32
          %add3A_696 = arith.constant 128 : i32
          %add3A_697 = arith.addi %add3A_696, %mul3A_695 : i32
          %add3A_698 = arith.constant 3 : i32
          %add3A_699 = arith.addi %add3A_697, %add3A_698 : i32
          %get3A_700 = arith.constant 0 : i32
          %get3A_701 = arith.index_cast %get3A_700 : i32 to index
          %get3A_702 = arith.index_cast %add3A_699 : i32 to index
          %get3A_703 = arith.constant 0 : index
          %get3A_704 = tpu.vector_load %arg8[%get3A_701, %get3A_702, %get3A_703] {strides = array<i32>} : memref<2x256x128xf32, #tpu.memory_space<vmem>>, vector<1x1x16xf32>,
          %get3A_705 = vector.shape_cast %get3A_704 : vector<1x1x16xf32> to vector<1x16xf32>
          %reshape3A_706 = vector.shape_cast %get3A_705 : vector<1x16xf32> to vector<16xf32>
          %add3A_707 = arith.addf %add3A_637, %reshape3A_706 : vector<16xf32>
          %get3A_708 = arith.constant 0 : i32
          %get3A_709 = arith.index_cast %get3A_708 : i32 to index
          %get3A_710 = arith.index_cast %add3A_699 : i32 to index
          %get3A_711 = arith.constant 16 : index
          %get3A_712 = tpu.vector_load %arg8[%get3A_709, %get3A_710, %get3A_711] {strides = array<i32>} : memref<2x256x128xf32, #tpu.memory_space<vmem>>, vector<1x1x16xf32>,
          %get3A_713 = vector.shape_cast %get3A_712 : vector<1x1x16xf32> to vector<1x16xf32>
          %reshape3A_714 = vector.shape_cast %get3A_713 : vector<1x16xf32> to vector<16xf32>
          %add3A_715 = arith.addf %add3A_645, %reshape3A_714 : vector<16xf32>
          %get3A_716 = arith.constant 0 : i32
          %get3A_717 = arith.index_cast %get3A_716 : i32 to index
          %get3A_718 = arith.index_cast %add3A_699 : i32 to index
          %get3A_719 = arith.constant 32 : index
          %get3A_720 = tpu.vector_load %arg8[%get3A_717, %get3A_718, %get3A_719] {strides = array<i32>} : memref<2x256x128xf32, #tpu.memory_space<vmem>>, vector<1x1x16xf32>,
          %get3A_721 = vector.shape_cast %get3A_720 : vector<1x1x16xf32> to vector<1x16xf32>
          %reshape3A_722 = vector.shape_cast %get3A_721 : vector<1x16xf32> to vector<16xf32>
          %add3A_723 = arith.addf %add3A_653, %reshape3A_722 : vector<16xf32>
          %get3A_724 = arith.constant 0 : i32
          %get3A_725 = arith.index_cast %get3A_724 : i32 to index
          %get3A_726 = arith.index_cast %add3A_699 : i32 to index
          %get3A_727 = arith.constant 48 : index
          %get3A_728 = tpu.vector_load %arg8[%get3A_725, %get3A_726, %get3A_727] {strides = array<i32>} : memref<2x256x128xf32, #tpu.memory_space<vmem>>, vector<1x1x16xf32>,
          %get3A_729 = vector.shape_cast %get3A_728 : vector<1x1x16xf32> to vector<1x16xf32>
          %reshape3A_730 = vector.shape_cast %get3A_729 : vector<1x16xf32> to vector<16xf32>
          %add3A_731 = arith.addf %add3A_661, %reshape3A_730 : vector<16xf32>
          %get3A_732 = arith.constant 0 : i32
          %get3A_733 = arith.index_cast %get3A_732 : i32 to index
          %get3A_734 = arith.index_cast %add3A_699 : i32 to index
          %get3A_735 = arith.constant 64 : index
          %get3A_736 = tpu.vector_load %arg8[%get3A_733, %get3A_734, %get3A_735] {strides = array<i32>} : memref<2x256x128xf32, #tpu.memory_space<vmem>>, vector<1x1x16xf32>,
          %get3A_737 = vector.shape_cast %get3A_736 : vector<1x1x16xf32> to vector<1x16xf32>
          %reshape3A_738 = vector.shape_cast %get3A_737 : vector<1x16xf32> to vector<16xf32>
          %add3A_739 = arith.addf %add3A_669, %reshape3A_738 : vector<16xf32>
          %get3A_740 = arith.constant 0 : i32
          %get3A_741 = arith.index_cast %get3A_740 : i32 to index
          %get3A_742 = arith.index_cast %add3A_699 : i32 to index
          %get3A_743 = arith.constant 80 : index
          %get3A_744 = tpu.vector_load %arg8[%get3A_741, %get3A_742, %get3A_743] {strides = array<i32>} : memref<2x256x128xf32, #tpu.memory_space<vmem>>, vector<1x1x16xf32>,
          %get3A_745 = vector.shape_cast %get3A_744 : vector<1x1x16xf32> to vector<1x16xf32>
          %reshape3A_746 = vector.shape_cast %get3A_745 : vector<1x16xf32> to vector<16xf32>
          %add3A_747 = arith.addf %add3A_677, %reshape3A_746 : vector<16xf32>
          %get3A_748 = arith.constant 0 : i32
          %get3A_749 = arith.index_cast %get3A_748 : i32 to index
          %get3A_750 = arith.index_cast %add3A_699 : i32 to index
          %get3A_751 = arith.constant 96 : index
          %get3A_752 = tpu.vector_load %arg8[%get3A_749, %get3A_750, %get3A_751] {strides = array<i32>} : memref<2x256x128xf32, #tpu.memory_space<vmem>>, vector<1x1x16xf32>,
          %get3A_753 = vector.shape_cast %get3A_752 : vector<1x1x16xf32> to vector<1x16xf32>
          %reshape3A_754 = vector.shape_cast %get3A_753 : vector<1x16xf32> to vector<16xf32>
          %add3A_755 = arith.addf %add3A_685, %reshape3A_754 : vector<16xf32>
          %get3A_756 = arith.constant 0 : i32
          %get3A_757 = arith.index_cast %get3A_756 : i32 to index
          %get3A_758 = arith.index_cast %add3A_699 : i32 to index
          %get3A_759 = arith.constant 112 : index
          %get3A_760 = tpu.vector_load %arg8[%get3A_757, %get3A_758, %get3A_759] {strides = array<i32>} : memref<2x256x128xf32, #tpu.memory_space<vmem>>, vector<1x1x16xf32>,
          %get3A_761 = vector.shape_cast %get3A_760 : vector<1x1x16xf32> to vector<1x16xf32>
          %reshape3A_762 = vector.shape_cast %get3A_761 : vector<1x16xf32> to vector<16xf32>
          %add3A_763 = arith.addf %add3A_693, %reshape3A_762 : vector<16xf32>
          scf.yield %add3A_707, %add3A_715, %add3A_723, %add3A_731, %add3A_739, %add3A_747, %add3A_755, %add3A_763 : vector<16xf32>, vector<16xf32>, vector<16xf32>, vector<16xf32>, vector<16xf32>, vector<16xf32>, vector<16xf32>, vector<16xf32>
        }
        %scan3A_415 = arith.constant 32 : i32
        %swap3A_416 = arith.constant 1 : i32
        %swap3A_417 = arith.index_cast %swap3A_416 : i32 to index
        %swap3A_418 = arith.constant 0 : index
        %swap3A_419 = tpu.vector_load %arg11[%swap3A_417, %swap3A_418] {strides = array<i32>} : memref<16x128xf32, #tpu.memory_space<vmem>>, vector<1x16xf32>,
        %swap3A_420 = vector.shape_cast %swap3A_419 : vector<1x16xf32> to vector<16xf32>
        %swap3A_421 = vector.shape_cast %scan3A_414#0 : vector<16xf32> to vector<1x16xf32>
        tpu.vector_store %arg11[%swap3A_417, %swap3A_418], %swap3A_421 {strides = array<i32>} : memref<16x128xf32, #tpu.memory_space<vmem>>, vector<1x16xf32>,
        %swap3A_422 = arith.constant 1 : i32
        %swap3A_423 = arith.index_cast %swap3A_422 : i32 to index
        %swap3A_424 = arith.constant 16 : index
        %swap3A_425 = tpu.vector_load %arg11[%swap3A_423, %swap3A_424] {strides = array<i32>} : memref<16x128xf32, #tpu.memory_space<vmem>>, vector<1x16xf32>,
        %swap3A_426 = vector.shape_cast %swap3A_425 : vector<1x16xf32> to vector<16xf32>
        %swap3A_427 = vector.shape_cast %scan3A_414#1 : vector<16xf32> to vector<1x16xf32>
        tpu.vector_store %arg11[%swap3A_423, %swap3A_424], %swap3A_427 {strides = array<i32>} : memref<16x128xf32, #tpu.memory_space<vmem>>, vector<1x16xf32>,
        %swap3A_428 = arith.constant 1 : i32
        %swap3A_429 = arith.index_cast %swap3A_428 : i32 to index
        %swap3A_430 = arith.constant 32 : index
        %swap3A_431 = tpu.vector_load %arg11[%swap3A_429, %swap3A_430] {strides = array<i32>} : memref<16x128xf32, #tpu.memory_space<vmem>>, vector<1x16xf32>,
        %swap3A_432 = vector.shape_cast %swap3A_431 : vector<1x16xf32> to vector<16xf32>
        %swap3A_433 = vector.shape_cast %scan3A_414#2 : vector<16xf32> to vector<1x16xf32>
        tpu.vector_store %arg11[%swap3A_429, %swap3A_430], %swap3A_433 {strides = array<i32>} : memref<16x128xf32, #tpu.memory_space<vmem>>, vector<1x16xf32>,
        %swap3A_434 = arith.constant 1 : i32
        %swap3A_435 = arith.index_cast %swap3A_434 : i32 to index
        %swap3A_436 = arith.constant 48 : index
        %swap3A_437 = tpu.vector_load %arg11[%swap3A_435, %swap3A_436] {strides = array<i32>} : memref<16x128xf32, #tpu.memory_space<vmem>>, vector<1x16xf32>,
        %swap3A_438 = vector.shape_cast %swap3A_437 : vector<1x16xf32> to vector<16xf32>
        %swap3A_439 = vector.shape_cast %scan3A_414#3 : vector<16xf32> to vector<1x16xf32>
        tpu.vector_store %arg11[%swap3A_435, %swap3A_436], %swap3A_439 {strides = array<i32>} : memref<16x128xf32, #tpu.memory_space<vmem>>, vector<1x16xf32>,
        %swap3A_440 = arith.constant 1 : i32
        %swap3A_441 = arith.index_cast %swap3A_440 : i32 to index
        %swap3A_442 = arith.constant 64 : index
        %swap3A_443 = tpu.vector_load %arg11[%swap3A_441, %swap3A_442] {strides = array<i32>} : memref<16x128xf32, #tpu.memory_space<vmem>>, vector<1x16xf32>,
        %swap3A_444 = vector.shape_cast %swap3A_443 : vector<1x16xf32> to vector<16xf32>
        %swap3A_445 = vector.shape_cast %scan3A_414#4 : vector<16xf32> to vector<1x16xf32>
        tpu.vector_store %arg11[%swap3A_441, %swap3A_442], %swap3A_445 {strides = array<i32>} : memref<16x128xf32, #tpu.memory_space<vmem>>, vector<1x16xf32>,
        %swap3A_446 = arith.constant 1 : i32
        %swap3A_447 = arith.index_cast %swap3A_446 : i32 to index
        %swap3A_448 = arith.constant 80 : index
        %swap3A_449 = tpu.vector_load %arg11[%swap3A_447, %swap3A_448] {strides = array<i32>} : memref<16x128xf32, #tpu.memory_space<vmem>>, vector<1x16xf32>,
        %swap3A_450 = vector.shape_cast %swap3A_449 : vector<1x16xf32> to vector<16xf32>
        %swap3A_451 = vector.shape_cast %scan3A_414#5 : vector<16xf32> to vector<1x16xf32>
        tpu.vector_store %arg11[%swap3A_447, %swap3A_448], %swap3A_451 {strides = array<i32>} : memref<16x128xf32, #tpu.memory_space<vmem>>, vector<1x16xf32>,
        %swap3A_452 = arith.constant 1 : i32
        %swap3A_453 = arith.index_cast %swap3A_452 : i32 to index
        %swap3A_454 = arith.constant 96 : index
        %swap3A_455 = tpu.vector_load %arg11[%swap3A_453, %swap3A_454] {strides = array<i32>} : memref<16x128xf32, #tpu.memory_space<vmem>>, vector<1x16xf32>,
        %swap3A_456 = vector.shape_cast %swap3A_455 : vector<1x16xf32> to vector<16xf32>
        %swap3A_457 = vector.shape_cast %scan3A_414#6 : vector<16xf32> to vector<1x16xf32>
        tpu.vector_store %arg11[%swap3A_453, %swap3A_454], %swap3A_457 {strides = array<i32>} : memref<16x128xf32, #tpu.memory_space<vmem>>, vector<1x16xf32>,
        %swap3A_458 = arith.constant 1 : i32
        %swap3A_459 = arith.index_cast %swap3A_458 : i32 to index
        %swap3A_460 = arith.constant 112 : index
        %swap3A_461 = tpu.vector_load %arg11[%swap3A_459, %swap3A_460] {strides = array<i32>} : memref<16x128xf32, #tpu.memory_space<vmem>>, vector<1x16xf32>,
        %swap3A_462 = vector.shape_cast %swap3A_461 : vector<1x16xf32> to vector<16xf32>
        %swap3A_463 = vector.shape_cast %scan3A_414#7 : vector<16xf32> to vector<1x16xf32>
        tpu.vector_store %arg11[%swap3A_459, %swap3A_460], %swap3A_463 {strides = array<i32>} : memref<16x128xf32, #tpu.memory_space<vmem>>, vector<1x16xf32>,
        %eq3A_464 = arith.constant 1 : i32
        %eq3A_465 = vector.broadcast %eq3A_464 : i32 to vector<16xi32>
        %eq3A_466 = arith.cmpi eq, %iota3A, %eq3A_465 : vector<16xi32>
        %get3A_467 = arith.constant 0 : index
        %get3A_468 = tpu.vector_load %arg12[%get3A_467] {strides = array<i32>} : memref<16xi32, #tpu.memory_space<vmem>>, vector<16xi32>,
        %get3A_469 = vector.shape_cast %get3A_468 : vector<16xi32> to vector<16xi32>
        %select_n3A_470 = arith.select %eq3A_466, %reshape3A_286, %get3A_469 : vector<16xi1>, vector<16xi32>
        %swap3A_471 = arith.constant 0 : index
        %swap3A_472 = tpu.vector_load %arg12[%swap3A_471] {strides = array<i32>} : memref<16xi32, #tpu.memory_space<vmem>>, vector<16xi32>,
        %swap3A_473 = vector.shape_cast %swap3A_472 : vector<16xi32> to vector<16xi32>
        %swap3A_474 = vector.shape_cast %select_n3A_470 : vector<16xi32> to vector<16xi32>
        tpu.vector_store %arg12[%swap3A_471], %swap3A_474 {strides = array<i32>} : memref<16xi32, #tpu.memory_space<vmem>>, vector<16xi32>,
      } else {
      }
      %not3A_300 = arith.constant true
      %not3A_301 = arith.xori %eq3A_296, %not3A_300 : i1
      %convert_element_type3A_302 = arith.extui %not3A_301 : i1 to i32
      %cond3A_303 = arith.constant 0 : i32
      %cond3A_304 = arith.cmpi ne, %convert_element_type3A_302, %cond3A_303 : i32
      scf.if %cond3A_304 {
        %run_scoped3A = arith.constant 0 : i32
        "tpu.region"() ({
          %run_scoped3A_395 = tpu.sem_alloc : memref<!tpu.dma_semaphore, #tpu.memory_space<semaphore_mem>>
          %dma_start3A_396 = arith.constant 128 : i32
          %dma_start3A_397 = arith.constant 0 : i32
          %dma_start3A_398 = tpu.memref_slice %arg8[%run_scoped3A, %dma_start3A_396, %dma_start3A_397] : memref<2x256x128xf32, #tpu.memory_space<vmem>> -> memref<1x128x128xf32, #tpu.memory_space<vmem>>
          %dma_start3A_399 = tpu.memref_squeeze %dma_start3A_398 : memref<1x128x128xf32, #tpu.memory_space<vmem>> -> memref<128x128xf32, #tpu.memory_space<vmem>>
          %dma_start3A_400 = arith.constant 0 : i32
          %dma_start3A_401 = tpu.memref_slice %arg9[%add3A_281, %dma_start3A_400] : memref<196x128xi32, #tpu.memory_space<vmem>> -> memref<1x128xi32, #tpu.memory_space<vmem>>
          %dma_start3A_402 = tpu.memref_squeeze %dma_start3A_401 : memref<1x128xi32, #tpu.memory_space<vmem>> -> memref<128xi32, #tpu.memory_space<vmem>>
          %dma_start3A_403 = arith.constant 0 : i32
          %dma_start3A_404 = arith.constant 0 : i32
          %dma_start3A_405 = tpu.memref_slice %arg14[%dma_start3A_403, %dma_start3A_404] : memref<1032x128xf32, #tpu.memory_space<vmem_shared>> -> memref<1032x128xf32, #tpu.memory_space<vmem_shared>>
          tpu.enqueue_indirect_dma source(%dma_start3A_399 : memref<128x128xf32, #tpu.memory_space<vmem>>) target(%dma_start3A_405 : memref<1032x128xf32, #tpu.memory_space<vmem_shared>>) offsets(%dma_start3A_402 : memref<128xi32, #tpu.memory_space<vmem>>) semaphore(%run_scoped3A_395 : memref<!tpu.dma_semaphore, #tpu.memory_space<semaphore_mem>>) {add = true}
          %dma_wait3A_406 = arith.constant 128 : i32
          %dma_wait3A_407 = arith.constant 0 : i32
          %dma_wait3A_408 = tpu.memref_slice %arg8[%run_scoped3A, %dma_wait3A_406, %dma_wait3A_407] : memref<2x256x128xf32, #tpu.memory_space<vmem>> -> memref<1x128x128xf32, #tpu.memory_space<vmem>>
          %dma_wait3A_409 = tpu.memref_squeeze %dma_wait3A_408 : memref<1x128x128xf32, #tpu.memory_space<vmem>> -> memref<128x128xf32, #tpu.memory_space<vmem>>
          %dma_wait3A_410 = arith.constant 0 : i32
          %dma_wait3A_411 = tpu.memref_slice %arg9[%add3A_281, %dma_wait3A_410] : memref<196x128xi32, #tpu.memory_space<vmem>> -> memref<1x128xi32, #tpu.memory_space<vmem>>
          %dma_wait3A_412 = tpu.memref_squeeze %dma_wait3A_411 : memref<1x128xi32, #tpu.memory_space<vmem>> -> memref<128xi32, #tpu.memory_space<vmem>>
          %dma_wait3A_413 = arith.constant 0 : i32
          %dma_wait3A_414 = arith.constant 0 : i32
          %dma_wait3A_415 = tpu.memref_slice %arg14[%dma_wait3A_413, %dma_wait3A_414] : memref<1032x128xf32, #tpu.memory_space<vmem_shared>> -> memref<1032x128xf32, #tpu.memory_space<vmem_shared>>
          tpu.wait_indirect_dma semaphore(%run_scoped3A_395 : memref<!tpu.dma_semaphore, #tpu.memory_space<semaphore_mem>>) src(%dma_wait3A_409 : memref<128x128xf32, #tpu.memory_space<vmem>>) dst(%dma_wait3A_415 : memref<1032x128xf32, #tpu.memory_space<vmem_shared>>)
          tpu.yield
        }) : () -> ()
      } else {
      }
      %add3A_305 = arith.constant 2 : i32
      %add3A_306 = arith.addi %mul3A_228, %add3A_305 : i32
      %lt3A_307 = arith.cmpi slt, %add3A_306, %select_n3A_135 : i32
      %convert_element_type3A_308 = arith.extui %lt3A_307 : i1 to i32
      %cond3A_309 = arith.constant 0 : i32
      %cond3A_310 = arith.cmpi ne, %convert_element_type3A_308, %cond3A_309 : i32
      scf.if %cond3A_310 {
        %add3A_395 = arith.constant 2 : i32
        %add3A_396 = arith.addi %mul3A_228, %add3A_395 : i32
        %mul3A_397 = arith.constant 256 : i32
        %mul3A_398 = arith.muli %add3A_396, %mul3A_397 : i32
        %add3A_399 = arith.addi %mul3A_34, %mul3A_398 : i32
        %min3A_400 = arith.constant 319744 : i32
        %min3A_401 = arith.minsi %add3A_399, %min3A_400 : i32
        %dma_start3A_402 = arith.constant 0 : i32
        %dma_start3A_403 = arith.constant 0 : i32
        %dma_start3A_404 = arith.constant 0 : i32
        %dma_start3A_405 = tpu.memref_slice %arg8[%dma_start3A_402, %dma_start3A_403, %dma_start3A_404] : memref<2x256x128xf32, #tpu.memory_space<vmem>> -> memref<1x256x128xf32, #tpu.memory_space<vmem>>
        %dma_start3A_406 = tpu.memref_squeeze %dma_start3A_405 : memref<1x256x128xf32, #tpu.memory_space<vmem>> -> memref<256x128xf32, #tpu.memory_space<vmem>>
        %dma_start3A_407 = arith.constant 0 : i32
        %dma_start3A_408 = tpu.memref_slice %arg2[%min3A_401, %dma_start3A_407] : memref<320000x128xf32, #tpu.memory_space<hbm>> -> memref<256x128xf32, #tpu.memory_space<hbm>>
        %dma_start3A_409 = arith.constant 0 : i32
        %dma_start3A_410 = arith.constant 0 : i32
        %dma_start3A_411 = tpu.memref_slice %arg8[%dma_start3A_402, %dma_start3A_409, %dma_start3A_410] : memref<2x256x128xf32, #tpu.memory_space<vmem>> -> memref<1x256x128xf32, #tpu.memory_space<vmem>>
        %dma_start3A_412 = tpu.memref_squeeze %dma_start3A_411 : memref<1x256x128xf32, #tpu.memory_space<vmem>> -> memref<256x128xf32, #tpu.memory_space<vmem>>
        %dma_start3A_413 = arith.constant 0 : i32
        %dma_start3A_414 = tpu.memref_slice %arg2[%min3A_401, %dma_start3A_413] : memref<320000x128xf32, #tpu.memory_space<hbm>> -> memref<256x128xf32, #tpu.memory_space<hbm>>
        tpu.enqueue_dma source(%dma_start3A_414 : memref<256x128xf32, #tpu.memory_space<hbm>>) target(%dma_start3A_412 : memref<256x128xf32, #tpu.memory_space<vmem>>) target_semaphore(%arg15 : memref<!tpu.dma_semaphore, #tpu.memory_space<semaphore_mem>>)
      } else {
      }
      %add3A_311 = arith.constant 1 : i32
      %add3A_312 = arith.addi %mul3A_228, %add3A_311 : i32
      %mul3A_313 = arith.constant 256 : i32
      %mul3A_314 = arith.muli %add3A_312, %mul3A_313 : i32
      %add3A_315 = arith.addi %mul3A_34, %mul3A_314 : i32
      %min3A_316 = arith.constant 319744 : i32
      %min3A_317 = arith.minsi %add3A_315, %min3A_316 : i32
      %dma_wait3A_318 = arith.constant 1 : i32
      %dma_wait3A_319 = arith.constant 0 : i32
      %dma_wait3A_320 = arith.constant 0 : i32
      %dma_wait3A_321 = tpu.memref_slice %arg8[%dma_wait3A_318, %dma_wait3A_319, %dma_wait3A_320] : memref<2x256x128xf32, #tpu.memory_space<vmem>> -> memref<1x256x128xf32, #tpu.memory_space<vmem>>
      %dma_wait3A_322 = tpu.memref_squeeze %dma_wait3A_321 : memref<1x256x128xf32, #tpu.memory_space<vmem>> -> memref<256x128xf32, #tpu.memory_space<vmem>>
      %dma_wait3A_323 = arith.constant 0 : i32
      %dma_wait3A_324 = tpu.memref_slice %arg2[%min3A_317, %dma_wait3A_323] : memref<320000x128xf32, #tpu.memory_space<hbm>> -> memref<256x128xf32, #tpu.memory_space<hbm>>
      %dma_wait3A_325 = arith.constant 0 : i32
      %dma_wait3A_326 = arith.constant 0 : i32
      %dma_wait3A_327 = tpu.memref_slice %arg8[%dma_wait3A_318, %dma_wait3A_325, %dma_wait3A_326] : memref<2x256x128xf32, #tpu.memory_space<vmem>> -> memref<1x256x128xf32, #tpu.memory_space<vmem>>
      %dma_wait3A_328 = tpu.memref_squeeze %dma_wait3A_327 : memref<1x256x128xf32, #tpu.memory_space<vmem>> -> memref<256x128xf32, #tpu.memory_space<vmem>>
      %dma_wait3A_329 = arith.constant 0 : i32
      %dma_wait3A_330 = tpu.memref_slice %arg2[%min3A_317, %dma_wait3A_329] : memref<320000x128xf32, #tpu.memory_space<hbm>> -> memref<256x128xf32, #tpu.memory_space<hbm>>
      tpu.wait_dma2 semaphore(%arg16 : memref<!tpu.dma_semaphore, #tpu.memory_space<semaphore_mem>>) src(%dma_wait3A_330 : memref<256x128xf32, #tpu.memory_space<hbm>>) dst(%dma_wait3A_328 : memref<256x128xf32, #tpu.memory_space<vmem>>)
      %add3A_331 = arith.constant 1 : i32
      %add3A_332 = arith.addi %mul3A_228, %add3A_331 : i32
      %mul3A_333 = arith.constant 2 : i32
      %mul3A_334 = arith.muli %add3A_332, %mul3A_333 : i32
      %add3A_335 = arith.addi %sub3A_96, %mul3A_334 : i32
      %add3A_336 = arith.constant 0 : i32
      %add3A_337 = arith.addi %add3A_335, %add3A_336 : i32
      %get3A_338 = arith.index_cast %add3A_337 : i32 to index
      %get3A_339 = arith.constant 0 : index
      %get3A_340 = tpu.vector_load %arg9[%get3A_338, %get3A_339] {strides = array<i32>} : memref<196x128xi32, #tpu.memory_space<vmem>>, vector<1x16xi32>,
      %get3A_341 = vector.shape_cast %get3A_340 : vector<1x16xi32> to vector<1x16xi32>
      %reshape3A_342 = vector.shape_cast %get3A_341 : vector<1x16xi32> to vector<16xi32>
      %get3A_343 = arith.index_cast %add3A_337 : i32 to index
      %get3A_344 = arith.constant 112 : index
      %get3A_345 = tpu.vector_load %arg9[%get3A_343, %get3A_344] {strides = array<i32>} : memref<196x128xi32, #tpu.memory_space<vmem>>, vector<1x16xi32>,
      %get3A_346 = vector.shape_cast %get3A_345 : vector<1x16xi32> to vector<1x16xi32>
      %reshape3A_347 = vector.shape_cast %get3A_346 : vector<1x16xi32> to vector<16xi32>
      %slice3A_348 = vector.extract_strided_slice %reshape3A_342 {offsets = [0], sizes = [1], strides = [1]} : vector<16xi32> to vector<1xi32>
      %squeeze3A_349 = vector.extract %slice3A_348[0] : i32 from vector<1xi32>
      %slice3A_350 = vector.extract_strided_slice %reshape3A_347 {offsets = [15], sizes = [1], strides = [1]} : vector<16xi32> to vector<1xi32>
      %squeeze3A_351 = vector.extract %slice3A_350[0] : i32 from vector<1xi32>
      %eq3A_352 = arith.cmpi eq, %squeeze3A_349, %squeeze3A_351 : i32
      %convert_element_type3A_353 = arith.extui %eq3A_352 : i1 to i32
      %cond3A_354 = arith.constant 0 : i32
      %cond3A_355 = arith.cmpi ne, %convert_element_type3A_353, %cond3A_354 : i32
      scf.if %cond3A_355 {
        %broadcast_in_dim3A_395 = arith.constant 0.000000e+00 : f32
        %broadcast_in_dim3A_396 = vector.broadcast %broadcast_in_dim3A_395 : f32 to vector<16xf32>
        %broadcast_in_dim3A_397 = arith.constant 0.000000e+00 : f32
        %broadcast_in_dim3A_398 = vector.broadcast %broadcast_in_dim3A_397 : f32 to vector<16xf32>
        %broadcast_in_dim3A_399 = arith.constant 0.000000e+00 : f32
        %broadcast_in_dim3A_400 = vector.broadcast %broadcast_in_dim3A_399 : f32 to vector<16xf32>
        %broadcast_in_dim3A_401 = arith.constant 0.000000e+00 : f32
        %broadcast_in_dim3A_402 = vector.broadcast %broadcast_in_dim3A_401 : f32 to vector<16xf32>
        %broadcast_in_dim3A_403 = arith.constant 0.000000e+00 : f32
        %broadcast_in_dim3A_404 = vector.broadcast %broadcast_in_dim3A_403 : f32 to vector<16xf32>
        %broadcast_in_dim3A_405 = arith.constant 0.000000e+00 : f32
        %broadcast_in_dim3A_406 = vector.broadcast %broadcast_in_dim3A_405 : f32 to vector<16xf32>
        %broadcast_in_dim3A_407 = arith.constant 0.000000e+00 : f32
        %broadcast_in_dim3A_408 = vector.broadcast %broadcast_in_dim3A_407 : f32 to vector<16xf32>
        %broadcast_in_dim3A_409 = arith.constant 0.000000e+00 : f32
        %broadcast_in_dim3A_410 = vector.broadcast %broadcast_in_dim3A_409 : f32 to vector<16xf32>
        %scan3A = arith.constant 0 : i32
        %scan3A_411 = arith.constant 32 : i32
        %scan3A_412 = arith.addi %scan3A, %scan3A_411 : i32
        %scan3A_413 = arith.constant 1 : i32
        %scan3A_414:8 = scf.for %scan3A_475 = %scan3A to %scan3A_412 step %scan3A_413 iter_args(%scan3A_476 = %broadcast_in_dim3A_396, %scan3A_477 = %broadcast_in_dim3A_398, %scan3A_478 = %broadcast_in_dim3A_400, %scan3A_479 = %broadcast_in_dim3A_402, %scan3A_480 = %broadcast_in_dim3A_404, %scan3A_481 = %broadcast_in_dim3A_406, %scan3A_482 = %broadcast_in_dim3A_408, %scan3A_483 = %broadcast_in_dim3A_410) -> (vector<16xf32>, vector<16xf32>, vector<16xf32>, vector<16xf32>, vector<16xf32>, vector<16xf32>, vector<16xf32>, vector<16xf32>)  : i32 {
          %mul3A_484 = arith.constant 4 : i32
          %mul3A_485 = arith.muli %mul3A_484, %scan3A_475 : i32
          %add3A_486 = arith.constant 0 : i32
          %add3A_487 = arith.addi %add3A_486, %mul3A_485 : i32
          %add3A_488 = arith.constant 0 : i32
          %add3A_489 = arith.addi %add3A_487, %add3A_488 : i32
          %get3A_490 = arith.constant 1 : i32
          %get3A_491 = arith.index_cast %get3A_490 : i32 to index
          %get3A_492 = arith.index_cast %add3A_489 : i32 to index
          %get3A_493 = arith.constant 0 : index
          %get3A_494 = tpu.vector_load %arg8[%get3A_491, %get3A_492, %get3A_493] {strides = array<i32>} : memref<2x256x128xf32, #tpu.memory_space<vmem>>, vector<1x1x16xf32>,
          %get3A_495 = vector.shape_cast %get3A_494 : vector<1x1x16xf32> to vector<1x16xf32>
          %reshape3A_496 = vector.shape_cast %get3A_495 : vector<1x16xf32> to vector<16xf32>
          %add3A_497 = arith.addf %scan3A_476, %reshape3A_496 : vector<16xf32>
          %get3A_498 = arith.constant 1 : i32
          %get3A_499 = arith.index_cast %get3A_498 : i32 to index
          %get3A_500 = arith.index_cast %add3A_489 : i32 to index
          %get3A_501 = arith.constant 16 : index
          %get3A_502 = tpu.vector_load %arg8[%get3A_499, %get3A_500, %get3A_501] {strides = array<i32>} : memref<2x256x128xf32, #tpu.memory_space<vmem>>, vector<1x1x16xf32>,
          %get3A_503 = vector.shape_cast %get3A_502 : vector<1x1x16xf32> to vector<1x16xf32>
          %reshape3A_504 = vector.shape_cast %get3A_503 : vector<1x16xf32> to vector<16xf32>
          %add3A_505 = arith.addf %scan3A_477, %reshape3A_504 : vector<16xf32>
          %get3A_506 = arith.constant 1 : i32
          %get3A_507 = arith.index_cast %get3A_506 : i32 to index
          %get3A_508 = arith.index_cast %add3A_489 : i32 to index
          %get3A_509 = arith.constant 32 : index
          %get3A_510 = tpu.vector_load %arg8[%get3A_507, %get3A_508, %get3A_509] {strides = array<i32>} : memref<2x256x128xf32, #tpu.memory_space<vmem>>, vector<1x1x16xf32>,
          %get3A_511 = vector.shape_cast %get3A_510 : vector<1x1x16xf32> to vector<1x16xf32>
          %reshape3A_512 = vector.shape_cast %get3A_511 : vector<1x16xf32> to vector<16xf32>
          %add3A_513 = arith.addf %scan3A_478, %reshape3A_512 : vector<16xf32>
          %get3A_514 = arith.constant 1 : i32
          %get3A_515 = arith.index_cast %get3A_514 : i32 to index
          %get3A_516 = arith.index_cast %add3A_489 : i32 to index
          %get3A_517 = arith.constant 48 : index
          %get3A_518 = tpu.vector_load %arg8[%get3A_515, %get3A_516, %get3A_517] {strides = array<i32>} : memref<2x256x128xf32, #tpu.memory_space<vmem>>, vector<1x1x16xf32>,
          %get3A_519 = vector.shape_cast %get3A_518 : vector<1x1x16xf32> to vector<1x16xf32>
          %reshape3A_520 = vector.shape_cast %get3A_519 : vector<1x16xf32> to vector<16xf32>
          %add3A_521 = arith.addf %scan3A_479, %reshape3A_520 : vector<16xf32>
          %get3A_522 = arith.constant 1 : i32
          %get3A_523 = arith.index_cast %get3A_522 : i32 to index
          %get3A_524 = arith.index_cast %add3A_489 : i32 to index
          %get3A_525 = arith.constant 64 : index
          %get3A_526 = tpu.vector_load %arg8[%get3A_523, %get3A_524, %get3A_525] {strides = array<i32>} : memref<2x256x128xf32, #tpu.memory_space<vmem>>, vector<1x1x16xf32>,
          %get3A_527 = vector.shape_cast %get3A_526 : vector<1x1x16xf32> to vector<1x16xf32>
          %reshape3A_528 = vector.shape_cast %get3A_527 : vector<1x16xf32> to vector<16xf32>
          %add3A_529 = arith.addf %scan3A_480, %reshape3A_528 : vector<16xf32>
          %get3A_530 = arith.constant 1 : i32
          %get3A_531 = arith.index_cast %get3A_530 : i32 to index
          %get3A_532 = arith.index_cast %add3A_489 : i32 to index
          %get3A_533 = arith.constant 80 : index
          %get3A_534 = tpu.vector_load %arg8[%get3A_531, %get3A_532, %get3A_533] {strides = array<i32>} : memref<2x256x128xf32, #tpu.memory_space<vmem>>, vector<1x1x16xf32>,
          %get3A_535 = vector.shape_cast %get3A_534 : vector<1x1x16xf32> to vector<1x16xf32>
          %reshape3A_536 = vector.shape_cast %get3A_535 : vector<1x16xf32> to vector<16xf32>
          %add3A_537 = arith.addf %scan3A_481, %reshape3A_536 : vector<16xf32>
          %get3A_538 = arith.constant 1 : i32
          %get3A_539 = arith.index_cast %get3A_538 : i32 to index
          %get3A_540 = arith.index_cast %add3A_489 : i32 to index
          %get3A_541 = arith.constant 96 : index
          %get3A_542 = tpu.vector_load %arg8[%get3A_539, %get3A_540, %get3A_541] {strides = array<i32>} : memref<2x256x128xf32, #tpu.memory_space<vmem>>, vector<1x1x16xf32>,
          %get3A_543 = vector.shape_cast %get3A_542 : vector<1x1x16xf32> to vector<1x16xf32>
          %reshape3A_544 = vector.shape_cast %get3A_543 : vector<1x16xf32> to vector<16xf32>
          %add3A_545 = arith.addf %scan3A_482, %reshape3A_544 : vector<16xf32>
          %get3A_546 = arith.constant 1 : i32
          %get3A_547 = arith.index_cast %get3A_546 : i32 to index
          %get3A_548 = arith.index_cast %add3A_489 : i32 to index
          %get3A_549 = arith.constant 112 : index
          %get3A_550 = tpu.vector_load %arg8[%get3A_547, %get3A_548, %get3A_549] {strides = array<i32>} : memref<2x256x128xf32, #tpu.memory_space<vmem>>, vector<1x1x16xf32>,
          %get3A_551 = vector.shape_cast %get3A_550 : vector<1x1x16xf32> to vector<1x16xf32>
          %reshape3A_552 = vector.shape_cast %get3A_551 : vector<1x16xf32> to vector<16xf32>
          %add3A_553 = arith.addf %scan3A_483, %reshape3A_552 : vector<16xf32>
          %mul3A_554 = arith.constant 4 : i32
          %mul3A_555 = arith.muli %mul3A_554, %scan3A_475 : i32
          %add3A_556 = arith.constant 0 : i32
          %add3A_557 = arith.addi %add3A_556, %mul3A_555 : i32
          %add3A_558 = arith.constant 1 : i32
          %add3A_559 = arith.addi %add3A_557, %add3A_558 : i32
          %get3A_560 = arith.constant 1 : i32
          %get3A_561 = arith.index_cast %get3A_560 : i32 to index
          %get3A_562 = arith.index_cast %add3A_559 : i32 to index
          %get3A_563 = arith.constant 0 : index
          %get3A_564 = tpu.vector_load %arg8[%get3A_561, %get3A_562, %get3A_563] {strides = array<i32>} : memref<2x256x128xf32, #tpu.memory_space<vmem>>, vector<1x1x16xf32>,
          %get3A_565 = vector.shape_cast %get3A_564 : vector<1x1x16xf32> to vector<1x16xf32>
          %reshape3A_566 = vector.shape_cast %get3A_565 : vector<1x16xf32> to vector<16xf32>
          %add3A_567 = arith.addf %add3A_497, %reshape3A_566 : vector<16xf32>
          %get3A_568 = arith.constant 1 : i32
          %get3A_569 = arith.index_cast %get3A_568 : i32 to index
          %get3A_570 = arith.index_cast %add3A_559 : i32 to index
          %get3A_571 = arith.constant 16 : index
          %get3A_572 = tpu.vector_load %arg8[%get3A_569, %get3A_570, %get3A_571] {strides = array<i32>} : memref<2x256x128xf32, #tpu.memory_space<vmem>>, vector<1x1x16xf32>,
          %get3A_573 = vector.shape_cast %get3A_572 : vector<1x1x16xf32> to vector<1x16xf32>
          %reshape3A_574 = vector.shape_cast %get3A_573 : vector<1x16xf32> to vector<16xf32>
          %add3A_575 = arith.addf %add3A_505, %reshape3A_574 : vector<16xf32>
          %get3A_576 = arith.constant 1 : i32
          %get3A_577 = arith.index_cast %get3A_576 : i32 to index
          %get3A_578 = arith.index_cast %add3A_559 : i32 to index
          %get3A_579 = arith.constant 32 : index
          %get3A_580 = tpu.vector_load %arg8[%get3A_577, %get3A_578, %get3A_579] {strides = array<i32>} : memref<2x256x128xf32, #tpu.memory_space<vmem>>, vector<1x1x16xf32>,
          %get3A_581 = vector.shape_cast %get3A_580 : vector<1x1x16xf32> to vector<1x16xf32>
          %reshape3A_582 = vector.shape_cast %get3A_581 : vector<1x16xf32> to vector<16xf32>
          %add3A_583 = arith.addf %add3A_513, %reshape3A_582 : vector<16xf32>
          %get3A_584 = arith.constant 1 : i32
          %get3A_585 = arith.index_cast %get3A_584 : i32 to index
          %get3A_586 = arith.index_cast %add3A_559 : i32 to index
          %get3A_587 = arith.constant 48 : index
          %get3A_588 = tpu.vector_load %arg8[%get3A_585, %get3A_586, %get3A_587] {strides = array<i32>} : memref<2x256x128xf32, #tpu.memory_space<vmem>>, vector<1x1x16xf32>,
          %get3A_589 = vector.shape_cast %get3A_588 : vector<1x1x16xf32> to vector<1x16xf32>
          %reshape3A_590 = vector.shape_cast %get3A_589 : vector<1x16xf32> to vector<16xf32>
          %add3A_591 = arith.addf %add3A_521, %reshape3A_590 : vector<16xf32>
          %get3A_592 = arith.constant 1 : i32
          %get3A_593 = arith.index_cast %get3A_592 : i32 to index
          %get3A_594 = arith.index_cast %add3A_559 : i32 to index
          %get3A_595 = arith.constant 64 : index
          %get3A_596 = tpu.vector_load %arg8[%get3A_593, %get3A_594, %get3A_595] {strides = array<i32>} : memref<2x256x128xf32, #tpu.memory_space<vmem>>, vector<1x1x16xf32>,
          %get3A_597 = vector.shape_cast %get3A_596 : vector<1x1x16xf32> to vector<1x16xf32>
          %reshape3A_598 = vector.shape_cast %get3A_597 : vector<1x16xf32> to vector<16xf32>
          %add3A_599 = arith.addf %add3A_529, %reshape3A_598 : vector<16xf32>
          %get3A_600 = arith.constant 1 : i32
          %get3A_601 = arith.index_cast %get3A_600 : i32 to index
          %get3A_602 = arith.index_cast %add3A_559 : i32 to index
          %get3A_603 = arith.constant 80 : index
          %get3A_604 = tpu.vector_load %arg8[%get3A_601, %get3A_602, %get3A_603] {strides = array<i32>} : memref<2x256x128xf32, #tpu.memory_space<vmem>>, vector<1x1x16xf32>,
          %get3A_605 = vector.shape_cast %get3A_604 : vector<1x1x16xf32> to vector<1x16xf32>
          %reshape3A_606 = vector.shape_cast %get3A_605 : vector<1x16xf32> to vector<16xf32>
          %add3A_607 = arith.addf %add3A_537, %reshape3A_606 : vector<16xf32>
          %get3A_608 = arith.constant 1 : i32
          %get3A_609 = arith.index_cast %get3A_608 : i32 to index
          %get3A_610 = arith.index_cast %add3A_559 : i32 to index
          %get3A_611 = arith.constant 96 : index
          %get3A_612 = tpu.vector_load %arg8[%get3A_609, %get3A_610, %get3A_611] {strides = array<i32>} : memref<2x256x128xf32, #tpu.memory_space<vmem>>, vector<1x1x16xf32>,
          %get3A_613 = vector.shape_cast %get3A_612 : vector<1x1x16xf32> to vector<1x16xf32>
          %reshape3A_614 = vector.shape_cast %get3A_613 : vector<1x16xf32> to vector<16xf32>
          %add3A_615 = arith.addf %add3A_545, %reshape3A_614 : vector<16xf32>
          %get3A_616 = arith.constant 1 : i32
          %get3A_617 = arith.index_cast %get3A_616 : i32 to index
          %get3A_618 = arith.index_cast %add3A_559 : i32 to index
          %get3A_619 = arith.constant 112 : index
          %get3A_620 = tpu.vector_load %arg8[%get3A_617, %get3A_618, %get3A_619] {strides = array<i32>} : memref<2x256x128xf32, #tpu.memory_space<vmem>>, vector<1x1x16xf32>,
          %get3A_621 = vector.shape_cast %get3A_620 : vector<1x1x16xf32> to vector<1x16xf32>
          %reshape3A_622 = vector.shape_cast %get3A_621 : vector<1x16xf32> to vector<16xf32>
          %add3A_623 = arith.addf %add3A_553, %reshape3A_622 : vector<16xf32>
          %mul3A_624 = arith.constant 4 : i32
          %mul3A_625 = arith.muli %mul3A_624, %scan3A_475 : i32
          %add3A_626 = arith.constant 0 : i32
          %add3A_627 = arith.addi %add3A_626, %mul3A_625 : i32
          %add3A_628 = arith.constant 2 : i32
          %add3A_629 = arith.addi %add3A_627, %add3A_628 : i32
          %get3A_630 = arith.constant 1 : i32
          %get3A_631 = arith.index_cast %get3A_630 : i32 to index
          %get3A_632 = arith.index_cast %add3A_629 : i32 to index
          %get3A_633 = arith.constant 0 : index
          %get3A_634 = tpu.vector_load %arg8[%get3A_631, %get3A_632, %get3A_633] {strides = array<i32>} : memref<2x256x128xf32, #tpu.memory_space<vmem>>, vector<1x1x16xf32>,
          %get3A_635 = vector.shape_cast %get3A_634 : vector<1x1x16xf32> to vector<1x16xf32>
          %reshape3A_636 = vector.shape_cast %get3A_635 : vector<1x16xf32> to vector<16xf32>
          %add3A_637 = arith.addf %add3A_567, %reshape3A_636 : vector<16xf32>
          %get3A_638 = arith.constant 1 : i32
          %get3A_639 = arith.index_cast %get3A_638 : i32 to index
          %get3A_640 = arith.index_cast %add3A_629 : i32 to index
          %get3A_641 = arith.constant 16 : index
          %get3A_642 = tpu.vector_load %arg8[%get3A_639, %get3A_640, %get3A_641] {strides = array<i32>} : memref<2x256x128xf32, #tpu.memory_space<vmem>>, vector<1x1x16xf32>,
          %get3A_643 = vector.shape_cast %get3A_642 : vector<1x1x16xf32> to vector<1x16xf32>
          %reshape3A_644 = vector.shape_cast %get3A_643 : vector<1x16xf32> to vector<16xf32>
          %add3A_645 = arith.addf %add3A_575, %reshape3A_644 : vector<16xf32>
          %get3A_646 = arith.constant 1 : i32
          %get3A_647 = arith.index_cast %get3A_646 : i32 to index
          %get3A_648 = arith.index_cast %add3A_629 : i32 to index
          %get3A_649 = arith.constant 32 : index
          %get3A_650 = tpu.vector_load %arg8[%get3A_647, %get3A_648, %get3A_649] {strides = array<i32>} : memref<2x256x128xf32, #tpu.memory_space<vmem>>, vector<1x1x16xf32>,
          %get3A_651 = vector.shape_cast %get3A_650 : vector<1x1x16xf32> to vector<1x16xf32>
          %reshape3A_652 = vector.shape_cast %get3A_651 : vector<1x16xf32> to vector<16xf32>
          %add3A_653 = arith.addf %add3A_583, %reshape3A_652 : vector<16xf32>
          %get3A_654 = arith.constant 1 : i32
          %get3A_655 = arith.index_cast %get3A_654 : i32 to index
          %get3A_656 = arith.index_cast %add3A_629 : i32 to index
          %get3A_657 = arith.constant 48 : index
          %get3A_658 = tpu.vector_load %arg8[%get3A_655, %get3A_656, %get3A_657] {strides = array<i32>} : memref<2x256x128xf32, #tpu.memory_space<vmem>>, vector<1x1x16xf32>,
          %get3A_659 = vector.shape_cast %get3A_658 : vector<1x1x16xf32> to vector<1x16xf32>
          %reshape3A_660 = vector.shape_cast %get3A_659 : vector<1x16xf32> to vector<16xf32>
          %add3A_661 = arith.addf %add3A_591, %reshape3A_660 : vector<16xf32>
          %get3A_662 = arith.constant 1 : i32
          %get3A_663 = arith.index_cast %get3A_662 : i32 to index
          %get3A_664 = arith.index_cast %add3A_629 : i32 to index
          %get3A_665 = arith.constant 64 : index
          %get3A_666 = tpu.vector_load %arg8[%get3A_663, %get3A_664, %get3A_665] {strides = array<i32>} : memref<2x256x128xf32, #tpu.memory_space<vmem>>, vector<1x1x16xf32>,
          %get3A_667 = vector.shape_cast %get3A_666 : vector<1x1x16xf32> to vector<1x16xf32>
          %reshape3A_668 = vector.shape_cast %get3A_667 : vector<1x16xf32> to vector<16xf32>
          %add3A_669 = arith.addf %add3A_599, %reshape3A_668 : vector<16xf32>
          %get3A_670 = arith.constant 1 : i32
          %get3A_671 = arith.index_cast %get3A_670 : i32 to index
          %get3A_672 = arith.index_cast %add3A_629 : i32 to index
          %get3A_673 = arith.constant 80 : index
          %get3A_674 = tpu.vector_load %arg8[%get3A_671, %get3A_672, %get3A_673] {strides = array<i32>} : memref<2x256x128xf32, #tpu.memory_space<vmem>>, vector<1x1x16xf32>,
          %get3A_675 = vector.shape_cast %get3A_674 : vector<1x1x16xf32> to vector<1x16xf32>
          %reshape3A_676 = vector.shape_cast %get3A_675 : vector<1x16xf32> to vector<16xf32>
          %add3A_677 = arith.addf %add3A_607, %reshape3A_676 : vector<16xf32>
          %get3A_678 = arith.constant 1 : i32
          %get3A_679 = arith.index_cast %get3A_678 : i32 to index
          %get3A_680 = arith.index_cast %add3A_629 : i32 to index
          %get3A_681 = arith.constant 96 : index
          %get3A_682 = tpu.vector_load %arg8[%get3A_679, %get3A_680, %get3A_681] {strides = array<i32>} : memref<2x256x128xf32, #tpu.memory_space<vmem>>, vector<1x1x16xf32>,
          %get3A_683 = vector.shape_cast %get3A_682 : vector<1x1x16xf32> to vector<1x16xf32>
          %reshape3A_684 = vector.shape_cast %get3A_683 : vector<1x16xf32> to vector<16xf32>
          %add3A_685 = arith.addf %add3A_615, %reshape3A_684 : vector<16xf32>
          %get3A_686 = arith.constant 1 : i32
          %get3A_687 = arith.index_cast %get3A_686 : i32 to index
          %get3A_688 = arith.index_cast %add3A_629 : i32 to index
          %get3A_689 = arith.constant 112 : index
          %get3A_690 = tpu.vector_load %arg8[%get3A_687, %get3A_688, %get3A_689] {strides = array<i32>} : memref<2x256x128xf32, #tpu.memory_space<vmem>>, vector<1x1x16xf32>,
          %get3A_691 = vector.shape_cast %get3A_690 : vector<1x1x16xf32> to vector<1x16xf32>
          %reshape3A_692 = vector.shape_cast %get3A_691 : vector<1x16xf32> to vector<16xf32>
          %add3A_693 = arith.addf %add3A_623, %reshape3A_692 : vector<16xf32>
          %mul3A_694 = arith.constant 4 : i32
          %mul3A_695 = arith.muli %mul3A_694, %scan3A_475 : i32
          %add3A_696 = arith.constant 0 : i32
          %add3A_697 = arith.addi %add3A_696, %mul3A_695 : i32
          %add3A_698 = arith.constant 3 : i32
          %add3A_699 = arith.addi %add3A_697, %add3A_698 : i32
          %get3A_700 = arith.constant 1 : i32
          %get3A_701 = arith.index_cast %get3A_700 : i32 to index
          %get3A_702 = arith.index_cast %add3A_699 : i32 to index
          %get3A_703 = arith.constant 0 : index
          %get3A_704 = tpu.vector_load %arg8[%get3A_701, %get3A_702, %get3A_703] {strides = array<i32>} : memref<2x256x128xf32, #tpu.memory_space<vmem>>, vector<1x1x16xf32>,
          %get3A_705 = vector.shape_cast %get3A_704 : vector<1x1x16xf32> to vector<1x16xf32>
          %reshape3A_706 = vector.shape_cast %get3A_705 : vector<1x16xf32> to vector<16xf32>
          %add3A_707 = arith.addf %add3A_637, %reshape3A_706 : vector<16xf32>
          %get3A_708 = arith.constant 1 : i32
          %get3A_709 = arith.index_cast %get3A_708 : i32 to index
          %get3A_710 = arith.index_cast %add3A_699 : i32 to index
          %get3A_711 = arith.constant 16 : index
          %get3A_712 = tpu.vector_load %arg8[%get3A_709, %get3A_710, %get3A_711] {strides = array<i32>} : memref<2x256x128xf32, #tpu.memory_space<vmem>>, vector<1x1x16xf32>,
          %get3A_713 = vector.shape_cast %get3A_712 : vector<1x1x16xf32> to vector<1x16xf32>
          %reshape3A_714 = vector.shape_cast %get3A_713 : vector<1x16xf32> to vector<16xf32>
          %add3A_715 = arith.addf %add3A_645, %reshape3A_714 : vector<16xf32>
          %get3A_716 = arith.constant 1 : i32
          %get3A_717 = arith.index_cast %get3A_716 : i32 to index
          %get3A_718 = arith.index_cast %add3A_699 : i32 to index
          %get3A_719 = arith.constant 32 : index
          %get3A_720 = tpu.vector_load %arg8[%get3A_717, %get3A_718, %get3A_719] {strides = array<i32>} : memref<2x256x128xf32, #tpu.memory_space<vmem>>, vector<1x1x16xf32>,
          %get3A_721 = vector.shape_cast %get3A_720 : vector<1x1x16xf32> to vector<1x16xf32>
          %reshape3A_722 = vector.shape_cast %get3A_721 : vector<1x16xf32> to vector<16xf32>
          %add3A_723 = arith.addf %add3A_653, %reshape3A_722 : vector<16xf32>
          %get3A_724 = arith.constant 1 : i32
          %get3A_725 = arith.index_cast %get3A_724 : i32 to index
          %get3A_726 = arith.index_cast %add3A_699 : i32 to index
          %get3A_727 = arith.constant 48 : index
          %get3A_728 = tpu.vector_load %arg8[%get3A_725, %get3A_726, %get3A_727] {strides = array<i32>} : memref<2x256x128xf32, #tpu.memory_space<vmem>>, vector<1x1x16xf32>,
          %get3A_729 = vector.shape_cast %get3A_728 : vector<1x1x16xf32> to vector<1x16xf32>
          %reshape3A_730 = vector.shape_cast %get3A_729 : vector<1x16xf32> to vector<16xf32>
          %add3A_731 = arith.addf %add3A_661, %reshape3A_730 : vector<16xf32>
          %get3A_732 = arith.constant 1 : i32
          %get3A_733 = arith.index_cast %get3A_732 : i32 to index
          %get3A_734 = arith.index_cast %add3A_699 : i32 to index
          %get3A_735 = arith.constant 64 : index
          %get3A_736 = tpu.vector_load %arg8[%get3A_733, %get3A_734, %get3A_735] {strides = array<i32>} : memref<2x256x128xf32, #tpu.memory_space<vmem>>, vector<1x1x16xf32>,
          %get3A_737 = vector.shape_cast %get3A_736 : vector<1x1x16xf32> to vector<1x16xf32>
          %reshape3A_738 = vector.shape_cast %get3A_737 : vector<1x16xf32> to vector<16xf32>
          %add3A_739 = arith.addf %add3A_669, %reshape3A_738 : vector<16xf32>
          %get3A_740 = arith.constant 1 : i32
          %get3A_741 = arith.index_cast %get3A_740 : i32 to index
          %get3A_742 = arith.index_cast %add3A_699 : i32 to index
          %get3A_743 = arith.constant 80 : index
          %get3A_744 = tpu.vector_load %arg8[%get3A_741, %get3A_742, %get3A_743] {strides = array<i32>} : memref<2x256x128xf32, #tpu.memory_space<vmem>>, vector<1x1x16xf32>,
          %get3A_745 = vector.shape_cast %get3A_744 : vector<1x1x16xf32> to vector<1x16xf32>
          %reshape3A_746 = vector.shape_cast %get3A_745 : vector<1x16xf32> to vector<16xf32>
          %add3A_747 = arith.addf %add3A_677, %reshape3A_746 : vector<16xf32>
          %get3A_748 = arith.constant 1 : i32
          %get3A_749 = arith.index_cast %get3A_748 : i32 to index
          %get3A_750 = arith.index_cast %add3A_699 : i32 to index
          %get3A_751 = arith.constant 96 : index
          %get3A_752 = tpu.vector_load %arg8[%get3A_749, %get3A_750, %get3A_751] {strides = array<i32>} : memref<2x256x128xf32, #tpu.memory_space<vmem>>, vector<1x1x16xf32>,
          %get3A_753 = vector.shape_cast %get3A_752 : vector<1x1x16xf32> to vector<1x16xf32>
          %reshape3A_754 = vector.shape_cast %get3A_753 : vector<1x16xf32> to vector<16xf32>
          %add3A_755 = arith.addf %add3A_685, %reshape3A_754 : vector<16xf32>
          %get3A_756 = arith.constant 1 : i32
          %get3A_757 = arith.index_cast %get3A_756 : i32 to index
          %get3A_758 = arith.index_cast %add3A_699 : i32 to index
          %get3A_759 = arith.constant 112 : index
          %get3A_760 = tpu.vector_load %arg8[%get3A_757, %get3A_758, %get3A_759] {strides = array<i32>} : memref<2x256x128xf32, #tpu.memory_space<vmem>>, vector<1x1x16xf32>,
          %get3A_761 = vector.shape_cast %get3A_760 : vector<1x1x16xf32> to vector<1x16xf32>
          %reshape3A_762 = vector.shape_cast %get3A_761 : vector<1x16xf32> to vector<16xf32>
          %add3A_763 = arith.addf %add3A_693, %reshape3A_762 : vector<16xf32>
          scf.yield %add3A_707, %add3A_715, %add3A_723, %add3A_731, %add3A_739, %add3A_747, %add3A_755, %add3A_763 : vector<16xf32>, vector<16xf32>, vector<16xf32>, vector<16xf32>, vector<16xf32>, vector<16xf32>, vector<16xf32>, vector<16xf32>
        }
        %scan3A_415 = arith.constant 32 : i32
        %swap3A_416 = arith.constant 2 : i32
        %swap3A_417 = arith.index_cast %swap3A_416 : i32 to index
        %swap3A_418 = arith.constant 0 : index
        %swap3A_419 = tpu.vector_load %arg11[%swap3A_417, %swap3A_418] {strides = array<i32>} : memref<16x128xf32, #tpu.memory_space<vmem>>, vector<1x16xf32>,
        %swap3A_420 = vector.shape_cast %swap3A_419 : vector<1x16xf32> to vector<16xf32>
        %swap3A_421 = vector.shape_cast %scan3A_414#0 : vector<16xf32> to vector<1x16xf32>
        tpu.vector_store %arg11[%swap3A_417, %swap3A_418], %swap3A_421 {strides = array<i32>} : memref<16x128xf32, #tpu.memory_space<vmem>>, vector<1x16xf32>,
        %swap3A_422 = arith.constant 2 : i32
        %swap3A_423 = arith.index_cast %swap3A_422 : i32 to index
        %swap3A_424 = arith.constant 16 : index
        %swap3A_425 = tpu.vector_load %arg11[%swap3A_423, %swap3A_424] {strides = array<i32>} : memref<16x128xf32, #tpu.memory_space<vmem>>, vector<1x16xf32>,
        %swap3A_426 = vector.shape_cast %swap3A_425 : vector<1x16xf32> to vector<16xf32>
        %swap3A_427 = vector.shape_cast %scan3A_414#1 : vector<16xf32> to vector<1x16xf32>
        tpu.vector_store %arg11[%swap3A_423, %swap3A_424], %swap3A_427 {strides = array<i32>} : memref<16x128xf32, #tpu.memory_space<vmem>>, vector<1x16xf32>,
        %swap3A_428 = arith.constant 2 : i32
        %swap3A_429 = arith.index_cast %swap3A_428 : i32 to index
        %swap3A_430 = arith.constant 32 : index
        %swap3A_431 = tpu.vector_load %arg11[%swap3A_429, %swap3A_430] {strides = array<i32>} : memref<16x128xf32, #tpu.memory_space<vmem>>, vector<1x16xf32>,
        %swap3A_432 = vector.shape_cast %swap3A_431 : vector<1x16xf32> to vector<16xf32>
        %swap3A_433 = vector.shape_cast %scan3A_414#2 : vector<16xf32> to vector<1x16xf32>
        tpu.vector_store %arg11[%swap3A_429, %swap3A_430], %swap3A_433 {strides = array<i32>} : memref<16x128xf32, #tpu.memory_space<vmem>>, vector<1x16xf32>,
        %swap3A_434 = arith.constant 2 : i32
        %swap3A_435 = arith.index_cast %swap3A_434 : i32 to index
        %swap3A_436 = arith.constant 48 : index
        %swap3A_437 = tpu.vector_load %arg11[%swap3A_435, %swap3A_436] {strides = array<i32>} : memref<16x128xf32, #tpu.memory_space<vmem>>, vector<1x16xf32>,
        %swap3A_438 = vector.shape_cast %swap3A_437 : vector<1x16xf32> to vector<16xf32>
        %swap3A_439 = vector.shape_cast %scan3A_414#3 : vector<16xf32> to vector<1x16xf32>
        tpu.vector_store %arg11[%swap3A_435, %swap3A_436], %swap3A_439 {strides = array<i32>} : memref<16x128xf32, #tpu.memory_space<vmem>>, vector<1x16xf32>,
        %swap3A_440 = arith.constant 2 : i32
        %swap3A_441 = arith.index_cast %swap3A_440 : i32 to index
        %swap3A_442 = arith.constant 64 : index
        %swap3A_443 = tpu.vector_load %arg11[%swap3A_441, %swap3A_442] {strides = array<i32>} : memref<16x128xf32, #tpu.memory_space<vmem>>, vector<1x16xf32>,
        %swap3A_444 = vector.shape_cast %swap3A_443 : vector<1x16xf32> to vector<16xf32>
        %swap3A_445 = vector.shape_cast %scan3A_414#4 : vector<16xf32> to vector<1x16xf32>
        tpu.vector_store %arg11[%swap3A_441, %swap3A_442], %swap3A_445 {strides = array<i32>} : memref<16x128xf32, #tpu.memory_space<vmem>>, vector<1x16xf32>,
        %swap3A_446 = arith.constant 2 : i32
        %swap3A_447 = arith.index_cast %swap3A_446 : i32 to index
        %swap3A_448 = arith.constant 80 : index
        %swap3A_449 = tpu.vector_load %arg11[%swap3A_447, %swap3A_448] {strides = array<i32>} : memref<16x128xf32, #tpu.memory_space<vmem>>, vector<1x16xf32>,
        %swap3A_450 = vector.shape_cast %swap3A_449 : vector<1x16xf32> to vector<16xf32>
        %swap3A_451 = vector.shape_cast %scan3A_414#5 : vector<16xf32> to vector<1x16xf32>
        tpu.vector_store %arg11[%swap3A_447, %swap3A_448], %swap3A_451 {strides = array<i32>} : memref<16x128xf32, #tpu.memory_space<vmem>>, vector<1x16xf32>,
        %swap3A_452 = arith.constant 2 : i32
        %swap3A_453 = arith.index_cast %swap3A_452 : i32 to index
        %swap3A_454 = arith.constant 96 : index
        %swap3A_455 = tpu.vector_load %arg11[%swap3A_453, %swap3A_454] {strides = array<i32>} : memref<16x128xf32, #tpu.memory_space<vmem>>, vector<1x16xf32>,
        %swap3A_456 = vector.shape_cast %swap3A_455 : vector<1x16xf32> to vector<16xf32>
        %swap3A_457 = vector.shape_cast %scan3A_414#6 : vector<16xf32> to vector<1x16xf32>
        tpu.vector_store %arg11[%swap3A_453, %swap3A_454], %swap3A_457 {strides = array<i32>} : memref<16x128xf32, #tpu.memory_space<vmem>>, vector<1x16xf32>,
        %swap3A_458 = arith.constant 2 : i32
        %swap3A_459 = arith.index_cast %swap3A_458 : i32 to index
        %swap3A_460 = arith.constant 112 : index
        %swap3A_461 = tpu.vector_load %arg11[%swap3A_459, %swap3A_460] {strides = array<i32>} : memref<16x128xf32, #tpu.memory_space<vmem>>, vector<1x16xf32>,
        %swap3A_462 = vector.shape_cast %swap3A_461 : vector<1x16xf32> to vector<16xf32>
        %swap3A_463 = vector.shape_cast %scan3A_414#7 : vector<16xf32> to vector<1x16xf32>
        tpu.vector_store %arg11[%swap3A_459, %swap3A_460], %swap3A_463 {strides = array<i32>} : memref<16x128xf32, #tpu.memory_space<vmem>>, vector<1x16xf32>,
        %eq3A_464 = arith.constant 2 : i32
        %eq3A_465 = vector.broadcast %eq3A_464 : i32 to vector<16xi32>
        %eq3A_466 = arith.cmpi eq, %iota3A, %eq3A_465 : vector<16xi32>
        %get3A_467 = arith.constant 0 : index
        %get3A_468 = tpu.vector_load %arg12[%get3A_467] {strides = array<i32>} : memref<16xi32, #tpu.memory_space<vmem>>, vector<16xi32>,
        %get3A_469 = vector.shape_cast %get3A_468 : vector<16xi32> to vector<16xi32>
        %select_n3A_470 = arith.select %eq3A_466, %reshape3A_342, %get3A_469 : vector<16xi1>, vector<16xi32>
        %swap3A_471 = arith.constant 0 : index
        %swap3A_472 = tpu.vector_load %arg12[%swap3A_471] {strides = array<i32>} : memref<16xi32, #tpu.memory_space<vmem>>, vector<16xi32>,
        %swap3A_473 = vector.shape_cast %swap3A_472 : vector<16xi32> to vector<16xi32>
        %swap3A_474 = vector.shape_cast %select_n3A_470 : vector<16xi32> to vector<16xi32>
        tpu.vector_store %arg12[%swap3A_471], %swap3A_474 {strides = array<i32>} : memref<16xi32, #tpu.memory_space<vmem>>, vector<16xi32>,
      } else {
      }
      %not3A_356 = arith.constant true
      %not3A_357 = arith.xori %eq3A_352, %not3A_356 : i1
      %convert_element_type3A_358 = arith.extui %not3A_357 : i1 to i32
      %cond3A_359 = arith.constant 0 : i32
      %cond3A_360 = arith.cmpi ne, %convert_element_type3A_358, %cond3A_359 : i32
      scf.if %cond3A_360 {
        %run_scoped3A = arith.constant 1 : i32
        "tpu.region"() ({
          %run_scoped3A_395 = tpu.sem_alloc : memref<!tpu.dma_semaphore, #tpu.memory_space<semaphore_mem>>
          %dma_start3A_396 = arith.constant 0 : i32
          %dma_start3A_397 = arith.constant 0 : i32
          %dma_start3A_398 = tpu.memref_slice %arg8[%run_scoped3A, %dma_start3A_396, %dma_start3A_397] : memref<2x256x128xf32, #tpu.memory_space<vmem>> -> memref<1x128x128xf32, #tpu.memory_space<vmem>>
          %dma_start3A_399 = tpu.memref_squeeze %dma_start3A_398 : memref<1x128x128xf32, #tpu.memory_space<vmem>> -> memref<128x128xf32, #tpu.memory_space<vmem>>
          %dma_start3A_400 = arith.constant 0 : i32
          %dma_start3A_401 = tpu.memref_slice %arg9[%add3A_337, %dma_start3A_400] : memref<196x128xi32, #tpu.memory_space<vmem>> -> memref<1x128xi32, #tpu.memory_space<vmem>>
          %dma_start3A_402 = tpu.memref_squeeze %dma_start3A_401 : memref<1x128xi32, #tpu.memory_space<vmem>> -> memref<128xi32, #tpu.memory_space<vmem>>
          %dma_start3A_403 = arith.constant 0 : i32
          %dma_start3A_404 = arith.constant 0 : i32
          %dma_start3A_405 = tpu.memref_slice %arg14[%dma_start3A_403, %dma_start3A_404] : memref<1032x128xf32, #tpu.memory_space<vmem_shared>> -> memref<1032x128xf32, #tpu.memory_space<vmem_shared>>
          tpu.enqueue_indirect_dma source(%dma_start3A_399 : memref<128x128xf32, #tpu.memory_space<vmem>>) target(%dma_start3A_405 : memref<1032x128xf32, #tpu.memory_space<vmem_shared>>) offsets(%dma_start3A_402 : memref<128xi32, #tpu.memory_space<vmem>>) semaphore(%run_scoped3A_395 : memref<!tpu.dma_semaphore, #tpu.memory_space<semaphore_mem>>) {add = true}
          %dma_wait3A_406 = arith.constant 0 : i32
          %dma_wait3A_407 = arith.constant 0 : i32
          %dma_wait3A_408 = tpu.memref_slice %arg8[%run_scoped3A, %dma_wait3A_406, %dma_wait3A_407] : memref<2x256x128xf32, #tpu.memory_space<vmem>> -> memref<1x128x128xf32, #tpu.memory_space<vmem>>
          %dma_wait3A_409 = tpu.memref_squeeze %dma_wait3A_408 : memref<1x128x128xf32, #tpu.memory_space<vmem>> -> memref<128x128xf32, #tpu.memory_space<vmem>>
          %dma_wait3A_410 = arith.constant 0 : i32
          %dma_wait3A_411 = tpu.memref_slice %arg9[%add3A_337, %dma_wait3A_410] : memref<196x128xi32, #tpu.memory_space<vmem>> -> memref<1x128xi32, #tpu.memory_space<vmem>>
          %dma_wait3A_412 = tpu.memref_squeeze %dma_wait3A_411 : memref<1x128xi32, #tpu.memory_space<vmem>> -> memref<128xi32, #tpu.memory_space<vmem>>
          %dma_wait3A_413 = arith.constant 0 : i32
          %dma_wait3A_414 = arith.constant 0 : i32
          %dma_wait3A_415 = tpu.memref_slice %arg14[%dma_wait3A_413, %dma_wait3A_414] : memref<1032x128xf32, #tpu.memory_space<vmem_shared>> -> memref<1032x128xf32, #tpu.memory_space<vmem_shared>>
          tpu.wait_indirect_dma semaphore(%run_scoped3A_395 : memref<!tpu.dma_semaphore, #tpu.memory_space<semaphore_mem>>) src(%dma_wait3A_409 : memref<128x128xf32, #tpu.memory_space<vmem>>) dst(%dma_wait3A_415 : memref<1032x128xf32, #tpu.memory_space<vmem_shared>>)
          tpu.yield
        }) : () -> ()
      } else {
      }
      %mul3A_361 = arith.constant 2 : i32
      %mul3A_362 = arith.muli %add3A_332, %mul3A_361 : i32
      %add3A_363 = arith.addi %sub3A_96, %mul3A_362 : i32
      %add3A_364 = arith.constant 1 : i32
      %add3A_365 = arith.addi %add3A_363, %add3A_364 : i32
      %get3A_366 = arith.index_cast %add3A_365 : i32 to index
      %get3A_367 = arith.constant 0 : index
      %get3A_368 = tpu.vector_load %arg9[%get3A_366, %get3A_367] {strides = array<i32>} : memref<196x128xi32, #tpu.memory_space<vmem>>, vector<1x16xi32>,
      %get3A_369 = vector.shape_cast %get3A_368 : vector<1x16xi32> to vector<1x16xi32>
      %reshape3A_370 = vector.shape_cast %get3A_369 : vector<1x16xi32> to vector<16xi32>
      %get3A_371 = arith.index_cast %add3A_365 : i32 to index
      %get3A_372 = arith.constant 112 : index
      %get3A_373 = tpu.vector_load %arg9[%get3A_371, %get3A_372] {strides = array<i32>} : memref<196x128xi32, #tpu.memory_space<vmem>>, vector<1x16xi32>,
      %get3A_374 = vector.shape_cast %get3A_373 : vector<1x16xi32> to vector<1x16xi32>
      %reshape3A_375 = vector.shape_cast %get3A_374 : vector<1x16xi32> to vector<16xi32>
      %slice3A_376 = vector.extract_strided_slice %reshape3A_370 {offsets = [0], sizes = [1], strides = [1]} : vector<16xi32> to vector<1xi32>
      %squeeze3A_377 = vector.extract %slice3A_376[0] : i32 from vector<1xi32>
      %slice3A_378 = vector.extract_strided_slice %reshape3A_375 {offsets = [15], sizes = [1], strides = [1]} : vector<16xi32> to vector<1xi32>
      %squeeze3A_379 = vector.extract %slice3A_378[0] : i32 from vector<1xi32>
      %eq3A_380 = arith.cmpi eq, %squeeze3A_377, %squeeze3A_379 : i32
      %convert_element_type3A_381 = arith.extui %eq3A_380 : i1 to i32
      %cond3A_382 = arith.constant 0 : i32
      %cond3A_383 = arith.cmpi ne, %convert_element_type3A_381, %cond3A_382 : i32
      scf.if %cond3A_383 {
        %broadcast_in_dim3A_395 = arith.constant 0.000000e+00 : f32
        %broadcast_in_dim3A_396 = vector.broadcast %broadcast_in_dim3A_395 : f32 to vector<16xf32>
        %broadcast_in_dim3A_397 = arith.constant 0.000000e+00 : f32
        %broadcast_in_dim3A_398 = vector.broadcast %broadcast_in_dim3A_397 : f32 to vector<16xf32>
        %broadcast_in_dim3A_399 = arith.constant 0.000000e+00 : f32
        %broadcast_in_dim3A_400 = vector.broadcast %broadcast_in_dim3A_399 : f32 to vector<16xf32>
        %broadcast_in_dim3A_401 = arith.constant 0.000000e+00 : f32
        %broadcast_in_dim3A_402 = vector.broadcast %broadcast_in_dim3A_401 : f32 to vector<16xf32>
        %broadcast_in_dim3A_403 = arith.constant 0.000000e+00 : f32
        %broadcast_in_dim3A_404 = vector.broadcast %broadcast_in_dim3A_403 : f32 to vector<16xf32>
        %broadcast_in_dim3A_405 = arith.constant 0.000000e+00 : f32
        %broadcast_in_dim3A_406 = vector.broadcast %broadcast_in_dim3A_405 : f32 to vector<16xf32>
        %broadcast_in_dim3A_407 = arith.constant 0.000000e+00 : f32
        %broadcast_in_dim3A_408 = vector.broadcast %broadcast_in_dim3A_407 : f32 to vector<16xf32>
        %broadcast_in_dim3A_409 = arith.constant 0.000000e+00 : f32
        %broadcast_in_dim3A_410 = vector.broadcast %broadcast_in_dim3A_409 : f32 to vector<16xf32>
        %scan3A = arith.constant 0 : i32
        %scan3A_411 = arith.constant 32 : i32
        %scan3A_412 = arith.addi %scan3A, %scan3A_411 : i32
        %scan3A_413 = arith.constant 1 : i32
        %scan3A_414:8 = scf.for %scan3A_475 = %scan3A to %scan3A_412 step %scan3A_413 iter_args(%scan3A_476 = %broadcast_in_dim3A_396, %scan3A_477 = %broadcast_in_dim3A_398, %scan3A_478 = %broadcast_in_dim3A_400, %scan3A_479 = %broadcast_in_dim3A_402, %scan3A_480 = %broadcast_in_dim3A_404, %scan3A_481 = %broadcast_in_dim3A_406, %scan3A_482 = %broadcast_in_dim3A_408, %scan3A_483 = %broadcast_in_dim3A_410) -> (vector<16xf32>, vector<16xf32>, vector<16xf32>, vector<16xf32>, vector<16xf32>, vector<16xf32>, vector<16xf32>, vector<16xf32>)  : i32 {
          %mul3A_484 = arith.constant 4 : i32
          %mul3A_485 = arith.muli %mul3A_484, %scan3A_475 : i32
          %add3A_486 = arith.constant 128 : i32
          %add3A_487 = arith.addi %add3A_486, %mul3A_485 : i32
          %add3A_488 = arith.constant 0 : i32
          %add3A_489 = arith.addi %add3A_487, %add3A_488 : i32
          %get3A_490 = arith.constant 1 : i32
          %get3A_491 = arith.index_cast %get3A_490 : i32 to index
          %get3A_492 = arith.index_cast %add3A_489 : i32 to index
          %get3A_493 = arith.constant 0 : index
          %get3A_494 = tpu.vector_load %arg8[%get3A_491, %get3A_492, %get3A_493] {strides = array<i32>} : memref<2x256x128xf32, #tpu.memory_space<vmem>>, vector<1x1x16xf32>,
          %get3A_495 = vector.shape_cast %get3A_494 : vector<1x1x16xf32> to vector<1x16xf32>
          %reshape3A_496 = vector.shape_cast %get3A_495 : vector<1x16xf32> to vector<16xf32>
          %add3A_497 = arith.addf %scan3A_476, %reshape3A_496 : vector<16xf32>
          %get3A_498 = arith.constant 1 : i32
          %get3A_499 = arith.index_cast %get3A_498 : i32 to index
          %get3A_500 = arith.index_cast %add3A_489 : i32 to index
          %get3A_501 = arith.constant 16 : index
          %get3A_502 = tpu.vector_load %arg8[%get3A_499, %get3A_500, %get3A_501] {strides = array<i32>} : memref<2x256x128xf32, #tpu.memory_space<vmem>>, vector<1x1x16xf32>,
          %get3A_503 = vector.shape_cast %get3A_502 : vector<1x1x16xf32> to vector<1x16xf32>
          %reshape3A_504 = vector.shape_cast %get3A_503 : vector<1x16xf32> to vector<16xf32>
          %add3A_505 = arith.addf %scan3A_477, %reshape3A_504 : vector<16xf32>
          %get3A_506 = arith.constant 1 : i32
          %get3A_507 = arith.index_cast %get3A_506 : i32 to index
          %get3A_508 = arith.index_cast %add3A_489 : i32 to index
          %get3A_509 = arith.constant 32 : index
          %get3A_510 = tpu.vector_load %arg8[%get3A_507, %get3A_508, %get3A_509] {strides = array<i32>} : memref<2x256x128xf32, #tpu.memory_space<vmem>>, vector<1x1x16xf32>,
          %get3A_511 = vector.shape_cast %get3A_510 : vector<1x1x16xf32> to vector<1x16xf32>
          %reshape3A_512 = vector.shape_cast %get3A_511 : vector<1x16xf32> to vector<16xf32>
          %add3A_513 = arith.addf %scan3A_478, %reshape3A_512 : vector<16xf32>
          %get3A_514 = arith.constant 1 : i32
          %get3A_515 = arith.index_cast %get3A_514 : i32 to index
          %get3A_516 = arith.index_cast %add3A_489 : i32 to index
          %get3A_517 = arith.constant 48 : index
          %get3A_518 = tpu.vector_load %arg8[%get3A_515, %get3A_516, %get3A_517] {strides = array<i32>} : memref<2x256x128xf32, #tpu.memory_space<vmem>>, vector<1x1x16xf32>,
          %get3A_519 = vector.shape_cast %get3A_518 : vector<1x1x16xf32> to vector<1x16xf32>
          %reshape3A_520 = vector.shape_cast %get3A_519 : vector<1x16xf32> to vector<16xf32>
          %add3A_521 = arith.addf %scan3A_479, %reshape3A_520 : vector<16xf32>
          %get3A_522 = arith.constant 1 : i32
          %get3A_523 = arith.index_cast %get3A_522 : i32 to index
          %get3A_524 = arith.index_cast %add3A_489 : i32 to index
          %get3A_525 = arith.constant 64 : index
          %get3A_526 = tpu.vector_load %arg8[%get3A_523, %get3A_524, %get3A_525] {strides = array<i32>} : memref<2x256x128xf32, #tpu.memory_space<vmem>>, vector<1x1x16xf32>,
          %get3A_527 = vector.shape_cast %get3A_526 : vector<1x1x16xf32> to vector<1x16xf32>
          %reshape3A_528 = vector.shape_cast %get3A_527 : vector<1x16xf32> to vector<16xf32>
          %add3A_529 = arith.addf %scan3A_480, %reshape3A_528 : vector<16xf32>
          %get3A_530 = arith.constant 1 : i32
          %get3A_531 = arith.index_cast %get3A_530 : i32 to index
          %get3A_532 = arith.index_cast %add3A_489 : i32 to index
          %get3A_533 = arith.constant 80 : index
          %get3A_534 = tpu.vector_load %arg8[%get3A_531, %get3A_532, %get3A_533] {strides = array<i32>} : memref<2x256x128xf32, #tpu.memory_space<vmem>>, vector<1x1x16xf32>,
          %get3A_535 = vector.shape_cast %get3A_534 : vector<1x1x16xf32> to vector<1x16xf32>
          %reshape3A_536 = vector.shape_cast %get3A_535 : vector<1x16xf32> to vector<16xf32>
          %add3A_537 = arith.addf %scan3A_481, %reshape3A_536 : vector<16xf32>
          %get3A_538 = arith.constant 1 : i32
          %get3A_539 = arith.index_cast %get3A_538 : i32 to index
          %get3A_540 = arith.index_cast %add3A_489 : i32 to index
          %get3A_541 = arith.constant 96 : index
          %get3A_542 = tpu.vector_load %arg8[%get3A_539, %get3A_540, %get3A_541] {strides = array<i32>} : memref<2x256x128xf32, #tpu.memory_space<vmem>>, vector<1x1x16xf32>,
          %get3A_543 = vector.shape_cast %get3A_542 : vector<1x1x16xf32> to vector<1x16xf32>
          %reshape3A_544 = vector.shape_cast %get3A_543 : vector<1x16xf32> to vector<16xf32>
          %add3A_545 = arith.addf %scan3A_482, %reshape3A_544 : vector<16xf32>
          %get3A_546 = arith.constant 1 : i32
          %get3A_547 = arith.index_cast %get3A_546 : i32 to index
          %get3A_548 = arith.index_cast %add3A_489 : i32 to index
          %get3A_549 = arith.constant 112 : index
          %get3A_550 = tpu.vector_load %arg8[%get3A_547, %get3A_548, %get3A_549] {strides = array<i32>} : memref<2x256x128xf32, #tpu.memory_space<vmem>>, vector<1x1x16xf32>,
          %get3A_551 = vector.shape_cast %get3A_550 : vector<1x1x16xf32> to vector<1x16xf32>
          %reshape3A_552 = vector.shape_cast %get3A_551 : vector<1x16xf32> to vector<16xf32>
          %add3A_553 = arith.addf %scan3A_483, %reshape3A_552 : vector<16xf32>
          %mul3A_554 = arith.constant 4 : i32
          %mul3A_555 = arith.muli %mul3A_554, %scan3A_475 : i32
          %add3A_556 = arith.constant 128 : i32
          %add3A_557 = arith.addi %add3A_556, %mul3A_555 : i32
          %add3A_558 = arith.constant 1 : i32
          %add3A_559 = arith.addi %add3A_557, %add3A_558 : i32
          %get3A_560 = arith.constant 1 : i32
          %get3A_561 = arith.index_cast %get3A_560 : i32 to index
          %get3A_562 = arith.index_cast %add3A_559 : i32 to index
          %get3A_563 = arith.constant 0 : index
          %get3A_564 = tpu.vector_load %arg8[%get3A_561, %get3A_562, %get3A_563] {strides = array<i32>} : memref<2x256x128xf32, #tpu.memory_space<vmem>>, vector<1x1x16xf32>,
          %get3A_565 = vector.shape_cast %get3A_564 : vector<1x1x16xf32> to vector<1x16xf32>
          %reshape3A_566 = vector.shape_cast %get3A_565 : vector<1x16xf32> to vector<16xf32>
          %add3A_567 = arith.addf %add3A_497, %reshape3A_566 : vector<16xf32>
          %get3A_568 = arith.constant 1 : i32
          %get3A_569 = arith.index_cast %get3A_568 : i32 to index
          %get3A_570 = arith.index_cast %add3A_559 : i32 to index
          %get3A_571 = arith.constant 16 : index
          %get3A_572 = tpu.vector_load %arg8[%get3A_569, %get3A_570, %get3A_571] {strides = array<i32>} : memref<2x256x128xf32, #tpu.memory_space<vmem>>, vector<1x1x16xf32>,
          %get3A_573 = vector.shape_cast %get3A_572 : vector<1x1x16xf32> to vector<1x16xf32>
          %reshape3A_574 = vector.shape_cast %get3A_573 : vector<1x16xf32> to vector<16xf32>
          %add3A_575 = arith.addf %add3A_505, %reshape3A_574 : vector<16xf32>
          %get3A_576 = arith.constant 1 : i32
          %get3A_577 = arith.index_cast %get3A_576 : i32 to index
          %get3A_578 = arith.index_cast %add3A_559 : i32 to index
          %get3A_579 = arith.constant 32 : index
          %get3A_580 = tpu.vector_load %arg8[%get3A_577, %get3A_578, %get3A_579] {strides = array<i32>} : memref<2x256x128xf32, #tpu.memory_space<vmem>>, vector<1x1x16xf32>,
          %get3A_581 = vector.shape_cast %get3A_580 : vector<1x1x16xf32> to vector<1x16xf32>
          %reshape3A_582 = vector.shape_cast %get3A_581 : vector<1x16xf32> to vector<16xf32>
          %add3A_583 = arith.addf %add3A_513, %reshape3A_582 : vector<16xf32>
          %get3A_584 = arith.constant 1 : i32
          %get3A_585 = arith.index_cast %get3A_584 : i32 to index
          %get3A_586 = arith.index_cast %add3A_559 : i32 to index
          %get3A_587 = arith.constant 48 : index
          %get3A_588 = tpu.vector_load %arg8[%get3A_585, %get3A_586, %get3A_587] {strides = array<i32>} : memref<2x256x128xf32, #tpu.memory_space<vmem>>, vector<1x1x16xf32>,
          %get3A_589 = vector.shape_cast %get3A_588 : vector<1x1x16xf32> to vector<1x16xf32>
          %reshape3A_590 = vector.shape_cast %get3A_589 : vector<1x16xf32> to vector<16xf32>
          %add3A_591 = arith.addf %add3A_521, %reshape3A_590 : vector<16xf32>
          %get3A_592 = arith.constant 1 : i32
          %get3A_593 = arith.index_cast %get3A_592 : i32 to index
          %get3A_594 = arith.index_cast %add3A_559 : i32 to index
          %get3A_595 = arith.constant 64 : index
          %get3A_596 = tpu.vector_load %arg8[%get3A_593, %get3A_594, %get3A_595] {strides = array<i32>} : memref<2x256x128xf32, #tpu.memory_space<vmem>>, vector<1x1x16xf32>,
          %get3A_597 = vector.shape_cast %get3A_596 : vector<1x1x16xf32> to vector<1x16xf32>
          %reshape3A_598 = vector.shape_cast %get3A_597 : vector<1x16xf32> to vector<16xf32>
          %add3A_599 = arith.addf %add3A_529, %reshape3A_598 : vector<16xf32>
          %get3A_600 = arith.constant 1 : i32
          %get3A_601 = arith.index_cast %get3A_600 : i32 to index
          %get3A_602 = arith.index_cast %add3A_559 : i32 to index
          %get3A_603 = arith.constant 80 : index
          %get3A_604 = tpu.vector_load %arg8[%get3A_601, %get3A_602, %get3A_603] {strides = array<i32>} : memref<2x256x128xf32, #tpu.memory_space<vmem>>, vector<1x1x16xf32>,
          %get3A_605 = vector.shape_cast %get3A_604 : vector<1x1x16xf32> to vector<1x16xf32>
          %reshape3A_606 = vector.shape_cast %get3A_605 : vector<1x16xf32> to vector<16xf32>
          %add3A_607 = arith.addf %add3A_537, %reshape3A_606 : vector<16xf32>
          %get3A_608 = arith.constant 1 : i32
          %get3A_609 = arith.index_cast %get3A_608 : i32 to index
          %get3A_610 = arith.index_cast %add3A_559 : i32 to index
          %get3A_611 = arith.constant 96 : index
          %get3A_612 = tpu.vector_load %arg8[%get3A_609, %get3A_610, %get3A_611] {strides = array<i32>} : memref<2x256x128xf32, #tpu.memory_space<vmem>>, vector<1x1x16xf32>,
          %get3A_613 = vector.shape_cast %get3A_612 : vector<1x1x16xf32> to vector<1x16xf32>
          %reshape3A_614 = vector.shape_cast %get3A_613 : vector<1x16xf32> to vector<16xf32>
          %add3A_615 = arith.addf %add3A_545, %reshape3A_614 : vector<16xf32>
          %get3A_616 = arith.constant 1 : i32
          %get3A_617 = arith.index_cast %get3A_616 : i32 to index
          %get3A_618 = arith.index_cast %add3A_559 : i32 to index
          %get3A_619 = arith.constant 112 : index
          %get3A_620 = tpu.vector_load %arg8[%get3A_617, %get3A_618, %get3A_619] {strides = array<i32>} : memref<2x256x128xf32, #tpu.memory_space<vmem>>, vector<1x1x16xf32>,
          %get3A_621 = vector.shape_cast %get3A_620 : vector<1x1x16xf32> to vector<1x16xf32>
          %reshape3A_622 = vector.shape_cast %get3A_621 : vector<1x16xf32> to vector<16xf32>
          %add3A_623 = arith.addf %add3A_553, %reshape3A_622 : vector<16xf32>
          %mul3A_624 = arith.constant 4 : i32
          %mul3A_625 = arith.muli %mul3A_624, %scan3A_475 : i32
          %add3A_626 = arith.constant 128 : i32
          %add3A_627 = arith.addi %add3A_626, %mul3A_625 : i32
          %add3A_628 = arith.constant 2 : i32
          %add3A_629 = arith.addi %add3A_627, %add3A_628 : i32
          %get3A_630 = arith.constant 1 : i32
          %get3A_631 = arith.index_cast %get3A_630 : i32 to index
          %get3A_632 = arith.index_cast %add3A_629 : i32 to index
          %get3A_633 = arith.constant 0 : index
          %get3A_634 = tpu.vector_load %arg8[%get3A_631, %get3A_632, %get3A_633] {strides = array<i32>} : memref<2x256x128xf32, #tpu.memory_space<vmem>>, vector<1x1x16xf32>,
          %get3A_635 = vector.shape_cast %get3A_634 : vector<1x1x16xf32> to vector<1x16xf32>
          %reshape3A_636 = vector.shape_cast %get3A_635 : vector<1x16xf32> to vector<16xf32>
          %add3A_637 = arith.addf %add3A_567, %reshape3A_636 : vector<16xf32>
          %get3A_638 = arith.constant 1 : i32
          %get3A_639 = arith.index_cast %get3A_638 : i32 to index
          %get3A_640 = arith.index_cast %add3A_629 : i32 to index
          %get3A_641 = arith.constant 16 : index
          %get3A_642 = tpu.vector_load %arg8[%get3A_639, %get3A_640, %get3A_641] {strides = array<i32>} : memref<2x256x128xf32, #tpu.memory_space<vmem>>, vector<1x1x16xf32>,
          %get3A_643 = vector.shape_cast %get3A_642 : vector<1x1x16xf32> to vector<1x16xf32>
          %reshape3A_644 = vector.shape_cast %get3A_643 : vector<1x16xf32> to vector<16xf32>
          %add3A_645 = arith.addf %add3A_575, %reshape3A_644 : vector<16xf32>
          %get3A_646 = arith.constant 1 : i32
          %get3A_647 = arith.index_cast %get3A_646 : i32 to index
          %get3A_648 = arith.index_cast %add3A_629 : i32 to index
          %get3A_649 = arith.constant 32 : index
          %get3A_650 = tpu.vector_load %arg8[%get3A_647, %get3A_648, %get3A_649] {strides = array<i32>} : memref<2x256x128xf32, #tpu.memory_space<vmem>>, vector<1x1x16xf32>,
          %get3A_651 = vector.shape_cast %get3A_650 : vector<1x1x16xf32> to vector<1x16xf32>
          %reshape3A_652 = vector.shape_cast %get3A_651 : vector<1x16xf32> to vector<16xf32>
          %add3A_653 = arith.addf %add3A_583, %reshape3A_652 : vector<16xf32>
          %get3A_654 = arith.constant 1 : i32
          %get3A_655 = arith.index_cast %get3A_654 : i32 to index
          %get3A_656 = arith.index_cast %add3A_629 : i32 to index
          %get3A_657 = arith.constant 48 : index
          %get3A_658 = tpu.vector_load %arg8[%get3A_655, %get3A_656, %get3A_657] {strides = array<i32>} : memref<2x256x128xf32, #tpu.memory_space<vmem>>, vector<1x1x16xf32>,
          %get3A_659 = vector.shape_cast %get3A_658 : vector<1x1x16xf32> to vector<1x16xf32>
          %reshape3A_660 = vector.shape_cast %get3A_659 : vector<1x16xf32> to vector<16xf32>
          %add3A_661 = arith.addf %add3A_591, %reshape3A_660 : vector<16xf32>
          %get3A_662 = arith.constant 1 : i32
          %get3A_663 = arith.index_cast %get3A_662 : i32 to index
          %get3A_664 = arith.index_cast %add3A_629 : i32 to index
          %get3A_665 = arith.constant 64 : index
          %get3A_666 = tpu.vector_load %arg8[%get3A_663, %get3A_664, %get3A_665] {strides = array<i32>} : memref<2x256x128xf32, #tpu.memory_space<vmem>>, vector<1x1x16xf32>,
          %get3A_667 = vector.shape_cast %get3A_666 : vector<1x1x16xf32> to vector<1x16xf32>
          %reshape3A_668 = vector.shape_cast %get3A_667 : vector<1x16xf32> to vector<16xf32>
          %add3A_669 = arith.addf %add3A_599, %reshape3A_668 : vector<16xf32>
          %get3A_670 = arith.constant 1 : i32
          %get3A_671 = arith.index_cast %get3A_670 : i32 to index
          %get3A_672 = arith.index_cast %add3A_629 : i32 to index
          %get3A_673 = arith.constant 80 : index
          %get3A_674 = tpu.vector_load %arg8[%get3A_671, %get3A_672, %get3A_673] {strides = array<i32>} : memref<2x256x128xf32, #tpu.memory_space<vmem>>, vector<1x1x16xf32>,
          %get3A_675 = vector.shape_cast %get3A_674 : vector<1x1x16xf32> to vector<1x16xf32>
          %reshape3A_676 = vector.shape_cast %get3A_675 : vector<1x16xf32> to vector<16xf32>
          %add3A_677 = arith.addf %add3A_607, %reshape3A_676 : vector<16xf32>
          %get3A_678 = arith.constant 1 : i32
          %get3A_679 = arith.index_cast %get3A_678 : i32 to index
          %get3A_680 = arith.index_cast %add3A_629 : i32 to index
          %get3A_681 = arith.constant 96 : index
          %get3A_682 = tpu.vector_load %arg8[%get3A_679, %get3A_680, %get3A_681] {strides = array<i32>} : memref<2x256x128xf32, #tpu.memory_space<vmem>>, vector<1x1x16xf32>,
          %get3A_683 = vector.shape_cast %get3A_682 : vector<1x1x16xf32> to vector<1x16xf32>
          %reshape3A_684 = vector.shape_cast %get3A_683 : vector<1x16xf32> to vector<16xf32>
          %add3A_685 = arith.addf %add3A_615, %reshape3A_684 : vector<16xf32>
          %get3A_686 = arith.constant 1 : i32
          %get3A_687 = arith.index_cast %get3A_686 : i32 to index
          %get3A_688 = arith.index_cast %add3A_629 : i32 to index
          %get3A_689 = arith.constant 112 : index
          %get3A_690 = tpu.vector_load %arg8[%get3A_687, %get3A_688, %get3A_689] {strides = array<i32>} : memref<2x256x128xf32, #tpu.memory_space<vmem>>, vector<1x1x16xf32>,
          %get3A_691 = vector.shape_cast %get3A_690 : vector<1x1x16xf32> to vector<1x16xf32>
          %reshape3A_692 = vector.shape_cast %get3A_691 : vector<1x16xf32> to vector<16xf32>
          %add3A_693 = arith.addf %add3A_623, %reshape3A_692 : vector<16xf32>
          %mul3A_694 = arith.constant 4 : i32
          %mul3A_695 = arith.muli %mul3A_694, %scan3A_475 : i32
          %add3A_696 = arith.constant 128 : i32
          %add3A_697 = arith.addi %add3A_696, %mul3A_695 : i32
          %add3A_698 = arith.constant 3 : i32
          %add3A_699 = arith.addi %add3A_697, %add3A_698 : i32
          %get3A_700 = arith.constant 1 : i32
          %get3A_701 = arith.index_cast %get3A_700 : i32 to index
          %get3A_702 = arith.index_cast %add3A_699 : i32 to index
          %get3A_703 = arith.constant 0 : index
          %get3A_704 = tpu.vector_load %arg8[%get3A_701, %get3A_702, %get3A_703] {strides = array<i32>} : memref<2x256x128xf32, #tpu.memory_space<vmem>>, vector<1x1x16xf32>,
          %get3A_705 = vector.shape_cast %get3A_704 : vector<1x1x16xf32> to vector<1x16xf32>
          %reshape3A_706 = vector.shape_cast %get3A_705 : vector<1x16xf32> to vector<16xf32>
          %add3A_707 = arith.addf %add3A_637, %reshape3A_706 : vector<16xf32>
          %get3A_708 = arith.constant 1 : i32
          %get3A_709 = arith.index_cast %get3A_708 : i32 to index
          %get3A_710 = arith.index_cast %add3A_699 : i32 to index
          %get3A_711 = arith.constant 16 : index
          %get3A_712 = tpu.vector_load %arg8[%get3A_709, %get3A_710, %get3A_711] {strides = array<i32>} : memref<2x256x128xf32, #tpu.memory_space<vmem>>, vector<1x1x16xf32>,
          %get3A_713 = vector.shape_cast %get3A_712 : vector<1x1x16xf32> to vector<1x16xf32>
          %reshape3A_714 = vector.shape_cast %get3A_713 : vector<1x16xf32> to vector<16xf32>
          %add3A_715 = arith.addf %add3A_645, %reshape3A_714 : vector<16xf32>
          %get3A_716 = arith.constant 1 : i32
          %get3A_717 = arith.index_cast %get3A_716 : i32 to index
          %get3A_718 = arith.index_cast %add3A_699 : i32 to index
          %get3A_719 = arith.constant 32 : index
          %get3A_720 = tpu.vector_load %arg8[%get3A_717, %get3A_718, %get3A_719] {strides = array<i32>} : memref<2x256x128xf32, #tpu.memory_space<vmem>>, vector<1x1x16xf32>,
          %get3A_721 = vector.shape_cast %get3A_720 : vector<1x1x16xf32> to vector<1x16xf32>
          %reshape3A_722 = vector.shape_cast %get3A_721 : vector<1x16xf32> to vector<16xf32>
          %add3A_723 = arith.addf %add3A_653, %reshape3A_722 : vector<16xf32>
          %get3A_724 = arith.constant 1 : i32
          %get3A_725 = arith.index_cast %get3A_724 : i32 to index
          %get3A_726 = arith.index_cast %add3A_699 : i32 to index
          %get3A_727 = arith.constant 48 : index
          %get3A_728 = tpu.vector_load %arg8[%get3A_725, %get3A_726, %get3A_727] {strides = array<i32>} : memref<2x256x128xf32, #tpu.memory_space<vmem>>, vector<1x1x16xf32>,
          %get3A_729 = vector.shape_cast %get3A_728 : vector<1x1x16xf32> to vector<1x16xf32>
          %reshape3A_730 = vector.shape_cast %get3A_729 : vector<1x16xf32> to vector<16xf32>
          %add3A_731 = arith.addf %add3A_661, %reshape3A_730 : vector<16xf32>
          %get3A_732 = arith.constant 1 : i32
          %get3A_733 = arith.index_cast %get3A_732 : i32 to index
          %get3A_734 = arith.index_cast %add3A_699 : i32 to index
          %get3A_735 = arith.constant 64 : index
          %get3A_736 = tpu.vector_load %arg8[%get3A_733, %get3A_734, %get3A_735] {strides = array<i32>} : memref<2x256x128xf32, #tpu.memory_space<vmem>>, vector<1x1x16xf32>,
          %get3A_737 = vector.shape_cast %get3A_736 : vector<1x1x16xf32> to vector<1x16xf32>
          %reshape3A_738 = vector.shape_cast %get3A_737 : vector<1x16xf32> to vector<16xf32>
          %add3A_739 = arith.addf %add3A_669, %reshape3A_738 : vector<16xf32>
          %get3A_740 = arith.constant 1 : i32
          %get3A_741 = arith.index_cast %get3A_740 : i32 to index
          %get3A_742 = arith.index_cast %add3A_699 : i32 to index
          %get3A_743 = arith.constant 80 : index
          %get3A_744 = tpu.vector_load %arg8[%get3A_741, %get3A_742, %get3A_743] {strides = array<i32>} : memref<2x256x128xf32, #tpu.memory_space<vmem>>, vector<1x1x16xf32>,
          %get3A_745 = vector.shape_cast %get3A_744 : vector<1x1x16xf32> to vector<1x16xf32>
          %reshape3A_746 = vector.shape_cast %get3A_745 : vector<1x16xf32> to vector<16xf32>
          %add3A_747 = arith.addf %add3A_677, %reshape3A_746 : vector<16xf32>
          %get3A_748 = arith.constant 1 : i32
          %get3A_749 = arith.index_cast %get3A_748 : i32 to index
          %get3A_750 = arith.index_cast %add3A_699 : i32 to index
          %get3A_751 = arith.constant 96 : index
          %get3A_752 = tpu.vector_load %arg8[%get3A_749, %get3A_750, %get3A_751] {strides = array<i32>} : memref<2x256x128xf32, #tpu.memory_space<vmem>>, vector<1x1x16xf32>,
          %get3A_753 = vector.shape_cast %get3A_752 : vector<1x1x16xf32> to vector<1x16xf32>
          %reshape3A_754 = vector.shape_cast %get3A_753 : vector<1x16xf32> to vector<16xf32>
          %add3A_755 = arith.addf %add3A_685, %reshape3A_754 : vector<16xf32>
          %get3A_756 = arith.constant 1 : i32
          %get3A_757 = arith.index_cast %get3A_756 : i32 to index
          %get3A_758 = arith.index_cast %add3A_699 : i32 to index
          %get3A_759 = arith.constant 112 : index
          %get3A_760 = tpu.vector_load %arg8[%get3A_757, %get3A_758, %get3A_759] {strides = array<i32>} : memref<2x256x128xf32, #tpu.memory_space<vmem>>, vector<1x1x16xf32>,
          %get3A_761 = vector.shape_cast %get3A_760 : vector<1x1x16xf32> to vector<1x16xf32>
          %reshape3A_762 = vector.shape_cast %get3A_761 : vector<1x16xf32> to vector<16xf32>
          %add3A_763 = arith.addf %add3A_693, %reshape3A_762 : vector<16xf32>
          scf.yield %add3A_707, %add3A_715, %add3A_723, %add3A_731, %add3A_739, %add3A_747, %add3A_755, %add3A_763 : vector<16xf32>, vector<16xf32>, vector<16xf32>, vector<16xf32>, vector<16xf32>, vector<16xf32>, vector<16xf32>, vector<16xf32>
        }
        %scan3A_415 = arith.constant 32 : i32
        %swap3A_416 = arith.constant 3 : i32
        %swap3A_417 = arith.index_cast %swap3A_416 : i32 to index
        %swap3A_418 = arith.constant 0 : index
        %swap3A_419 = tpu.vector_load %arg11[%swap3A_417, %swap3A_418] {strides = array<i32>} : memref<16x128xf32, #tpu.memory_space<vmem>>, vector<1x16xf32>,
        %swap3A_420 = vector.shape_cast %swap3A_419 : vector<1x16xf32> to vector<16xf32>
        %swap3A_421 = vector.shape_cast %scan3A_414#0 : vector<16xf32> to vector<1x16xf32>
        tpu.vector_store %arg11[%swap3A_417, %swap3A_418], %swap3A_421 {strides = array<i32>} : memref<16x128xf32, #tpu.memory_space<vmem>>, vector<1x16xf32>,
        %swap3A_422 = arith.constant 3 : i32
        %swap3A_423 = arith.index_cast %swap3A_422 : i32 to index
        %swap3A_424 = arith.constant 16 : index
        %swap3A_425 = tpu.vector_load %arg11[%swap3A_423, %swap3A_424] {strides = array<i32>} : memref<16x128xf32, #tpu.memory_space<vmem>>, vector<1x16xf32>,
        %swap3A_426 = vector.shape_cast %swap3A_425 : vector<1x16xf32> to vector<16xf32>
        %swap3A_427 = vector.shape_cast %scan3A_414#1 : vector<16xf32> to vector<1x16xf32>
        tpu.vector_store %arg11[%swap3A_423, %swap3A_424], %swap3A_427 {strides = array<i32>} : memref<16x128xf32, #tpu.memory_space<vmem>>, vector<1x16xf32>,
        %swap3A_428 = arith.constant 3 : i32
        %swap3A_429 = arith.index_cast %swap3A_428 : i32 to index
        %swap3A_430 = arith.constant 32 : index
        %swap3A_431 = tpu.vector_load %arg11[%swap3A_429, %swap3A_430] {strides = array<i32>} : memref<16x128xf32, #tpu.memory_space<vmem>>, vector<1x16xf32>,
        %swap3A_432 = vector.shape_cast %swap3A_431 : vector<1x16xf32> to vector<16xf32>
        %swap3A_433 = vector.shape_cast %scan3A_414#2 : vector<16xf32> to vector<1x16xf32>
        tpu.vector_store %arg11[%swap3A_429, %swap3A_430], %swap3A_433 {strides = array<i32>} : memref<16x128xf32, #tpu.memory_space<vmem>>, vector<1x16xf32>,
        %swap3A_434 = arith.constant 3 : i32
        %swap3A_435 = arith.index_cast %swap3A_434 : i32 to index
        %swap3A_436 = arith.constant 48 : index
        %swap3A_437 = tpu.vector_load %arg11[%swap3A_435, %swap3A_436] {strides = array<i32>} : memref<16x128xf32, #tpu.memory_space<vmem>>, vector<1x16xf32>,
        %swap3A_438 = vector.shape_cast %swap3A_437 : vector<1x16xf32> to vector<16xf32>
        %swap3A_439 = vector.shape_cast %scan3A_414#3 : vector<16xf32> to vector<1x16xf32>
        tpu.vector_store %arg11[%swap3A_435, %swap3A_436], %swap3A_439 {strides = array<i32>} : memref<16x128xf32, #tpu.memory_space<vmem>>, vector<1x16xf32>,
        %swap3A_440 = arith.constant 3 : i32
        %swap3A_441 = arith.index_cast %swap3A_440 : i32 to index
        %swap3A_442 = arith.constant 64 : index
        %swap3A_443 = tpu.vector_load %arg11[%swap3A_441, %swap3A_442] {strides = array<i32>} : memref<16x128xf32, #tpu.memory_space<vmem>>, vector<1x16xf32>,
        %swap3A_444 = vector.shape_cast %swap3A_443 : vector<1x16xf32> to vector<16xf32>
        %swap3A_445 = vector.shape_cast %scan3A_414#4 : vector<16xf32> to vector<1x16xf32>
        tpu.vector_store %arg11[%swap3A_441, %swap3A_442], %swap3A_445 {strides = array<i32>} : memref<16x128xf32, #tpu.memory_space<vmem>>, vector<1x16xf32>,
        %swap3A_446 = arith.constant 3 : i32
        %swap3A_447 = arith.index_cast %swap3A_446 : i32 to index
        %swap3A_448 = arith.constant 80 : index
        %swap3A_449 = tpu.vector_load %arg11[%swap3A_447, %swap3A_448] {strides = array<i32>} : memref<16x128xf32, #tpu.memory_space<vmem>>, vector<1x16xf32>,
        %swap3A_450 = vector.shape_cast %swap3A_449 : vector<1x16xf32> to vector<16xf32>
        %swap3A_451 = vector.shape_cast %scan3A_414#5 : vector<16xf32> to vector<1x16xf32>
        tpu.vector_store %arg11[%swap3A_447, %swap3A_448], %swap3A_451 {strides = array<i32>} : memref<16x128xf32, #tpu.memory_space<vmem>>, vector<1x16xf32>,
        %swap3A_452 = arith.constant 3 : i32
        %swap3A_453 = arith.index_cast %swap3A_452 : i32 to index
        %swap3A_454 = arith.constant 96 : index
        %swap3A_455 = tpu.vector_load %arg11[%swap3A_453, %swap3A_454] {strides = array<i32>} : memref<16x128xf32, #tpu.memory_space<vmem>>, vector<1x16xf32>,
        %swap3A_456 = vector.shape_cast %swap3A_455 : vector<1x16xf32> to vector<16xf32>
        %swap3A_457 = vector.shape_cast %scan3A_414#6 : vector<16xf32> to vector<1x16xf32>
        tpu.vector_store %arg11[%swap3A_453, %swap3A_454], %swap3A_457 {strides = array<i32>} : memref<16x128xf32, #tpu.memory_space<vmem>>, vector<1x16xf32>,
        %swap3A_458 = arith.constant 3 : i32
        %swap3A_459 = arith.index_cast %swap3A_458 : i32 to index
        %swap3A_460 = arith.constant 112 : index
        %swap3A_461 = tpu.vector_load %arg11[%swap3A_459, %swap3A_460] {strides = array<i32>} : memref<16x128xf32, #tpu.memory_space<vmem>>, vector<1x16xf32>,
        %swap3A_462 = vector.shape_cast %swap3A_461 : vector<1x16xf32> to vector<16xf32>
        %swap3A_463 = vector.shape_cast %scan3A_414#7 : vector<16xf32> to vector<1x16xf32>
        tpu.vector_store %arg11[%swap3A_459, %swap3A_460], %swap3A_463 {strides = array<i32>} : memref<16x128xf32, #tpu.memory_space<vmem>>, vector<1x16xf32>,
        %eq3A_464 = arith.constant 3 : i32
        %eq3A_465 = vector.broadcast %eq3A_464 : i32 to vector<16xi32>
        %eq3A_466 = arith.cmpi eq, %iota3A, %eq3A_465 : vector<16xi32>
        %get3A_467 = arith.constant 0 : index
        %get3A_468 = tpu.vector_load %arg12[%get3A_467] {strides = array<i32>} : memref<16xi32, #tpu.memory_space<vmem>>, vector<16xi32>,
        %get3A_469 = vector.shape_cast %get3A_468 : vector<16xi32> to vector<16xi32>
        %select_n3A_470 = arith.select %eq3A_466, %reshape3A_370, %get3A_469 : vector<16xi1>, vector<16xi32>
        %swap3A_471 = arith.constant 0 : index
        %swap3A_472 = tpu.vector_load %arg12[%swap3A_471] {strides = array<i32>} : memref<16xi32, #tpu.memory_space<vmem>>, vector<16xi32>,
        %swap3A_473 = vector.shape_cast %swap3A_472 : vector<16xi32> to vector<16xi32>
        %swap3A_474 = vector.shape_cast %select_n3A_470 : vector<16xi32> to vector<16xi32>
        tpu.vector_store %arg12[%swap3A_471], %swap3A_474 {strides = array<i32>} : memref<16xi32, #tpu.memory_space<vmem>>, vector<16xi32>,
      } else {
      }
      %not3A_384 = arith.constant true
      %not3A_385 = arith.xori %eq3A_380, %not3A_384 : i1
      %convert_element_type3A_386 = arith.extui %not3A_385 : i1 to i32
      %cond3A_387 = arith.constant 0 : i32
      %cond3A_388 = arith.cmpi ne, %convert_element_type3A_386, %cond3A_387 : i32
      scf.if %cond3A_388 {
        %run_scoped3A = arith.constant 1 : i32
        "tpu.region"() ({
          %run_scoped3A_395 = tpu.sem_alloc : memref<!tpu.dma_semaphore, #tpu.memory_space<semaphore_mem>>
          %dma_start3A_396 = arith.constant 128 : i32
          %dma_start3A_397 = arith.constant 0 : i32
          %dma_start3A_398 = tpu.memref_slice %arg8[%run_scoped3A, %dma_start3A_396, %dma_start3A_397] : memref<2x256x128xf32, #tpu.memory_space<vmem>> -> memref<1x128x128xf32, #tpu.memory_space<vmem>>
          %dma_start3A_399 = tpu.memref_squeeze %dma_start3A_398 : memref<1x128x128xf32, #tpu.memory_space<vmem>> -> memref<128x128xf32, #tpu.memory_space<vmem>>
          %dma_start3A_400 = arith.constant 0 : i32
          %dma_start3A_401 = tpu.memref_slice %arg9[%add3A_365, %dma_start3A_400] : memref<196x128xi32, #tpu.memory_space<vmem>> -> memref<1x128xi32, #tpu.memory_space<vmem>>
          %dma_start3A_402 = tpu.memref_squeeze %dma_start3A_401 : memref<1x128xi32, #tpu.memory_space<vmem>> -> memref<128xi32, #tpu.memory_space<vmem>>
          %dma_start3A_403 = arith.constant 0 : i32
          %dma_start3A_404 = arith.constant 0 : i32
          %dma_start3A_405 = tpu.memref_slice %arg14[%dma_start3A_403, %dma_start3A_404] : memref<1032x128xf32, #tpu.memory_space<vmem_shared>> -> memref<1032x128xf32, #tpu.memory_space<vmem_shared>>
          tpu.enqueue_indirect_dma source(%dma_start3A_399 : memref<128x128xf32, #tpu.memory_space<vmem>>) target(%dma_start3A_405 : memref<1032x128xf32, #tpu.memory_space<vmem_shared>>) offsets(%dma_start3A_402 : memref<128xi32, #tpu.memory_space<vmem>>) semaphore(%run_scoped3A_395 : memref<!tpu.dma_semaphore, #tpu.memory_space<semaphore_mem>>) {add = true}
          %dma_wait3A_406 = arith.constant 128 : i32
          %dma_wait3A_407 = arith.constant 0 : i32
          %dma_wait3A_408 = tpu.memref_slice %arg8[%run_scoped3A, %dma_wait3A_406, %dma_wait3A_407] : memref<2x256x128xf32, #tpu.memory_space<vmem>> -> memref<1x128x128xf32, #tpu.memory_space<vmem>>
          %dma_wait3A_409 = tpu.memref_squeeze %dma_wait3A_408 : memref<1x128x128xf32, #tpu.memory_space<vmem>> -> memref<128x128xf32, #tpu.memory_space<vmem>>
          %dma_wait3A_410 = arith.constant 0 : i32
          %dma_wait3A_411 = tpu.memref_slice %arg9[%add3A_365, %dma_wait3A_410] : memref<196x128xi32, #tpu.memory_space<vmem>> -> memref<1x128xi32, #tpu.memory_space<vmem>>
          %dma_wait3A_412 = tpu.memref_squeeze %dma_wait3A_411 : memref<1x128xi32, #tpu.memory_space<vmem>> -> memref<128xi32, #tpu.memory_space<vmem>>
          %dma_wait3A_413 = arith.constant 0 : i32
          %dma_wait3A_414 = arith.constant 0 : i32
          %dma_wait3A_415 = tpu.memref_slice %arg14[%dma_wait3A_413, %dma_wait3A_414] : memref<1032x128xf32, #tpu.memory_space<vmem_shared>> -> memref<1032x128xf32, #tpu.memory_space<vmem_shared>>
          tpu.wait_indirect_dma semaphore(%run_scoped3A_395 : memref<!tpu.dma_semaphore, #tpu.memory_space<semaphore_mem>>) src(%dma_wait3A_409 : memref<128x128xf32, #tpu.memory_space<vmem>>) dst(%dma_wait3A_415 : memref<1032x128xf32, #tpu.memory_space<vmem_shared>>)
          tpu.yield
        }) : () -> ()
      } else {
      }
      %add3A_389 = arith.constant 3 : i32
      %add3A_390 = arith.addi %mul3A_228, %add3A_389 : i32
      %lt3A_391 = arith.cmpi slt, %add3A_390, %select_n3A_135 : i32
      %convert_element_type3A_392 = arith.extui %lt3A_391 : i1 to i32
      %cond3A_393 = arith.constant 0 : i32
      %cond3A_394 = arith.cmpi ne, %convert_element_type3A_392, %cond3A_393 : i32
      scf.if %cond3A_394 {
        %add3A_395 = arith.constant 3 : i32
        %add3A_396 = arith.addi %mul3A_228, %add3A_395 : i32
        %mul3A_397 = arith.constant 256 : i32
        %mul3A_398 = arith.muli %add3A_396, %mul3A_397 : i32
        %add3A_399 = arith.addi %mul3A_34, %mul3A_398 : i32
        %min3A_400 = arith.constant 319744 : i32
        %min3A_401 = arith.minsi %add3A_399, %min3A_400 : i32
        %dma_start3A_402 = arith.constant 1 : i32
        %dma_start3A_403 = arith.constant 0 : i32
        %dma_start3A_404 = arith.constant 0 : i32
        %dma_start3A_405 = tpu.memref_slice %arg8[%dma_start3A_402, %dma_start3A_403, %dma_start3A_404] : memref<2x256x128xf32, #tpu.memory_space<vmem>> -> memref<1x256x128xf32, #tpu.memory_space<vmem>>
        %dma_start3A_406 = tpu.memref_squeeze %dma_start3A_405 : memref<1x256x128xf32, #tpu.memory_space<vmem>> -> memref<256x128xf32, #tpu.memory_space<vmem>>
        %dma_start3A_407 = arith.constant 0 : i32
        %dma_start3A_408 = tpu.memref_slice %arg2[%min3A_401, %dma_start3A_407] : memref<320000x128xf32, #tpu.memory_space<hbm>> -> memref<256x128xf32, #tpu.memory_space<hbm>>
        %dma_start3A_409 = arith.constant 0 : i32
        %dma_start3A_410 = arith.constant 0 : i32
        %dma_start3A_411 = tpu.memref_slice %arg8[%dma_start3A_402, %dma_start3A_409, %dma_start3A_410] : memref<2x256x128xf32, #tpu.memory_space<vmem>> -> memref<1x256x128xf32, #tpu.memory_space<vmem>>
        %dma_start3A_412 = tpu.memref_squeeze %dma_start3A_411 : memref<1x256x128xf32, #tpu.memory_space<vmem>> -> memref<256x128xf32, #tpu.memory_space<vmem>>
        %dma_start3A_413 = arith.constant 0 : i32
        %dma_start3A_414 = tpu.memref_slice %arg2[%min3A_401, %dma_start3A_413] : memref<320000x128xf32, #tpu.memory_space<hbm>> -> memref<256x128xf32, #tpu.memory_space<hbm>>
        tpu.enqueue_dma source(%dma_start3A_414 : memref<256x128xf32, #tpu.memory_space<hbm>>) target(%dma_start3A_412 : memref<256x128xf32, #tpu.memory_space<vmem>>) target_semaphore(%arg16 : memref<!tpu.dma_semaphore, #tpu.memory_space<semaphore_mem>>)
      } else {
      }
      "tpu.region"() ({
        %run_scoped3A = tpu.sem_alloc : memref<!tpu.dma_semaphore, #tpu.memory_space<semaphore_mem>>
        %dma_start3A_395 = arith.constant 0 : i32
        %dma_start3A_396 = arith.constant 0 : i32
        %dma_start3A_397 = tpu.memref_slice %arg14[%dma_start3A_395, %dma_start3A_396] : memref<1032x128xf32, #tpu.memory_space<vmem_shared>> -> memref<1032x128xf32, #tpu.memory_space<vmem_shared>>
        tpu.enqueue_indirect_dma source(%arg11 : memref<16x128xf32, #tpu.memory_space<vmem>>) target(%dma_start3A_397 : memref<1032x128xf32, #tpu.memory_space<vmem_shared>>) offsets(%arg12 : memref<16xi32, #tpu.memory_space<vmem>>) semaphore(%run_scoped3A : memref<!tpu.dma_semaphore, #tpu.memory_space<semaphore_mem>>) {add = true}
        %dma_wait3A_398 = arith.constant 0 : i32
        %dma_wait3A_399 = arith.constant 0 : i32
        %dma_wait3A_400 = tpu.memref_slice %arg14[%dma_wait3A_398, %dma_wait3A_399] : memref<1032x128xf32, #tpu.memory_space<vmem_shared>> -> memref<1032x128xf32, #tpu.memory_space<vmem_shared>>
        tpu.wait_indirect_dma semaphore(%run_scoped3A : memref<!tpu.dma_semaphore, #tpu.memory_space<semaphore_mem>>) src(%arg11 : memref<16x128xf32, #tpu.memory_space<vmem>>) dst(%dma_wait3A_400 : memref<1032x128xf32, #tpu.memory_space<vmem_shared>>)
        tpu.yield
      }) : () -> ()
    }
    %while3A_168 = arith.constant 1 : i32
    scf.for %while3A_226 = %while3A_166 to %while3A_162 step %while3A_168  : i32 {
      %mul3A_227 = arith.constant 2 : i32
      %mul3A_228 = arith.muli %mul3A_227, %while3A_226 : i32
      %broadcast_in_dim3A = arith.constant 1024 : i32
      %broadcast_in_dim3A_229 = vector.broadcast %broadcast_in_dim3A : i32 to vector<16xi32>
      %swap3A = arith.constant 0 : index
      %swap3A_230 = tpu.vector_load %arg12[%swap3A] {strides = array<i32>} : memref<16xi32, #tpu.memory_space<vmem>>, vector<16xi32>,
      %swap3A_231 = vector.shape_cast %swap3A_230 : vector<16xi32> to vector<16xi32>
      %swap3A_232 = vector.shape_cast %broadcast_in_dim3A_229 : vector<16xi32> to vector<16xi32>
      tpu.vector_store %arg12[%swap3A], %swap3A_232 {strides = array<i32>} : memref<16xi32, #tpu.memory_space<vmem>>, vector<16xi32>,
      %mul3A_233 = arith.constant 256 : i32
      %mul3A_234 = arith.muli %mul3A_228, %mul3A_233 : i32
      %add3A_235 = arith.addi %mul3A_34, %mul3A_234 : i32
      %min3A_236 = arith.constant 319744 : i32
      %min3A_237 = arith.minsi %add3A_235, %min3A_236 : i32
      %dma_wait3A = arith.constant 0 : i32
      %dma_wait3A_238 = arith.constant 0 : i32
      %dma_wait3A_239 = arith.constant 0 : i32
      %dma_wait3A_240 = tpu.memref_slice %arg8[%dma_wait3A, %dma_wait3A_238, %dma_wait3A_239] : memref<2x256x128xf32, #tpu.memory_space<vmem>> -> memref<1x256x128xf32, #tpu.memory_space<vmem>>
      %dma_wait3A_241 = tpu.memref_squeeze %dma_wait3A_240 : memref<1x256x128xf32, #tpu.memory_space<vmem>> -> memref<256x128xf32, #tpu.memory_space<vmem>>
      %dma_wait3A_242 = arith.constant 0 : i32
      %dma_wait3A_243 = tpu.memref_slice %arg2[%min3A_237, %dma_wait3A_242] : memref<320000x128xf32, #tpu.memory_space<hbm>> -> memref<256x128xf32, #tpu.memory_space<hbm>>
      %dma_wait3A_244 = arith.constant 0 : i32
      %dma_wait3A_245 = arith.constant 0 : i32
      %dma_wait3A_246 = tpu.memref_slice %arg8[%dma_wait3A, %dma_wait3A_244, %dma_wait3A_245] : memref<2x256x128xf32, #tpu.memory_space<vmem>> -> memref<1x256x128xf32, #tpu.memory_space<vmem>>
      %dma_wait3A_247 = tpu.memref_squeeze %dma_wait3A_246 : memref<1x256x128xf32, #tpu.memory_space<vmem>> -> memref<256x128xf32, #tpu.memory_space<vmem>>
      %dma_wait3A_248 = arith.constant 0 : i32
      %dma_wait3A_249 = tpu.memref_slice %arg2[%min3A_237, %dma_wait3A_248] : memref<320000x128xf32, #tpu.memory_space<hbm>> -> memref<256x128xf32, #tpu.memory_space<hbm>>
      tpu.wait_dma2 semaphore(%arg15 : memref<!tpu.dma_semaphore, #tpu.memory_space<semaphore_mem>>) src(%dma_wait3A_249 : memref<256x128xf32, #tpu.memory_space<hbm>>) dst(%dma_wait3A_247 : memref<256x128xf32, #tpu.memory_space<vmem>>)
      %mul3A_250 = arith.constant 2 : i32
      %mul3A_251 = arith.muli %mul3A_228, %mul3A_250 : i32
      %add3A_252 = arith.addi %sub3A_96, %mul3A_251 : i32
      %add3A_253 = arith.constant 0 : i32
      %add3A_254 = arith.addi %add3A_252, %add3A_253 : i32
      %get3A_255 = arith.index_cast %add3A_254 : i32 to index
      %get3A_256 = arith.constant 0 : index
      %get3A_257 = tpu.vector_load %arg9[%get3A_255, %get3A_256] {strides = array<i32>} : memref<196x128xi32, #tpu.memory_space<vmem>>, vector<1x16xi32>,
      %get3A_258 = vector.shape_cast %get3A_257 : vector<1x16xi32> to vector<1x16xi32>
      %reshape3A = vector.shape_cast %get3A_258 : vector<1x16xi32> to vector<16xi32>
      %get3A_259 = arith.index_cast %add3A_254 : i32 to index
      %get3A_260 = arith.constant 112 : index
      %get3A_261 = tpu.vector_load %arg9[%get3A_259, %get3A_260] {strides = array<i32>} : memref<196x128xi32, #tpu.memory_space<vmem>>, vector<1x16xi32>,
      %get3A_262 = vector.shape_cast %get3A_261 : vector<1x16xi32> to vector<1x16xi32>
      %reshape3A_263 = vector.shape_cast %get3A_262 : vector<1x16xi32> to vector<16xi32>
      %slice3A_264 = vector.extract_strided_slice %reshape3A {offsets = [0], sizes = [1], strides = [1]} : vector<16xi32> to vector<1xi32>
      %squeeze3A_265 = vector.extract %slice3A_264[0] : i32 from vector<1xi32>
      %slice3A_266 = vector.extract_strided_slice %reshape3A_263 {offsets = [15], sizes = [1], strides = [1]} : vector<16xi32> to vector<1xi32>
      %squeeze3A_267 = vector.extract %slice3A_266[0] : i32 from vector<1xi32>
      %eq3A_268 = arith.cmpi eq, %squeeze3A_265, %squeeze3A_267 : i32
      %convert_element_type3A_269 = arith.extui %eq3A_268 : i1 to i32
      %cond3A_270 = arith.constant 0 : i32
      %cond3A_271 = arith.cmpi ne, %convert_element_type3A_269, %cond3A_270 : i32
      scf.if %cond3A_271 {
        %broadcast_in_dim3A_395 = arith.constant 0.000000e+00 : f32
        %broadcast_in_dim3A_396 = vector.broadcast %broadcast_in_dim3A_395 : f32 to vector<16xf32>
        %broadcast_in_dim3A_397 = arith.constant 0.000000e+00 : f32
        %broadcast_in_dim3A_398 = vector.broadcast %broadcast_in_dim3A_397 : f32 to vector<16xf32>
        %broadcast_in_dim3A_399 = arith.constant 0.000000e+00 : f32
        %broadcast_in_dim3A_400 = vector.broadcast %broadcast_in_dim3A_399 : f32 to vector<16xf32>
        %broadcast_in_dim3A_401 = arith.constant 0.000000e+00 : f32
        %broadcast_in_dim3A_402 = vector.broadcast %broadcast_in_dim3A_401 : f32 to vector<16xf32>
        %broadcast_in_dim3A_403 = arith.constant 0.000000e+00 : f32
        %broadcast_in_dim3A_404 = vector.broadcast %broadcast_in_dim3A_403 : f32 to vector<16xf32>
        %broadcast_in_dim3A_405 = arith.constant 0.000000e+00 : f32
        %broadcast_in_dim3A_406 = vector.broadcast %broadcast_in_dim3A_405 : f32 to vector<16xf32>
        %broadcast_in_dim3A_407 = arith.constant 0.000000e+00 : f32
        %broadcast_in_dim3A_408 = vector.broadcast %broadcast_in_dim3A_407 : f32 to vector<16xf32>
        %broadcast_in_dim3A_409 = arith.constant 0.000000e+00 : f32
        %broadcast_in_dim3A_410 = vector.broadcast %broadcast_in_dim3A_409 : f32 to vector<16xf32>
        %scan3A = arith.constant 0 : i32
        %scan3A_411 = arith.constant 32 : i32
        %scan3A_412 = arith.addi %scan3A, %scan3A_411 : i32
        %scan3A_413 = arith.constant 1 : i32
        %scan3A_414:8 = scf.for %scan3A_475 = %scan3A to %scan3A_412 step %scan3A_413 iter_args(%scan3A_476 = %broadcast_in_dim3A_396, %scan3A_477 = %broadcast_in_dim3A_398, %scan3A_478 = %broadcast_in_dim3A_400, %scan3A_479 = %broadcast_in_dim3A_402, %scan3A_480 = %broadcast_in_dim3A_404, %scan3A_481 = %broadcast_in_dim3A_406, %scan3A_482 = %broadcast_in_dim3A_408, %scan3A_483 = %broadcast_in_dim3A_410) -> (vector<16xf32>, vector<16xf32>, vector<16xf32>, vector<16xf32>, vector<16xf32>, vector<16xf32>, vector<16xf32>, vector<16xf32>)  : i32 {
          %mul3A_484 = arith.constant 4 : i32
          %mul3A_485 = arith.muli %mul3A_484, %scan3A_475 : i32
          %add3A_486 = arith.constant 0 : i32
          %add3A_487 = arith.addi %add3A_486, %mul3A_485 : i32
          %add3A_488 = arith.constant 0 : i32
          %add3A_489 = arith.addi %add3A_487, %add3A_488 : i32
          %get3A_490 = arith.constant 0 : i32
          %get3A_491 = arith.index_cast %get3A_490 : i32 to index
          %get3A_492 = arith.index_cast %add3A_489 : i32 to index
          %get3A_493 = arith.constant 0 : index
          %get3A_494 = tpu.vector_load %arg8[%get3A_491, %get3A_492, %get3A_493] {strides = array<i32>} : memref<2x256x128xf32, #tpu.memory_space<vmem>>, vector<1x1x16xf32>,
          %get3A_495 = vector.shape_cast %get3A_494 : vector<1x1x16xf32> to vector<1x16xf32>
          %reshape3A_496 = vector.shape_cast %get3A_495 : vector<1x16xf32> to vector<16xf32>
          %add3A_497 = arith.addf %scan3A_476, %reshape3A_496 : vector<16xf32>
          %get3A_498 = arith.constant 0 : i32
          %get3A_499 = arith.index_cast %get3A_498 : i32 to index
          %get3A_500 = arith.index_cast %add3A_489 : i32 to index
          %get3A_501 = arith.constant 16 : index
          %get3A_502 = tpu.vector_load %arg8[%get3A_499, %get3A_500, %get3A_501] {strides = array<i32>} : memref<2x256x128xf32, #tpu.memory_space<vmem>>, vector<1x1x16xf32>,
          %get3A_503 = vector.shape_cast %get3A_502 : vector<1x1x16xf32> to vector<1x16xf32>
          %reshape3A_504 = vector.shape_cast %get3A_503 : vector<1x16xf32> to vector<16xf32>
          %add3A_505 = arith.addf %scan3A_477, %reshape3A_504 : vector<16xf32>
          %get3A_506 = arith.constant 0 : i32
          %get3A_507 = arith.index_cast %get3A_506 : i32 to index
          %get3A_508 = arith.index_cast %add3A_489 : i32 to index
          %get3A_509 = arith.constant 32 : index
          %get3A_510 = tpu.vector_load %arg8[%get3A_507, %get3A_508, %get3A_509] {strides = array<i32>} : memref<2x256x128xf32, #tpu.memory_space<vmem>>, vector<1x1x16xf32>,
          %get3A_511 = vector.shape_cast %get3A_510 : vector<1x1x16xf32> to vector<1x16xf32>
          %reshape3A_512 = vector.shape_cast %get3A_511 : vector<1x16xf32> to vector<16xf32>
          %add3A_513 = arith.addf %scan3A_478, %reshape3A_512 : vector<16xf32>
          %get3A_514 = arith.constant 0 : i32
          %get3A_515 = arith.index_cast %get3A_514 : i32 to index
          %get3A_516 = arith.index_cast %add3A_489 : i32 to index
          %get3A_517 = arith.constant 48 : index
          %get3A_518 = tpu.vector_load %arg8[%get3A_515, %get3A_516, %get3A_517] {strides = array<i32>} : memref<2x256x128xf32, #tpu.memory_space<vmem>>, vector<1x1x16xf32>,
          %get3A_519 = vector.shape_cast %get3A_518 : vector<1x1x16xf32> to vector<1x16xf32>
          %reshape3A_520 = vector.shape_cast %get3A_519 : vector<1x16xf32> to vector<16xf32>
          %add3A_521 = arith.addf %scan3A_479, %reshape3A_520 : vector<16xf32>
          %get3A_522 = arith.constant 0 : i32
          %get3A_523 = arith.index_cast %get3A_522 : i32 to index
          %get3A_524 = arith.index_cast %add3A_489 : i32 to index
          %get3A_525 = arith.constant 64 : index
          %get3A_526 = tpu.vector_load %arg8[%get3A_523, %get3A_524, %get3A_525] {strides = array<i32>} : memref<2x256x128xf32, #tpu.memory_space<vmem>>, vector<1x1x16xf32>,
          %get3A_527 = vector.shape_cast %get3A_526 : vector<1x1x16xf32> to vector<1x16xf32>
          %reshape3A_528 = vector.shape_cast %get3A_527 : vector<1x16xf32> to vector<16xf32>
          %add3A_529 = arith.addf %scan3A_480, %reshape3A_528 : vector<16xf32>
          %get3A_530 = arith.constant 0 : i32
          %get3A_531 = arith.index_cast %get3A_530 : i32 to index
          %get3A_532 = arith.index_cast %add3A_489 : i32 to index
          %get3A_533 = arith.constant 80 : index
          %get3A_534 = tpu.vector_load %arg8[%get3A_531, %get3A_532, %get3A_533] {strides = array<i32>} : memref<2x256x128xf32, #tpu.memory_space<vmem>>, vector<1x1x16xf32>,
          %get3A_535 = vector.shape_cast %get3A_534 : vector<1x1x16xf32> to vector<1x16xf32>
          %reshape3A_536 = vector.shape_cast %get3A_535 : vector<1x16xf32> to vector<16xf32>
          %add3A_537 = arith.addf %scan3A_481, %reshape3A_536 : vector<16xf32>
          %get3A_538 = arith.constant 0 : i32
          %get3A_539 = arith.index_cast %get3A_538 : i32 to index
          %get3A_540 = arith.index_cast %add3A_489 : i32 to index
          %get3A_541 = arith.constant 96 : index
          %get3A_542 = tpu.vector_load %arg8[%get3A_539, %get3A_540, %get3A_541] {strides = array<i32>} : memref<2x256x128xf32, #tpu.memory_space<vmem>>, vector<1x1x16xf32>,
          %get3A_543 = vector.shape_cast %get3A_542 : vector<1x1x16xf32> to vector<1x16xf32>
          %reshape3A_544 = vector.shape_cast %get3A_543 : vector<1x16xf32> to vector<16xf32>
          %add3A_545 = arith.addf %scan3A_482, %reshape3A_544 : vector<16xf32>
          %get3A_546 = arith.constant 0 : i32
          %get3A_547 = arith.index_cast %get3A_546 : i32 to index
          %get3A_548 = arith.index_cast %add3A_489 : i32 to index
          %get3A_549 = arith.constant 112 : index
          %get3A_550 = tpu.vector_load %arg8[%get3A_547, %get3A_548, %get3A_549] {strides = array<i32>} : memref<2x256x128xf32, #tpu.memory_space<vmem>>, vector<1x1x16xf32>,
          %get3A_551 = vector.shape_cast %get3A_550 : vector<1x1x16xf32> to vector<1x16xf32>
          %reshape3A_552 = vector.shape_cast %get3A_551 : vector<1x16xf32> to vector<16xf32>
          %add3A_553 = arith.addf %scan3A_483, %reshape3A_552 : vector<16xf32>
          %mul3A_554 = arith.constant 4 : i32
          %mul3A_555 = arith.muli %mul3A_554, %scan3A_475 : i32
          %add3A_556 = arith.constant 0 : i32
          %add3A_557 = arith.addi %add3A_556, %mul3A_555 : i32
          %add3A_558 = arith.constant 1 : i32
          %add3A_559 = arith.addi %add3A_557, %add3A_558 : i32
          %get3A_560 = arith.constant 0 : i32
          %get3A_561 = arith.index_cast %get3A_560 : i32 to index
          %get3A_562 = arith.index_cast %add3A_559 : i32 to index
          %get3A_563 = arith.constant 0 : index
          %get3A_564 = tpu.vector_load %arg8[%get3A_561, %get3A_562, %get3A_563] {strides = array<i32>} : memref<2x256x128xf32, #tpu.memory_space<vmem>>, vector<1x1x16xf32>,
          %get3A_565 = vector.shape_cast %get3A_564 : vector<1x1x16xf32> to vector<1x16xf32>
          %reshape3A_566 = vector.shape_cast %get3A_565 : vector<1x16xf32> to vector<16xf32>
          %add3A_567 = arith.addf %add3A_497, %reshape3A_566 : vector<16xf32>
          %get3A_568 = arith.constant 0 : i32
          %get3A_569 = arith.index_cast %get3A_568 : i32 to index
          %get3A_570 = arith.index_cast %add3A_559 : i32 to index
          %get3A_571 = arith.constant 16 : index
          %get3A_572 = tpu.vector_load %arg8[%get3A_569, %get3A_570, %get3A_571] {strides = array<i32>} : memref<2x256x128xf32, #tpu.memory_space<vmem>>, vector<1x1x16xf32>,
          %get3A_573 = vector.shape_cast %get3A_572 : vector<1x1x16xf32> to vector<1x16xf32>
          %reshape3A_574 = vector.shape_cast %get3A_573 : vector<1x16xf32> to vector<16xf32>
          %add3A_575 = arith.addf %add3A_505, %reshape3A_574 : vector<16xf32>
          %get3A_576 = arith.constant 0 : i32
          %get3A_577 = arith.index_cast %get3A_576 : i32 to index
          %get3A_578 = arith.index_cast %add3A_559 : i32 to index
          %get3A_579 = arith.constant 32 : index
          %get3A_580 = tpu.vector_load %arg8[%get3A_577, %get3A_578, %get3A_579] {strides = array<i32>} : memref<2x256x128xf32, #tpu.memory_space<vmem>>, vector<1x1x16xf32>,
          %get3A_581 = vector.shape_cast %get3A_580 : vector<1x1x16xf32> to vector<1x16xf32>
          %reshape3A_582 = vector.shape_cast %get3A_581 : vector<1x16xf32> to vector<16xf32>
          %add3A_583 = arith.addf %add3A_513, %reshape3A_582 : vector<16xf32>
          %get3A_584 = arith.constant 0 : i32
          %get3A_585 = arith.index_cast %get3A_584 : i32 to index
          %get3A_586 = arith.index_cast %add3A_559 : i32 to index
          %get3A_587 = arith.constant 48 : index
          %get3A_588 = tpu.vector_load %arg8[%get3A_585, %get3A_586, %get3A_587] {strides = array<i32>} : memref<2x256x128xf32, #tpu.memory_space<vmem>>, vector<1x1x16xf32>,
          %get3A_589 = vector.shape_cast %get3A_588 : vector<1x1x16xf32> to vector<1x16xf32>
          %reshape3A_590 = vector.shape_cast %get3A_589 : vector<1x16xf32> to vector<16xf32>
          %add3A_591 = arith.addf %add3A_521, %reshape3A_590 : vector<16xf32>
          %get3A_592 = arith.constant 0 : i32
          %get3A_593 = arith.index_cast %get3A_592 : i32 to index
          %get3A_594 = arith.index_cast %add3A_559 : i32 to index
          %get3A_595 = arith.constant 64 : index
          %get3A_596 = tpu.vector_load %arg8[%get3A_593, %get3A_594, %get3A_595] {strides = array<i32>} : memref<2x256x128xf32, #tpu.memory_space<vmem>>, vector<1x1x16xf32>,
          %get3A_597 = vector.shape_cast %get3A_596 : vector<1x1x16xf32> to vector<1x16xf32>
          %reshape3A_598 = vector.shape_cast %get3A_597 : vector<1x16xf32> to vector<16xf32>
          %add3A_599 = arith.addf %add3A_529, %reshape3A_598 : vector<16xf32>
          %get3A_600 = arith.constant 0 : i32
          %get3A_601 = arith.index_cast %get3A_600 : i32 to index
          %get3A_602 = arith.index_cast %add3A_559 : i32 to index
          %get3A_603 = arith.constant 80 : index
          %get3A_604 = tpu.vector_load %arg8[%get3A_601, %get3A_602, %get3A_603] {strides = array<i32>} : memref<2x256x128xf32, #tpu.memory_space<vmem>>, vector<1x1x16xf32>,
          %get3A_605 = vector.shape_cast %get3A_604 : vector<1x1x16xf32> to vector<1x16xf32>
          %reshape3A_606 = vector.shape_cast %get3A_605 : vector<1x16xf32> to vector<16xf32>
          %add3A_607 = arith.addf %add3A_537, %reshape3A_606 : vector<16xf32>
          %get3A_608 = arith.constant 0 : i32
          %get3A_609 = arith.index_cast %get3A_608 : i32 to index
          %get3A_610 = arith.index_cast %add3A_559 : i32 to index
          %get3A_611 = arith.constant 96 : index
          %get3A_612 = tpu.vector_load %arg8[%get3A_609, %get3A_610, %get3A_611] {strides = array<i32>} : memref<2x256x128xf32, #tpu.memory_space<vmem>>, vector<1x1x16xf32>,
          %get3A_613 = vector.shape_cast %get3A_612 : vector<1x1x16xf32> to vector<1x16xf32>
          %reshape3A_614 = vector.shape_cast %get3A_613 : vector<1x16xf32> to vector<16xf32>
          %add3A_615 = arith.addf %add3A_545, %reshape3A_614 : vector<16xf32>
          %get3A_616 = arith.constant 0 : i32
          %get3A_617 = arith.index_cast %get3A_616 : i32 to index
          %get3A_618 = arith.index_cast %add3A_559 : i32 to index
          %get3A_619 = arith.constant 112 : index
          %get3A_620 = tpu.vector_load %arg8[%get3A_617, %get3A_618, %get3A_619] {strides = array<i32>} : memref<2x256x128xf32, #tpu.memory_space<vmem>>, vector<1x1x16xf32>,
          %get3A_621 = vector.shape_cast %get3A_620 : vector<1x1x16xf32> to vector<1x16xf32>
          %reshape3A_622 = vector.shape_cast %get3A_621 : vector<1x16xf32> to vector<16xf32>
          %add3A_623 = arith.addf %add3A_553, %reshape3A_622 : vector<16xf32>
          %mul3A_624 = arith.constant 4 : i32
          %mul3A_625 = arith.muli %mul3A_624, %scan3A_475 : i32
          %add3A_626 = arith.constant 0 : i32
          %add3A_627 = arith.addi %add3A_626, %mul3A_625 : i32
          %add3A_628 = arith.constant 2 : i32
          %add3A_629 = arith.addi %add3A_627, %add3A_628 : i32
          %get3A_630 = arith.constant 0 : i32
          %get3A_631 = arith.index_cast %get3A_630 : i32 to index
          %get3A_632 = arith.index_cast %add3A_629 : i32 to index
          %get3A_633 = arith.constant 0 : index
          %get3A_634 = tpu.vector_load %arg8[%get3A_631, %get3A_632, %get3A_633] {strides = array<i32>} : memref<2x256x128xf32, #tpu.memory_space<vmem>>, vector<1x1x16xf32>,
          %get3A_635 = vector.shape_cast %get3A_634 : vector<1x1x16xf32> to vector<1x16xf32>
          %reshape3A_636 = vector.shape_cast %get3A_635 : vector<1x16xf32> to vector<16xf32>
          %add3A_637 = arith.addf %add3A_567, %reshape3A_636 : vector<16xf32>
          %get3A_638 = arith.constant 0 : i32
          %get3A_639 = arith.index_cast %get3A_638 : i32 to index
          %get3A_640 = arith.index_cast %add3A_629 : i32 to index
          %get3A_641 = arith.constant 16 : index
          %get3A_642 = tpu.vector_load %arg8[%get3A_639, %get3A_640, %get3A_641] {strides = array<i32>} : memref<2x256x128xf32, #tpu.memory_space<vmem>>, vector<1x1x16xf32>,
          %get3A_643 = vector.shape_cast %get3A_642 : vector<1x1x16xf32> to vector<1x16xf32>
          %reshape3A_644 = vector.shape_cast %get3A_643 : vector<1x16xf32> to vector<16xf32>
          %add3A_645 = arith.addf %add3A_575, %reshape3A_644 : vector<16xf32>
          %get3A_646 = arith.constant 0 : i32
          %get3A_647 = arith.index_cast %get3A_646 : i32 to index
          %get3A_648 = arith.index_cast %add3A_629 : i32 to index
          %get3A_649 = arith.constant 32 : index
          %get3A_650 = tpu.vector_load %arg8[%get3A_647, %get3A_648, %get3A_649] {strides = array<i32>} : memref<2x256x128xf32, #tpu.memory_space<vmem>>, vector<1x1x16xf32>,
          %get3A_651 = vector.shape_cast %get3A_650 : vector<1x1x16xf32> to vector<1x16xf32>
          %reshape3A_652 = vector.shape_cast %get3A_651 : vector<1x16xf32> to vector<16xf32>
          %add3A_653 = arith.addf %add3A_583, %reshape3A_652 : vector<16xf32>
          %get3A_654 = arith.constant 0 : i32
          %get3A_655 = arith.index_cast %get3A_654 : i32 to index
          %get3A_656 = arith.index_cast %add3A_629 : i32 to index
          %get3A_657 = arith.constant 48 : index
          %get3A_658 = tpu.vector_load %arg8[%get3A_655, %get3A_656, %get3A_657] {strides = array<i32>} : memref<2x256x128xf32, #tpu.memory_space<vmem>>, vector<1x1x16xf32>,
          %get3A_659 = vector.shape_cast %get3A_658 : vector<1x1x16xf32> to vector<1x16xf32>
          %reshape3A_660 = vector.shape_cast %get3A_659 : vector<1x16xf32> to vector<16xf32>
          %add3A_661 = arith.addf %add3A_591, %reshape3A_660 : vector<16xf32>
          %get3A_662 = arith.constant 0 : i32
          %get3A_663 = arith.index_cast %get3A_662 : i32 to index
          %get3A_664 = arith.index_cast %add3A_629 : i32 to index
          %get3A_665 = arith.constant 64 : index
          %get3A_666 = tpu.vector_load %arg8[%get3A_663, %get3A_664, %get3A_665] {strides = array<i32>} : memref<2x256x128xf32, #tpu.memory_space<vmem>>, vector<1x1x16xf32>,
          %get3A_667 = vector.shape_cast %get3A_666 : vector<1x1x16xf32> to vector<1x16xf32>
          %reshape3A_668 = vector.shape_cast %get3A_667 : vector<1x16xf32> to vector<16xf32>
          %add3A_669 = arith.addf %add3A_599, %reshape3A_668 : vector<16xf32>
          %get3A_670 = arith.constant 0 : i32
          %get3A_671 = arith.index_cast %get3A_670 : i32 to index
          %get3A_672 = arith.index_cast %add3A_629 : i32 to index
          %get3A_673 = arith.constant 80 : index
          %get3A_674 = tpu.vector_load %arg8[%get3A_671, %get3A_672, %get3A_673] {strides = array<i32>} : memref<2x256x128xf32, #tpu.memory_space<vmem>>, vector<1x1x16xf32>,
          %get3A_675 = vector.shape_cast %get3A_674 : vector<1x1x16xf32> to vector<1x16xf32>
          %reshape3A_676 = vector.shape_cast %get3A_675 : vector<1x16xf32> to vector<16xf32>
          %add3A_677 = arith.addf %add3A_607, %reshape3A_676 : vector<16xf32>
          %get3A_678 = arith.constant 0 : i32
          %get3A_679 = arith.index_cast %get3A_678 : i32 to index
          %get3A_680 = arith.index_cast %add3A_629 : i32 to index
          %get3A_681 = arith.constant 96 : index
          %get3A_682 = tpu.vector_load %arg8[%get3A_679, %get3A_680, %get3A_681] {strides = array<i32>} : memref<2x256x128xf32, #tpu.memory_space<vmem>>, vector<1x1x16xf32>,
          %get3A_683 = vector.shape_cast %get3A_682 : vector<1x1x16xf32> to vector<1x16xf32>
          %reshape3A_684 = vector.shape_cast %get3A_683 : vector<1x16xf32> to vector<16xf32>
          %add3A_685 = arith.addf %add3A_615, %reshape3A_684 : vector<16xf32>
          %get3A_686 = arith.constant 0 : i32
          %get3A_687 = arith.index_cast %get3A_686 : i32 to index
          %get3A_688 = arith.index_cast %add3A_629 : i32 to index
          %get3A_689 = arith.constant 112 : index
          %get3A_690 = tpu.vector_load %arg8[%get3A_687, %get3A_688, %get3A_689] {strides = array<i32>} : memref<2x256x128xf32, #tpu.memory_space<vmem>>, vector<1x1x16xf32>,
          %get3A_691 = vector.shape_cast %get3A_690 : vector<1x1x16xf32> to vector<1x16xf32>
          %reshape3A_692 = vector.shape_cast %get3A_691 : vector<1x16xf32> to vector<16xf32>
          %add3A_693 = arith.addf %add3A_623, %reshape3A_692 : vector<16xf32>
          %mul3A_694 = arith.constant 4 : i32
          %mul3A_695 = arith.muli %mul3A_694, %scan3A_475 : i32
          %add3A_696 = arith.constant 0 : i32
          %add3A_697 = arith.addi %add3A_696, %mul3A_695 : i32
          %add3A_698 = arith.constant 3 : i32
          %add3A_699 = arith.addi %add3A_697, %add3A_698 : i32
          %get3A_700 = arith.constant 0 : i32
          %get3A_701 = arith.index_cast %get3A_700 : i32 to index
          %get3A_702 = arith.index_cast %add3A_699 : i32 to index
          %get3A_703 = arith.constant 0 : index
          %get3A_704 = tpu.vector_load %arg8[%get3A_701, %get3A_702, %get3A_703] {strides = array<i32>} : memref<2x256x128xf32, #tpu.memory_space<vmem>>, vector<1x1x16xf32>,
          %get3A_705 = vector.shape_cast %get3A_704 : vector<1x1x16xf32> to vector<1x16xf32>
          %reshape3A_706 = vector.shape_cast %get3A_705 : vector<1x16xf32> to vector<16xf32>
          %add3A_707 = arith.addf %add3A_637, %reshape3A_706 : vector<16xf32>
          %get3A_708 = arith.constant 0 : i32
          %get3A_709 = arith.index_cast %get3A_708 : i32 to index
          %get3A_710 = arith.index_cast %add3A_699 : i32 to index
          %get3A_711 = arith.constant 16 : index
          %get3A_712 = tpu.vector_load %arg8[%get3A_709, %get3A_710, %get3A_711] {strides = array<i32>} : memref<2x256x128xf32, #tpu.memory_space<vmem>>, vector<1x1x16xf32>,
          %get3A_713 = vector.shape_cast %get3A_712 : vector<1x1x16xf32> to vector<1x16xf32>
          %reshape3A_714 = vector.shape_cast %get3A_713 : vector<1x16xf32> to vector<16xf32>
          %add3A_715 = arith.addf %add3A_645, %reshape3A_714 : vector<16xf32>
          %get3A_716 = arith.constant 0 : i32
          %get3A_717 = arith.index_cast %get3A_716 : i32 to index
          %get3A_718 = arith.index_cast %add3A_699 : i32 to index
          %get3A_719 = arith.constant 32 : index
          %get3A_720 = tpu.vector_load %arg8[%get3A_717, %get3A_718, %get3A_719] {strides = array<i32>} : memref<2x256x128xf32, #tpu.memory_space<vmem>>, vector<1x1x16xf32>,
          %get3A_721 = vector.shape_cast %get3A_720 : vector<1x1x16xf32> to vector<1x16xf32>
          %reshape3A_722 = vector.shape_cast %get3A_721 : vector<1x16xf32> to vector<16xf32>
          %add3A_723 = arith.addf %add3A_653, %reshape3A_722 : vector<16xf32>
          %get3A_724 = arith.constant 0 : i32
          %get3A_725 = arith.index_cast %get3A_724 : i32 to index
          %get3A_726 = arith.index_cast %add3A_699 : i32 to index
          %get3A_727 = arith.constant 48 : index
          %get3A_728 = tpu.vector_load %arg8[%get3A_725, %get3A_726, %get3A_727] {strides = array<i32>} : memref<2x256x128xf32, #tpu.memory_space<vmem>>, vector<1x1x16xf32>,
          %get3A_729 = vector.shape_cast %get3A_728 : vector<1x1x16xf32> to vector<1x16xf32>
          %reshape3A_730 = vector.shape_cast %get3A_729 : vector<1x16xf32> to vector<16xf32>
          %add3A_731 = arith.addf %add3A_661, %reshape3A_730 : vector<16xf32>
          %get3A_732 = arith.constant 0 : i32
          %get3A_733 = arith.index_cast %get3A_732 : i32 to index
          %get3A_734 = arith.index_cast %add3A_699 : i32 to index
          %get3A_735 = arith.constant 64 : index
          %get3A_736 = tpu.vector_load %arg8[%get3A_733, %get3A_734, %get3A_735] {strides = array<i32>} : memref<2x256x128xf32, #tpu.memory_space<vmem>>, vector<1x1x16xf32>,
          %get3A_737 = vector.shape_cast %get3A_736 : vector<1x1x16xf32> to vector<1x16xf32>
          %reshape3A_738 = vector.shape_cast %get3A_737 : vector<1x16xf32> to vector<16xf32>
          %add3A_739 = arith.addf %add3A_669, %reshape3A_738 : vector<16xf32>
          %get3A_740 = arith.constant 0 : i32
          %get3A_741 = arith.index_cast %get3A_740 : i32 to index
          %get3A_742 = arith.index_cast %add3A_699 : i32 to index
          %get3A_743 = arith.constant 80 : index
          %get3A_744 = tpu.vector_load %arg8[%get3A_741, %get3A_742, %get3A_743] {strides = array<i32>} : memref<2x256x128xf32, #tpu.memory_space<vmem>>, vector<1x1x16xf32>,
          %get3A_745 = vector.shape_cast %get3A_744 : vector<1x1x16xf32> to vector<1x16xf32>
          %reshape3A_746 = vector.shape_cast %get3A_745 : vector<1x16xf32> to vector<16xf32>
          %add3A_747 = arith.addf %add3A_677, %reshape3A_746 : vector<16xf32>
          %get3A_748 = arith.constant 0 : i32
          %get3A_749 = arith.index_cast %get3A_748 : i32 to index
          %get3A_750 = arith.index_cast %add3A_699 : i32 to index
          %get3A_751 = arith.constant 96 : index
          %get3A_752 = tpu.vector_load %arg8[%get3A_749, %get3A_750, %get3A_751] {strides = array<i32>} : memref<2x256x128xf32, #tpu.memory_space<vmem>>, vector<1x1x16xf32>,
          %get3A_753 = vector.shape_cast %get3A_752 : vector<1x1x16xf32> to vector<1x16xf32>
          %reshape3A_754 = vector.shape_cast %get3A_753 : vector<1x16xf32> to vector<16xf32>
          %add3A_755 = arith.addf %add3A_685, %reshape3A_754 : vector<16xf32>
          %get3A_756 = arith.constant 0 : i32
          %get3A_757 = arith.index_cast %get3A_756 : i32 to index
          %get3A_758 = arith.index_cast %add3A_699 : i32 to index
          %get3A_759 = arith.constant 112 : index
          %get3A_760 = tpu.vector_load %arg8[%get3A_757, %get3A_758, %get3A_759] {strides = array<i32>} : memref<2x256x128xf32, #tpu.memory_space<vmem>>, vector<1x1x16xf32>,
          %get3A_761 = vector.shape_cast %get3A_760 : vector<1x1x16xf32> to vector<1x16xf32>
          %reshape3A_762 = vector.shape_cast %get3A_761 : vector<1x16xf32> to vector<16xf32>
          %add3A_763 = arith.addf %add3A_693, %reshape3A_762 : vector<16xf32>
          scf.yield %add3A_707, %add3A_715, %add3A_723, %add3A_731, %add3A_739, %add3A_747, %add3A_755, %add3A_763 : vector<16xf32>, vector<16xf32>, vector<16xf32>, vector<16xf32>, vector<16xf32>, vector<16xf32>, vector<16xf32>, vector<16xf32>
        }
        %scan3A_415 = arith.constant 32 : i32
        %swap3A_416 = arith.constant 0 : i32
        %swap3A_417 = arith.index_cast %swap3A_416 : i32 to index
        %swap3A_418 = arith.constant 0 : index
        %swap3A_419 = tpu.vector_load %arg11[%swap3A_417, %swap3A_418] {strides = array<i32>} : memref<16x128xf32, #tpu.memory_space<vmem>>, vector<1x16xf32>,
        %swap3A_420 = vector.shape_cast %swap3A_419 : vector<1x16xf32> to vector<16xf32>
        %swap3A_421 = vector.shape_cast %scan3A_414#0 : vector<16xf32> to vector<1x16xf32>
        tpu.vector_store %arg11[%swap3A_417, %swap3A_418], %swap3A_421 {strides = array<i32>} : memref<16x128xf32, #tpu.memory_space<vmem>>, vector<1x16xf32>,
        %swap3A_422 = arith.constant 0 : i32
        %swap3A_423 = arith.index_cast %swap3A_422 : i32 to index
        %swap3A_424 = arith.constant 16 : index
        %swap3A_425 = tpu.vector_load %arg11[%swap3A_423, %swap3A_424] {strides = array<i32>} : memref<16x128xf32, #tpu.memory_space<vmem>>, vector<1x16xf32>,
        %swap3A_426 = vector.shape_cast %swap3A_425 : vector<1x16xf32> to vector<16xf32>
        %swap3A_427 = vector.shape_cast %scan3A_414#1 : vector<16xf32> to vector<1x16xf32>
        tpu.vector_store %arg11[%swap3A_423, %swap3A_424], %swap3A_427 {strides = array<i32>} : memref<16x128xf32, #tpu.memory_space<vmem>>, vector<1x16xf32>,
        %swap3A_428 = arith.constant 0 : i32
        %swap3A_429 = arith.index_cast %swap3A_428 : i32 to index
        %swap3A_430 = arith.constant 32 : index
        %swap3A_431 = tpu.vector_load %arg11[%swap3A_429, %swap3A_430] {strides = array<i32>} : memref<16x128xf32, #tpu.memory_space<vmem>>, vector<1x16xf32>,
        %swap3A_432 = vector.shape_cast %swap3A_431 : vector<1x16xf32> to vector<16xf32>
        %swap3A_433 = vector.shape_cast %scan3A_414#2 : vector<16xf32> to vector<1x16xf32>
        tpu.vector_store %arg11[%swap3A_429, %swap3A_430], %swap3A_433 {strides = array<i32>} : memref<16x128xf32, #tpu.memory_space<vmem>>, vector<1x16xf32>,
        %swap3A_434 = arith.constant 0 : i32
        %swap3A_435 = arith.index_cast %swap3A_434 : i32 to index
        %swap3A_436 = arith.constant 48 : index
        %swap3A_437 = tpu.vector_load %arg11[%swap3A_435, %swap3A_436] {strides = array<i32>} : memref<16x128xf32, #tpu.memory_space<vmem>>, vector<1x16xf32>,
        %swap3A_438 = vector.shape_cast %swap3A_437 : vector<1x16xf32> to vector<16xf32>
        %swap3A_439 = vector.shape_cast %scan3A_414#3 : vector<16xf32> to vector<1x16xf32>
        tpu.vector_store %arg11[%swap3A_435, %swap3A_436], %swap3A_439 {strides = array<i32>} : memref<16x128xf32, #tpu.memory_space<vmem>>, vector<1x16xf32>,
        %swap3A_440 = arith.constant 0 : i32
        %swap3A_441 = arith.index_cast %swap3A_440 : i32 to index
        %swap3A_442 = arith.constant 64 : index
        %swap3A_443 = tpu.vector_load %arg11[%swap3A_441, %swap3A_442] {strides = array<i32>} : memref<16x128xf32, #tpu.memory_space<vmem>>, vector<1x16xf32>,
        %swap3A_444 = vector.shape_cast %swap3A_443 : vector<1x16xf32> to vector<16xf32>
        %swap3A_445 = vector.shape_cast %scan3A_414#4 : vector<16xf32> to vector<1x16xf32>
        tpu.vector_store %arg11[%swap3A_441, %swap3A_442], %swap3A_445 {strides = array<i32>} : memref<16x128xf32, #tpu.memory_space<vmem>>, vector<1x16xf32>,
        %swap3A_446 = arith.constant 0 : i32
        %swap3A_447 = arith.index_cast %swap3A_446 : i32 to index
        %swap3A_448 = arith.constant 80 : index
        %swap3A_449 = tpu.vector_load %arg11[%swap3A_447, %swap3A_448] {strides = array<i32>} : memref<16x128xf32, #tpu.memory_space<vmem>>, vector<1x16xf32>,
        %swap3A_450 = vector.shape_cast %swap3A_449 : vector<1x16xf32> to vector<16xf32>
        %swap3A_451 = vector.shape_cast %scan3A_414#5 : vector<16xf32> to vector<1x16xf32>
        tpu.vector_store %arg11[%swap3A_447, %swap3A_448], %swap3A_451 {strides = array<i32>} : memref<16x128xf32, #tpu.memory_space<vmem>>, vector<1x16xf32>,
        %swap3A_452 = arith.constant 0 : i32
        %swap3A_453 = arith.index_cast %swap3A_452 : i32 to index
        %swap3A_454 = arith.constant 96 : index
        %swap3A_455 = tpu.vector_load %arg11[%swap3A_453, %swap3A_454] {strides = array<i32>} : memref<16x128xf32, #tpu.memory_space<vmem>>, vector<1x16xf32>,
        %swap3A_456 = vector.shape_cast %swap3A_455 : vector<1x16xf32> to vector<16xf32>
        %swap3A_457 = vector.shape_cast %scan3A_414#6 : vector<16xf32> to vector<1x16xf32>
        tpu.vector_store %arg11[%swap3A_453, %swap3A_454], %swap3A_457 {strides = array<i32>} : memref<16x128xf32, #tpu.memory_space<vmem>>, vector<1x16xf32>,
        %swap3A_458 = arith.constant 0 : i32
        %swap3A_459 = arith.index_cast %swap3A_458 : i32 to index
        %swap3A_460 = arith.constant 112 : index
        %swap3A_461 = tpu.vector_load %arg11[%swap3A_459, %swap3A_460] {strides = array<i32>} : memref<16x128xf32, #tpu.memory_space<vmem>>, vector<1x16xf32>,
        %swap3A_462 = vector.shape_cast %swap3A_461 : vector<1x16xf32> to vector<16xf32>
        %swap3A_463 = vector.shape_cast %scan3A_414#7 : vector<16xf32> to vector<1x16xf32>
        tpu.vector_store %arg11[%swap3A_459, %swap3A_460], %swap3A_463 {strides = array<i32>} : memref<16x128xf32, #tpu.memory_space<vmem>>, vector<1x16xf32>,
        %eq3A_464 = arith.constant 0 : i32
        %eq3A_465 = vector.broadcast %eq3A_464 : i32 to vector<16xi32>
        %eq3A_466 = arith.cmpi eq, %iota3A, %eq3A_465 : vector<16xi32>
        %get3A_467 = arith.constant 0 : index
        %get3A_468 = tpu.vector_load %arg12[%get3A_467] {strides = array<i32>} : memref<16xi32, #tpu.memory_space<vmem>>, vector<16xi32>,
        %get3A_469 = vector.shape_cast %get3A_468 : vector<16xi32> to vector<16xi32>
        %select_n3A_470 = arith.select %eq3A_466, %reshape3A, %get3A_469 : vector<16xi1>, vector<16xi32>
        %swap3A_471 = arith.constant 0 : index
        %swap3A_472 = tpu.vector_load %arg12[%swap3A_471] {strides = array<i32>} : memref<16xi32, #tpu.memory_space<vmem>>, vector<16xi32>,
        %swap3A_473 = vector.shape_cast %swap3A_472 : vector<16xi32> to vector<16xi32>
        %swap3A_474 = vector.shape_cast %select_n3A_470 : vector<16xi32> to vector<16xi32>
        tpu.vector_store %arg12[%swap3A_471], %swap3A_474 {strides = array<i32>} : memref<16xi32, #tpu.memory_space<vmem>>, vector<16xi32>,
      } else {
      }
      %not3A_272 = arith.constant true
      %not3A_273 = arith.xori %eq3A_268, %not3A_272 : i1
      %convert_element_type3A_274 = arith.extui %not3A_273 : i1 to i32
      %cond3A_275 = arith.constant 0 : i32
      %cond3A_276 = arith.cmpi ne, %convert_element_type3A_274, %cond3A_275 : i32
      scf.if %cond3A_276 {
        %run_scoped3A = arith.constant 0 : i32
        "tpu.region"() ({
          %run_scoped3A_395 = tpu.sem_alloc : memref<!tpu.dma_semaphore, #tpu.memory_space<semaphore_mem>>
          %dma_start3A_396 = arith.constant 0 : i32
          %dma_start3A_397 = arith.constant 0 : i32
          %dma_start3A_398 = tpu.memref_slice %arg8[%run_scoped3A, %dma_start3A_396, %dma_start3A_397] : memref<2x256x128xf32, #tpu.memory_space<vmem>> -> memref<1x128x128xf32, #tpu.memory_space<vmem>>
          %dma_start3A_399 = tpu.memref_squeeze %dma_start3A_398 : memref<1x128x128xf32, #tpu.memory_space<vmem>> -> memref<128x128xf32, #tpu.memory_space<vmem>>
          %dma_start3A_400 = arith.constant 0 : i32
          %dma_start3A_401 = tpu.memref_slice %arg9[%add3A_254, %dma_start3A_400] : memref<196x128xi32, #tpu.memory_space<vmem>> -> memref<1x128xi32, #tpu.memory_space<vmem>>
          %dma_start3A_402 = tpu.memref_squeeze %dma_start3A_401 : memref<1x128xi32, #tpu.memory_space<vmem>> -> memref<128xi32, #tpu.memory_space<vmem>>
          %dma_start3A_403 = arith.constant 0 : i32
          %dma_start3A_404 = arith.constant 0 : i32
          %dma_start3A_405 = tpu.memref_slice %arg14[%dma_start3A_403, %dma_start3A_404] : memref<1032x128xf32, #tpu.memory_space<vmem_shared>> -> memref<1032x128xf32, #tpu.memory_space<vmem_shared>>
          tpu.enqueue_indirect_dma source(%dma_start3A_399 : memref<128x128xf32, #tpu.memory_space<vmem>>) target(%dma_start3A_405 : memref<1032x128xf32, #tpu.memory_space<vmem_shared>>) offsets(%dma_start3A_402 : memref<128xi32, #tpu.memory_space<vmem>>) semaphore(%run_scoped3A_395 : memref<!tpu.dma_semaphore, #tpu.memory_space<semaphore_mem>>) {add = true}
          %dma_wait3A_406 = arith.constant 0 : i32
          %dma_wait3A_407 = arith.constant 0 : i32
          %dma_wait3A_408 = tpu.memref_slice %arg8[%run_scoped3A, %dma_wait3A_406, %dma_wait3A_407] : memref<2x256x128xf32, #tpu.memory_space<vmem>> -> memref<1x128x128xf32, #tpu.memory_space<vmem>>
          %dma_wait3A_409 = tpu.memref_squeeze %dma_wait3A_408 : memref<1x128x128xf32, #tpu.memory_space<vmem>> -> memref<128x128xf32, #tpu.memory_space<vmem>>
          %dma_wait3A_410 = arith.constant 0 : i32
          %dma_wait3A_411 = tpu.memref_slice %arg9[%add3A_254, %dma_wait3A_410] : memref<196x128xi32, #tpu.memory_space<vmem>> -> memref<1x128xi32, #tpu.memory_space<vmem>>
          %dma_wait3A_412 = tpu.memref_squeeze %dma_wait3A_411 : memref<1x128xi32, #tpu.memory_space<vmem>> -> memref<128xi32, #tpu.memory_space<vmem>>
          %dma_wait3A_413 = arith.constant 0 : i32
          %dma_wait3A_414 = arith.constant 0 : i32
          %dma_wait3A_415 = tpu.memref_slice %arg14[%dma_wait3A_413, %dma_wait3A_414] : memref<1032x128xf32, #tpu.memory_space<vmem_shared>> -> memref<1032x128xf32, #tpu.memory_space<vmem_shared>>
          tpu.wait_indirect_dma semaphore(%run_scoped3A_395 : memref<!tpu.dma_semaphore, #tpu.memory_space<semaphore_mem>>) src(%dma_wait3A_409 : memref<128x128xf32, #tpu.memory_space<vmem>>) dst(%dma_wait3A_415 : memref<1032x128xf32, #tpu.memory_space<vmem_shared>>)
          tpu.yield
        }) : () -> ()
      } else {
      }
      %mul3A_277 = arith.constant 2 : i32
      %mul3A_278 = arith.muli %mul3A_228, %mul3A_277 : i32
      %add3A_279 = arith.addi %sub3A_96, %mul3A_278 : i32
      %add3A_280 = arith.constant 1 : i32
      %add3A_281 = arith.addi %add3A_279, %add3A_280 : i32
      %get3A_282 = arith.index_cast %add3A_281 : i32 to index
      %get3A_283 = arith.constant 0 : index
      %get3A_284 = tpu.vector_load %arg9[%get3A_282, %get3A_283] {strides = array<i32>} : memref<196x128xi32, #tpu.memory_space<vmem>>, vector<1x16xi32>,
      %get3A_285 = vector.shape_cast %get3A_284 : vector<1x16xi32> to vector<1x16xi32>
      %reshape3A_286 = vector.shape_cast %get3A_285 : vector<1x16xi32> to vector<16xi32>
      %get3A_287 = arith.index_cast %add3A_281 : i32 to index
      %get3A_288 = arith.constant 112 : index
      %get3A_289 = tpu.vector_load %arg9[%get3A_287, %get3A_288] {strides = array<i32>} : memref<196x128xi32, #tpu.memory_space<vmem>>, vector<1x16xi32>,
      %get3A_290 = vector.shape_cast %get3A_289 : vector<1x16xi32> to vector<1x16xi32>
      %reshape3A_291 = vector.shape_cast %get3A_290 : vector<1x16xi32> to vector<16xi32>
      %slice3A_292 = vector.extract_strided_slice %reshape3A_286 {offsets = [0], sizes = [1], strides = [1]} : vector<16xi32> to vector<1xi32>
      %squeeze3A_293 = vector.extract %slice3A_292[0] : i32 from vector<1xi32>
      %slice3A_294 = vector.extract_strided_slice %reshape3A_291 {offsets = [15], sizes = [1], strides = [1]} : vector<16xi32> to vector<1xi32>
      %squeeze3A_295 = vector.extract %slice3A_294[0] : i32 from vector<1xi32>
      %eq3A_296 = arith.cmpi eq, %squeeze3A_293, %squeeze3A_295 : i32
      %convert_element_type3A_297 = arith.extui %eq3A_296 : i1 to i32
      %cond3A_298 = arith.constant 0 : i32
      %cond3A_299 = arith.cmpi ne, %convert_element_type3A_297, %cond3A_298 : i32
      scf.if %cond3A_299 {
        %broadcast_in_dim3A_395 = arith.constant 0.000000e+00 : f32
        %broadcast_in_dim3A_396 = vector.broadcast %broadcast_in_dim3A_395 : f32 to vector<16xf32>
        %broadcast_in_dim3A_397 = arith.constant 0.000000e+00 : f32
        %broadcast_in_dim3A_398 = vector.broadcast %broadcast_in_dim3A_397 : f32 to vector<16xf32>
        %broadcast_in_dim3A_399 = arith.constant 0.000000e+00 : f32
        %broadcast_in_dim3A_400 = vector.broadcast %broadcast_in_dim3A_399 : f32 to vector<16xf32>
        %broadcast_in_dim3A_401 = arith.constant 0.000000e+00 : f32
        %broadcast_in_dim3A_402 = vector.broadcast %broadcast_in_dim3A_401 : f32 to vector<16xf32>
        %broadcast_in_dim3A_403 = arith.constant 0.000000e+00 : f32
        %broadcast_in_dim3A_404 = vector.broadcast %broadcast_in_dim3A_403 : f32 to vector<16xf32>
        %broadcast_in_dim3A_405 = arith.constant 0.000000e+00 : f32
        %broadcast_in_dim3A_406 = vector.broadcast %broadcast_in_dim3A_405 : f32 to vector<16xf32>
        %broadcast_in_dim3A_407 = arith.constant 0.000000e+00 : f32
        %broadcast_in_dim3A_408 = vector.broadcast %broadcast_in_dim3A_407 : f32 to vector<16xf32>
        %broadcast_in_dim3A_409 = arith.constant 0.000000e+00 : f32
        %broadcast_in_dim3A_410 = vector.broadcast %broadcast_in_dim3A_409 : f32 to vector<16xf32>
        %scan3A = arith.constant 0 : i32
        %scan3A_411 = arith.constant 32 : i32
        %scan3A_412 = arith.addi %scan3A, %scan3A_411 : i32
        %scan3A_413 = arith.constant 1 : i32
        %scan3A_414:8 = scf.for %scan3A_475 = %scan3A to %scan3A_412 step %scan3A_413 iter_args(%scan3A_476 = %broadcast_in_dim3A_396, %scan3A_477 = %broadcast_in_dim3A_398, %scan3A_478 = %broadcast_in_dim3A_400, %scan3A_479 = %broadcast_in_dim3A_402, %scan3A_480 = %broadcast_in_dim3A_404, %scan3A_481 = %broadcast_in_dim3A_406, %scan3A_482 = %broadcast_in_dim3A_408, %scan3A_483 = %broadcast_in_dim3A_410) -> (vector<16xf32>, vector<16xf32>, vector<16xf32>, vector<16xf32>, vector<16xf32>, vector<16xf32>, vector<16xf32>, vector<16xf32>)  : i32 {
          %mul3A_484 = arith.constant 4 : i32
          %mul3A_485 = arith.muli %mul3A_484, %scan3A_475 : i32
          %add3A_486 = arith.constant 128 : i32
          %add3A_487 = arith.addi %add3A_486, %mul3A_485 : i32
          %add3A_488 = arith.constant 0 : i32
          %add3A_489 = arith.addi %add3A_487, %add3A_488 : i32
          %get3A_490 = arith.constant 0 : i32
          %get3A_491 = arith.index_cast %get3A_490 : i32 to index
          %get3A_492 = arith.index_cast %add3A_489 : i32 to index
          %get3A_493 = arith.constant 0 : index
          %get3A_494 = tpu.vector_load %arg8[%get3A_491, %get3A_492, %get3A_493] {strides = array<i32>} : memref<2x256x128xf32, #tpu.memory_space<vmem>>, vector<1x1x16xf32>,
          %get3A_495 = vector.shape_cast %get3A_494 : vector<1x1x16xf32> to vector<1x16xf32>
          %reshape3A_496 = vector.shape_cast %get3A_495 : vector<1x16xf32> to vector<16xf32>
          %add3A_497 = arith.addf %scan3A_476, %reshape3A_496 : vector<16xf32>
          %get3A_498 = arith.constant 0 : i32
          %get3A_499 = arith.index_cast %get3A_498 : i32 to index
          %get3A_500 = arith.index_cast %add3A_489 : i32 to index
          %get3A_501 = arith.constant 16 : index
          %get3A_502 = tpu.vector_load %arg8[%get3A_499, %get3A_500, %get3A_501] {strides = array<i32>} : memref<2x256x128xf32, #tpu.memory_space<vmem>>, vector<1x1x16xf32>,
          %get3A_503 = vector.shape_cast %get3A_502 : vector<1x1x16xf32> to vector<1x16xf32>
          %reshape3A_504 = vector.shape_cast %get3A_503 : vector<1x16xf32> to vector<16xf32>
          %add3A_505 = arith.addf %scan3A_477, %reshape3A_504 : vector<16xf32>
          %get3A_506 = arith.constant 0 : i32
          %get3A_507 = arith.index_cast %get3A_506 : i32 to index
          %get3A_508 = arith.index_cast %add3A_489 : i32 to index
          %get3A_509 = arith.constant 32 : index
          %get3A_510 = tpu.vector_load %arg8[%get3A_507, %get3A_508, %get3A_509] {strides = array<i32>} : memref<2x256x128xf32, #tpu.memory_space<vmem>>, vector<1x1x16xf32>,
          %get3A_511 = vector.shape_cast %get3A_510 : vector<1x1x16xf32> to vector<1x16xf32>
          %reshape3A_512 = vector.shape_cast %get3A_511 : vector<1x16xf32> to vector<16xf32>
          %add3A_513 = arith.addf %scan3A_478, %reshape3A_512 : vector<16xf32>
          %get3A_514 = arith.constant 0 : i32
          %get3A_515 = arith.index_cast %get3A_514 : i32 to index
          %get3A_516 = arith.index_cast %add3A_489 : i32 to index
          %get3A_517 = arith.constant 48 : index
          %get3A_518 = tpu.vector_load %arg8[%get3A_515, %get3A_516, %get3A_517] {strides = array<i32>} : memref<2x256x128xf32, #tpu.memory_space<vmem>>, vector<1x1x16xf32>,
          %get3A_519 = vector.shape_cast %get3A_518 : vector<1x1x16xf32> to vector<1x16xf32>
          %reshape3A_520 = vector.shape_cast %get3A_519 : vector<1x16xf32> to vector<16xf32>
          %add3A_521 = arith.addf %scan3A_479, %reshape3A_520 : vector<16xf32>
          %get3A_522 = arith.constant 0 : i32
          %get3A_523 = arith.index_cast %get3A_522 : i32 to index
          %get3A_524 = arith.index_cast %add3A_489 : i32 to index
          %get3A_525 = arith.constant 64 : index
          %get3A_526 = tpu.vector_load %arg8[%get3A_523, %get3A_524, %get3A_525] {strides = array<i32>} : memref<2x256x128xf32, #tpu.memory_space<vmem>>, vector<1x1x16xf32>,
          %get3A_527 = vector.shape_cast %get3A_526 : vector<1x1x16xf32> to vector<1x16xf32>
          %reshape3A_528 = vector.shape_cast %get3A_527 : vector<1x16xf32> to vector<16xf32>
          %add3A_529 = arith.addf %scan3A_480, %reshape3A_528 : vector<16xf32>
          %get3A_530 = arith.constant 0 : i32
          %get3A_531 = arith.index_cast %get3A_530 : i32 to index
          %get3A_532 = arith.index_cast %add3A_489 : i32 to index
          %get3A_533 = arith.constant 80 : index
          %get3A_534 = tpu.vector_load %arg8[%get3A_531, %get3A_532, %get3A_533] {strides = array<i32>} : memref<2x256x128xf32, #tpu.memory_space<vmem>>, vector<1x1x16xf32>,
          %get3A_535 = vector.shape_cast %get3A_534 : vector<1x1x16xf32> to vector<1x16xf32>
          %reshape3A_536 = vector.shape_cast %get3A_535 : vector<1x16xf32> to vector<16xf32>
          %add3A_537 = arith.addf %scan3A_481, %reshape3A_536 : vector<16xf32>
          %get3A_538 = arith.constant 0 : i32
          %get3A_539 = arith.index_cast %get3A_538 : i32 to index
          %get3A_540 = arith.index_cast %add3A_489 : i32 to index
          %get3A_541 = arith.constant 96 : index
          %get3A_542 = tpu.vector_load %arg8[%get3A_539, %get3A_540, %get3A_541] {strides = array<i32>} : memref<2x256x128xf32, #tpu.memory_space<vmem>>, vector<1x1x16xf32>,
          %get3A_543 = vector.shape_cast %get3A_542 : vector<1x1x16xf32> to vector<1x16xf32>
          %reshape3A_544 = vector.shape_cast %get3A_543 : vector<1x16xf32> to vector<16xf32>
          %add3A_545 = arith.addf %scan3A_482, %reshape3A_544 : vector<16xf32>
          %get3A_546 = arith.constant 0 : i32
          %get3A_547 = arith.index_cast %get3A_546 : i32 to index
          %get3A_548 = arith.index_cast %add3A_489 : i32 to index
          %get3A_549 = arith.constant 112 : index
          %get3A_550 = tpu.vector_load %arg8[%get3A_547, %get3A_548, %get3A_549] {strides = array<i32>} : memref<2x256x128xf32, #tpu.memory_space<vmem>>, vector<1x1x16xf32>,
          %get3A_551 = vector.shape_cast %get3A_550 : vector<1x1x16xf32> to vector<1x16xf32>
          %reshape3A_552 = vector.shape_cast %get3A_551 : vector<1x16xf32> to vector<16xf32>
          %add3A_553 = arith.addf %scan3A_483, %reshape3A_552 : vector<16xf32>
          %mul3A_554 = arith.constant 4 : i32
          %mul3A_555 = arith.muli %mul3A_554, %scan3A_475 : i32
          %add3A_556 = arith.constant 128 : i32
          %add3A_557 = arith.addi %add3A_556, %mul3A_555 : i32
          %add3A_558 = arith.constant 1 : i32
          %add3A_559 = arith.addi %add3A_557, %add3A_558 : i32
          %get3A_560 = arith.constant 0 : i32
          %get3A_561 = arith.index_cast %get3A_560 : i32 to index
          %get3A_562 = arith.index_cast %add3A_559 : i32 to index
          %get3A_563 = arith.constant 0 : index
          %get3A_564 = tpu.vector_load %arg8[%get3A_561, %get3A_562, %get3A_563] {strides = array<i32>} : memref<2x256x128xf32, #tpu.memory_space<vmem>>, vector<1x1x16xf32>,
          %get3A_565 = vector.shape_cast %get3A_564 : vector<1x1x16xf32> to vector<1x16xf32>
          %reshape3A_566 = vector.shape_cast %get3A_565 : vector<1x16xf32> to vector<16xf32>
          %add3A_567 = arith.addf %add3A_497, %reshape3A_566 : vector<16xf32>
          %get3A_568 = arith.constant 0 : i32
          %get3A_569 = arith.index_cast %get3A_568 : i32 to index
          %get3A_570 = arith.index_cast %add3A_559 : i32 to index
          %get3A_571 = arith.constant 16 : index
          %get3A_572 = tpu.vector_load %arg8[%get3A_569, %get3A_570, %get3A_571] {strides = array<i32>} : memref<2x256x128xf32, #tpu.memory_space<vmem>>, vector<1x1x16xf32>,
          %get3A_573 = vector.shape_cast %get3A_572 : vector<1x1x16xf32> to vector<1x16xf32>
          %reshape3A_574 = vector.shape_cast %get3A_573 : vector<1x16xf32> to vector<16xf32>
          %add3A_575 = arith.addf %add3A_505, %reshape3A_574 : vector<16xf32>
          %get3A_576 = arith.constant 0 : i32
          %get3A_577 = arith.index_cast %get3A_576 : i32 to index
          %get3A_578 = arith.index_cast %add3A_559 : i32 to index
          %get3A_579 = arith.constant 32 : index
          %get3A_580 = tpu.vector_load %arg8[%get3A_577, %get3A_578, %get3A_579] {strides = array<i32>} : memref<2x256x128xf32, #tpu.memory_space<vmem>>, vector<1x1x16xf32>,
          %get3A_581 = vector.shape_cast %get3A_580 : vector<1x1x16xf32> to vector<1x16xf32>
          %reshape3A_582 = vector.shape_cast %get3A_581 : vector<1x16xf32> to vector<16xf32>
          %add3A_583 = arith.addf %add3A_513, %reshape3A_582 : vector<16xf32>
          %get3A_584 = arith.constant 0 : i32
          %get3A_585 = arith.index_cast %get3A_584 : i32 to index
          %get3A_586 = arith.index_cast %add3A_559 : i32 to index
          %get3A_587 = arith.constant 48 : index
          %get3A_588 = tpu.vector_load %arg8[%get3A_585, %get3A_586, %get3A_587] {strides = array<i32>} : memref<2x256x128xf32, #tpu.memory_space<vmem>>, vector<1x1x16xf32>,
          %get3A_589 = vector.shape_cast %get3A_588 : vector<1x1x16xf32> to vector<1x16xf32>
          %reshape3A_590 = vector.shape_cast %get3A_589 : vector<1x16xf32> to vector<16xf32>
          %add3A_591 = arith.addf %add3A_521, %reshape3A_590 : vector<16xf32>
          %get3A_592 = arith.constant 0 : i32
          %get3A_593 = arith.index_cast %get3A_592 : i32 to index
          %get3A_594 = arith.index_cast %add3A_559 : i32 to index
          %get3A_595 = arith.constant 64 : index
          %get3A_596 = tpu.vector_load %arg8[%get3A_593, %get3A_594, %get3A_595] {strides = array<i32>} : memref<2x256x128xf32, #tpu.memory_space<vmem>>, vector<1x1x16xf32>,
          %get3A_597 = vector.shape_cast %get3A_596 : vector<1x1x16xf32> to vector<1x16xf32>
          %reshape3A_598 = vector.shape_cast %get3A_597 : vector<1x16xf32> to vector<16xf32>
          %add3A_599 = arith.addf %add3A_529, %reshape3A_598 : vector<16xf32>
          %get3A_600 = arith.constant 0 : i32
          %get3A_601 = arith.index_cast %get3A_600 : i32 to index
          %get3A_602 = arith.index_cast %add3A_559 : i32 to index
          %get3A_603 = arith.constant 80 : index
          %get3A_604 = tpu.vector_load %arg8[%get3A_601, %get3A_602, %get3A_603] {strides = array<i32>} : memref<2x256x128xf32, #tpu.memory_space<vmem>>, vector<1x1x16xf32>,
          %get3A_605 = vector.shape_cast %get3A_604 : vector<1x1x16xf32> to vector<1x16xf32>
          %reshape3A_606 = vector.shape_cast %get3A_605 : vector<1x16xf32> to vector<16xf32>
          %add3A_607 = arith.addf %add3A_537, %reshape3A_606 : vector<16xf32>
          %get3A_608 = arith.constant 0 : i32
          %get3A_609 = arith.index_cast %get3A_608 : i32 to index
          %get3A_610 = arith.index_cast %add3A_559 : i32 to index
          %get3A_611 = arith.constant 96 : index
          %get3A_612 = tpu.vector_load %arg8[%get3A_609, %get3A_610, %get3A_611] {strides = array<i32>} : memref<2x256x128xf32, #tpu.memory_space<vmem>>, vector<1x1x16xf32>,
          %get3A_613 = vector.shape_cast %get3A_612 : vector<1x1x16xf32> to vector<1x16xf32>
          %reshape3A_614 = vector.shape_cast %get3A_613 : vector<1x16xf32> to vector<16xf32>
          %add3A_615 = arith.addf %add3A_545, %reshape3A_614 : vector<16xf32>
          %get3A_616 = arith.constant 0 : i32
          %get3A_617 = arith.index_cast %get3A_616 : i32 to index
          %get3A_618 = arith.index_cast %add3A_559 : i32 to index
          %get3A_619 = arith.constant 112 : index
          %get3A_620 = tpu.vector_load %arg8[%get3A_617, %get3A_618, %get3A_619] {strides = array<i32>} : memref<2x256x128xf32, #tpu.memory_space<vmem>>, vector<1x1x16xf32>,
          %get3A_621 = vector.shape_cast %get3A_620 : vector<1x1x16xf32> to vector<1x16xf32>
          %reshape3A_622 = vector.shape_cast %get3A_621 : vector<1x16xf32> to vector<16xf32>
          %add3A_623 = arith.addf %add3A_553, %reshape3A_622 : vector<16xf32>
          %mul3A_624 = arith.constant 4 : i32
          %mul3A_625 = arith.muli %mul3A_624, %scan3A_475 : i32
          %add3A_626 = arith.constant 128 : i32
          %add3A_627 = arith.addi %add3A_626, %mul3A_625 : i32
          %add3A_628 = arith.constant 2 : i32
          %add3A_629 = arith.addi %add3A_627, %add3A_628 : i32
          %get3A_630 = arith.constant 0 : i32
          %get3A_631 = arith.index_cast %get3A_630 : i32 to index
          %get3A_632 = arith.index_cast %add3A_629 : i32 to index
          %get3A_633 = arith.constant 0 : index
          %get3A_634 = tpu.vector_load %arg8[%get3A_631, %get3A_632, %get3A_633] {strides = array<i32>} : memref<2x256x128xf32, #tpu.memory_space<vmem>>, vector<1x1x16xf32>,
          %get3A_635 = vector.shape_cast %get3A_634 : vector<1x1x16xf32> to vector<1x16xf32>
          %reshape3A_636 = vector.shape_cast %get3A_635 : vector<1x16xf32> to vector<16xf32>
          %add3A_637 = arith.addf %add3A_567, %reshape3A_636 : vector<16xf32>
          %get3A_638 = arith.constant 0 : i32
          %get3A_639 = arith.index_cast %get3A_638 : i32 to index
          %get3A_640 = arith.index_cast %add3A_629 : i32 to index
          %get3A_641 = arith.constant 16 : index
          %get3A_642 = tpu.vector_load %arg8[%get3A_639, %get3A_640, %get3A_641] {strides = array<i32>} : memref<2x256x128xf32, #tpu.memory_space<vmem>>, vector<1x1x16xf32>,
          %get3A_643 = vector.shape_cast %get3A_642 : vector<1x1x16xf32> to vector<1x16xf32>
          %reshape3A_644 = vector.shape_cast %get3A_643 : vector<1x16xf32> to vector<16xf32>
          %add3A_645 = arith.addf %add3A_575, %reshape3A_644 : vector<16xf32>
          %get3A_646 = arith.constant 0 : i32
          %get3A_647 = arith.index_cast %get3A_646 : i32 to index
          %get3A_648 = arith.index_cast %add3A_629 : i32 to index
          %get3A_649 = arith.constant 32 : index
          %get3A_650 = tpu.vector_load %arg8[%get3A_647, %get3A_648, %get3A_649] {strides = array<i32>} : memref<2x256x128xf32, #tpu.memory_space<vmem>>, vector<1x1x16xf32>,
          %get3A_651 = vector.shape_cast %get3A_650 : vector<1x1x16xf32> to vector<1x16xf32>
          %reshape3A_652 = vector.shape_cast %get3A_651 : vector<1x16xf32> to vector<16xf32>
          %add3A_653 = arith.addf %add3A_583, %reshape3A_652 : vector<16xf32>
          %get3A_654 = arith.constant 0 : i32
          %get3A_655 = arith.index_cast %get3A_654 : i32 to index
          %get3A_656 = arith.index_cast %add3A_629 : i32 to index
          %get3A_657 = arith.constant 48 : index
          %get3A_658 = tpu.vector_load %arg8[%get3A_655, %get3A_656, %get3A_657] {strides = array<i32>} : memref<2x256x128xf32, #tpu.memory_space<vmem>>, vector<1x1x16xf32>,
          %get3A_659 = vector.shape_cast %get3A_658 : vector<1x1x16xf32> to vector<1x16xf32>
          %reshape3A_660 = vector.shape_cast %get3A_659 : vector<1x16xf32> to vector<16xf32>
          %add3A_661 = arith.addf %add3A_591, %reshape3A_660 : vector<16xf32>
          %get3A_662 = arith.constant 0 : i32
          %get3A_663 = arith.index_cast %get3A_662 : i32 to index
          %get3A_664 = arith.index_cast %add3A_629 : i32 to index
          %get3A_665 = arith.constant 64 : index
          %get3A_666 = tpu.vector_load %arg8[%get3A_663, %get3A_664, %get3A_665] {strides = array<i32>} : memref<2x256x128xf32, #tpu.memory_space<vmem>>, vector<1x1x16xf32>,
          %get3A_667 = vector.shape_cast %get3A_666 : vector<1x1x16xf32> to vector<1x16xf32>
          %reshape3A_668 = vector.shape_cast %get3A_667 : vector<1x16xf32> to vector<16xf32>
          %add3A_669 = arith.addf %add3A_599, %reshape3A_668 : vector<16xf32>
          %get3A_670 = arith.constant 0 : i32
          %get3A_671 = arith.index_cast %get3A_670 : i32 to index
          %get3A_672 = arith.index_cast %add3A_629 : i32 to index
          %get3A_673 = arith.constant 80 : index
          %get3A_674 = tpu.vector_load %arg8[%get3A_671, %get3A_672, %get3A_673] {strides = array<i32>} : memref<2x256x128xf32, #tpu.memory_space<vmem>>, vector<1x1x16xf32>,
          %get3A_675 = vector.shape_cast %get3A_674 : vector<1x1x16xf32> to vector<1x16xf32>
          %reshape3A_676 = vector.shape_cast %get3A_675 : vector<1x16xf32> to vector<16xf32>
          %add3A_677 = arith.addf %add3A_607, %reshape3A_676 : vector<16xf32>
          %get3A_678 = arith.constant 0 : i32
          %get3A_679 = arith.index_cast %get3A_678 : i32 to index
          %get3A_680 = arith.index_cast %add3A_629 : i32 to index
          %get3A_681 = arith.constant 96 : index
          %get3A_682 = tpu.vector_load %arg8[%get3A_679, %get3A_680, %get3A_681] {strides = array<i32>} : memref<2x256x128xf32, #tpu.memory_space<vmem>>, vector<1x1x16xf32>,
          %get3A_683 = vector.shape_cast %get3A_682 : vector<1x1x16xf32> to vector<1x16xf32>
          %reshape3A_684 = vector.shape_cast %get3A_683 : vector<1x16xf32> to vector<16xf32>
          %add3A_685 = arith.addf %add3A_615, %reshape3A_684 : vector<16xf32>
          %get3A_686 = arith.constant 0 : i32
          %get3A_687 = arith.index_cast %get3A_686 : i32 to index
          %get3A_688 = arith.index_cast %add3A_629 : i32 to index
          %get3A_689 = arith.constant 112 : index
          %get3A_690 = tpu.vector_load %arg8[%get3A_687, %get3A_688, %get3A_689] {strides = array<i32>} : memref<2x256x128xf32, #tpu.memory_space<vmem>>, vector<1x1x16xf32>,
          %get3A_691 = vector.shape_cast %get3A_690 : vector<1x1x16xf32> to vector<1x16xf32>
          %reshape3A_692 = vector.shape_cast %get3A_691 : vector<1x16xf32> to vector<16xf32>
          %add3A_693 = arith.addf %add3A_623, %reshape3A_692 : vector<16xf32>
          %mul3A_694 = arith.constant 4 : i32
          %mul3A_695 = arith.muli %mul3A_694, %scan3A_475 : i32
          %add3A_696 = arith.constant 128 : i32
          %add3A_697 = arith.addi %add3A_696, %mul3A_695 : i32
          %add3A_698 = arith.constant 3 : i32
          %add3A_699 = arith.addi %add3A_697, %add3A_698 : i32
          %get3A_700 = arith.constant 0 : i32
          %get3A_701 = arith.index_cast %get3A_700 : i32 to index
          %get3A_702 = arith.index_cast %add3A_699 : i32 to index
          %get3A_703 = arith.constant 0 : index
          %get3A_704 = tpu.vector_load %arg8[%get3A_701, %get3A_702, %get3A_703] {strides = array<i32>} : memref<2x256x128xf32, #tpu.memory_space<vmem>>, vector<1x1x16xf32>,
          %get3A_705 = vector.shape_cast %get3A_704 : vector<1x1x16xf32> to vector<1x16xf32>
          %reshape3A_706 = vector.shape_cast %get3A_705 : vector<1x16xf32> to vector<16xf32>
          %add3A_707 = arith.addf %add3A_637, %reshape3A_706 : vector<16xf32>
          %get3A_708 = arith.constant 0 : i32
          %get3A_709 = arith.index_cast %get3A_708 : i32 to index
          %get3A_710 = arith.index_cast %add3A_699 : i32 to index
          %get3A_711 = arith.constant 16 : index
          %get3A_712 = tpu.vector_load %arg8[%get3A_709, %get3A_710, %get3A_711] {strides = array<i32>} : memref<2x256x128xf32, #tpu.memory_space<vmem>>, vector<1x1x16xf32>,
          %get3A_713 = vector.shape_cast %get3A_712 : vector<1x1x16xf32> to vector<1x16xf32>
          %reshape3A_714 = vector.shape_cast %get3A_713 : vector<1x16xf32> to vector<16xf32>
          %add3A_715 = arith.addf %add3A_645, %reshape3A_714 : vector<16xf32>
          %get3A_716 = arith.constant 0 : i32
          %get3A_717 = arith.index_cast %get3A_716 : i32 to index
          %get3A_718 = arith.index_cast %add3A_699 : i32 to index
          %get3A_719 = arith.constant 32 : index
          %get3A_720 = tpu.vector_load %arg8[%get3A_717, %get3A_718, %get3A_719] {strides = array<i32>} : memref<2x256x128xf32, #tpu.memory_space<vmem>>, vector<1x1x16xf32>,
          %get3A_721 = vector.shape_cast %get3A_720 : vector<1x1x16xf32> to vector<1x16xf32>
          %reshape3A_722 = vector.shape_cast %get3A_721 : vector<1x16xf32> to vector<16xf32>
          %add3A_723 = arith.addf %add3A_653, %reshape3A_722 : vector<16xf32>
          %get3A_724 = arith.constant 0 : i32
          %get3A_725 = arith.index_cast %get3A_724 : i32 to index
          %get3A_726 = arith.index_cast %add3A_699 : i32 to index
          %get3A_727 = arith.constant 48 : index
          %get3A_728 = tpu.vector_load %arg8[%get3A_725, %get3A_726, %get3A_727] {strides = array<i32>} : memref<2x256x128xf32, #tpu.memory_space<vmem>>, vector<1x1x16xf32>,
          %get3A_729 = vector.shape_cast %get3A_728 : vector<1x1x16xf32> to vector<1x16xf32>
          %reshape3A_730 = vector.shape_cast %get3A_729 : vector<1x16xf32> to vector<16xf32>
          %add3A_731 = arith.addf %add3A_661, %reshape3A_730 : vector<16xf32>
          %get3A_732 = arith.constant 0 : i32
          %get3A_733 = arith.index_cast %get3A_732 : i32 to index
          %get3A_734 = arith.index_cast %add3A_699 : i32 to index
          %get3A_735 = arith.constant 64 : index
          %get3A_736 = tpu.vector_load %arg8[%get3A_733, %get3A_734, %get3A_735] {strides = array<i32>} : memref<2x256x128xf32, #tpu.memory_space<vmem>>, vector<1x1x16xf32>,
          %get3A_737 = vector.shape_cast %get3A_736 : vector<1x1x16xf32> to vector<1x16xf32>
          %reshape3A_738 = vector.shape_cast %get3A_737 : vector<1x16xf32> to vector<16xf32>
          %add3A_739 = arith.addf %add3A_669, %reshape3A_738 : vector<16xf32>
          %get3A_740 = arith.constant 0 : i32
          %get3A_741 = arith.index_cast %get3A_740 : i32 to index
          %get3A_742 = arith.index_cast %add3A_699 : i32 to index
          %get3A_743 = arith.constant 80 : index
          %get3A_744 = tpu.vector_load %arg8[%get3A_741, %get3A_742, %get3A_743] {strides = array<i32>} : memref<2x256x128xf32, #tpu.memory_space<vmem>>, vector<1x1x16xf32>,
          %get3A_745 = vector.shape_cast %get3A_744 : vector<1x1x16xf32> to vector<1x16xf32>
          %reshape3A_746 = vector.shape_cast %get3A_745 : vector<1x16xf32> to vector<16xf32>
          %add3A_747 = arith.addf %add3A_677, %reshape3A_746 : vector<16xf32>
          %get3A_748 = arith.constant 0 : i32
          %get3A_749 = arith.index_cast %get3A_748 : i32 to index
          %get3A_750 = arith.index_cast %add3A_699 : i32 to index
          %get3A_751 = arith.constant 96 : index
          %get3A_752 = tpu.vector_load %arg8[%get3A_749, %get3A_750, %get3A_751] {strides = array<i32>} : memref<2x256x128xf32, #tpu.memory_space<vmem>>, vector<1x1x16xf32>,
          %get3A_753 = vector.shape_cast %get3A_752 : vector<1x1x16xf32> to vector<1x16xf32>
          %reshape3A_754 = vector.shape_cast %get3A_753 : vector<1x16xf32> to vector<16xf32>
          %add3A_755 = arith.addf %add3A_685, %reshape3A_754 : vector<16xf32>
          %get3A_756 = arith.constant 0 : i32
          %get3A_757 = arith.index_cast %get3A_756 : i32 to index
          %get3A_758 = arith.index_cast %add3A_699 : i32 to index
          %get3A_759 = arith.constant 112 : index
          %get3A_760 = tpu.vector_load %arg8[%get3A_757, %get3A_758, %get3A_759] {strides = array<i32>} : memref<2x256x128xf32, #tpu.memory_space<vmem>>, vector<1x1x16xf32>,
          %get3A_761 = vector.shape_cast %get3A_760 : vector<1x1x16xf32> to vector<1x16xf32>
          %reshape3A_762 = vector.shape_cast %get3A_761 : vector<1x16xf32> to vector<16xf32>
          %add3A_763 = arith.addf %add3A_693, %reshape3A_762 : vector<16xf32>
          scf.yield %add3A_707, %add3A_715, %add3A_723, %add3A_731, %add3A_739, %add3A_747, %add3A_755, %add3A_763 : vector<16xf32>, vector<16xf32>, vector<16xf32>, vector<16xf32>, vector<16xf32>, vector<16xf32>, vector<16xf32>, vector<16xf32>
        }
        %scan3A_415 = arith.constant 32 : i32
        %swap3A_416 = arith.constant 1 : i32
        %swap3A_417 = arith.index_cast %swap3A_416 : i32 to index
        %swap3A_418 = arith.constant 0 : index
        %swap3A_419 = tpu.vector_load %arg11[%swap3A_417, %swap3A_418] {strides = array<i32>} : memref<16x128xf32, #tpu.memory_space<vmem>>, vector<1x16xf32>,
        %swap3A_420 = vector.shape_cast %swap3A_419 : vector<1x16xf32> to vector<16xf32>
        %swap3A_421 = vector.shape_cast %scan3A_414#0 : vector<16xf32> to vector<1x16xf32>
        tpu.vector_store %arg11[%swap3A_417, %swap3A_418], %swap3A_421 {strides = array<i32>} : memref<16x128xf32, #tpu.memory_space<vmem>>, vector<1x16xf32>,
        %swap3A_422 = arith.constant 1 : i32
        %swap3A_423 = arith.index_cast %swap3A_422 : i32 to index
        %swap3A_424 = arith.constant 16 : index
        %swap3A_425 = tpu.vector_load %arg11[%swap3A_423, %swap3A_424] {strides = array<i32>} : memref<16x128xf32, #tpu.memory_space<vmem>>, vector<1x16xf32>,
        %swap3A_426 = vector.shape_cast %swap3A_425 : vector<1x16xf32> to vector<16xf32>
        %swap3A_427 = vector.shape_cast %scan3A_414#1 : vector<16xf32> to vector<1x16xf32>
        tpu.vector_store %arg11[%swap3A_423, %swap3A_424], %swap3A_427 {strides = array<i32>} : memref<16x128xf32, #tpu.memory_space<vmem>>, vector<1x16xf32>,
        %swap3A_428 = arith.constant 1 : i32
        %swap3A_429 = arith.index_cast %swap3A_428 : i32 to index
        %swap3A_430 = arith.constant 32 : index
        %swap3A_431 = tpu.vector_load %arg11[%swap3A_429, %swap3A_430] {strides = array<i32>} : memref<16x128xf32, #tpu.memory_space<vmem>>, vector<1x16xf32>,
        %swap3A_432 = vector.shape_cast %swap3A_431 : vector<1x16xf32> to vector<16xf32>
        %swap3A_433 = vector.shape_cast %scan3A_414#2 : vector<16xf32> to vector<1x16xf32>
        tpu.vector_store %arg11[%swap3A_429, %swap3A_430], %swap3A_433 {strides = array<i32>} : memref<16x128xf32, #tpu.memory_space<vmem>>, vector<1x16xf32>,
        %swap3A_434 = arith.constant 1 : i32
        %swap3A_435 = arith.index_cast %swap3A_434 : i32 to index
        %swap3A_436 = arith.constant 48 : index
        %swap3A_437 = tpu.vector_load %arg11[%swap3A_435, %swap3A_436] {strides = array<i32>} : memref<16x128xf32, #tpu.memory_space<vmem>>, vector<1x16xf32>,
        %swap3A_438 = vector.shape_cast %swap3A_437 : vector<1x16xf32> to vector<16xf32>
        %swap3A_439 = vector.shape_cast %scan3A_414#3 : vector<16xf32> to vector<1x16xf32>
        tpu.vector_store %arg11[%swap3A_435, %swap3A_436], %swap3A_439 {strides = array<i32>} : memref<16x128xf32, #tpu.memory_space<vmem>>, vector<1x16xf32>,
        %swap3A_440 = arith.constant 1 : i32
        %swap3A_441 = arith.index_cast %swap3A_440 : i32 to index
        %swap3A_442 = arith.constant 64 : index
        %swap3A_443 = tpu.vector_load %arg11[%swap3A_441, %swap3A_442] {strides = array<i32>} : memref<16x128xf32, #tpu.memory_space<vmem>>, vector<1x16xf32>,
        %swap3A_444 = vector.shape_cast %swap3A_443 : vector<1x16xf32> to vector<16xf32>
        %swap3A_445 = vector.shape_cast %scan3A_414#4 : vector<16xf32> to vector<1x16xf32>
        tpu.vector_store %arg11[%swap3A_441, %swap3A_442], %swap3A_445 {strides = array<i32>} : memref<16x128xf32, #tpu.memory_space<vmem>>, vector<1x16xf32>,
        %swap3A_446 = arith.constant 1 : i32
        %swap3A_447 = arith.index_cast %swap3A_446 : i32 to index
        %swap3A_448 = arith.constant 80 : index
        %swap3A_449 = tpu.vector_load %arg11[%swap3A_447, %swap3A_448] {strides = array<i32>} : memref<16x128xf32, #tpu.memory_space<vmem>>, vector<1x16xf32>,
        %swap3A_450 = vector.shape_cast %swap3A_449 : vector<1x16xf32> to vector<16xf32>
        %swap3A_451 = vector.shape_cast %scan3A_414#5 : vector<16xf32> to vector<1x16xf32>
        tpu.vector_store %arg11[%swap3A_447, %swap3A_448], %swap3A_451 {strides = array<i32>} : memref<16x128xf32, #tpu.memory_space<vmem>>, vector<1x16xf32>,
        %swap3A_452 = arith.constant 1 : i32
        %swap3A_453 = arith.index_cast %swap3A_452 : i32 to index
        %swap3A_454 = arith.constant 96 : index
        %swap3A_455 = tpu.vector_load %arg11[%swap3A_453, %swap3A_454] {strides = array<i32>} : memref<16x128xf32, #tpu.memory_space<vmem>>, vector<1x16xf32>,
        %swap3A_456 = vector.shape_cast %swap3A_455 : vector<1x16xf32> to vector<16xf32>
        %swap3A_457 = vector.shape_cast %scan3A_414#6 : vector<16xf32> to vector<1x16xf32>
        tpu.vector_store %arg11[%swap3A_453, %swap3A_454], %swap3A_457 {strides = array<i32>} : memref<16x128xf32, #tpu.memory_space<vmem>>, vector<1x16xf32>,
        %swap3A_458 = arith.constant 1 : i32
        %swap3A_459 = arith.index_cast %swap3A_458 : i32 to index
        %swap3A_460 = arith.constant 112 : index
        %swap3A_461 = tpu.vector_load %arg11[%swap3A_459, %swap3A_460] {strides = array<i32>} : memref<16x128xf32, #tpu.memory_space<vmem>>, vector<1x16xf32>,
        %swap3A_462 = vector.shape_cast %swap3A_461 : vector<1x16xf32> to vector<16xf32>
        %swap3A_463 = vector.shape_cast %scan3A_414#7 : vector<16xf32> to vector<1x16xf32>
        tpu.vector_store %arg11[%swap3A_459, %swap3A_460], %swap3A_463 {strides = array<i32>} : memref<16x128xf32, #tpu.memory_space<vmem>>, vector<1x16xf32>,
        %eq3A_464 = arith.constant 1 : i32
        %eq3A_465 = vector.broadcast %eq3A_464 : i32 to vector<16xi32>
        %eq3A_466 = arith.cmpi eq, %iota3A, %eq3A_465 : vector<16xi32>
        %get3A_467 = arith.constant 0 : index
        %get3A_468 = tpu.vector_load %arg12[%get3A_467] {strides = array<i32>} : memref<16xi32, #tpu.memory_space<vmem>>, vector<16xi32>,
        %get3A_469 = vector.shape_cast %get3A_468 : vector<16xi32> to vector<16xi32>
        %select_n3A_470 = arith.select %eq3A_466, %reshape3A_286, %get3A_469 : vector<16xi1>, vector<16xi32>
        %swap3A_471 = arith.constant 0 : index
        %swap3A_472 = tpu.vector_load %arg12[%swap3A_471] {strides = array<i32>} : memref<16xi32, #tpu.memory_space<vmem>>, vector<16xi32>,
        %swap3A_473 = vector.shape_cast %swap3A_472 : vector<16xi32> to vector<16xi32>
        %swap3A_474 = vector.shape_cast %select_n3A_470 : vector<16xi32> to vector<16xi32>
        tpu.vector_store %arg12[%swap3A_471], %swap3A_474 {strides = array<i32>} : memref<16xi32, #tpu.memory_space<vmem>>, vector<16xi32>,
      } else {
      }
      %not3A_300 = arith.constant true
      %not3A_301 = arith.xori %eq3A_296, %not3A_300 : i1
      %convert_element_type3A_302 = arith.extui %not3A_301 : i1 to i32
      %cond3A_303 = arith.constant 0 : i32
      %cond3A_304 = arith.cmpi ne, %convert_element_type3A_302, %cond3A_303 : i32
      scf.if %cond3A_304 {
        %run_scoped3A = arith.constant 0 : i32
        "tpu.region"() ({
          %run_scoped3A_395 = tpu.sem_alloc : memref<!tpu.dma_semaphore, #tpu.memory_space<semaphore_mem>>
          %dma_start3A_396 = arith.constant 128 : i32
          %dma_start3A_397 = arith.constant 0 : i32
          %dma_start3A_398 = tpu.memref_slice %arg8[%run_scoped3A, %dma_start3A_396, %dma_start3A_397] : memref<2x256x128xf32, #tpu.memory_space<vmem>> -> memref<1x128x128xf32, #tpu.memory_space<vmem>>
          %dma_start3A_399 = tpu.memref_squeeze %dma_start3A_398 : memref<1x128x128xf32, #tpu.memory_space<vmem>> -> memref<128x128xf32, #tpu.memory_space<vmem>>
          %dma_start3A_400 = arith.constant 0 : i32
          %dma_start3A_401 = tpu.memref_slice %arg9[%add3A_281, %dma_start3A_400] : memref<196x128xi32, #tpu.memory_space<vmem>> -> memref<1x128xi32, #tpu.memory_space<vmem>>
          %dma_start3A_402 = tpu.memref_squeeze %dma_start3A_401 : memref<1x128xi32, #tpu.memory_space<vmem>> -> memref<128xi32, #tpu.memory_space<vmem>>
          %dma_start3A_403 = arith.constant 0 : i32
          %dma_start3A_404 = arith.constant 0 : i32
          %dma_start3A_405 = tpu.memref_slice %arg14[%dma_start3A_403, %dma_start3A_404] : memref<1032x128xf32, #tpu.memory_space<vmem_shared>> -> memref<1032x128xf32, #tpu.memory_space<vmem_shared>>
          tpu.enqueue_indirect_dma source(%dma_start3A_399 : memref<128x128xf32, #tpu.memory_space<vmem>>) target(%dma_start3A_405 : memref<1032x128xf32, #tpu.memory_space<vmem_shared>>) offsets(%dma_start3A_402 : memref<128xi32, #tpu.memory_space<vmem>>) semaphore(%run_scoped3A_395 : memref<!tpu.dma_semaphore, #tpu.memory_space<semaphore_mem>>) {add = true}
          %dma_wait3A_406 = arith.constant 128 : i32
          %dma_wait3A_407 = arith.constant 0 : i32
          %dma_wait3A_408 = tpu.memref_slice %arg8[%run_scoped3A, %dma_wait3A_406, %dma_wait3A_407] : memref<2x256x128xf32, #tpu.memory_space<vmem>> -> memref<1x128x128xf32, #tpu.memory_space<vmem>>
          %dma_wait3A_409 = tpu.memref_squeeze %dma_wait3A_408 : memref<1x128x128xf32, #tpu.memory_space<vmem>> -> memref<128x128xf32, #tpu.memory_space<vmem>>
          %dma_wait3A_410 = arith.constant 0 : i32
          %dma_wait3A_411 = tpu.memref_slice %arg9[%add3A_281, %dma_wait3A_410] : memref<196x128xi32, #tpu.memory_space<vmem>> -> memref<1x128xi32, #tpu.memory_space<vmem>>
          %dma_wait3A_412 = tpu.memref_squeeze %dma_wait3A_411 : memref<1x128xi32, #tpu.memory_space<vmem>> -> memref<128xi32, #tpu.memory_space<vmem>>
          %dma_wait3A_413 = arith.constant 0 : i32
          %dma_wait3A_414 = arith.constant 0 : i32
          %dma_wait3A_415 = tpu.memref_slice %arg14[%dma_wait3A_413, %dma_wait3A_414] : memref<1032x128xf32, #tpu.memory_space<vmem_shared>> -> memref<1032x128xf32, #tpu.memory_space<vmem_shared>>
          tpu.wait_indirect_dma semaphore(%run_scoped3A_395 : memref<!tpu.dma_semaphore, #tpu.memory_space<semaphore_mem>>) src(%dma_wait3A_409 : memref<128x128xf32, #tpu.memory_space<vmem>>) dst(%dma_wait3A_415 : memref<1032x128xf32, #tpu.memory_space<vmem_shared>>)
          tpu.yield
        }) : () -> ()
      } else {
      }
      %add3A_305 = arith.constant 2 : i32
      %add3A_306 = arith.addi %mul3A_228, %add3A_305 : i32
      %lt3A_307 = arith.cmpi slt, %add3A_306, %select_n3A_135 : i32
      %convert_element_type3A_308 = arith.extui %lt3A_307 : i1 to i32
      %cond3A_309 = arith.constant 0 : i32
      %cond3A_310 = arith.cmpi ne, %convert_element_type3A_308, %cond3A_309 : i32
      scf.if %cond3A_310 {
        %add3A_395 = arith.constant 2 : i32
        %add3A_396 = arith.addi %mul3A_228, %add3A_395 : i32
        %mul3A_397 = arith.constant 256 : i32
        %mul3A_398 = arith.muli %add3A_396, %mul3A_397 : i32
        %add3A_399 = arith.addi %mul3A_34, %mul3A_398 : i32
        %min3A_400 = arith.constant 319744 : i32
        %min3A_401 = arith.minsi %add3A_399, %min3A_400 : i32
        %dma_start3A_402 = arith.constant 0 : i32
        %dma_start3A_403 = arith.constant 0 : i32
        %dma_start3A_404 = arith.constant 0 : i32
        %dma_start3A_405 = tpu.memref_slice %arg8[%dma_start3A_402, %dma_start3A_403, %dma_start3A_404] : memref<2x256x128xf32, #tpu.memory_space<vmem>> -> memref<1x256x128xf32, #tpu.memory_space<vmem>>
        %dma_start3A_406 = tpu.memref_squeeze %dma_start3A_405 : memref<1x256x128xf32, #tpu.memory_space<vmem>> -> memref<256x128xf32, #tpu.memory_space<vmem>>
        %dma_start3A_407 = arith.constant 0 : i32
        %dma_start3A_408 = tpu.memref_slice %arg2[%min3A_401, %dma_start3A_407] : memref<320000x128xf32, #tpu.memory_space<hbm>> -> memref<256x128xf32, #tpu.memory_space<hbm>>
        %dma_start3A_409 = arith.constant 0 : i32
        %dma_start3A_410 = arith.constant 0 : i32
        %dma_start3A_411 = tpu.memref_slice %arg8[%dma_start3A_402, %dma_start3A_409, %dma_start3A_410] : memref<2x256x128xf32, #tpu.memory_space<vmem>> -> memref<1x256x128xf32, #tpu.memory_space<vmem>>
        %dma_start3A_412 = tpu.memref_squeeze %dma_start3A_411 : memref<1x256x128xf32, #tpu.memory_space<vmem>> -> memref<256x128xf32, #tpu.memory_space<vmem>>
        %dma_start3A_413 = arith.constant 0 : i32
        %dma_start3A_414 = tpu.memref_slice %arg2[%min3A_401, %dma_start3A_413] : memref<320000x128xf32, #tpu.memory_space<hbm>> -> memref<256x128xf32, #tpu.memory_space<hbm>>
        tpu.enqueue_dma source(%dma_start3A_414 : memref<256x128xf32, #tpu.memory_space<hbm>>) target(%dma_start3A_412 : memref<256x128xf32, #tpu.memory_space<vmem>>) target_semaphore(%arg15 : memref<!tpu.dma_semaphore, #tpu.memory_space<semaphore_mem>>)
      } else {
      }
      %add3A_311 = arith.constant 1 : i32
      %add3A_312 = arith.addi %mul3A_228, %add3A_311 : i32
      %mul3A_313 = arith.constant 256 : i32
      %mul3A_314 = arith.muli %add3A_312, %mul3A_313 : i32
      %add3A_315 = arith.addi %mul3A_34, %mul3A_314 : i32
      %min3A_316 = arith.constant 319744 : i32
      %min3A_317 = arith.minsi %add3A_315, %min3A_316 : i32
      %dma_wait3A_318 = arith.constant 1 : i32
      %dma_wait3A_319 = arith.constant 0 : i32
      %dma_wait3A_320 = arith.constant 0 : i32
      %dma_wait3A_321 = tpu.memref_slice %arg8[%dma_wait3A_318, %dma_wait3A_319, %dma_wait3A_320] : memref<2x256x128xf32, #tpu.memory_space<vmem>> -> memref<1x256x128xf32, #tpu.memory_space<vmem>>
      %dma_wait3A_322 = tpu.memref_squeeze %dma_wait3A_321 : memref<1x256x128xf32, #tpu.memory_space<vmem>> -> memref<256x128xf32, #tpu.memory_space<vmem>>
      %dma_wait3A_323 = arith.constant 0 : i32
      %dma_wait3A_324 = tpu.memref_slice %arg2[%min3A_317, %dma_wait3A_323] : memref<320000x128xf32, #tpu.memory_space<hbm>> -> memref<256x128xf32, #tpu.memory_space<hbm>>
      %dma_wait3A_325 = arith.constant 0 : i32
      %dma_wait3A_326 = arith.constant 0 : i32
      %dma_wait3A_327 = tpu.memref_slice %arg8[%dma_wait3A_318, %dma_wait3A_325, %dma_wait3A_326] : memref<2x256x128xf32, #tpu.memory_space<vmem>> -> memref<1x256x128xf32, #tpu.memory_space<vmem>>
      %dma_wait3A_328 = tpu.memref_squeeze %dma_wait3A_327 : memref<1x256x128xf32, #tpu.memory_space<vmem>> -> memref<256x128xf32, #tpu.memory_space<vmem>>
      %dma_wait3A_329 = arith.constant 0 : i32
      %dma_wait3A_330 = tpu.memref_slice %arg2[%min3A_317, %dma_wait3A_329] : memref<320000x128xf32, #tpu.memory_space<hbm>> -> memref<256x128xf32, #tpu.memory_space<hbm>>
      tpu.wait_dma2 semaphore(%arg16 : memref<!tpu.dma_semaphore, #tpu.memory_space<semaphore_mem>>) src(%dma_wait3A_330 : memref<256x128xf32, #tpu.memory_space<hbm>>) dst(%dma_wait3A_328 : memref<256x128xf32, #tpu.memory_space<vmem>>)
      %add3A_331 = arith.constant 1 : i32
      %add3A_332 = arith.addi %mul3A_228, %add3A_331 : i32
      %mul3A_333 = arith.constant 2 : i32
      %mul3A_334 = arith.muli %add3A_332, %mul3A_333 : i32
      %add3A_335 = arith.addi %sub3A_96, %mul3A_334 : i32
      %add3A_336 = arith.constant 0 : i32
      %add3A_337 = arith.addi %add3A_335, %add3A_336 : i32
      %get3A_338 = arith.index_cast %add3A_337 : i32 to index
      %get3A_339 = arith.constant 0 : index
      %get3A_340 = tpu.vector_load %arg9[%get3A_338, %get3A_339] {strides = array<i32>} : memref<196x128xi32, #tpu.memory_space<vmem>>, vector<1x16xi32>,
      %get3A_341 = vector.shape_cast %get3A_340 : vector<1x16xi32> to vector<1x16xi32>
      %reshape3A_342 = vector.shape_cast %get3A_341 : vector<1x16xi32> to vector<16xi32>
      %get3A_343 = arith.index_cast %add3A_337 : i32 to index
      %get3A_344 = arith.constant 112 : index
      %get3A_345 = tpu.vector_load %arg9[%get3A_343, %get3A_344] {strides = array<i32>} : memref<196x128xi32, #tpu.memory_space<vmem>>, vector<1x16xi32>,
      %get3A_346 = vector.shape_cast %get3A_345 : vector<1x16xi32> to vector<1x16xi32>
      %reshape3A_347 = vector.shape_cast %get3A_346 : vector<1x16xi32> to vector<16xi32>
      %slice3A_348 = vector.extract_strided_slice %reshape3A_342 {offsets = [0], sizes = [1], strides = [1]} : vector<16xi32> to vector<1xi32>
      %squeeze3A_349 = vector.extract %slice3A_348[0] : i32 from vector<1xi32>
      %slice3A_350 = vector.extract_strided_slice %reshape3A_347 {offsets = [15], sizes = [1], strides = [1]} : vector<16xi32> to vector<1xi32>
      %squeeze3A_351 = vector.extract %slice3A_350[0] : i32 from vector<1xi32>
      %eq3A_352 = arith.cmpi eq, %squeeze3A_349, %squeeze3A_351 : i32
      %convert_element_type3A_353 = arith.extui %eq3A_352 : i1 to i32
      %cond3A_354 = arith.constant 0 : i32
      %cond3A_355 = arith.cmpi ne, %convert_element_type3A_353, %cond3A_354 : i32
      scf.if %cond3A_355 {
        %broadcast_in_dim3A_395 = arith.constant 0.000000e+00 : f32
        %broadcast_in_dim3A_396 = vector.broadcast %broadcast_in_dim3A_395 : f32 to vector<16xf32>
        %broadcast_in_dim3A_397 = arith.constant 0.000000e+00 : f32
        %broadcast_in_dim3A_398 = vector.broadcast %broadcast_in_dim3A_397 : f32 to vector<16xf32>
        %broadcast_in_dim3A_399 = arith.constant 0.000000e+00 : f32
        %broadcast_in_dim3A_400 = vector.broadcast %broadcast_in_dim3A_399 : f32 to vector<16xf32>
        %broadcast_in_dim3A_401 = arith.constant 0.000000e+00 : f32
        %broadcast_in_dim3A_402 = vector.broadcast %broadcast_in_dim3A_401 : f32 to vector<16xf32>
        %broadcast_in_dim3A_403 = arith.constant 0.000000e+00 : f32
        %broadcast_in_dim3A_404 = vector.broadcast %broadcast_in_dim3A_403 : f32 to vector<16xf32>
        %broadcast_in_dim3A_405 = arith.constant 0.000000e+00 : f32
        %broadcast_in_dim3A_406 = vector.broadcast %broadcast_in_dim3A_405 : f32 to vector<16xf32>
        %broadcast_in_dim3A_407 = arith.constant 0.000000e+00 : f32
        %broadcast_in_dim3A_408 = vector.broadcast %broadcast_in_dim3A_407 : f32 to vector<16xf32>
        %broadcast_in_dim3A_409 = arith.constant 0.000000e+00 : f32
        %broadcast_in_dim3A_410 = vector.broadcast %broadcast_in_dim3A_409 : f32 to vector<16xf32>
        %scan3A = arith.constant 0 : i32
        %scan3A_411 = arith.constant 32 : i32
        %scan3A_412 = arith.addi %scan3A, %scan3A_411 : i32
        %scan3A_413 = arith.constant 1 : i32
        %scan3A_414:8 = scf.for %scan3A_475 = %scan3A to %scan3A_412 step %scan3A_413 iter_args(%scan3A_476 = %broadcast_in_dim3A_396, %scan3A_477 = %broadcast_in_dim3A_398, %scan3A_478 = %broadcast_in_dim3A_400, %scan3A_479 = %broadcast_in_dim3A_402, %scan3A_480 = %broadcast_in_dim3A_404, %scan3A_481 = %broadcast_in_dim3A_406, %scan3A_482 = %broadcast_in_dim3A_408, %scan3A_483 = %broadcast_in_dim3A_410) -> (vector<16xf32>, vector<16xf32>, vector<16xf32>, vector<16xf32>, vector<16xf32>, vector<16xf32>, vector<16xf32>, vector<16xf32>)  : i32 {
          %mul3A_484 = arith.constant 4 : i32
          %mul3A_485 = arith.muli %mul3A_484, %scan3A_475 : i32
          %add3A_486 = arith.constant 0 : i32
          %add3A_487 = arith.addi %add3A_486, %mul3A_485 : i32
          %add3A_488 = arith.constant 0 : i32
          %add3A_489 = arith.addi %add3A_487, %add3A_488 : i32
          %get3A_490 = arith.constant 1 : i32
          %get3A_491 = arith.index_cast %get3A_490 : i32 to index
          %get3A_492 = arith.index_cast %add3A_489 : i32 to index
          %get3A_493 = arith.constant 0 : index
          %get3A_494 = tpu.vector_load %arg8[%get3A_491, %get3A_492, %get3A_493] {strides = array<i32>} : memref<2x256x128xf32, #tpu.memory_space<vmem>>, vector<1x1x16xf32>,
          %get3A_495 = vector.shape_cast %get3A_494 : vector<1x1x16xf32> to vector<1x16xf32>
          %reshape3A_496 = vector.shape_cast %get3A_495 : vector<1x16xf32> to vector<16xf32>
          %add3A_497 = arith.addf %scan3A_476, %reshape3A_496 : vector<16xf32>
          %get3A_498 = arith.constant 1 : i32
          %get3A_499 = arith.index_cast %get3A_498 : i32 to index
          %get3A_500 = arith.index_cast %add3A_489 : i32 to index
          %get3A_501 = arith.constant 16 : index
          %get3A_502 = tpu.vector_load %arg8[%get3A_499, %get3A_500, %get3A_501] {strides = array<i32>} : memref<2x256x128xf32, #tpu.memory_space<vmem>>, vector<1x1x16xf32>,
          %get3A_503 = vector.shape_cast %get3A_502 : vector<1x1x16xf32> to vector<1x16xf32>
          %reshape3A_504 = vector.shape_cast %get3A_503 : vector<1x16xf32> to vector<16xf32>
          %add3A_505 = arith.addf %scan3A_477, %reshape3A_504 : vector<16xf32>
          %get3A_506 = arith.constant 1 : i32
          %get3A_507 = arith.index_cast %get3A_506 : i32 to index
          %get3A_508 = arith.index_cast %add3A_489 : i32 to index
          %get3A_509 = arith.constant 32 : index
          %get3A_510 = tpu.vector_load %arg8[%get3A_507, %get3A_508, %get3A_509] {strides = array<i32>} : memref<2x256x128xf32, #tpu.memory_space<vmem>>, vector<1x1x16xf32>,
          %get3A_511 = vector.shape_cast %get3A_510 : vector<1x1x16xf32> to vector<1x16xf32>
          %reshape3A_512 = vector.shape_cast %get3A_511 : vector<1x16xf32> to vector<16xf32>
          %add3A_513 = arith.addf %scan3A_478, %reshape3A_512 : vector<16xf32>
          %get3A_514 = arith.constant 1 : i32
          %get3A_515 = arith.index_cast %get3A_514 : i32 to index
          %get3A_516 = arith.index_cast %add3A_489 : i32 to index
          %get3A_517 = arith.constant 48 : index
          %get3A_518 = tpu.vector_load %arg8[%get3A_515, %get3A_516, %get3A_517] {strides = array<i32>} : memref<2x256x128xf32, #tpu.memory_space<vmem>>, vector<1x1x16xf32>,
          %get3A_519 = vector.shape_cast %get3A_518 : vector<1x1x16xf32> to vector<1x16xf32>
          %reshape3A_520 = vector.shape_cast %get3A_519 : vector<1x16xf32> to vector<16xf32>
          %add3A_521 = arith.addf %scan3A_479, %reshape3A_520 : vector<16xf32>
          %get3A_522 = arith.constant 1 : i32
          %get3A_523 = arith.index_cast %get3A_522 : i32 to index
          %get3A_524 = arith.index_cast %add3A_489 : i32 to index
          %get3A_525 = arith.constant 64 : index
          %get3A_526 = tpu.vector_load %arg8[%get3A_523, %get3A_524, %get3A_525] {strides = array<i32>} : memref<2x256x128xf32, #tpu.memory_space<vmem>>, vector<1x1x16xf32>,
          %get3A_527 = vector.shape_cast %get3A_526 : vector<1x1x16xf32> to vector<1x16xf32>
          %reshape3A_528 = vector.shape_cast %get3A_527 : vector<1x16xf32> to vector<16xf32>
          %add3A_529 = arith.addf %scan3A_480, %reshape3A_528 : vector<16xf32>
          %get3A_530 = arith.constant 1 : i32
          %get3A_531 = arith.index_cast %get3A_530 : i32 to index
          %get3A_532 = arith.index_cast %add3A_489 : i32 to index
          %get3A_533 = arith.constant 80 : index
          %get3A_534 = tpu.vector_load %arg8[%get3A_531, %get3A_532, %get3A_533] {strides = array<i32>} : memref<2x256x128xf32, #tpu.memory_space<vmem>>, vector<1x1x16xf32>,
          %get3A_535 = vector.shape_cast %get3A_534 : vector<1x1x16xf32> to vector<1x16xf32>
          %reshape3A_536 = vector.shape_cast %get3A_535 : vector<1x16xf32> to vector<16xf32>
          %add3A_537 = arith.addf %scan3A_481, %reshape3A_536 : vector<16xf32>
          %get3A_538 = arith.constant 1 : i32
          %get3A_539 = arith.index_cast %get3A_538 : i32 to index
          %get3A_540 = arith.index_cast %add3A_489 : i32 to index
          %get3A_541 = arith.constant 96 : index
          %get3A_542 = tpu.vector_load %arg8[%get3A_539, %get3A_540, %get3A_541] {strides = array<i32>} : memref<2x256x128xf32, #tpu.memory_space<vmem>>, vector<1x1x16xf32>,
          %get3A_543 = vector.shape_cast %get3A_542 : vector<1x1x16xf32> to vector<1x16xf32>
          %reshape3A_544 = vector.shape_cast %get3A_543 : vector<1x16xf32> to vector<16xf32>
          %add3A_545 = arith.addf %scan3A_482, %reshape3A_544 : vector<16xf32>
          %get3A_546 = arith.constant 1 : i32
          %get3A_547 = arith.index_cast %get3A_546 : i32 to index
          %get3A_548 = arith.index_cast %add3A_489 : i32 to index
          %get3A_549 = arith.constant 112 : index
          %get3A_550 = tpu.vector_load %arg8[%get3A_547, %get3A_548, %get3A_549] {strides = array<i32>} : memref<2x256x128xf32, #tpu.memory_space<vmem>>, vector<1x1x16xf32>,
          %get3A_551 = vector.shape_cast %get3A_550 : vector<1x1x16xf32> to vector<1x16xf32>
          %reshape3A_552 = vector.shape_cast %get3A_551 : vector<1x16xf32> to vector<16xf32>
          %add3A_553 = arith.addf %scan3A_483, %reshape3A_552 : vector<16xf32>
          %mul3A_554 = arith.constant 4 : i32
          %mul3A_555 = arith.muli %mul3A_554, %scan3A_475 : i32
          %add3A_556 = arith.constant 0 : i32
          %add3A_557 = arith.addi %add3A_556, %mul3A_555 : i32
          %add3A_558 = arith.constant 1 : i32
          %add3A_559 = arith.addi %add3A_557, %add3A_558 : i32
          %get3A_560 = arith.constant 1 : i32
          %get3A_561 = arith.index_cast %get3A_560 : i32 to index
          %get3A_562 = arith.index_cast %add3A_559 : i32 to index
          %get3A_563 = arith.constant 0 : index
          %get3A_564 = tpu.vector_load %arg8[%get3A_561, %get3A_562, %get3A_563] {strides = array<i32>} : memref<2x256x128xf32, #tpu.memory_space<vmem>>, vector<1x1x16xf32>,
          %get3A_565 = vector.shape_cast %get3A_564 : vector<1x1x16xf32> to vector<1x16xf32>
          %reshape3A_566 = vector.shape_cast %get3A_565 : vector<1x16xf32> to vector<16xf32>
          %add3A_567 = arith.addf %add3A_497, %reshape3A_566 : vector<16xf32>
          %get3A_568 = arith.constant 1 : i32
          %get3A_569 = arith.index_cast %get3A_568 : i32 to index
          %get3A_570 = arith.index_cast %add3A_559 : i32 to index
          %get3A_571 = arith.constant 16 : index
          %get3A_572 = tpu.vector_load %arg8[%get3A_569, %get3A_570, %get3A_571] {strides = array<i32>} : memref<2x256x128xf32, #tpu.memory_space<vmem>>, vector<1x1x16xf32>,
          %get3A_573 = vector.shape_cast %get3A_572 : vector<1x1x16xf32> to vector<1x16xf32>
          %reshape3A_574 = vector.shape_cast %get3A_573 : vector<1x16xf32> to vector<16xf32>
          %add3A_575 = arith.addf %add3A_505, %reshape3A_574 : vector<16xf32>
          %get3A_576 = arith.constant 1 : i32
          %get3A_577 = arith.index_cast %get3A_576 : i32 to index
          %get3A_578 = arith.index_cast %add3A_559 : i32 to index
          %get3A_579 = arith.constant 32 : index
          %get3A_580 = tpu.vector_load %arg8[%get3A_577, %get3A_578, %get3A_579] {strides = array<i32>} : memref<2x256x128xf32, #tpu.memory_space<vmem>>, vector<1x1x16xf32>,
          %get3A_581 = vector.shape_cast %get3A_580 : vector<1x1x16xf32> to vector<1x16xf32>
          %reshape3A_582 = vector.shape_cast %get3A_581 : vector<1x16xf32> to vector<16xf32>
          %add3A_583 = arith.addf %add3A_513, %reshape3A_582 : vector<16xf32>
          %get3A_584 = arith.constant 1 : i32
          %get3A_585 = arith.index_cast %get3A_584 : i32 to index
          %get3A_586 = arith.index_cast %add3A_559 : i32 to index
          %get3A_587 = arith.constant 48 : index
          %get3A_588 = tpu.vector_load %arg8[%get3A_585, %get3A_586, %get3A_587] {strides = array<i32>} : memref<2x256x128xf32, #tpu.memory_space<vmem>>, vector<1x1x16xf32>,
          %get3A_589 = vector.shape_cast %get3A_588 : vector<1x1x16xf32> to vector<1x16xf32>
          %reshape3A_590 = vector.shape_cast %get3A_589 : vector<1x16xf32> to vector<16xf32>
          %add3A_591 = arith.addf %add3A_521, %reshape3A_590 : vector<16xf32>
          %get3A_592 = arith.constant 1 : i32
          %get3A_593 = arith.index_cast %get3A_592 : i32 to index
          %get3A_594 = arith.index_cast %add3A_559 : i32 to index
          %get3A_595 = arith.constant 64 : index
          %get3A_596 = tpu.vector_load %arg8[%get3A_593, %get3A_594, %get3A_595] {strides = array<i32>} : memref<2x256x128xf32, #tpu.memory_space<vmem>>, vector<1x1x16xf32>,
          %get3A_597 = vector.shape_cast %get3A_596 : vector<1x1x16xf32> to vector<1x16xf32>
          %reshape3A_598 = vector.shape_cast %get3A_597 : vector<1x16xf32> to vector<16xf32>
          %add3A_599 = arith.addf %add3A_529, %reshape3A_598 : vector<16xf32>
          %get3A_600 = arith.constant 1 : i32
          %get3A_601 = arith.index_cast %get3A_600 : i32 to index
          %get3A_602 = arith.index_cast %add3A_559 : i32 to index
          %get3A_603 = arith.constant 80 : index
          %get3A_604 = tpu.vector_load %arg8[%get3A_601, %get3A_602, %get3A_603] {strides = array<i32>} : memref<2x256x128xf32, #tpu.memory_space<vmem>>, vector<1x1x16xf32>,
          %get3A_605 = vector.shape_cast %get3A_604 : vector<1x1x16xf32> to vector<1x16xf32>
          %reshape3A_606 = vector.shape_cast %get3A_605 : vector<1x16xf32> to vector<16xf32>
          %add3A_607 = arith.addf %add3A_537, %reshape3A_606 : vector<16xf32>
          %get3A_608 = arith.constant 1 : i32
          %get3A_609 = arith.index_cast %get3A_608 : i32 to index
          %get3A_610 = arith.index_cast %add3A_559 : i32 to index
          %get3A_611 = arith.constant 96 : index
          %get3A_612 = tpu.vector_load %arg8[%get3A_609, %get3A_610, %get3A_611] {strides = array<i32>} : memref<2x256x128xf32, #tpu.memory_space<vmem>>, vector<1x1x16xf32>,
          %get3A_613 = vector.shape_cast %get3A_612 : vector<1x1x16xf32> to vector<1x16xf32>
          %reshape3A_614 = vector.shape_cast %get3A_613 : vector<1x16xf32> to vector<16xf32>
          %add3A_615 = arith.addf %add3A_545, %reshape3A_614 : vector<16xf32>
          %get3A_616 = arith.constant 1 : i32
          %get3A_617 = arith.index_cast %get3A_616 : i32 to index
          %get3A_618 = arith.index_cast %add3A_559 : i32 to index
          %get3A_619 = arith.constant 112 : index
          %get3A_620 = tpu.vector_load %arg8[%get3A_617, %get3A_618, %get3A_619] {strides = array<i32>} : memref<2x256x128xf32, #tpu.memory_space<vmem>>, vector<1x1x16xf32>,
          %get3A_621 = vector.shape_cast %get3A_620 : vector<1x1x16xf32> to vector<1x16xf32>
          %reshape3A_622 = vector.shape_cast %get3A_621 : vector<1x16xf32> to vector<16xf32>
          %add3A_623 = arith.addf %add3A_553, %reshape3A_622 : vector<16xf32>
          %mul3A_624 = arith.constant 4 : i32
          %mul3A_625 = arith.muli %mul3A_624, %scan3A_475 : i32
          %add3A_626 = arith.constant 0 : i32
          %add3A_627 = arith.addi %add3A_626, %mul3A_625 : i32
          %add3A_628 = arith.constant 2 : i32
          %add3A_629 = arith.addi %add3A_627, %add3A_628 : i32
          %get3A_630 = arith.constant 1 : i32
          %get3A_631 = arith.index_cast %get3A_630 : i32 to index
          %get3A_632 = arith.index_cast %add3A_629 : i32 to index
          %get3A_633 = arith.constant 0 : index
          %get3A_634 = tpu.vector_load %arg8[%get3A_631, %get3A_632, %get3A_633] {strides = array<i32>} : memref<2x256x128xf32, #tpu.memory_space<vmem>>, vector<1x1x16xf32>,
          %get3A_635 = vector.shape_cast %get3A_634 : vector<1x1x16xf32> to vector<1x16xf32>
          %reshape3A_636 = vector.shape_cast %get3A_635 : vector<1x16xf32> to vector<16xf32>
          %add3A_637 = arith.addf %add3A_567, %reshape3A_636 : vector<16xf32>
          %get3A_638 = arith.constant 1 : i32
          %get3A_639 = arith.index_cast %get3A_638 : i32 to index
          %get3A_640 = arith.index_cast %add3A_629 : i32 to index
          %get3A_641 = arith.constant 16 : index
          %get3A_642 = tpu.vector_load %arg8[%get3A_639, %get3A_640, %get3A_641] {strides = array<i32>} : memref<2x256x128xf32, #tpu.memory_space<vmem>>, vector<1x1x16xf32>,
          %get3A_643 = vector.shape_cast %get3A_642 : vector<1x1x16xf32> to vector<1x16xf32>
          %reshape3A_644 = vector.shape_cast %get3A_643 : vector<1x16xf32> to vector<16xf32>
          %add3A_645 = arith.addf %add3A_575, %reshape3A_644 : vector<16xf32>
          %get3A_646 = arith.constant 1 : i32
          %get3A_647 = arith.index_cast %get3A_646 : i32 to index
          %get3A_648 = arith.index_cast %add3A_629 : i32 to index
          %get3A_649 = arith.constant 32 : index
          %get3A_650 = tpu.vector_load %arg8[%get3A_647, %get3A_648, %get3A_649] {strides = array<i32>} : memref<2x256x128xf32, #tpu.memory_space<vmem>>, vector<1x1x16xf32>,
          %get3A_651 = vector.shape_cast %get3A_650 : vector<1x1x16xf32> to vector<1x16xf32>
          %reshape3A_652 = vector.shape_cast %get3A_651 : vector<1x16xf32> to vector<16xf32>
          %add3A_653 = arith.addf %add3A_583, %reshape3A_652 : vector<16xf32>
          %get3A_654 = arith.constant 1 : i32
          %get3A_655 = arith.index_cast %get3A_654 : i32 to index
          %get3A_656 = arith.index_cast %add3A_629 : i32 to index
          %get3A_657 = arith.constant 48 : index
          %get3A_658 = tpu.vector_load %arg8[%get3A_655, %get3A_656, %get3A_657] {strides = array<i32>} : memref<2x256x128xf32, #tpu.memory_space<vmem>>, vector<1x1x16xf32>,
          %get3A_659 = vector.shape_cast %get3A_658 : vector<1x1x16xf32> to vector<1x16xf32>
          %reshape3A_660 = vector.shape_cast %get3A_659 : vector<1x16xf32> to vector<16xf32>
          %add3A_661 = arith.addf %add3A_591, %reshape3A_660 : vector<16xf32>
          %get3A_662 = arith.constant 1 : i32
          %get3A_663 = arith.index_cast %get3A_662 : i32 to index
          %get3A_664 = arith.index_cast %add3A_629 : i32 to index
          %get3A_665 = arith.constant 64 : index
          %get3A_666 = tpu.vector_load %arg8[%get3A_663, %get3A_664, %get3A_665] {strides = array<i32>} : memref<2x256x128xf32, #tpu.memory_space<vmem>>, vector<1x1x16xf32>,
          %get3A_667 = vector.shape_cast %get3A_666 : vector<1x1x16xf32> to vector<1x16xf32>
          %reshape3A_668 = vector.shape_cast %get3A_667 : vector<1x16xf32> to vector<16xf32>
          %add3A_669 = arith.addf %add3A_599, %reshape3A_668 : vector<16xf32>
          %get3A_670 = arith.constant 1 : i32
          %get3A_671 = arith.index_cast %get3A_670 : i32 to index
          %get3A_672 = arith.index_cast %add3A_629 : i32 to index
          %get3A_673 = arith.constant 80 : index
          %get3A_674 = tpu.vector_load %arg8[%get3A_671, %get3A_672, %get3A_673] {strides = array<i32>} : memref<2x256x128xf32, #tpu.memory_space<vmem>>, vector<1x1x16xf32>,
          %get3A_675 = vector.shape_cast %get3A_674 : vector<1x1x16xf32> to vector<1x16xf32>
          %reshape3A_676 = vector.shape_cast %get3A_675 : vector<1x16xf32> to vector<16xf32>
          %add3A_677 = arith.addf %add3A_607, %reshape3A_676 : vector<16xf32>
          %get3A_678 = arith.constant 1 : i32
          %get3A_679 = arith.index_cast %get3A_678 : i32 to index
          %get3A_680 = arith.index_cast %add3A_629 : i32 to index
          %get3A_681 = arith.constant 96 : index
          %get3A_682 = tpu.vector_load %arg8[%get3A_679, %get3A_680, %get3A_681] {strides = array<i32>} : memref<2x256x128xf32, #tpu.memory_space<vmem>>, vector<1x1x16xf32>,
          %get3A_683 = vector.shape_cast %get3A_682 : vector<1x1x16xf32> to vector<1x16xf32>
          %reshape3A_684 = vector.shape_cast %get3A_683 : vector<1x16xf32> to vector<16xf32>
          %add3A_685 = arith.addf %add3A_615, %reshape3A_684 : vector<16xf32>
          %get3A_686 = arith.constant 1 : i32
          %get3A_687 = arith.index_cast %get3A_686 : i32 to index
          %get3A_688 = arith.index_cast %add3A_629 : i32 to index
          %get3A_689 = arith.constant 112 : index
          %get3A_690 = tpu.vector_load %arg8[%get3A_687, %get3A_688, %get3A_689] {strides = array<i32>} : memref<2x256x128xf32, #tpu.memory_space<vmem>>, vector<1x1x16xf32>,
          %get3A_691 = vector.shape_cast %get3A_690 : vector<1x1x16xf32> to vector<1x16xf32>
          %reshape3A_692 = vector.shape_cast %get3A_691 : vector<1x16xf32> to vector<16xf32>
          %add3A_693 = arith.addf %add3A_623, %reshape3A_692 : vector<16xf32>
          %mul3A_694 = arith.constant 4 : i32
          %mul3A_695 = arith.muli %mul3A_694, %scan3A_475 : i32
          %add3A_696 = arith.constant 0 : i32
          %add3A_697 = arith.addi %add3A_696, %mul3A_695 : i32
          %add3A_698 = arith.constant 3 : i32
          %add3A_699 = arith.addi %add3A_697, %add3A_698 : i32
          %get3A_700 = arith.constant 1 : i32
          %get3A_701 = arith.index_cast %get3A_700 : i32 to index
          %get3A_702 = arith.index_cast %add3A_699 : i32 to index
          %get3A_703 = arith.constant 0 : index
          %get3A_704 = tpu.vector_load %arg8[%get3A_701, %get3A_702, %get3A_703] {strides = array<i32>} : memref<2x256x128xf32, #tpu.memory_space<vmem>>, vector<1x1x16xf32>,
          %get3A_705 = vector.shape_cast %get3A_704 : vector<1x1x16xf32> to vector<1x16xf32>
          %reshape3A_706 = vector.shape_cast %get3A_705 : vector<1x16xf32> to vector<16xf32>
          %add3A_707 = arith.addf %add3A_637, %reshape3A_706 : vector<16xf32>
          %get3A_708 = arith.constant 1 : i32
          %get3A_709 = arith.index_cast %get3A_708 : i32 to index
          %get3A_710 = arith.index_cast %add3A_699 : i32 to index
          %get3A_711 = arith.constant 16 : index
          %get3A_712 = tpu.vector_load %arg8[%get3A_709, %get3A_710, %get3A_711] {strides = array<i32>} : memref<2x256x128xf32, #tpu.memory_space<vmem>>, vector<1x1x16xf32>,
          %get3A_713 = vector.shape_cast %get3A_712 : vector<1x1x16xf32> to vector<1x16xf32>
          %reshape3A_714 = vector.shape_cast %get3A_713 : vector<1x16xf32> to vector<16xf32>
          %add3A_715 = arith.addf %add3A_645, %reshape3A_714 : vector<16xf32>
          %get3A_716 = arith.constant 1 : i32
          %get3A_717 = arith.index_cast %get3A_716 : i32 to index
          %get3A_718 = arith.index_cast %add3A_699 : i32 to index
          %get3A_719 = arith.constant 32 : index
          %get3A_720 = tpu.vector_load %arg8[%get3A_717, %get3A_718, %get3A_719] {strides = array<i32>} : memref<2x256x128xf32, #tpu.memory_space<vmem>>, vector<1x1x16xf32>,
          %get3A_721 = vector.shape_cast %get3A_720 : vector<1x1x16xf32> to vector<1x16xf32>
          %reshape3A_722 = vector.shape_cast %get3A_721 : vector<1x16xf32> to vector<16xf32>
          %add3A_723 = arith.addf %add3A_653, %reshape3A_722 : vector<16xf32>
          %get3A_724 = arith.constant 1 : i32
          %get3A_725 = arith.index_cast %get3A_724 : i32 to index
          %get3A_726 = arith.index_cast %add3A_699 : i32 to index
          %get3A_727 = arith.constant 48 : index
          %get3A_728 = tpu.vector_load %arg8[%get3A_725, %get3A_726, %get3A_727] {strides = array<i32>} : memref<2x256x128xf32, #tpu.memory_space<vmem>>, vector<1x1x16xf32>,
          %get3A_729 = vector.shape_cast %get3A_728 : vector<1x1x16xf32> to vector<1x16xf32>
          %reshape3A_730 = vector.shape_cast %get3A_729 : vector<1x16xf32> to vector<16xf32>
          %add3A_731 = arith.addf %add3A_661, %reshape3A_730 : vector<16xf32>
          %get3A_732 = arith.constant 1 : i32
          %get3A_733 = arith.index_cast %get3A_732 : i32 to index
          %get3A_734 = arith.index_cast %add3A_699 : i32 to index
          %get3A_735 = arith.constant 64 : index
          %get3A_736 = tpu.vector_load %arg8[%get3A_733, %get3A_734, %get3A_735] {strides = array<i32>} : memref<2x256x128xf32, #tpu.memory_space<vmem>>, vector<1x1x16xf32>,
          %get3A_737 = vector.shape_cast %get3A_736 : vector<1x1x16xf32> to vector<1x16xf32>
          %reshape3A_738 = vector.shape_cast %get3A_737 : vector<1x16xf32> to vector<16xf32>
          %add3A_739 = arith.addf %add3A_669, %reshape3A_738 : vector<16xf32>
          %get3A_740 = arith.constant 1 : i32
          %get3A_741 = arith.index_cast %get3A_740 : i32 to index
          %get3A_742 = arith.index_cast %add3A_699 : i32 to index
          %get3A_743 = arith.constant 80 : index
          %get3A_744 = tpu.vector_load %arg8[%get3A_741, %get3A_742, %get3A_743] {strides = array<i32>} : memref<2x256x128xf32, #tpu.memory_space<vmem>>, vector<1x1x16xf32>,
          %get3A_745 = vector.shape_cast %get3A_744 : vector<1x1x16xf32> to vector<1x16xf32>
          %reshape3A_746 = vector.shape_cast %get3A_745 : vector<1x16xf32> to vector<16xf32>
          %add3A_747 = arith.addf %add3A_677, %reshape3A_746 : vector<16xf32>
          %get3A_748 = arith.constant 1 : i32
          %get3A_749 = arith.index_cast %get3A_748 : i32 to index
          %get3A_750 = arith.index_cast %add3A_699 : i32 to index
          %get3A_751 = arith.constant 96 : index
          %get3A_752 = tpu.vector_load %arg8[%get3A_749, %get3A_750, %get3A_751] {strides = array<i32>} : memref<2x256x128xf32, #tpu.memory_space<vmem>>, vector<1x1x16xf32>,
          %get3A_753 = vector.shape_cast %get3A_752 : vector<1x1x16xf32> to vector<1x16xf32>
          %reshape3A_754 = vector.shape_cast %get3A_753 : vector<1x16xf32> to vector<16xf32>
          %add3A_755 = arith.addf %add3A_685, %reshape3A_754 : vector<16xf32>
          %get3A_756 = arith.constant 1 : i32
          %get3A_757 = arith.index_cast %get3A_756 : i32 to index
          %get3A_758 = arith.index_cast %add3A_699 : i32 to index
          %get3A_759 = arith.constant 112 : index
          %get3A_760 = tpu.vector_load %arg8[%get3A_757, %get3A_758, %get3A_759] {strides = array<i32>} : memref<2x256x128xf32, #tpu.memory_space<vmem>>, vector<1x1x16xf32>,
          %get3A_761 = vector.shape_cast %get3A_760 : vector<1x1x16xf32> to vector<1x16xf32>
          %reshape3A_762 = vector.shape_cast %get3A_761 : vector<1x16xf32> to vector<16xf32>
          %add3A_763 = arith.addf %add3A_693, %reshape3A_762 : vector<16xf32>
          scf.yield %add3A_707, %add3A_715, %add3A_723, %add3A_731, %add3A_739, %add3A_747, %add3A_755, %add3A_763 : vector<16xf32>, vector<16xf32>, vector<16xf32>, vector<16xf32>, vector<16xf32>, vector<16xf32>, vector<16xf32>, vector<16xf32>
        }
        %scan3A_415 = arith.constant 32 : i32
        %swap3A_416 = arith.constant 2 : i32
        %swap3A_417 = arith.index_cast %swap3A_416 : i32 to index
        %swap3A_418 = arith.constant 0 : index
        %swap3A_419 = tpu.vector_load %arg11[%swap3A_417, %swap3A_418] {strides = array<i32>} : memref<16x128xf32, #tpu.memory_space<vmem>>, vector<1x16xf32>,
        %swap3A_420 = vector.shape_cast %swap3A_419 : vector<1x16xf32> to vector<16xf32>
        %swap3A_421 = vector.shape_cast %scan3A_414#0 : vector<16xf32> to vector<1x16xf32>
        tpu.vector_store %arg11[%swap3A_417, %swap3A_418], %swap3A_421 {strides = array<i32>} : memref<16x128xf32, #tpu.memory_space<vmem>>, vector<1x16xf32>,
        %swap3A_422 = arith.constant 2 : i32
        %swap3A_423 = arith.index_cast %swap3A_422 : i32 to index
        %swap3A_424 = arith.constant 16 : index
        %swap3A_425 = tpu.vector_load %arg11[%swap3A_423, %swap3A_424] {strides = array<i32>} : memref<16x128xf32, #tpu.memory_space<vmem>>, vector<1x16xf32>,
        %swap3A_426 = vector.shape_cast %swap3A_425 : vector<1x16xf32> to vector<16xf32>
        %swap3A_427 = vector.shape_cast %scan3A_414#1 : vector<16xf32> to vector<1x16xf32>
        tpu.vector_store %arg11[%swap3A_423, %swap3A_424], %swap3A_427 {strides = array<i32>} : memref<16x128xf32, #tpu.memory_space<vmem>>, vector<1x16xf32>,
        %swap3A_428 = arith.constant 2 : i32
        %swap3A_429 = arith.index_cast %swap3A_428 : i32 to index
        %swap3A_430 = arith.constant 32 : index
        %swap3A_431 = tpu.vector_load %arg11[%swap3A_429, %swap3A_430] {strides = array<i32>} : memref<16x128xf32, #tpu.memory_space<vmem>>, vector<1x16xf32>,
        %swap3A_432 = vector.shape_cast %swap3A_431 : vector<1x16xf32> to vector<16xf32>
        %swap3A_433 = vector.shape_cast %scan3A_414#2 : vector<16xf32> to vector<1x16xf32>
        tpu.vector_store %arg11[%swap3A_429, %swap3A_430], %swap3A_433 {strides = array<i32>} : memref<16x128xf32, #tpu.memory_space<vmem>>, vector<1x16xf32>,
        %swap3A_434 = arith.constant 2 : i32
        %swap3A_435 = arith.index_cast %swap3A_434 : i32 to index
        %swap3A_436 = arith.constant 48 : index
        %swap3A_437 = tpu.vector_load %arg11[%swap3A_435, %swap3A_436] {strides = array<i32>} : memref<16x128xf32, #tpu.memory_space<vmem>>, vector<1x16xf32>,
        %swap3A_438 = vector.shape_cast %swap3A_437 : vector<1x16xf32> to vector<16xf32>
        %swap3A_439 = vector.shape_cast %scan3A_414#3 : vector<16xf32> to vector<1x16xf32>
        tpu.vector_store %arg11[%swap3A_435, %swap3A_436], %swap3A_439 {strides = array<i32>} : memref<16x128xf32, #tpu.memory_space<vmem>>, vector<1x16xf32>,
        %swap3A_440 = arith.constant 2 : i32
        %swap3A_441 = arith.index_cast %swap3A_440 : i32 to index
        %swap3A_442 = arith.constant 64 : index
        %swap3A_443 = tpu.vector_load %arg11[%swap3A_441, %swap3A_442] {strides = array<i32>} : memref<16x128xf32, #tpu.memory_space<vmem>>, vector<1x16xf32>,
        %swap3A_444 = vector.shape_cast %swap3A_443 : vector<1x16xf32> to vector<16xf32>
        %swap3A_445 = vector.shape_cast %scan3A_414#4 : vector<16xf32> to vector<1x16xf32>
        tpu.vector_store %arg11[%swap3A_441, %swap3A_442], %swap3A_445 {strides = array<i32>} : memref<16x128xf32, #tpu.memory_space<vmem>>, vector<1x16xf32>,
        %swap3A_446 = arith.constant 2 : i32
        %swap3A_447 = arith.index_cast %swap3A_446 : i32 to index
        %swap3A_448 = arith.constant 80 : index
        %swap3A_449 = tpu.vector_load %arg11[%swap3A_447, %swap3A_448] {strides = array<i32>} : memref<16x128xf32, #tpu.memory_space<vmem>>, vector<1x16xf32>,
        %swap3A_450 = vector.shape_cast %swap3A_449 : vector<1x16xf32> to vector<16xf32>
        %swap3A_451 = vector.shape_cast %scan3A_414#5 : vector<16xf32> to vector<1x16xf32>
        tpu.vector_store %arg11[%swap3A_447, %swap3A_448], %swap3A_451 {strides = array<i32>} : memref<16x128xf32, #tpu.memory_space<vmem>>, vector<1x16xf32>,
        %swap3A_452 = arith.constant 2 : i32
        %swap3A_453 = arith.index_cast %swap3A_452 : i32 to index
        %swap3A_454 = arith.constant 96 : index
        %swap3A_455 = tpu.vector_load %arg11[%swap3A_453, %swap3A_454] {strides = array<i32>} : memref<16x128xf32, #tpu.memory_space<vmem>>, vector<1x16xf32>,
        %swap3A_456 = vector.shape_cast %swap3A_455 : vector<1x16xf32> to vector<16xf32>
        %swap3A_457 = vector.shape_cast %scan3A_414#6 : vector<16xf32> to vector<1x16xf32>
        tpu.vector_store %arg11[%swap3A_453, %swap3A_454], %swap3A_457 {strides = array<i32>} : memref<16x128xf32, #tpu.memory_space<vmem>>, vector<1x16xf32>,
        %swap3A_458 = arith.constant 2 : i32
        %swap3A_459 = arith.index_cast %swap3A_458 : i32 to index
        %swap3A_460 = arith.constant 112 : index
        %swap3A_461 = tpu.vector_load %arg11[%swap3A_459, %swap3A_460] {strides = array<i32>} : memref<16x128xf32, #tpu.memory_space<vmem>>, vector<1x16xf32>,
        %swap3A_462 = vector.shape_cast %swap3A_461 : vector<1x16xf32> to vector<16xf32>
        %swap3A_463 = vector.shape_cast %scan3A_414#7 : vector<16xf32> to vector<1x16xf32>
        tpu.vector_store %arg11[%swap3A_459, %swap3A_460], %swap3A_463 {strides = array<i32>} : memref<16x128xf32, #tpu.memory_space<vmem>>, vector<1x16xf32>,
        %eq3A_464 = arith.constant 2 : i32
        %eq3A_465 = vector.broadcast %eq3A_464 : i32 to vector<16xi32>
        %eq3A_466 = arith.cmpi eq, %iota3A, %eq3A_465 : vector<16xi32>
        %get3A_467 = arith.constant 0 : index
        %get3A_468 = tpu.vector_load %arg12[%get3A_467] {strides = array<i32>} : memref<16xi32, #tpu.memory_space<vmem>>, vector<16xi32>,
        %get3A_469 = vector.shape_cast %get3A_468 : vector<16xi32> to vector<16xi32>
        %select_n3A_470 = arith.select %eq3A_466, %reshape3A_342, %get3A_469 : vector<16xi1>, vector<16xi32>
        %swap3A_471 = arith.constant 0 : index
        %swap3A_472 = tpu.vector_load %arg12[%swap3A_471] {strides = array<i32>} : memref<16xi32, #tpu.memory_space<vmem>>, vector<16xi32>,
        %swap3A_473 = vector.shape_cast %swap3A_472 : vector<16xi32> to vector<16xi32>
        %swap3A_474 = vector.shape_cast %select_n3A_470 : vector<16xi32> to vector<16xi32>
        tpu.vector_store %arg12[%swap3A_471], %swap3A_474 {strides = array<i32>} : memref<16xi32, #tpu.memory_space<vmem>>, vector<16xi32>,
      } else {
      }
      %not3A_356 = arith.constant true
      %not3A_357 = arith.xori %eq3A_352, %not3A_356 : i1
      %convert_element_type3A_358 = arith.extui %not3A_357 : i1 to i32
      %cond3A_359 = arith.constant 0 : i32
      %cond3A_360 = arith.cmpi ne, %convert_element_type3A_358, %cond3A_359 : i32
      scf.if %cond3A_360 {
        %run_scoped3A = arith.constant 1 : i32
        "tpu.region"() ({
          %run_scoped3A_395 = tpu.sem_alloc : memref<!tpu.dma_semaphore, #tpu.memory_space<semaphore_mem>>
          %dma_start3A_396 = arith.constant 0 : i32
          %dma_start3A_397 = arith.constant 0 : i32
          %dma_start3A_398 = tpu.memref_slice %arg8[%run_scoped3A, %dma_start3A_396, %dma_start3A_397] : memref<2x256x128xf32, #tpu.memory_space<vmem>> -> memref<1x128x128xf32, #tpu.memory_space<vmem>>
          %dma_start3A_399 = tpu.memref_squeeze %dma_start3A_398 : memref<1x128x128xf32, #tpu.memory_space<vmem>> -> memref<128x128xf32, #tpu.memory_space<vmem>>
          %dma_start3A_400 = arith.constant 0 : i32
          %dma_start3A_401 = tpu.memref_slice %arg9[%add3A_337, %dma_start3A_400] : memref<196x128xi32, #tpu.memory_space<vmem>> -> memref<1x128xi32, #tpu.memory_space<vmem>>
          %dma_start3A_402 = tpu.memref_squeeze %dma_start3A_401 : memref<1x128xi32, #tpu.memory_space<vmem>> -> memref<128xi32, #tpu.memory_space<vmem>>
          %dma_start3A_403 = arith.constant 0 : i32
          %dma_start3A_404 = arith.constant 0 : i32
          %dma_start3A_405 = tpu.memref_slice %arg14[%dma_start3A_403, %dma_start3A_404] : memref<1032x128xf32, #tpu.memory_space<vmem_shared>> -> memref<1032x128xf32, #tpu.memory_space<vmem_shared>>
          tpu.enqueue_indirect_dma source(%dma_start3A_399 : memref<128x128xf32, #tpu.memory_space<vmem>>) target(%dma_start3A_405 : memref<1032x128xf32, #tpu.memory_space<vmem_shared>>) offsets(%dma_start3A_402 : memref<128xi32, #tpu.memory_space<vmem>>) semaphore(%run_scoped3A_395 : memref<!tpu.dma_semaphore, #tpu.memory_space<semaphore_mem>>) {add = true}
          %dma_wait3A_406 = arith.constant 0 : i32
          %dma_wait3A_407 = arith.constant 0 : i32
          %dma_wait3A_408 = tpu.memref_slice %arg8[%run_scoped3A, %dma_wait3A_406, %dma_wait3A_407] : memref<2x256x128xf32, #tpu.memory_space<vmem>> -> memref<1x128x128xf32, #tpu.memory_space<vmem>>
          %dma_wait3A_409 = tpu.memref_squeeze %dma_wait3A_408 : memref<1x128x128xf32, #tpu.memory_space<vmem>> -> memref<128x128xf32, #tpu.memory_space<vmem>>
          %dma_wait3A_410 = arith.constant 0 : i32
          %dma_wait3A_411 = tpu.memref_slice %arg9[%add3A_337, %dma_wait3A_410] : memref<196x128xi32, #tpu.memory_space<vmem>> -> memref<1x128xi32, #tpu.memory_space<vmem>>
          %dma_wait3A_412 = tpu.memref_squeeze %dma_wait3A_411 : memref<1x128xi32, #tpu.memory_space<vmem>> -> memref<128xi32, #tpu.memory_space<vmem>>
          %dma_wait3A_413 = arith.constant 0 : i32
          %dma_wait3A_414 = arith.constant 0 : i32
          %dma_wait3A_415 = tpu.memref_slice %arg14[%dma_wait3A_413, %dma_wait3A_414] : memref<1032x128xf32, #tpu.memory_space<vmem_shared>> -> memref<1032x128xf32, #tpu.memory_space<vmem_shared>>
          tpu.wait_indirect_dma semaphore(%run_scoped3A_395 : memref<!tpu.dma_semaphore, #tpu.memory_space<semaphore_mem>>) src(%dma_wait3A_409 : memref<128x128xf32, #tpu.memory_space<vmem>>) dst(%dma_wait3A_415 : memref<1032x128xf32, #tpu.memory_space<vmem_shared>>)
          tpu.yield
        }) : () -> ()
      } else {
      }
      %mul3A_361 = arith.constant 2 : i32
      %mul3A_362 = arith.muli %add3A_332, %mul3A_361 : i32
      %add3A_363 = arith.addi %sub3A_96, %mul3A_362 : i32
      %add3A_364 = arith.constant 1 : i32
      %add3A_365 = arith.addi %add3A_363, %add3A_364 : i32
      %get3A_366 = arith.index_cast %add3A_365 : i32 to index
      %get3A_367 = arith.constant 0 : index
      %get3A_368 = tpu.vector_load %arg9[%get3A_366, %get3A_367] {strides = array<i32>} : memref<196x128xi32, #tpu.memory_space<vmem>>, vector<1x16xi32>,
      %get3A_369 = vector.shape_cast %get3A_368 : vector<1x16xi32> to vector<1x16xi32>
      %reshape3A_370 = vector.shape_cast %get3A_369 : vector<1x16xi32> to vector<16xi32>
      %get3A_371 = arith.index_cast %add3A_365 : i32 to index
      %get3A_372 = arith.constant 112 : index
      %get3A_373 = tpu.vector_load %arg9[%get3A_371, %get3A_372] {strides = array<i32>} : memref<196x128xi32, #tpu.memory_space<vmem>>, vector<1x16xi32>,
      %get3A_374 = vector.shape_cast %get3A_373 : vector<1x16xi32> to vector<1x16xi32>
      %reshape3A_375 = vector.shape_cast %get3A_374 : vector<1x16xi32> to vector<16xi32>
      %slice3A_376 = vector.extract_strided_slice %reshape3A_370 {offsets = [0], sizes = [1], strides = [1]} : vector<16xi32> to vector<1xi32>
      %squeeze3A_377 = vector.extract %slice3A_376[0] : i32 from vector<1xi32>
      %slice3A_378 = vector.extract_strided_slice %reshape3A_375 {offsets = [15], sizes = [1], strides = [1]} : vector<16xi32> to vector<1xi32>
      %squeeze3A_379 = vector.extract %slice3A_378[0] : i32 from vector<1xi32>
      %eq3A_380 = arith.cmpi eq, %squeeze3A_377, %squeeze3A_379 : i32
      %convert_element_type3A_381 = arith.extui %eq3A_380 : i1 to i32
      %cond3A_382 = arith.constant 0 : i32
      %cond3A_383 = arith.cmpi ne, %convert_element_type3A_381, %cond3A_382 : i32
      scf.if %cond3A_383 {
        %broadcast_in_dim3A_395 = arith.constant 0.000000e+00 : f32
        %broadcast_in_dim3A_396 = vector.broadcast %broadcast_in_dim3A_395 : f32 to vector<16xf32>
        %broadcast_in_dim3A_397 = arith.constant 0.000000e+00 : f32
        %broadcast_in_dim3A_398 = vector.broadcast %broadcast_in_dim3A_397 : f32 to vector<16xf32>
        %broadcast_in_dim3A_399 = arith.constant 0.000000e+00 : f32
        %broadcast_in_dim3A_400 = vector.broadcast %broadcast_in_dim3A_399 : f32 to vector<16xf32>
        %broadcast_in_dim3A_401 = arith.constant 0.000000e+00 : f32
        %broadcast_in_dim3A_402 = vector.broadcast %broadcast_in_dim3A_401 : f32 to vector<16xf32>
        %broadcast_in_dim3A_403 = arith.constant 0.000000e+00 : f32
        %broadcast_in_dim3A_404 = vector.broadcast %broadcast_in_dim3A_403 : f32 to vector<16xf32>
        %broadcast_in_dim3A_405 = arith.constant 0.000000e+00 : f32
        %broadcast_in_dim3A_406 = vector.broadcast %broadcast_in_dim3A_405 : f32 to vector<16xf32>
        %broadcast_in_dim3A_407 = arith.constant 0.000000e+00 : f32
        %broadcast_in_dim3A_408 = vector.broadcast %broadcast_in_dim3A_407 : f32 to vector<16xf32>
        %broadcast_in_dim3A_409 = arith.constant 0.000000e+00 : f32
        %broadcast_in_dim3A_410 = vector.broadcast %broadcast_in_dim3A_409 : f32 to vector<16xf32>
        %scan3A = arith.constant 0 : i32
        %scan3A_411 = arith.constant 32 : i32
        %scan3A_412 = arith.addi %scan3A, %scan3A_411 : i32
        %scan3A_413 = arith.constant 1 : i32
        %scan3A_414:8 = scf.for %scan3A_475 = %scan3A to %scan3A_412 step %scan3A_413 iter_args(%scan3A_476 = %broadcast_in_dim3A_396, %scan3A_477 = %broadcast_in_dim3A_398, %scan3A_478 = %broadcast_in_dim3A_400, %scan3A_479 = %broadcast_in_dim3A_402, %scan3A_480 = %broadcast_in_dim3A_404, %scan3A_481 = %broadcast_in_dim3A_406, %scan3A_482 = %broadcast_in_dim3A_408, %scan3A_483 = %broadcast_in_dim3A_410) -> (vector<16xf32>, vector<16xf32>, vector<16xf32>, vector<16xf32>, vector<16xf32>, vector<16xf32>, vector<16xf32>, vector<16xf32>)  : i32 {
          %mul3A_484 = arith.constant 4 : i32
          %mul3A_485 = arith.muli %mul3A_484, %scan3A_475 : i32
          %add3A_486 = arith.constant 128 : i32
          %add3A_487 = arith.addi %add3A_486, %mul3A_485 : i32
          %add3A_488 = arith.constant 0 : i32
          %add3A_489 = arith.addi %add3A_487, %add3A_488 : i32
          %get3A_490 = arith.constant 1 : i32
          %get3A_491 = arith.index_cast %get3A_490 : i32 to index
          %get3A_492 = arith.index_cast %add3A_489 : i32 to index
          %get3A_493 = arith.constant 0 : index
          %get3A_494 = tpu.vector_load %arg8[%get3A_491, %get3A_492, %get3A_493] {strides = array<i32>} : memref<2x256x128xf32, #tpu.memory_space<vmem>>, vector<1x1x16xf32>,
          %get3A_495 = vector.shape_cast %get3A_494 : vector<1x1x16xf32> to vector<1x16xf32>
          %reshape3A_496 = vector.shape_cast %get3A_495 : vector<1x16xf32> to vector<16xf32>
          %add3A_497 = arith.addf %scan3A_476, %reshape3A_496 : vector<16xf32>
          %get3A_498 = arith.constant 1 : i32
          %get3A_499 = arith.index_cast %get3A_498 : i32 to index
          %get3A_500 = arith.index_cast %add3A_489 : i32 to index
          %get3A_501 = arith.constant 16 : index
          %get3A_502 = tpu.vector_load %arg8[%get3A_499, %get3A_500, %get3A_501] {strides = array<i32>} : memref<2x256x128xf32, #tpu.memory_space<vmem>>, vector<1x1x16xf32>,
          %get3A_503 = vector.shape_cast %get3A_502 : vector<1x1x16xf32> to vector<1x16xf32>
          %reshape3A_504 = vector.shape_cast %get3A_503 : vector<1x16xf32> to vector<16xf32>
          %add3A_505 = arith.addf %scan3A_477, %reshape3A_504 : vector<16xf32>
          %get3A_506 = arith.constant 1 : i32
          %get3A_507 = arith.index_cast %get3A_506 : i32 to index
          %get3A_508 = arith.index_cast %add3A_489 : i32 to index
          %get3A_509 = arith.constant 32 : index
          %get3A_510 = tpu.vector_load %arg8[%get3A_507, %get3A_508, %get3A_509] {strides = array<i32>} : memref<2x256x128xf32, #tpu.memory_space<vmem>>, vector<1x1x16xf32>,
          %get3A_511 = vector.shape_cast %get3A_510 : vector<1x1x16xf32> to vector<1x16xf32>
          %reshape3A_512 = vector.shape_cast %get3A_511 : vector<1x16xf32> to vector<16xf32>
          %add3A_513 = arith.addf %scan3A_478, %reshape3A_512 : vector<16xf32>
          %get3A_514 = arith.constant 1 : i32
          %get3A_515 = arith.index_cast %get3A_514 : i32 to index
          %get3A_516 = arith.index_cast %add3A_489 : i32 to index
          %get3A_517 = arith.constant 48 : index
          %get3A_518 = tpu.vector_load %arg8[%get3A_515, %get3A_516, %get3A_517] {strides = array<i32>} : memref<2x256x128xf32, #tpu.memory_space<vmem>>, vector<1x1x16xf32>,
          %get3A_519 = vector.shape_cast %get3A_518 : vector<1x1x16xf32> to vector<1x16xf32>
          %reshape3A_520 = vector.shape_cast %get3A_519 : vector<1x16xf32> to vector<16xf32>
          %add3A_521 = arith.addf %scan3A_479, %reshape3A_520 : vector<16xf32>
          %get3A_522 = arith.constant 1 : i32
          %get3A_523 = arith.index_cast %get3A_522 : i32 to index
          %get3A_524 = arith.index_cast %add3A_489 : i32 to index
          %get3A_525 = arith.constant 64 : index
          %get3A_526 = tpu.vector_load %arg8[%get3A_523, %get3A_524, %get3A_525] {strides = array<i32>} : memref<2x256x128xf32, #tpu.memory_space<vmem>>, vector<1x1x16xf32>,
          %get3A_527 = vector.shape_cast %get3A_526 : vector<1x1x16xf32> to vector<1x16xf32>
          %reshape3A_528 = vector.shape_cast %get3A_527 : vector<1x16xf32> to vector<16xf32>
          %add3A_529 = arith.addf %scan3A_480, %reshape3A_528 : vector<16xf32>
          %get3A_530 = arith.constant 1 : i32
          %get3A_531 = arith.index_cast %get3A_530 : i32 to index
          %get3A_532 = arith.index_cast %add3A_489 : i32 to index
          %get3A_533 = arith.constant 80 : index
          %get3A_534 = tpu.vector_load %arg8[%get3A_531, %get3A_532, %get3A_533] {strides = array<i32>} : memref<2x256x128xf32, #tpu.memory_space<vmem>>, vector<1x1x16xf32>,
          %get3A_535 = vector.shape_cast %get3A_534 : vector<1x1x16xf32> to vector<1x16xf32>
          %reshape3A_536 = vector.shape_cast %get3A_535 : vector<1x16xf32> to vector<16xf32>
          %add3A_537 = arith.addf %scan3A_481, %reshape3A_536 : vector<16xf32>
          %get3A_538 = arith.constant 1 : i32
          %get3A_539 = arith.index_cast %get3A_538 : i32 to index
          %get3A_540 = arith.index_cast %add3A_489 : i32 to index
          %get3A_541 = arith.constant 96 : index
          %get3A_542 = tpu.vector_load %arg8[%get3A_539, %get3A_540, %get3A_541] {strides = array<i32>} : memref<2x256x128xf32, #tpu.memory_space<vmem>>, vector<1x1x16xf32>,
          %get3A_543 = vector.shape_cast %get3A_542 : vector<1x1x16xf32> to vector<1x16xf32>
          %reshape3A_544 = vector.shape_cast %get3A_543 : vector<1x16xf32> to vector<16xf32>
          %add3A_545 = arith.addf %scan3A_482, %reshape3A_544 : vector<16xf32>
          %get3A_546 = arith.constant 1 : i32
          %get3A_547 = arith.index_cast %get3A_546 : i32 to index
          %get3A_548 = arith.index_cast %add3A_489 : i32 to index
          %get3A_549 = arith.constant 112 : index
          %get3A_550 = tpu.vector_load %arg8[%get3A_547, %get3A_548, %get3A_549] {strides = array<i32>} : memref<2x256x128xf32, #tpu.memory_space<vmem>>, vector<1x1x16xf32>,
          %get3A_551 = vector.shape_cast %get3A_550 : vector<1x1x16xf32> to vector<1x16xf32>
          %reshape3A_552 = vector.shape_cast %get3A_551 : vector<1x16xf32> to vector<16xf32>
          %add3A_553 = arith.addf %scan3A_483, %reshape3A_552 : vector<16xf32>
          %mul3A_554 = arith.constant 4 : i32
          %mul3A_555 = arith.muli %mul3A_554, %scan3A_475 : i32
          %add3A_556 = arith.constant 128 : i32
          %add3A_557 = arith.addi %add3A_556, %mul3A_555 : i32
          %add3A_558 = arith.constant 1 : i32
          %add3A_559 = arith.addi %add3A_557, %add3A_558 : i32
          %get3A_560 = arith.constant 1 : i32
          %get3A_561 = arith.index_cast %get3A_560 : i32 to index
          %get3A_562 = arith.index_cast %add3A_559 : i32 to index
          %get3A_563 = arith.constant 0 : index
          %get3A_564 = tpu.vector_load %arg8[%get3A_561, %get3A_562, %get3A_563] {strides = array<i32>} : memref<2x256x128xf32, #tpu.memory_space<vmem>>, vector<1x1x16xf32>,
          %get3A_565 = vector.shape_cast %get3A_564 : vector<1x1x16xf32> to vector<1x16xf32>
          %reshape3A_566 = vector.shape_cast %get3A_565 : vector<1x16xf32> to vector<16xf32>
          %add3A_567 = arith.addf %add3A_497, %reshape3A_566 : vector<16xf32>
          %get3A_568 = arith.constant 1 : i32
          %get3A_569 = arith.index_cast %get3A_568 : i32 to index
          %get3A_570 = arith.index_cast %add3A_559 : i32 to index
          %get3A_571 = arith.constant 16 : index
          %get3A_572 = tpu.vector_load %arg8[%get3A_569, %get3A_570, %get3A_571] {strides = array<i32>} : memref<2x256x128xf32, #tpu.memory_space<vmem>>, vector<1x1x16xf32>,
          %get3A_573 = vector.shape_cast %get3A_572 : vector<1x1x16xf32> to vector<1x16xf32>
          %reshape3A_574 = vector.shape_cast %get3A_573 : vector<1x16xf32> to vector<16xf32>
          %add3A_575 = arith.addf %add3A_505, %reshape3A_574 : vector<16xf32>
          %get3A_576 = arith.constant 1 : i32
          %get3A_577 = arith.index_cast %get3A_576 : i32 to index
          %get3A_578 = arith.index_cast %add3A_559 : i32 to index
          %get3A_579 = arith.constant 32 : index
          %get3A_580 = tpu.vector_load %arg8[%get3A_577, %get3A_578, %get3A_579] {strides = array<i32>} : memref<2x256x128xf32, #tpu.memory_space<vmem>>, vector<1x1x16xf32>,
          %get3A_581 = vector.shape_cast %get3A_580 : vector<1x1x16xf32> to vector<1x16xf32>
          %reshape3A_582 = vector.shape_cast %get3A_581 : vector<1x16xf32> to vector<16xf32>
          %add3A_583 = arith.addf %add3A_513, %reshape3A_582 : vector<16xf32>
          %get3A_584 = arith.constant 1 : i32
          %get3A_585 = arith.index_cast %get3A_584 : i32 to index
          %get3A_586 = arith.index_cast %add3A_559 : i32 to index
          %get3A_587 = arith.constant 48 : index
          %get3A_588 = tpu.vector_load %arg8[%get3A_585, %get3A_586, %get3A_587] {strides = array<i32>} : memref<2x256x128xf32, #tpu.memory_space<vmem>>, vector<1x1x16xf32>,
          %get3A_589 = vector.shape_cast %get3A_588 : vector<1x1x16xf32> to vector<1x16xf32>
          %reshape3A_590 = vector.shape_cast %get3A_589 : vector<1x16xf32> to vector<16xf32>
          %add3A_591 = arith.addf %add3A_521, %reshape3A_590 : vector<16xf32>
          %get3A_592 = arith.constant 1 : i32
          %get3A_593 = arith.index_cast %get3A_592 : i32 to index
          %get3A_594 = arith.index_cast %add3A_559 : i32 to index
          %get3A_595 = arith.constant 64 : index
          %get3A_596 = tpu.vector_load %arg8[%get3A_593, %get3A_594, %get3A_595] {strides = array<i32>} : memref<2x256x128xf32, #tpu.memory_space<vmem>>, vector<1x1x16xf32>,
          %get3A_597 = vector.shape_cast %get3A_596 : vector<1x1x16xf32> to vector<1x16xf32>
          %reshape3A_598 = vector.shape_cast %get3A_597 : vector<1x16xf32> to vector<16xf32>
          %add3A_599 = arith.addf %add3A_529, %reshape3A_598 : vector<16xf32>
          %get3A_600 = arith.constant 1 : i32
          %get3A_601 = arith.index_cast %get3A_600 : i32 to index
          %get3A_602 = arith.index_cast %add3A_559 : i32 to index
          %get3A_603 = arith.constant 80 : index
          %get3A_604 = tpu.vector_load %arg8[%get3A_601, %get3A_602, %get3A_603] {strides = array<i32>} : memref<2x256x128xf32, #tpu.memory_space<vmem>>, vector<1x1x16xf32>,
          %get3A_605 = vector.shape_cast %get3A_604 : vector<1x1x16xf32> to vector<1x16xf32>
          %reshape3A_606 = vector.shape_cast %get3A_605 : vector<1x16xf32> to vector<16xf32>
          %add3A_607 = arith.addf %add3A_537, %reshape3A_606 : vector<16xf32>
          %get3A_608 = arith.constant 1 : i32
          %get3A_609 = arith.index_cast %get3A_608 : i32 to index
          %get3A_610 = arith.index_cast %add3A_559 : i32 to index
          %get3A_611 = arith.constant 96 : index
          %get3A_612 = tpu.vector_load %arg8[%get3A_609, %get3A_610, %get3A_611] {strides = array<i32>} : memref<2x256x128xf32, #tpu.memory_space<vmem>>, vector<1x1x16xf32>,
          %get3A_613 = vector.shape_cast %get3A_612 : vector<1x1x16xf32> to vector<1x16xf32>
          %reshape3A_614 = vector.shape_cast %get3A_613 : vector<1x16xf32> to vector<16xf32>
          %add3A_615 = arith.addf %add3A_545, %reshape3A_614 : vector<16xf32>
          %get3A_616 = arith.constant 1 : i32
          %get3A_617 = arith.index_cast %get3A_616 : i32 to index
          %get3A_618 = arith.index_cast %add3A_559 : i32 to index
          %get3A_619 = arith.constant 112 : index
          %get3A_620 = tpu.vector_load %arg8[%get3A_617, %get3A_618, %get3A_619] {strides = array<i32>} : memref<2x256x128xf32, #tpu.memory_space<vmem>>, vector<1x1x16xf32>,
          %get3A_621 = vector.shape_cast %get3A_620 : vector<1x1x16xf32> to vector<1x16xf32>
          %reshape3A_622 = vector.shape_cast %get3A_621 : vector<1x16xf32> to vector<16xf32>
          %add3A_623 = arith.addf %add3A_553, %reshape3A_622 : vector<16xf32>
          %mul3A_624 = arith.constant 4 : i32
          %mul3A_625 = arith.muli %mul3A_624, %scan3A_475 : i32
          %add3A_626 = arith.constant 128 : i32
          %add3A_627 = arith.addi %add3A_626, %mul3A_625 : i32
          %add3A_628 = arith.constant 2 : i32
          %add3A_629 = arith.addi %add3A_627, %add3A_628 : i32
          %get3A_630 = arith.constant 1 : i32
          %get3A_631 = arith.index_cast %get3A_630 : i32 to index
          %get3A_632 = arith.index_cast %add3A_629 : i32 to index
          %get3A_633 = arith.constant 0 : index
          %get3A_634 = tpu.vector_load %arg8[%get3A_631, %get3A_632, %get3A_633] {strides = array<i32>} : memref<2x256x128xf32, #tpu.memory_space<vmem>>, vector<1x1x16xf32>,
          %get3A_635 = vector.shape_cast %get3A_634 : vector<1x1x16xf32> to vector<1x16xf32>
          %reshape3A_636 = vector.shape_cast %get3A_635 : vector<1x16xf32> to vector<16xf32>
          %add3A_637 = arith.addf %add3A_567, %reshape3A_636 : vector<16xf32>
          %get3A_638 = arith.constant 1 : i32
          %get3A_639 = arith.index_cast %get3A_638 : i32 to index
          %get3A_640 = arith.index_cast %add3A_629 : i32 to index
          %get3A_641 = arith.constant 16 : index
          %get3A_642 = tpu.vector_load %arg8[%get3A_639, %get3A_640, %get3A_641] {strides = array<i32>} : memref<2x256x128xf32, #tpu.memory_space<vmem>>, vector<1x1x16xf32>,
          %get3A_643 = vector.shape_cast %get3A_642 : vector<1x1x16xf32> to vector<1x16xf32>
          %reshape3A_644 = vector.shape_cast %get3A_643 : vector<1x16xf32> to vector<16xf32>
          %add3A_645 = arith.addf %add3A_575, %reshape3A_644 : vector<16xf32>
          %get3A_646 = arith.constant 1 : i32
          %get3A_647 = arith.index_cast %get3A_646 : i32 to index
          %get3A_648 = arith.index_cast %add3A_629 : i32 to index
          %get3A_649 = arith.constant 32 : index
          %get3A_650 = tpu.vector_load %arg8[%get3A_647, %get3A_648, %get3A_649] {strides = array<i32>} : memref<2x256x128xf32, #tpu.memory_space<vmem>>, vector<1x1x16xf32>,
          %get3A_651 = vector.shape_cast %get3A_650 : vector<1x1x16xf32> to vector<1x16xf32>
          %reshape3A_652 = vector.shape_cast %get3A_651 : vector<1x16xf32> to vector<16xf32>
          %add3A_653 = arith.addf %add3A_583, %reshape3A_652 : vector<16xf32>
          %get3A_654 = arith.constant 1 : i32
          %get3A_655 = arith.index_cast %get3A_654 : i32 to index
          %get3A_656 = arith.index_cast %add3A_629 : i32 to index
          %get3A_657 = arith.constant 48 : index
          %get3A_658 = tpu.vector_load %arg8[%get3A_655, %get3A_656, %get3A_657] {strides = array<i32>} : memref<2x256x128xf32, #tpu.memory_space<vmem>>, vector<1x1x16xf32>,
          %get3A_659 = vector.shape_cast %get3A_658 : vector<1x1x16xf32> to vector<1x16xf32>
          %reshape3A_660 = vector.shape_cast %get3A_659 : vector<1x16xf32> to vector<16xf32>
          %add3A_661 = arith.addf %add3A_591, %reshape3A_660 : vector<16xf32>
          %get3A_662 = arith.constant 1 : i32
          %get3A_663 = arith.index_cast %get3A_662 : i32 to index
          %get3A_664 = arith.index_cast %add3A_629 : i32 to index
          %get3A_665 = arith.constant 64 : index
          %get3A_666 = tpu.vector_load %arg8[%get3A_663, %get3A_664, %get3A_665] {strides = array<i32>} : memref<2x256x128xf32, #tpu.memory_space<vmem>>, vector<1x1x16xf32>,
          %get3A_667 = vector.shape_cast %get3A_666 : vector<1x1x16xf32> to vector<1x16xf32>
          %reshape3A_668 = vector.shape_cast %get3A_667 : vector<1x16xf32> to vector<16xf32>
          %add3A_669 = arith.addf %add3A_599, %reshape3A_668 : vector<16xf32>
          %get3A_670 = arith.constant 1 : i32
          %get3A_671 = arith.index_cast %get3A_670 : i32 to index
          %get3A_672 = arith.index_cast %add3A_629 : i32 to index
          %get3A_673 = arith.constant 80 : index
          %get3A_674 = tpu.vector_load %arg8[%get3A_671, %get3A_672, %get3A_673] {strides = array<i32>} : memref<2x256x128xf32, #tpu.memory_space<vmem>>, vector<1x1x16xf32>,
          %get3A_675 = vector.shape_cast %get3A_674 : vector<1x1x16xf32> to vector<1x16xf32>
          %reshape3A_676 = vector.shape_cast %get3A_675 : vector<1x16xf32> to vector<16xf32>
          %add3A_677 = arith.addf %add3A_607, %reshape3A_676 : vector<16xf32>
          %get3A_678 = arith.constant 1 : i32
          %get3A_679 = arith.index_cast %get3A_678 : i32 to index
          %get3A_680 = arith.index_cast %add3A_629 : i32 to index
          %get3A_681 = arith.constant 96 : index
          %get3A_682 = tpu.vector_load %arg8[%get3A_679, %get3A_680, %get3A_681] {strides = array<i32>} : memref<2x256x128xf32, #tpu.memory_space<vmem>>, vector<1x1x16xf32>,
          %get3A_683 = vector.shape_cast %get3A_682 : vector<1x1x16xf32> to vector<1x16xf32>
          %reshape3A_684 = vector.shape_cast %get3A_683 : vector<1x16xf32> to vector<16xf32>
          %add3A_685 = arith.addf %add3A_615, %reshape3A_684 : vector<16xf32>
          %get3A_686 = arith.constant 1 : i32
          %get3A_687 = arith.index_cast %get3A_686 : i32 to index
          %get3A_688 = arith.index_cast %add3A_629 : i32 to index
          %get3A_689 = arith.constant 112 : index
          %get3A_690 = tpu.vector_load %arg8[%get3A_687, %get3A_688, %get3A_689] {strides = array<i32>} : memref<2x256x128xf32, #tpu.memory_space<vmem>>, vector<1x1x16xf32>,
          %get3A_691 = vector.shape_cast %get3A_690 : vector<1x1x16xf32> to vector<1x16xf32>
          %reshape3A_692 = vector.shape_cast %get3A_691 : vector<1x16xf32> to vector<16xf32>
          %add3A_693 = arith.addf %add3A_623, %reshape3A_692 : vector<16xf32>
          %mul3A_694 = arith.constant 4 : i32
          %mul3A_695 = arith.muli %mul3A_694, %scan3A_475 : i32
          %add3A_696 = arith.constant 128 : i32
          %add3A_697 = arith.addi %add3A_696, %mul3A_695 : i32
          %add3A_698 = arith.constant 3 : i32
          %add3A_699 = arith.addi %add3A_697, %add3A_698 : i32
          %get3A_700 = arith.constant 1 : i32
          %get3A_701 = arith.index_cast %get3A_700 : i32 to index
          %get3A_702 = arith.index_cast %add3A_699 : i32 to index
          %get3A_703 = arith.constant 0 : index
          %get3A_704 = tpu.vector_load %arg8[%get3A_701, %get3A_702, %get3A_703] {strides = array<i32>} : memref<2x256x128xf32, #tpu.memory_space<vmem>>, vector<1x1x16xf32>,
          %get3A_705 = vector.shape_cast %get3A_704 : vector<1x1x16xf32> to vector<1x16xf32>
          %reshape3A_706 = vector.shape_cast %get3A_705 : vector<1x16xf32> to vector<16xf32>
          %add3A_707 = arith.addf %add3A_637, %reshape3A_706 : vector<16xf32>
          %get3A_708 = arith.constant 1 : i32
          %get3A_709 = arith.index_cast %get3A_708 : i32 to index
          %get3A_710 = arith.index_cast %add3A_699 : i32 to index
          %get3A_711 = arith.constant 16 : index
          %get3A_712 = tpu.vector_load %arg8[%get3A_709, %get3A_710, %get3A_711] {strides = array<i32>} : memref<2x256x128xf32, #tpu.memory_space<vmem>>, vector<1x1x16xf32>,
          %get3A_713 = vector.shape_cast %get3A_712 : vector<1x1x16xf32> to vector<1x16xf32>
          %reshape3A_714 = vector.shape_cast %get3A_713 : vector<1x16xf32> to vector<16xf32>
          %add3A_715 = arith.addf %add3A_645, %reshape3A_714 : vector<16xf32>
          %get3A_716 = arith.constant 1 : i32
          %get3A_717 = arith.index_cast %get3A_716 : i32 to index
          %get3A_718 = arith.index_cast %add3A_699 : i32 to index
          %get3A_719 = arith.constant 32 : index
          %get3A_720 = tpu.vector_load %arg8[%get3A_717, %get3A_718, %get3A_719] {strides = array<i32>} : memref<2x256x128xf32, #tpu.memory_space<vmem>>, vector<1x1x16xf32>,
          %get3A_721 = vector.shape_cast %get3A_720 : vector<1x1x16xf32> to vector<1x16xf32>
          %reshape3A_722 = vector.shape_cast %get3A_721 : vector<1x16xf32> to vector<16xf32>
          %add3A_723 = arith.addf %add3A_653, %reshape3A_722 : vector<16xf32>
          %get3A_724 = arith.constant 1 : i32
          %get3A_725 = arith.index_cast %get3A_724 : i32 to index
          %get3A_726 = arith.index_cast %add3A_699 : i32 to index
          %get3A_727 = arith.constant 48 : index
          %get3A_728 = tpu.vector_load %arg8[%get3A_725, %get3A_726, %get3A_727] {strides = array<i32>} : memref<2x256x128xf32, #tpu.memory_space<vmem>>, vector<1x1x16xf32>,
          %get3A_729 = vector.shape_cast %get3A_728 : vector<1x1x16xf32> to vector<1x16xf32>
          %reshape3A_730 = vector.shape_cast %get3A_729 : vector<1x16xf32> to vector<16xf32>
          %add3A_731 = arith.addf %add3A_661, %reshape3A_730 : vector<16xf32>
          %get3A_732 = arith.constant 1 : i32
          %get3A_733 = arith.index_cast %get3A_732 : i32 to index
          %get3A_734 = arith.index_cast %add3A_699 : i32 to index
          %get3A_735 = arith.constant 64 : index
          %get3A_736 = tpu.vector_load %arg8[%get3A_733, %get3A_734, %get3A_735] {strides = array<i32>} : memref<2x256x128xf32, #tpu.memory_space<vmem>>, vector<1x1x16xf32>,
          %get3A_737 = vector.shape_cast %get3A_736 : vector<1x1x16xf32> to vector<1x16xf32>
          %reshape3A_738 = vector.shape_cast %get3A_737 : vector<1x16xf32> to vector<16xf32>
          %add3A_739 = arith.addf %add3A_669, %reshape3A_738 : vector<16xf32>
          %get3A_740 = arith.constant 1 : i32
          %get3A_741 = arith.index_cast %get3A_740 : i32 to index
          %get3A_742 = arith.index_cast %add3A_699 : i32 to index
          %get3A_743 = arith.constant 80 : index
          %get3A_744 = tpu.vector_load %arg8[%get3A_741, %get3A_742, %get3A_743] {strides = array<i32>} : memref<2x256x128xf32, #tpu.memory_space<vmem>>, vector<1x1x16xf32>,
          %get3A_745 = vector.shape_cast %get3A_744 : vector<1x1x16xf32> to vector<1x16xf32>
          %reshape3A_746 = vector.shape_cast %get3A_745 : vector<1x16xf32> to vector<16xf32>
          %add3A_747 = arith.addf %add3A_677, %reshape3A_746 : vector<16xf32>
          %get3A_748 = arith.constant 1 : i32
          %get3A_749 = arith.index_cast %get3A_748 : i32 to index
          %get3A_750 = arith.index_cast %add3A_699 : i32 to index
          %get3A_751 = arith.constant 96 : index
          %get3A_752 = tpu.vector_load %arg8[%get3A_749, %get3A_750, %get3A_751] {strides = array<i32>} : memref<2x256x128xf32, #tpu.memory_space<vmem>>, vector<1x1x16xf32>,
          %get3A_753 = vector.shape_cast %get3A_752 : vector<1x1x16xf32> to vector<1x16xf32>
          %reshape3A_754 = vector.shape_cast %get3A_753 : vector<1x16xf32> to vector<16xf32>
          %add3A_755 = arith.addf %add3A_685, %reshape3A_754 : vector<16xf32>
          %get3A_756 = arith.constant 1 : i32
          %get3A_757 = arith.index_cast %get3A_756 : i32 to index
          %get3A_758 = arith.index_cast %add3A_699 : i32 to index
          %get3A_759 = arith.constant 112 : index
          %get3A_760 = tpu.vector_load %arg8[%get3A_757, %get3A_758, %get3A_759] {strides = array<i32>} : memref<2x256x128xf32, #tpu.memory_space<vmem>>, vector<1x1x16xf32>,
          %get3A_761 = vector.shape_cast %get3A_760 : vector<1x1x16xf32> to vector<1x16xf32>
          %reshape3A_762 = vector.shape_cast %get3A_761 : vector<1x16xf32> to vector<16xf32>
          %add3A_763 = arith.addf %add3A_693, %reshape3A_762 : vector<16xf32>
          scf.yield %add3A_707, %add3A_715, %add3A_723, %add3A_731, %add3A_739, %add3A_747, %add3A_755, %add3A_763 : vector<16xf32>, vector<16xf32>, vector<16xf32>, vector<16xf32>, vector<16xf32>, vector<16xf32>, vector<16xf32>, vector<16xf32>
        }
        %scan3A_415 = arith.constant 32 : i32
        %swap3A_416 = arith.constant 3 : i32
        %swap3A_417 = arith.index_cast %swap3A_416 : i32 to index
        %swap3A_418 = arith.constant 0 : index
        %swap3A_419 = tpu.vector_load %arg11[%swap3A_417, %swap3A_418] {strides = array<i32>} : memref<16x128xf32, #tpu.memory_space<vmem>>, vector<1x16xf32>,
        %swap3A_420 = vector.shape_cast %swap3A_419 : vector<1x16xf32> to vector<16xf32>
        %swap3A_421 = vector.shape_cast %scan3A_414#0 : vector<16xf32> to vector<1x16xf32>
        tpu.vector_store %arg11[%swap3A_417, %swap3A_418], %swap3A_421 {strides = array<i32>} : memref<16x128xf32, #tpu.memory_space<vmem>>, vector<1x16xf32>,
        %swap3A_422 = arith.constant 3 : i32
        %swap3A_423 = arith.index_cast %swap3A_422 : i32 to index
        %swap3A_424 = arith.constant 16 : index
        %swap3A_425 = tpu.vector_load %arg11[%swap3A_423, %swap3A_424] {strides = array<i32>} : memref<16x128xf32, #tpu.memory_space<vmem>>, vector<1x16xf32>,
        %swap3A_426 = vector.shape_cast %swap3A_425 : vector<1x16xf32> to vector<16xf32>
        %swap3A_427 = vector.shape_cast %scan3A_414#1 : vector<16xf32> to vector<1x16xf32>
        tpu.vector_store %arg11[%swap3A_423, %swap3A_424], %swap3A_427 {strides = array<i32>} : memref<16x128xf32, #tpu.memory_space<vmem>>, vector<1x16xf32>,
        %swap3A_428 = arith.constant 3 : i32
        %swap3A_429 = arith.index_cast %swap3A_428 : i32 to index
        %swap3A_430 = arith.constant 32 : index
        %swap3A_431 = tpu.vector_load %arg11[%swap3A_429, %swap3A_430] {strides = array<i32>} : memref<16x128xf32, #tpu.memory_space<vmem>>, vector<1x16xf32>,
        %swap3A_432 = vector.shape_cast %swap3A_431 : vector<1x16xf32> to vector<16xf32>
        %swap3A_433 = vector.shape_cast %scan3A_414#2 : vector<16xf32> to vector<1x16xf32>
        tpu.vector_store %arg11[%swap3A_429, %swap3A_430], %swap3A_433 {strides = array<i32>} : memref<16x128xf32, #tpu.memory_space<vmem>>, vector<1x16xf32>,
        %swap3A_434 = arith.constant 3 : i32
        %swap3A_435 = arith.index_cast %swap3A_434 : i32 to index
        %swap3A_436 = arith.constant 48 : index
        %swap3A_437 = tpu.vector_load %arg11[%swap3A_435, %swap3A_436] {strides = array<i32>} : memref<16x128xf32, #tpu.memory_space<vmem>>, vector<1x16xf32>,
        %swap3A_438 = vector.shape_cast %swap3A_437 : vector<1x16xf32> to vector<16xf32>
        %swap3A_439 = vector.shape_cast %scan3A_414#3 : vector<16xf32> to vector<1x16xf32>
        tpu.vector_store %arg11[%swap3A_435, %swap3A_436], %swap3A_439 {strides = array<i32>} : memref<16x128xf32, #tpu.memory_space<vmem>>, vector<1x16xf32>,
        %swap3A_440 = arith.constant 3 : i32
        %swap3A_441 = arith.index_cast %swap3A_440 : i32 to index
        %swap3A_442 = arith.constant 64 : index
        %swap3A_443 = tpu.vector_load %arg11[%swap3A_441, %swap3A_442] {strides = array<i32>} : memref<16x128xf32, #tpu.memory_space<vmem>>, vector<1x16xf32>,
        %swap3A_444 = vector.shape_cast %swap3A_443 : vector<1x16xf32> to vector<16xf32>
        %swap3A_445 = vector.shape_cast %scan3A_414#4 : vector<16xf32> to vector<1x16xf32>
        tpu.vector_store %arg11[%swap3A_441, %swap3A_442], %swap3A_445 {strides = array<i32>} : memref<16x128xf32, #tpu.memory_space<vmem>>, vector<1x16xf32>,
        %swap3A_446 = arith.constant 3 : i32
        %swap3A_447 = arith.index_cast %swap3A_446 : i32 to index
        %swap3A_448 = arith.constant 80 : index
        %swap3A_449 = tpu.vector_load %arg11[%swap3A_447, %swap3A_448] {strides = array<i32>} : memref<16x128xf32, #tpu.memory_space<vmem>>, vector<1x16xf32>,
        %swap3A_450 = vector.shape_cast %swap3A_449 : vector<1x16xf32> to vector<16xf32>
        %swap3A_451 = vector.shape_cast %scan3A_414#5 : vector<16xf32> to vector<1x16xf32>
        tpu.vector_store %arg11[%swap3A_447, %swap3A_448], %swap3A_451 {strides = array<i32>} : memref<16x128xf32, #tpu.memory_space<vmem>>, vector<1x16xf32>,
        %swap3A_452 = arith.constant 3 : i32
        %swap3A_453 = arith.index_cast %swap3A_452 : i32 to index
        %swap3A_454 = arith.constant 96 : index
        %swap3A_455 = tpu.vector_load %arg11[%swap3A_453, %swap3A_454] {strides = array<i32>} : memref<16x128xf32, #tpu.memory_space<vmem>>, vector<1x16xf32>,
        %swap3A_456 = vector.shape_cast %swap3A_455 : vector<1x16xf32> to vector<16xf32>
        %swap3A_457 = vector.shape_cast %scan3A_414#6 : vector<16xf32> to vector<1x16xf32>
        tpu.vector_store %arg11[%swap3A_453, %swap3A_454], %swap3A_457 {strides = array<i32>} : memref<16x128xf32, #tpu.memory_space<vmem>>, vector<1x16xf32>,
        %swap3A_458 = arith.constant 3 : i32
        %swap3A_459 = arith.index_cast %swap3A_458 : i32 to index
        %swap3A_460 = arith.constant 112 : index
        %swap3A_461 = tpu.vector_load %arg11[%swap3A_459, %swap3A_460] {strides = array<i32>} : memref<16x128xf32, #tpu.memory_space<vmem>>, vector<1x16xf32>,
        %swap3A_462 = vector.shape_cast %swap3A_461 : vector<1x16xf32> to vector<16xf32>
        %swap3A_463 = vector.shape_cast %scan3A_414#7 : vector<16xf32> to vector<1x16xf32>
        tpu.vector_store %arg11[%swap3A_459, %swap3A_460], %swap3A_463 {strides = array<i32>} : memref<16x128xf32, #tpu.memory_space<vmem>>, vector<1x16xf32>,
        %eq3A_464 = arith.constant 3 : i32
        %eq3A_465 = vector.broadcast %eq3A_464 : i32 to vector<16xi32>
        %eq3A_466 = arith.cmpi eq, %iota3A, %eq3A_465 : vector<16xi32>
        %get3A_467 = arith.constant 0 : index
        %get3A_468 = tpu.vector_load %arg12[%get3A_467] {strides = array<i32>} : memref<16xi32, #tpu.memory_space<vmem>>, vector<16xi32>,
        %get3A_469 = vector.shape_cast %get3A_468 : vector<16xi32> to vector<16xi32>
        %select_n3A_470 = arith.select %eq3A_466, %reshape3A_370, %get3A_469 : vector<16xi1>, vector<16xi32>
        %swap3A_471 = arith.constant 0 : index
        %swap3A_472 = tpu.vector_load %arg12[%swap3A_471] {strides = array<i32>} : memref<16xi32, #tpu.memory_space<vmem>>, vector<16xi32>,
        %swap3A_473 = vector.shape_cast %swap3A_472 : vector<16xi32> to vector<16xi32>
        %swap3A_474 = vector.shape_cast %select_n3A_470 : vector<16xi32> to vector<16xi32>
        tpu.vector_store %arg12[%swap3A_471], %swap3A_474 {strides = array<i32>} : memref<16xi32, #tpu.memory_space<vmem>>, vector<16xi32>,
      } else {
      }
      %not3A_384 = arith.constant true
      %not3A_385 = arith.xori %eq3A_380, %not3A_384 : i1
      %convert_element_type3A_386 = arith.extui %not3A_385 : i1 to i32
      %cond3A_387 = arith.constant 0 : i32
      %cond3A_388 = arith.cmpi ne, %convert_element_type3A_386, %cond3A_387 : i32
      scf.if %cond3A_388 {
        %run_scoped3A = arith.constant 1 : i32
        "tpu.region"() ({
          %run_scoped3A_395 = tpu.sem_alloc : memref<!tpu.dma_semaphore, #tpu.memory_space<semaphore_mem>>
          %dma_start3A_396 = arith.constant 128 : i32
          %dma_start3A_397 = arith.constant 0 : i32
          %dma_start3A_398 = tpu.memref_slice %arg8[%run_scoped3A, %dma_start3A_396, %dma_start3A_397] : memref<2x256x128xf32, #tpu.memory_space<vmem>> -> memref<1x128x128xf32, #tpu.memory_space<vmem>>
          %dma_start3A_399 = tpu.memref_squeeze %dma_start3A_398 : memref<1x128x128xf32, #tpu.memory_space<vmem>> -> memref<128x128xf32, #tpu.memory_space<vmem>>
          %dma_start3A_400 = arith.constant 0 : i32
          %dma_start3A_401 = tpu.memref_slice %arg9[%add3A_365, %dma_start3A_400] : memref<196x128xi32, #tpu.memory_space<vmem>> -> memref<1x128xi32, #tpu.memory_space<vmem>>
          %dma_start3A_402 = tpu.memref_squeeze %dma_start3A_401 : memref<1x128xi32, #tpu.memory_space<vmem>> -> memref<128xi32, #tpu.memory_space<vmem>>
          %dma_start3A_403 = arith.constant 0 : i32
          %dma_start3A_404 = arith.constant 0 : i32
          %dma_start3A_405 = tpu.memref_slice %arg14[%dma_start3A_403, %dma_start3A_404] : memref<1032x128xf32, #tpu.memory_space<vmem_shared>> -> memref<1032x128xf32, #tpu.memory_space<vmem_shared>>
          tpu.enqueue_indirect_dma source(%dma_start3A_399 : memref<128x128xf32, #tpu.memory_space<vmem>>) target(%dma_start3A_405 : memref<1032x128xf32, #tpu.memory_space<vmem_shared>>) offsets(%dma_start3A_402 : memref<128xi32, #tpu.memory_space<vmem>>) semaphore(%run_scoped3A_395 : memref<!tpu.dma_semaphore, #tpu.memory_space<semaphore_mem>>) {add = true}
          %dma_wait3A_406 = arith.constant 128 : i32
          %dma_wait3A_407 = arith.constant 0 : i32
          %dma_wait3A_408 = tpu.memref_slice %arg8[%run_scoped3A, %dma_wait3A_406, %dma_wait3A_407] : memref<2x256x128xf32, #tpu.memory_space<vmem>> -> memref<1x128x128xf32, #tpu.memory_space<vmem>>
          %dma_wait3A_409 = tpu.memref_squeeze %dma_wait3A_408 : memref<1x128x128xf32, #tpu.memory_space<vmem>> -> memref<128x128xf32, #tpu.memory_space<vmem>>
          %dma_wait3A_410 = arith.constant 0 : i32
          %dma_wait3A_411 = tpu.memref_slice %arg9[%add3A_365, %dma_wait3A_410] : memref<196x128xi32, #tpu.memory_space<vmem>> -> memref<1x128xi32, #tpu.memory_space<vmem>>
          %dma_wait3A_412 = tpu.memref_squeeze %dma_wait3A_411 : memref<1x128xi32, #tpu.memory_space<vmem>> -> memref<128xi32, #tpu.memory_space<vmem>>
          %dma_wait3A_413 = arith.constant 0 : i32
          %dma_wait3A_414 = arith.constant 0 : i32
          %dma_wait3A_415 = tpu.memref_slice %arg14[%dma_wait3A_413, %dma_wait3A_414] : memref<1032x128xf32, #tpu.memory_space<vmem_shared>> -> memref<1032x128xf32, #tpu.memory_space<vmem_shared>>
          tpu.wait_indirect_dma semaphore(%run_scoped3A_395 : memref<!tpu.dma_semaphore, #tpu.memory_space<semaphore_mem>>) src(%dma_wait3A_409 : memref<128x128xf32, #tpu.memory_space<vmem>>) dst(%dma_wait3A_415 : memref<1032x128xf32, #tpu.memory_space<vmem_shared>>)
          tpu.yield
        }) : () -> ()
      } else {
      }
      %add3A_389 = arith.constant 3 : i32
      %add3A_390 = arith.addi %mul3A_228, %add3A_389 : i32
      %lt3A_391 = arith.cmpi slt, %add3A_390, %select_n3A_135 : i32
      %convert_element_type3A_392 = arith.extui %lt3A_391 : i1 to i32
      %cond3A_393 = arith.constant 0 : i32
      %cond3A_394 = arith.cmpi ne, %convert_element_type3A_392, %cond3A_393 : i32
      scf.if %cond3A_394 {
        %add3A_395 = arith.constant 3 : i32
        %add3A_396 = arith.addi %mul3A_228, %add3A_395 : i32
        %mul3A_397 = arith.constant 256 : i32
        %mul3A_398 = arith.muli %add3A_396, %mul3A_397 : i32
        %add3A_399 = arith.addi %mul3A_34, %mul3A_398 : i32
        %min3A_400 = arith.constant 319744 : i32
        %min3A_401 = arith.minsi %add3A_399, %min3A_400 : i32
        %dma_start3A_402 = arith.constant 1 : i32
        %dma_start3A_403 = arith.constant 0 : i32
        %dma_start3A_404 = arith.constant 0 : i32
        %dma_start3A_405 = tpu.memref_slice %arg8[%dma_start3A_402, %dma_start3A_403, %dma_start3A_404] : memref<2x256x128xf32, #tpu.memory_space<vmem>> -> memref<1x256x128xf32, #tpu.memory_space<vmem>>
        %dma_start3A_406 = tpu.memref_squeeze %dma_start3A_405 : memref<1x256x128xf32, #tpu.memory_space<vmem>> -> memref<256x128xf32, #tpu.memory_space<vmem>>
        %dma_start3A_407 = arith.constant 0 : i32
        %dma_start3A_408 = tpu.memref_slice %arg2[%min3A_401, %dma_start3A_407] : memref<320000x128xf32, #tpu.memory_space<hbm>> -> memref<256x128xf32, #tpu.memory_space<hbm>>
        %dma_start3A_409 = arith.constant 0 : i32
        %dma_start3A_410 = arith.constant 0 : i32
        %dma_start3A_411 = tpu.memref_slice %arg8[%dma_start3A_402, %dma_start3A_409, %dma_start3A_410] : memref<2x256x128xf32, #tpu.memory_space<vmem>> -> memref<1x256x128xf32, #tpu.memory_space<vmem>>
        %dma_start3A_412 = tpu.memref_squeeze %dma_start3A_411 : memref<1x256x128xf32, #tpu.memory_space<vmem>> -> memref<256x128xf32, #tpu.memory_space<vmem>>
        %dma_start3A_413 = arith.constant 0 : i32
        %dma_start3A_414 = tpu.memref_slice %arg2[%min3A_401, %dma_start3A_413] : memref<320000x128xf32, #tpu.memory_space<hbm>> -> memref<256x128xf32, #tpu.memory_space<hbm>>
        tpu.enqueue_dma source(%dma_start3A_414 : memref<256x128xf32, #tpu.memory_space<hbm>>) target(%dma_start3A_412 : memref<256x128xf32, #tpu.memory_space<vmem>>) target_semaphore(%arg16 : memref<!tpu.dma_semaphore, #tpu.memory_space<semaphore_mem>>)
      } else {
      }
      "tpu.region"() ({
        %run_scoped3A = tpu.sem_alloc : memref<!tpu.dma_semaphore, #tpu.memory_space<semaphore_mem>>
        %dma_start3A_395 = arith.constant 0 : i32
        %dma_start3A_396 = arith.constant 0 : i32
        %dma_start3A_397 = tpu.memref_slice %arg14[%dma_start3A_395, %dma_start3A_396] : memref<1032x128xf32, #tpu.memory_space<vmem_shared>> -> memref<1032x128xf32, #tpu.memory_space<vmem_shared>>
        tpu.enqueue_indirect_dma source(%arg11 : memref<16x128xf32, #tpu.memory_space<vmem>>) target(%dma_start3A_397 : memref<1032x128xf32, #tpu.memory_space<vmem_shared>>) offsets(%arg12 : memref<16xi32, #tpu.memory_space<vmem>>) semaphore(%run_scoped3A : memref<!tpu.dma_semaphore, #tpu.memory_space<semaphore_mem>>) {add = true}
        %dma_wait3A_398 = arith.constant 0 : i32
        %dma_wait3A_399 = arith.constant 0 : i32
        %dma_wait3A_400 = tpu.memref_slice %arg14[%dma_wait3A_398, %dma_wait3A_399] : memref<1032x128xf32, #tpu.memory_space<vmem_shared>> -> memref<1032x128xf32, #tpu.memory_space<vmem_shared>>
        tpu.wait_indirect_dma semaphore(%run_scoped3A : memref<!tpu.dma_semaphore, #tpu.memory_space<semaphore_mem>>) src(%arg11 : memref<16x128xf32, #tpu.memory_space<vmem>>) dst(%dma_wait3A_400 : memref<1032x128xf32, #tpu.memory_space<vmem_shared>>)
        tpu.yield
      }) : () -> ()
    }
    %jit3A_169 = arith.constant 2 : i32
    %eq3A_170 = arith.constant 0 : i32
    %eq3A_171 = arith.cmpi eq, %jit3A_169, %eq3A_170 : i32
    %jit3A_172 = arith.constant 1 : i32
    %select_n3A_173 = arith.select %eq3A_171, %jit3A_172, %jit3A_169 : i32
    %rem3A_174 = arith.remsi %select_n3A_135, %select_n3A_173 : i32
    %ne3A_175 = arith.constant 0 : i32
    %ne3A_176 = arith.cmpi ne, %rem3A_174, %ne3A_175 : i32
    %lt3A_177 = arith.constant 0 : i32
    %lt3A_178 = arith.cmpi slt, %rem3A_174, %lt3A_177 : i32
    %lt3A_179 = arith.constant 0 : i32
    %lt3A_180 = arith.cmpi slt, %select_n3A_173, %lt3A_179 : i32
    %ne3A_181 = arith.xori %lt3A_178, %lt3A_180 : i1
    %and3A_182 = arith.andi %ne3A_181, %ne3A_176 : i1
    %add3A_183 = arith.addi %rem3A_174, %select_n3A_173 : i32
    %select_n3A_184 = arith.select %and3A_182, %add3A_183, %rem3A_174 : i32
    %eq3A_185 = arith.constant 1 : i32
    %eq3A_186 = arith.cmpi eq, %select_n3A_184, %eq3A_185 : i32
    %convert_element_type3A_187 = arith.extui %eq3A_186 : i1 to i32
    %cond3A_188 = arith.constant 0 : i32
    %cond3A_189 = arith.cmpi ne, %convert_element_type3A_187, %cond3A_188 : i32
    scf.if %cond3A_189 {
      %sub3A_226 = arith.constant 1 : i32
      %sub3A_227 = arith.subi %select_n3A_135, %sub3A_226 : i32
      %mul3A_228 = arith.constant 256 : i32
      %mul3A_229 = arith.muli %sub3A_227, %mul3A_228 : i32
      %add3A_230 = arith.addi %mul3A_34, %mul3A_229 : i32
      %min3A_231 = arith.constant 319744 : i32
      %min3A_232 = arith.minsi %add3A_230, %min3A_231 : i32
      %dma_wait3A = arith.constant 0 : i32
      %dma_wait3A_233 = arith.constant 0 : i32
      %dma_wait3A_234 = arith.constant 0 : i32
      %dma_wait3A_235 = tpu.memref_slice %arg8[%dma_wait3A, %dma_wait3A_233, %dma_wait3A_234] : memref<2x256x128xf32, #tpu.memory_space<vmem>> -> memref<1x256x128xf32, #tpu.memory_space<vmem>>
      %dma_wait3A_236 = tpu.memref_squeeze %dma_wait3A_235 : memref<1x256x128xf32, #tpu.memory_space<vmem>> -> memref<256x128xf32, #tpu.memory_space<vmem>>
      %dma_wait3A_237 = arith.constant 0 : i32
      %dma_wait3A_238 = tpu.memref_slice %arg2[%min3A_232, %dma_wait3A_237] : memref<320000x128xf32, #tpu.memory_space<hbm>> -> memref<256x128xf32, #tpu.memory_space<hbm>>
      %dma_wait3A_239 = arith.constant 0 : i32
      %dma_wait3A_240 = arith.constant 0 : i32
      %dma_wait3A_241 = tpu.memref_slice %arg8[%dma_wait3A, %dma_wait3A_239, %dma_wait3A_240] : memref<2x256x128xf32, #tpu.memory_space<vmem>> -> memref<1x256x128xf32, #tpu.memory_space<vmem>>
      %dma_wait3A_242 = tpu.memref_squeeze %dma_wait3A_241 : memref<1x256x128xf32, #tpu.memory_space<vmem>> -> memref<256x128xf32, #tpu.memory_space<vmem>>
      %dma_wait3A_243 = arith.constant 0 : i32
      %dma_wait3A_244 = tpu.memref_slice %arg2[%min3A_232, %dma_wait3A_243] : memref<320000x128xf32, #tpu.memory_space<hbm>> -> memref<256x128xf32, #tpu.memory_space<hbm>>
      tpu.wait_dma2 semaphore(%arg15 : memref<!tpu.dma_semaphore, #tpu.memory_space<semaphore_mem>>) src(%dma_wait3A_244 : memref<256x128xf32, #tpu.memory_space<hbm>>) dst(%dma_wait3A_242 : memref<256x128xf32, #tpu.memory_space<vmem>>)
      %broadcast_in_dim3A = arith.constant 1024 : i32
      %broadcast_in_dim3A_245 = vector.broadcast %broadcast_in_dim3A : i32 to vector<16xi32>
      %swap3A = arith.constant 0 : index
      %swap3A_246 = tpu.vector_load %arg12[%swap3A] {strides = array<i32>} : memref<16xi32, #tpu.memory_space<vmem>>, vector<16xi32>,
      %swap3A_247 = vector.shape_cast %swap3A_246 : vector<16xi32> to vector<16xi32>
      %swap3A_248 = vector.shape_cast %broadcast_in_dim3A_245 : vector<16xi32> to vector<16xi32>
      tpu.vector_store %arg12[%swap3A], %swap3A_248 {strides = array<i32>} : memref<16xi32, #tpu.memory_space<vmem>>, vector<16xi32>,
      %sub3A_249 = arith.constant 1 : i32
      %sub3A_250 = arith.subi %select_n3A_135, %sub3A_249 : i32
      %mul3A_251 = arith.constant 2 : i32
      %mul3A_252 = arith.muli %sub3A_250, %mul3A_251 : i32
      %add3A_253 = arith.addi %sub3A_96, %mul3A_252 : i32
      %add3A_254 = arith.constant 0 : i32
      %add3A_255 = arith.addi %add3A_253, %add3A_254 : i32
      %get3A_256 = arith.index_cast %add3A_255 : i32 to index
      %get3A_257 = arith.constant 0 : index
      %get3A_258 = tpu.vector_load %arg9[%get3A_256, %get3A_257] {strides = array<i32>} : memref<196x128xi32, #tpu.memory_space<vmem>>, vector<1x16xi32>,
      %get3A_259 = vector.shape_cast %get3A_258 : vector<1x16xi32> to vector<1x16xi32>
      %reshape3A = vector.shape_cast %get3A_259 : vector<1x16xi32> to vector<16xi32>
      %get3A_260 = arith.index_cast %add3A_255 : i32 to index
      %get3A_261 = arith.constant 112 : index
      %get3A_262 = tpu.vector_load %arg9[%get3A_260, %get3A_261] {strides = array<i32>} : memref<196x128xi32, #tpu.memory_space<vmem>>, vector<1x16xi32>,
      %get3A_263 = vector.shape_cast %get3A_262 : vector<1x16xi32> to vector<1x16xi32>
      %reshape3A_264 = vector.shape_cast %get3A_263 : vector<1x16xi32> to vector<16xi32>
      %slice3A_265 = vector.extract_strided_slice %reshape3A {offsets = [0], sizes = [1], strides = [1]} : vector<16xi32> to vector<1xi32>
      %squeeze3A_266 = vector.extract %slice3A_265[0] : i32 from vector<1xi32>
      %slice3A_267 = vector.extract_strided_slice %reshape3A_264 {offsets = [15], sizes = [1], strides = [1]} : vector<16xi32> to vector<1xi32>
      %squeeze3A_268 = vector.extract %slice3A_267[0] : i32 from vector<1xi32>
      %eq3A_269 = arith.cmpi eq, %squeeze3A_266, %squeeze3A_268 : i32
      %convert_element_type3A_270 = arith.extui %eq3A_269 : i1 to i32
      %cond3A_271 = arith.constant 0 : i32
      %cond3A_272 = arith.cmpi ne, %convert_element_type3A_270, %cond3A_271 : i32
      scf.if %cond3A_272 {
        %broadcast_in_dim3A_306 = arith.constant 0.000000e+00 : f32
        %broadcast_in_dim3A_307 = vector.broadcast %broadcast_in_dim3A_306 : f32 to vector<16xf32>
        %broadcast_in_dim3A_308 = arith.constant 0.000000e+00 : f32
        %broadcast_in_dim3A_309 = vector.broadcast %broadcast_in_dim3A_308 : f32 to vector<16xf32>
        %broadcast_in_dim3A_310 = arith.constant 0.000000e+00 : f32
        %broadcast_in_dim3A_311 = vector.broadcast %broadcast_in_dim3A_310 : f32 to vector<16xf32>
        %broadcast_in_dim3A_312 = arith.constant 0.000000e+00 : f32
        %broadcast_in_dim3A_313 = vector.broadcast %broadcast_in_dim3A_312 : f32 to vector<16xf32>
        %broadcast_in_dim3A_314 = arith.constant 0.000000e+00 : f32
        %broadcast_in_dim3A_315 = vector.broadcast %broadcast_in_dim3A_314 : f32 to vector<16xf32>
        %broadcast_in_dim3A_316 = arith.constant 0.000000e+00 : f32
        %broadcast_in_dim3A_317 = vector.broadcast %broadcast_in_dim3A_316 : f32 to vector<16xf32>
        %broadcast_in_dim3A_318 = arith.constant 0.000000e+00 : f32
        %broadcast_in_dim3A_319 = vector.broadcast %broadcast_in_dim3A_318 : f32 to vector<16xf32>
        %broadcast_in_dim3A_320 = arith.constant 0.000000e+00 : f32
        %broadcast_in_dim3A_321 = vector.broadcast %broadcast_in_dim3A_320 : f32 to vector<16xf32>
        %scan3A = arith.constant 0 : i32
        %scan3A_322 = arith.constant 32 : i32
        %scan3A_323 = arith.addi %scan3A, %scan3A_322 : i32
        %scan3A_324 = arith.constant 1 : i32
        %scan3A_325:8 = scf.for %scan3A_386 = %scan3A to %scan3A_323 step %scan3A_324 iter_args(%scan3A_387 = %broadcast_in_dim3A_307, %scan3A_388 = %broadcast_in_dim3A_309, %scan3A_389 = %broadcast_in_dim3A_311, %scan3A_390 = %broadcast_in_dim3A_313, %scan3A_391 = %broadcast_in_dim3A_315, %scan3A_392 = %broadcast_in_dim3A_317, %scan3A_393 = %broadcast_in_dim3A_319, %scan3A_394 = %broadcast_in_dim3A_321) -> (vector<16xf32>, vector<16xf32>, vector<16xf32>, vector<16xf32>, vector<16xf32>, vector<16xf32>, vector<16xf32>, vector<16xf32>)  : i32 {
          %mul3A_395 = arith.constant 4 : i32
          %mul3A_396 = arith.muli %mul3A_395, %scan3A_386 : i32
          %add3A_397 = arith.constant 0 : i32
          %add3A_398 = arith.addi %add3A_397, %mul3A_396 : i32
          %add3A_399 = arith.constant 0 : i32
          %add3A_400 = arith.addi %add3A_398, %add3A_399 : i32
          %get3A_401 = arith.constant 0 : i32
          %get3A_402 = arith.index_cast %get3A_401 : i32 to index
          %get3A_403 = arith.index_cast %add3A_400 : i32 to index
          %get3A_404 = arith.constant 0 : index
          %get3A_405 = tpu.vector_load %arg8[%get3A_402, %get3A_403, %get3A_404] {strides = array<i32>} : memref<2x256x128xf32, #tpu.memory_space<vmem>>, vector<1x1x16xf32>,
          %get3A_406 = vector.shape_cast %get3A_405 : vector<1x1x16xf32> to vector<1x16xf32>
          %reshape3A_407 = vector.shape_cast %get3A_406 : vector<1x16xf32> to vector<16xf32>
          %add3A_408 = arith.addf %scan3A_387, %reshape3A_407 : vector<16xf32>
          %get3A_409 = arith.constant 0 : i32
          %get3A_410 = arith.index_cast %get3A_409 : i32 to index
          %get3A_411 = arith.index_cast %add3A_400 : i32 to index
          %get3A_412 = arith.constant 16 : index
          %get3A_413 = tpu.vector_load %arg8[%get3A_410, %get3A_411, %get3A_412] {strides = array<i32>} : memref<2x256x128xf32, #tpu.memory_space<vmem>>, vector<1x1x16xf32>,
          %get3A_414 = vector.shape_cast %get3A_413 : vector<1x1x16xf32> to vector<1x16xf32>
          %reshape3A_415 = vector.shape_cast %get3A_414 : vector<1x16xf32> to vector<16xf32>
          %add3A_416 = arith.addf %scan3A_388, %reshape3A_415 : vector<16xf32>
          %get3A_417 = arith.constant 0 : i32
          %get3A_418 = arith.index_cast %get3A_417 : i32 to index
          %get3A_419 = arith.index_cast %add3A_400 : i32 to index
          %get3A_420 = arith.constant 32 : index
          %get3A_421 = tpu.vector_load %arg8[%get3A_418, %get3A_419, %get3A_420] {strides = array<i32>} : memref<2x256x128xf32, #tpu.memory_space<vmem>>, vector<1x1x16xf32>,
          %get3A_422 = vector.shape_cast %get3A_421 : vector<1x1x16xf32> to vector<1x16xf32>
          %reshape3A_423 = vector.shape_cast %get3A_422 : vector<1x16xf32> to vector<16xf32>
          %add3A_424 = arith.addf %scan3A_389, %reshape3A_423 : vector<16xf32>
          %get3A_425 = arith.constant 0 : i32
          %get3A_426 = arith.index_cast %get3A_425 : i32 to index
          %get3A_427 = arith.index_cast %add3A_400 : i32 to index
          %get3A_428 = arith.constant 48 : index
          %get3A_429 = tpu.vector_load %arg8[%get3A_426, %get3A_427, %get3A_428] {strides = array<i32>} : memref<2x256x128xf32, #tpu.memory_space<vmem>>, vector<1x1x16xf32>,
          %get3A_430 = vector.shape_cast %get3A_429 : vector<1x1x16xf32> to vector<1x16xf32>
          %reshape3A_431 = vector.shape_cast %get3A_430 : vector<1x16xf32> to vector<16xf32>
          %add3A_432 = arith.addf %scan3A_390, %reshape3A_431 : vector<16xf32>
          %get3A_433 = arith.constant 0 : i32
          %get3A_434 = arith.index_cast %get3A_433 : i32 to index
          %get3A_435 = arith.index_cast %add3A_400 : i32 to index
          %get3A_436 = arith.constant 64 : index
          %get3A_437 = tpu.vector_load %arg8[%get3A_434, %get3A_435, %get3A_436] {strides = array<i32>} : memref<2x256x128xf32, #tpu.memory_space<vmem>>, vector<1x1x16xf32>,
          %get3A_438 = vector.shape_cast %get3A_437 : vector<1x1x16xf32> to vector<1x16xf32>
          %reshape3A_439 = vector.shape_cast %get3A_438 : vector<1x16xf32> to vector<16xf32>
          %add3A_440 = arith.addf %scan3A_391, %reshape3A_439 : vector<16xf32>
          %get3A_441 = arith.constant 0 : i32
          %get3A_442 = arith.index_cast %get3A_441 : i32 to index
          %get3A_443 = arith.index_cast %add3A_400 : i32 to index
          %get3A_444 = arith.constant 80 : index
          %get3A_445 = tpu.vector_load %arg8[%get3A_442, %get3A_443, %get3A_444] {strides = array<i32>} : memref<2x256x128xf32, #tpu.memory_space<vmem>>, vector<1x1x16xf32>,
          %get3A_446 = vector.shape_cast %get3A_445 : vector<1x1x16xf32> to vector<1x16xf32>
          %reshape3A_447 = vector.shape_cast %get3A_446 : vector<1x16xf32> to vector<16xf32>
          %add3A_448 = arith.addf %scan3A_392, %reshape3A_447 : vector<16xf32>
          %get3A_449 = arith.constant 0 : i32
          %get3A_450 = arith.index_cast %get3A_449 : i32 to index
          %get3A_451 = arith.index_cast %add3A_400 : i32 to index
          %get3A_452 = arith.constant 96 : index
          %get3A_453 = tpu.vector_load %arg8[%get3A_450, %get3A_451, %get3A_452] {strides = array<i32>} : memref<2x256x128xf32, #tpu.memory_space<vmem>>, vector<1x1x16xf32>,
          %get3A_454 = vector.shape_cast %get3A_453 : vector<1x1x16xf32> to vector<1x16xf32>
          %reshape3A_455 = vector.shape_cast %get3A_454 : vector<1x16xf32> to vector<16xf32>
          %add3A_456 = arith.addf %scan3A_393, %reshape3A_455 : vector<16xf32>
          %get3A_457 = arith.constant 0 : i32
          %get3A_458 = arith.index_cast %get3A_457 : i32 to index
          %get3A_459 = arith.index_cast %add3A_400 : i32 to index
          %get3A_460 = arith.constant 112 : index
          %get3A_461 = tpu.vector_load %arg8[%get3A_458, %get3A_459, %get3A_460] {strides = array<i32>} : memref<2x256x128xf32, #tpu.memory_space<vmem>>, vector<1x1x16xf32>,
          %get3A_462 = vector.shape_cast %get3A_461 : vector<1x1x16xf32> to vector<1x16xf32>
          %reshape3A_463 = vector.shape_cast %get3A_462 : vector<1x16xf32> to vector<16xf32>
          %add3A_464 = arith.addf %scan3A_394, %reshape3A_463 : vector<16xf32>
          %mul3A_465 = arith.constant 4 : i32
          %mul3A_466 = arith.muli %mul3A_465, %scan3A_386 : i32
          %add3A_467 = arith.constant 0 : i32
          %add3A_468 = arith.addi %add3A_467, %mul3A_466 : i32
          %add3A_469 = arith.constant 1 : i32
          %add3A_470 = arith.addi %add3A_468, %add3A_469 : i32
          %get3A_471 = arith.constant 0 : i32
          %get3A_472 = arith.index_cast %get3A_471 : i32 to index
          %get3A_473 = arith.index_cast %add3A_470 : i32 to index
          %get3A_474 = arith.constant 0 : index
          %get3A_475 = tpu.vector_load %arg8[%get3A_472, %get3A_473, %get3A_474] {strides = array<i32>} : memref<2x256x128xf32, #tpu.memory_space<vmem>>, vector<1x1x16xf32>,
          %get3A_476 = vector.shape_cast %get3A_475 : vector<1x1x16xf32> to vector<1x16xf32>
          %reshape3A_477 = vector.shape_cast %get3A_476 : vector<1x16xf32> to vector<16xf32>
          %add3A_478 = arith.addf %add3A_408, %reshape3A_477 : vector<16xf32>
          %get3A_479 = arith.constant 0 : i32
          %get3A_480 = arith.index_cast %get3A_479 : i32 to index
          %get3A_481 = arith.index_cast %add3A_470 : i32 to index
          %get3A_482 = arith.constant 16 : index
          %get3A_483 = tpu.vector_load %arg8[%get3A_480, %get3A_481, %get3A_482] {strides = array<i32>} : memref<2x256x128xf32, #tpu.memory_space<vmem>>, vector<1x1x16xf32>,
          %get3A_484 = vector.shape_cast %get3A_483 : vector<1x1x16xf32> to vector<1x16xf32>
          %reshape3A_485 = vector.shape_cast %get3A_484 : vector<1x16xf32> to vector<16xf32>
          %add3A_486 = arith.addf %add3A_416, %reshape3A_485 : vector<16xf32>
          %get3A_487 = arith.constant 0 : i32
          %get3A_488 = arith.index_cast %get3A_487 : i32 to index
          %get3A_489 = arith.index_cast %add3A_470 : i32 to index
          %get3A_490 = arith.constant 32 : index
          %get3A_491 = tpu.vector_load %arg8[%get3A_488, %get3A_489, %get3A_490] {strides = array<i32>} : memref<2x256x128xf32, #tpu.memory_space<vmem>>, vector<1x1x16xf32>,
          %get3A_492 = vector.shape_cast %get3A_491 : vector<1x1x16xf32> to vector<1x16xf32>
          %reshape3A_493 = vector.shape_cast %get3A_492 : vector<1x16xf32> to vector<16xf32>
          %add3A_494 = arith.addf %add3A_424, %reshape3A_493 : vector<16xf32>
          %get3A_495 = arith.constant 0 : i32
          %get3A_496 = arith.index_cast %get3A_495 : i32 to index
          %get3A_497 = arith.index_cast %add3A_470 : i32 to index
          %get3A_498 = arith.constant 48 : index
          %get3A_499 = tpu.vector_load %arg8[%get3A_496, %get3A_497, %get3A_498] {strides = array<i32>} : memref<2x256x128xf32, #tpu.memory_space<vmem>>, vector<1x1x16xf32>,
          %get3A_500 = vector.shape_cast %get3A_499 : vector<1x1x16xf32> to vector<1x16xf32>
          %reshape3A_501 = vector.shape_cast %get3A_500 : vector<1x16xf32> to vector<16xf32>
          %add3A_502 = arith.addf %add3A_432, %reshape3A_501 : vector<16xf32>
          %get3A_503 = arith.constant 0 : i32
          %get3A_504 = arith.index_cast %get3A_503 : i32 to index
          %get3A_505 = arith.index_cast %add3A_470 : i32 to index
          %get3A_506 = arith.constant 64 : index
          %get3A_507 = tpu.vector_load %arg8[%get3A_504, %get3A_505, %get3A_506] {strides = array<i32>} : memref<2x256x128xf32, #tpu.memory_space<vmem>>, vector<1x1x16xf32>,
          %get3A_508 = vector.shape_cast %get3A_507 : vector<1x1x16xf32> to vector<1x16xf32>
          %reshape3A_509 = vector.shape_cast %get3A_508 : vector<1x16xf32> to vector<16xf32>
          %add3A_510 = arith.addf %add3A_440, %reshape3A_509 : vector<16xf32>
          %get3A_511 = arith.constant 0 : i32
          %get3A_512 = arith.index_cast %get3A_511 : i32 to index
          %get3A_513 = arith.index_cast %add3A_470 : i32 to index
          %get3A_514 = arith.constant 80 : index
          %get3A_515 = tpu.vector_load %arg8[%get3A_512, %get3A_513, %get3A_514] {strides = array<i32>} : memref<2x256x128xf32, #tpu.memory_space<vmem>>, vector<1x1x16xf32>,
          %get3A_516 = vector.shape_cast %get3A_515 : vector<1x1x16xf32> to vector<1x16xf32>
          %reshape3A_517 = vector.shape_cast %get3A_516 : vector<1x16xf32> to vector<16xf32>
          %add3A_518 = arith.addf %add3A_448, %reshape3A_517 : vector<16xf32>
          %get3A_519 = arith.constant 0 : i32
          %get3A_520 = arith.index_cast %get3A_519 : i32 to index
          %get3A_521 = arith.index_cast %add3A_470 : i32 to index
          %get3A_522 = arith.constant 96 : index
          %get3A_523 = tpu.vector_load %arg8[%get3A_520, %get3A_521, %get3A_522] {strides = array<i32>} : memref<2x256x128xf32, #tpu.memory_space<vmem>>, vector<1x1x16xf32>,
          %get3A_524 = vector.shape_cast %get3A_523 : vector<1x1x16xf32> to vector<1x16xf32>
          %reshape3A_525 = vector.shape_cast %get3A_524 : vector<1x16xf32> to vector<16xf32>
          %add3A_526 = arith.addf %add3A_456, %reshape3A_525 : vector<16xf32>
          %get3A_527 = arith.constant 0 : i32
          %get3A_528 = arith.index_cast %get3A_527 : i32 to index
          %get3A_529 = arith.index_cast %add3A_470 : i32 to index
          %get3A_530 = arith.constant 112 : index
          %get3A_531 = tpu.vector_load %arg8[%get3A_528, %get3A_529, %get3A_530] {strides = array<i32>} : memref<2x256x128xf32, #tpu.memory_space<vmem>>, vector<1x1x16xf32>,
          %get3A_532 = vector.shape_cast %get3A_531 : vector<1x1x16xf32> to vector<1x16xf32>
          %reshape3A_533 = vector.shape_cast %get3A_532 : vector<1x16xf32> to vector<16xf32>
          %add3A_534 = arith.addf %add3A_464, %reshape3A_533 : vector<16xf32>
          %mul3A_535 = arith.constant 4 : i32
          %mul3A_536 = arith.muli %mul3A_535, %scan3A_386 : i32
          %add3A_537 = arith.constant 0 : i32
          %add3A_538 = arith.addi %add3A_537, %mul3A_536 : i32
          %add3A_539 = arith.constant 2 : i32
          %add3A_540 = arith.addi %add3A_538, %add3A_539 : i32
          %get3A_541 = arith.constant 0 : i32
          %get3A_542 = arith.index_cast %get3A_541 : i32 to index
          %get3A_543 = arith.index_cast %add3A_540 : i32 to index
          %get3A_544 = arith.constant 0 : index
          %get3A_545 = tpu.vector_load %arg8[%get3A_542, %get3A_543, %get3A_544] {strides = array<i32>} : memref<2x256x128xf32, #tpu.memory_space<vmem>>, vector<1x1x16xf32>,
          %get3A_546 = vector.shape_cast %get3A_545 : vector<1x1x16xf32> to vector<1x16xf32>
          %reshape3A_547 = vector.shape_cast %get3A_546 : vector<1x16xf32> to vector<16xf32>
          %add3A_548 = arith.addf %add3A_478, %reshape3A_547 : vector<16xf32>
          %get3A_549 = arith.constant 0 : i32
          %get3A_550 = arith.index_cast %get3A_549 : i32 to index
          %get3A_551 = arith.index_cast %add3A_540 : i32 to index
          %get3A_552 = arith.constant 16 : index
          %get3A_553 = tpu.vector_load %arg8[%get3A_550, %get3A_551, %get3A_552] {strides = array<i32>} : memref<2x256x128xf32, #tpu.memory_space<vmem>>, vector<1x1x16xf32>,
          %get3A_554 = vector.shape_cast %get3A_553 : vector<1x1x16xf32> to vector<1x16xf32>
          %reshape3A_555 = vector.shape_cast %get3A_554 : vector<1x16xf32> to vector<16xf32>
          %add3A_556 = arith.addf %add3A_486, %reshape3A_555 : vector<16xf32>
          %get3A_557 = arith.constant 0 : i32
          %get3A_558 = arith.index_cast %get3A_557 : i32 to index
          %get3A_559 = arith.index_cast %add3A_540 : i32 to index
          %get3A_560 = arith.constant 32 : index
          %get3A_561 = tpu.vector_load %arg8[%get3A_558, %get3A_559, %get3A_560] {strides = array<i32>} : memref<2x256x128xf32, #tpu.memory_space<vmem>>, vector<1x1x16xf32>,
          %get3A_562 = vector.shape_cast %get3A_561 : vector<1x1x16xf32> to vector<1x16xf32>
          %reshape3A_563 = vector.shape_cast %get3A_562 : vector<1x16xf32> to vector<16xf32>
          %add3A_564 = arith.addf %add3A_494, %reshape3A_563 : vector<16xf32>
          %get3A_565 = arith.constant 0 : i32
          %get3A_566 = arith.index_cast %get3A_565 : i32 to index
          %get3A_567 = arith.index_cast %add3A_540 : i32 to index
          %get3A_568 = arith.constant 48 : index
          %get3A_569 = tpu.vector_load %arg8[%get3A_566, %get3A_567, %get3A_568] {strides = array<i32>} : memref<2x256x128xf32, #tpu.memory_space<vmem>>, vector<1x1x16xf32>,
          %get3A_570 = vector.shape_cast %get3A_569 : vector<1x1x16xf32> to vector<1x16xf32>
          %reshape3A_571 = vector.shape_cast %get3A_570 : vector<1x16xf32> to vector<16xf32>
          %add3A_572 = arith.addf %add3A_502, %reshape3A_571 : vector<16xf32>
          %get3A_573 = arith.constant 0 : i32
          %get3A_574 = arith.index_cast %get3A_573 : i32 to index
          %get3A_575 = arith.index_cast %add3A_540 : i32 to index
          %get3A_576 = arith.constant 64 : index
          %get3A_577 = tpu.vector_load %arg8[%get3A_574, %get3A_575, %get3A_576] {strides = array<i32>} : memref<2x256x128xf32, #tpu.memory_space<vmem>>, vector<1x1x16xf32>,
          %get3A_578 = vector.shape_cast %get3A_577 : vector<1x1x16xf32> to vector<1x16xf32>
          %reshape3A_579 = vector.shape_cast %get3A_578 : vector<1x16xf32> to vector<16xf32>
          %add3A_580 = arith.addf %add3A_510, %reshape3A_579 : vector<16xf32>
          %get3A_581 = arith.constant 0 : i32
          %get3A_582 = arith.index_cast %get3A_581 : i32 to index
          %get3A_583 = arith.index_cast %add3A_540 : i32 to index
          %get3A_584 = arith.constant 80 : index
          %get3A_585 = tpu.vector_load %arg8[%get3A_582, %get3A_583, %get3A_584] {strides = array<i32>} : memref<2x256x128xf32, #tpu.memory_space<vmem>>, vector<1x1x16xf32>,
          %get3A_586 = vector.shape_cast %get3A_585 : vector<1x1x16xf32> to vector<1x16xf32>
          %reshape3A_587 = vector.shape_cast %get3A_586 : vector<1x16xf32> to vector<16xf32>
          %add3A_588 = arith.addf %add3A_518, %reshape3A_587 : vector<16xf32>
          %get3A_589 = arith.constant 0 : i32
          %get3A_590 = arith.index_cast %get3A_589 : i32 to index
          %get3A_591 = arith.index_cast %add3A_540 : i32 to index
          %get3A_592 = arith.constant 96 : index
          %get3A_593 = tpu.vector_load %arg8[%get3A_590, %get3A_591, %get3A_592] {strides = array<i32>} : memref<2x256x128xf32, #tpu.memory_space<vmem>>, vector<1x1x16xf32>,
          %get3A_594 = vector.shape_cast %get3A_593 : vector<1x1x16xf32> to vector<1x16xf32>
          %reshape3A_595 = vector.shape_cast %get3A_594 : vector<1x16xf32> to vector<16xf32>
          %add3A_596 = arith.addf %add3A_526, %reshape3A_595 : vector<16xf32>
          %get3A_597 = arith.constant 0 : i32
          %get3A_598 = arith.index_cast %get3A_597 : i32 to index
          %get3A_599 = arith.index_cast %add3A_540 : i32 to index
          %get3A_600 = arith.constant 112 : index
          %get3A_601 = tpu.vector_load %arg8[%get3A_598, %get3A_599, %get3A_600] {strides = array<i32>} : memref<2x256x128xf32, #tpu.memory_space<vmem>>, vector<1x1x16xf32>,
          %get3A_602 = vector.shape_cast %get3A_601 : vector<1x1x16xf32> to vector<1x16xf32>
          %reshape3A_603 = vector.shape_cast %get3A_602 : vector<1x16xf32> to vector<16xf32>
          %add3A_604 = arith.addf %add3A_534, %reshape3A_603 : vector<16xf32>
          %mul3A_605 = arith.constant 4 : i32
          %mul3A_606 = arith.muli %mul3A_605, %scan3A_386 : i32
          %add3A_607 = arith.constant 0 : i32
          %add3A_608 = arith.addi %add3A_607, %mul3A_606 : i32
          %add3A_609 = arith.constant 3 : i32
          %add3A_610 = arith.addi %add3A_608, %add3A_609 : i32
          %get3A_611 = arith.constant 0 : i32
          %get3A_612 = arith.index_cast %get3A_611 : i32 to index
          %get3A_613 = arith.index_cast %add3A_610 : i32 to index
          %get3A_614 = arith.constant 0 : index
          %get3A_615 = tpu.vector_load %arg8[%get3A_612, %get3A_613, %get3A_614] {strides = array<i32>} : memref<2x256x128xf32, #tpu.memory_space<vmem>>, vector<1x1x16xf32>,
          %get3A_616 = vector.shape_cast %get3A_615 : vector<1x1x16xf32> to vector<1x16xf32>
          %reshape3A_617 = vector.shape_cast %get3A_616 : vector<1x16xf32> to vector<16xf32>
          %add3A_618 = arith.addf %add3A_548, %reshape3A_617 : vector<16xf32>
          %get3A_619 = arith.constant 0 : i32
          %get3A_620 = arith.index_cast %get3A_619 : i32 to index
          %get3A_621 = arith.index_cast %add3A_610 : i32 to index
          %get3A_622 = arith.constant 16 : index
          %get3A_623 = tpu.vector_load %arg8[%get3A_620, %get3A_621, %get3A_622] {strides = array<i32>} : memref<2x256x128xf32, #tpu.memory_space<vmem>>, vector<1x1x16xf32>,
          %get3A_624 = vector.shape_cast %get3A_623 : vector<1x1x16xf32> to vector<1x16xf32>
          %reshape3A_625 = vector.shape_cast %get3A_624 : vector<1x16xf32> to vector<16xf32>
          %add3A_626 = arith.addf %add3A_556, %reshape3A_625 : vector<16xf32>
          %get3A_627 = arith.constant 0 : i32
          %get3A_628 = arith.index_cast %get3A_627 : i32 to index
          %get3A_629 = arith.index_cast %add3A_610 : i32 to index
          %get3A_630 = arith.constant 32 : index
          %get3A_631 = tpu.vector_load %arg8[%get3A_628, %get3A_629, %get3A_630] {strides = array<i32>} : memref<2x256x128xf32, #tpu.memory_space<vmem>>, vector<1x1x16xf32>,
          %get3A_632 = vector.shape_cast %get3A_631 : vector<1x1x16xf32> to vector<1x16xf32>
          %reshape3A_633 = vector.shape_cast %get3A_632 : vector<1x16xf32> to vector<16xf32>
          %add3A_634 = arith.addf %add3A_564, %reshape3A_633 : vector<16xf32>
          %get3A_635 = arith.constant 0 : i32
          %get3A_636 = arith.index_cast %get3A_635 : i32 to index
          %get3A_637 = arith.index_cast %add3A_610 : i32 to index
          %get3A_638 = arith.constant 48 : index
          %get3A_639 = tpu.vector_load %arg8[%get3A_636, %get3A_637, %get3A_638] {strides = array<i32>} : memref<2x256x128xf32, #tpu.memory_space<vmem>>, vector<1x1x16xf32>,
          %get3A_640 = vector.shape_cast %get3A_639 : vector<1x1x16xf32> to vector<1x16xf32>
          %reshape3A_641 = vector.shape_cast %get3A_640 : vector<1x16xf32> to vector<16xf32>
          %add3A_642 = arith.addf %add3A_572, %reshape3A_641 : vector<16xf32>
          %get3A_643 = arith.constant 0 : i32
          %get3A_644 = arith.index_cast %get3A_643 : i32 to index
          %get3A_645 = arith.index_cast %add3A_610 : i32 to index
          %get3A_646 = arith.constant 64 : index
          %get3A_647 = tpu.vector_load %arg8[%get3A_644, %get3A_645, %get3A_646] {strides = array<i32>} : memref<2x256x128xf32, #tpu.memory_space<vmem>>, vector<1x1x16xf32>,
          %get3A_648 = vector.shape_cast %get3A_647 : vector<1x1x16xf32> to vector<1x16xf32>
          %reshape3A_649 = vector.shape_cast %get3A_648 : vector<1x16xf32> to vector<16xf32>
          %add3A_650 = arith.addf %add3A_580, %reshape3A_649 : vector<16xf32>
          %get3A_651 = arith.constant 0 : i32
          %get3A_652 = arith.index_cast %get3A_651 : i32 to index
          %get3A_653 = arith.index_cast %add3A_610 : i32 to index
          %get3A_654 = arith.constant 80 : index
          %get3A_655 = tpu.vector_load %arg8[%get3A_652, %get3A_653, %get3A_654] {strides = array<i32>} : memref<2x256x128xf32, #tpu.memory_space<vmem>>, vector<1x1x16xf32>,
          %get3A_656 = vector.shape_cast %get3A_655 : vector<1x1x16xf32> to vector<1x16xf32>
          %reshape3A_657 = vector.shape_cast %get3A_656 : vector<1x16xf32> to vector<16xf32>
          %add3A_658 = arith.addf %add3A_588, %reshape3A_657 : vector<16xf32>
          %get3A_659 = arith.constant 0 : i32
          %get3A_660 = arith.index_cast %get3A_659 : i32 to index
          %get3A_661 = arith.index_cast %add3A_610 : i32 to index
          %get3A_662 = arith.constant 96 : index
          %get3A_663 = tpu.vector_load %arg8[%get3A_660, %get3A_661, %get3A_662] {strides = array<i32>} : memref<2x256x128xf32, #tpu.memory_space<vmem>>, vector<1x1x16xf32>,
          %get3A_664 = vector.shape_cast %get3A_663 : vector<1x1x16xf32> to vector<1x16xf32>
          %reshape3A_665 = vector.shape_cast %get3A_664 : vector<1x16xf32> to vector<16xf32>
          %add3A_666 = arith.addf %add3A_596, %reshape3A_665 : vector<16xf32>
          %get3A_667 = arith.constant 0 : i32
          %get3A_668 = arith.index_cast %get3A_667 : i32 to index
          %get3A_669 = arith.index_cast %add3A_610 : i32 to index
          %get3A_670 = arith.constant 112 : index
          %get3A_671 = tpu.vector_load %arg8[%get3A_668, %get3A_669, %get3A_670] {strides = array<i32>} : memref<2x256x128xf32, #tpu.memory_space<vmem>>, vector<1x1x16xf32>,
          %get3A_672 = vector.shape_cast %get3A_671 : vector<1x1x16xf32> to vector<1x16xf32>
          %reshape3A_673 = vector.shape_cast %get3A_672 : vector<1x16xf32> to vector<16xf32>
          %add3A_674 = arith.addf %add3A_604, %reshape3A_673 : vector<16xf32>
          scf.yield %add3A_618, %add3A_626, %add3A_634, %add3A_642, %add3A_650, %add3A_658, %add3A_666, %add3A_674 : vector<16xf32>, vector<16xf32>, vector<16xf32>, vector<16xf32>, vector<16xf32>, vector<16xf32>, vector<16xf32>, vector<16xf32>
        }
        %scan3A_326 = arith.constant 32 : i32
        %swap3A_327 = arith.constant 0 : i32
        %swap3A_328 = arith.index_cast %swap3A_327 : i32 to index
        %swap3A_329 = arith.constant 0 : index
        %swap3A_330 = tpu.vector_load %arg11[%swap3A_328, %swap3A_329] {strides = array<i32>} : memref<16x128xf32, #tpu.memory_space<vmem>>, vector<1x16xf32>,
        %swap3A_331 = vector.shape_cast %swap3A_330 : vector<1x16xf32> to vector<16xf32>
        %swap3A_332 = vector.shape_cast %scan3A_325#0 : vector<16xf32> to vector<1x16xf32>
        tpu.vector_store %arg11[%swap3A_328, %swap3A_329], %swap3A_332 {strides = array<i32>} : memref<16x128xf32, #tpu.memory_space<vmem>>, vector<1x16xf32>,
        %swap3A_333 = arith.constant 0 : i32
        %swap3A_334 = arith.index_cast %swap3A_333 : i32 to index
        %swap3A_335 = arith.constant 16 : index
        %swap3A_336 = tpu.vector_load %arg11[%swap3A_334, %swap3A_335] {strides = array<i32>} : memref<16x128xf32, #tpu.memory_space<vmem>>, vector<1x16xf32>,
        %swap3A_337 = vector.shape_cast %swap3A_336 : vector<1x16xf32> to vector<16xf32>
        %swap3A_338 = vector.shape_cast %scan3A_325#1 : vector<16xf32> to vector<1x16xf32>
        tpu.vector_store %arg11[%swap3A_334, %swap3A_335], %swap3A_338 {strides = array<i32>} : memref<16x128xf32, #tpu.memory_space<vmem>>, vector<1x16xf32>,
        %swap3A_339 = arith.constant 0 : i32
        %swap3A_340 = arith.index_cast %swap3A_339 : i32 to index
        %swap3A_341 = arith.constant 32 : index
        %swap3A_342 = tpu.vector_load %arg11[%swap3A_340, %swap3A_341] {strides = array<i32>} : memref<16x128xf32, #tpu.memory_space<vmem>>, vector<1x16xf32>,
        %swap3A_343 = vector.shape_cast %swap3A_342 : vector<1x16xf32> to vector<16xf32>
        %swap3A_344 = vector.shape_cast %scan3A_325#2 : vector<16xf32> to vector<1x16xf32>
        tpu.vector_store %arg11[%swap3A_340, %swap3A_341], %swap3A_344 {strides = array<i32>} : memref<16x128xf32, #tpu.memory_space<vmem>>, vector<1x16xf32>,
        %swap3A_345 = arith.constant 0 : i32
        %swap3A_346 = arith.index_cast %swap3A_345 : i32 to index
        %swap3A_347 = arith.constant 48 : index
        %swap3A_348 = tpu.vector_load %arg11[%swap3A_346, %swap3A_347] {strides = array<i32>} : memref<16x128xf32, #tpu.memory_space<vmem>>, vector<1x16xf32>,
        %swap3A_349 = vector.shape_cast %swap3A_348 : vector<1x16xf32> to vector<16xf32>
        %swap3A_350 = vector.shape_cast %scan3A_325#3 : vector<16xf32> to vector<1x16xf32>
        tpu.vector_store %arg11[%swap3A_346, %swap3A_347], %swap3A_350 {strides = array<i32>} : memref<16x128xf32, #tpu.memory_space<vmem>>, vector<1x16xf32>,
        %swap3A_351 = arith.constant 0 : i32
        %swap3A_352 = arith.index_cast %swap3A_351 : i32 to index
        %swap3A_353 = arith.constant 64 : index
        %swap3A_354 = tpu.vector_load %arg11[%swap3A_352, %swap3A_353] {strides = array<i32>} : memref<16x128xf32, #tpu.memory_space<vmem>>, vector<1x16xf32>,
        %swap3A_355 = vector.shape_cast %swap3A_354 : vector<1x16xf32> to vector<16xf32>
        %swap3A_356 = vector.shape_cast %scan3A_325#4 : vector<16xf32> to vector<1x16xf32>
        tpu.vector_store %arg11[%swap3A_352, %swap3A_353], %swap3A_356 {strides = array<i32>} : memref<16x128xf32, #tpu.memory_space<vmem>>, vector<1x16xf32>,
        %swap3A_357 = arith.constant 0 : i32
        %swap3A_358 = arith.index_cast %swap3A_357 : i32 to index
        %swap3A_359 = arith.constant 80 : index
        %swap3A_360 = tpu.vector_load %arg11[%swap3A_358, %swap3A_359] {strides = array<i32>} : memref<16x128xf32, #tpu.memory_space<vmem>>, vector<1x16xf32>,
        %swap3A_361 = vector.shape_cast %swap3A_360 : vector<1x16xf32> to vector<16xf32>
        %swap3A_362 = vector.shape_cast %scan3A_325#5 : vector<16xf32> to vector<1x16xf32>
        tpu.vector_store %arg11[%swap3A_358, %swap3A_359], %swap3A_362 {strides = array<i32>} : memref<16x128xf32, #tpu.memory_space<vmem>>, vector<1x16xf32>,
        %swap3A_363 = arith.constant 0 : i32
        %swap3A_364 = arith.index_cast %swap3A_363 : i32 to index
        %swap3A_365 = arith.constant 96 : index
        %swap3A_366 = tpu.vector_load %arg11[%swap3A_364, %swap3A_365] {strides = array<i32>} : memref<16x128xf32, #tpu.memory_space<vmem>>, vector<1x16xf32>,
        %swap3A_367 = vector.shape_cast %swap3A_366 : vector<1x16xf32> to vector<16xf32>
        %swap3A_368 = vector.shape_cast %scan3A_325#6 : vector<16xf32> to vector<1x16xf32>
        tpu.vector_store %arg11[%swap3A_364, %swap3A_365], %swap3A_368 {strides = array<i32>} : memref<16x128xf32, #tpu.memory_space<vmem>>, vector<1x16xf32>,
        %swap3A_369 = arith.constant 0 : i32
        %swap3A_370 = arith.index_cast %swap3A_369 : i32 to index
        %swap3A_371 = arith.constant 112 : index
        %swap3A_372 = tpu.vector_load %arg11[%swap3A_370, %swap3A_371] {strides = array<i32>} : memref<16x128xf32, #tpu.memory_space<vmem>>, vector<1x16xf32>,
        %swap3A_373 = vector.shape_cast %swap3A_372 : vector<1x16xf32> to vector<16xf32>
        %swap3A_374 = vector.shape_cast %scan3A_325#7 : vector<16xf32> to vector<1x16xf32>
        tpu.vector_store %arg11[%swap3A_370, %swap3A_371], %swap3A_374 {strides = array<i32>} : memref<16x128xf32, #tpu.memory_space<vmem>>, vector<1x16xf32>,
        %eq3A_375 = arith.constant 0 : i32
        %eq3A_376 = vector.broadcast %eq3A_375 : i32 to vector<16xi32>
        %eq3A_377 = arith.cmpi eq, %iota3A, %eq3A_376 : vector<16xi32>
        %get3A_378 = arith.constant 0 : index
        %get3A_379 = tpu.vector_load %arg12[%get3A_378] {strides = array<i32>} : memref<16xi32, #tpu.memory_space<vmem>>, vector<16xi32>,
        %get3A_380 = vector.shape_cast %get3A_379 : vector<16xi32> to vector<16xi32>
        %select_n3A_381 = arith.select %eq3A_377, %reshape3A, %get3A_380 : vector<16xi1>, vector<16xi32>
        %swap3A_382 = arith.constant 0 : index
        %swap3A_383 = tpu.vector_load %arg12[%swap3A_382] {strides = array<i32>} : memref<16xi32, #tpu.memory_space<vmem>>, vector<16xi32>,
        %swap3A_384 = vector.shape_cast %swap3A_383 : vector<16xi32> to vector<16xi32>
        %swap3A_385 = vector.shape_cast %select_n3A_381 : vector<16xi32> to vector<16xi32>
        tpu.vector_store %arg12[%swap3A_382], %swap3A_385 {strides = array<i32>} : memref<16xi32, #tpu.memory_space<vmem>>, vector<16xi32>,
      } else {
      }
      %not3A_273 = arith.constant true
      %not3A_274 = arith.xori %eq3A_269, %not3A_273 : i1
      %convert_element_type3A_275 = arith.extui %not3A_274 : i1 to i32
      %cond3A_276 = arith.constant 0 : i32
      %cond3A_277 = arith.cmpi ne, %convert_element_type3A_275, %cond3A_276 : i32
      scf.if %cond3A_277 {
        %run_scoped3A = arith.constant 0 : i32
        "tpu.region"() ({
          %run_scoped3A_306 = tpu.sem_alloc : memref<!tpu.dma_semaphore, #tpu.memory_space<semaphore_mem>>
          %dma_start3A_307 = arith.constant 0 : i32
          %dma_start3A_308 = arith.constant 0 : i32
          %dma_start3A_309 = tpu.memref_slice %arg8[%run_scoped3A, %dma_start3A_307, %dma_start3A_308] : memref<2x256x128xf32, #tpu.memory_space<vmem>> -> memref<1x128x128xf32, #tpu.memory_space<vmem>>
          %dma_start3A_310 = tpu.memref_squeeze %dma_start3A_309 : memref<1x128x128xf32, #tpu.memory_space<vmem>> -> memref<128x128xf32, #tpu.memory_space<vmem>>
          %dma_start3A_311 = arith.constant 0 : i32
          %dma_start3A_312 = tpu.memref_slice %arg9[%add3A_255, %dma_start3A_311] : memref<196x128xi32, #tpu.memory_space<vmem>> -> memref<1x128xi32, #tpu.memory_space<vmem>>
          %dma_start3A_313 = tpu.memref_squeeze %dma_start3A_312 : memref<1x128xi32, #tpu.memory_space<vmem>> -> memref<128xi32, #tpu.memory_space<vmem>>
          %dma_start3A_314 = arith.constant 0 : i32
          %dma_start3A_315 = arith.constant 0 : i32
          %dma_start3A_316 = tpu.memref_slice %arg14[%dma_start3A_314, %dma_start3A_315] : memref<1032x128xf32, #tpu.memory_space<vmem_shared>> -> memref<1032x128xf32, #tpu.memory_space<vmem_shared>>
          tpu.enqueue_indirect_dma source(%dma_start3A_310 : memref<128x128xf32, #tpu.memory_space<vmem>>) target(%dma_start3A_316 : memref<1032x128xf32, #tpu.memory_space<vmem_shared>>) offsets(%dma_start3A_313 : memref<128xi32, #tpu.memory_space<vmem>>) semaphore(%run_scoped3A_306 : memref<!tpu.dma_semaphore, #tpu.memory_space<semaphore_mem>>) {add = true}
          %dma_wait3A_317 = arith.constant 0 : i32
          %dma_wait3A_318 = arith.constant 0 : i32
          %dma_wait3A_319 = tpu.memref_slice %arg8[%run_scoped3A, %dma_wait3A_317, %dma_wait3A_318] : memref<2x256x128xf32, #tpu.memory_space<vmem>> -> memref<1x128x128xf32, #tpu.memory_space<vmem>>
          %dma_wait3A_320 = tpu.memref_squeeze %dma_wait3A_319 : memref<1x128x128xf32, #tpu.memory_space<vmem>> -> memref<128x128xf32, #tpu.memory_space<vmem>>
          %dma_wait3A_321 = arith.constant 0 : i32
          %dma_wait3A_322 = tpu.memref_slice %arg9[%add3A_255, %dma_wait3A_321] : memref<196x128xi32, #tpu.memory_space<vmem>> -> memref<1x128xi32, #tpu.memory_space<vmem>>
          %dma_wait3A_323 = tpu.memref_squeeze %dma_wait3A_322 : memref<1x128xi32, #tpu.memory_space<vmem>> -> memref<128xi32, #tpu.memory_space<vmem>>
          %dma_wait3A_324 = arith.constant 0 : i32
          %dma_wait3A_325 = arith.constant 0 : i32
          %dma_wait3A_326 = tpu.memref_slice %arg14[%dma_wait3A_324, %dma_wait3A_325] : memref<1032x128xf32, #tpu.memory_space<vmem_shared>> -> memref<1032x128xf32, #tpu.memory_space<vmem_shared>>
          tpu.wait_indirect_dma semaphore(%run_scoped3A_306 : memref<!tpu.dma_semaphore, #tpu.memory_space<semaphore_mem>>) src(%dma_wait3A_320 : memref<128x128xf32, #tpu.memory_space<vmem>>) dst(%dma_wait3A_326 : memref<1032x128xf32, #tpu.memory_space<vmem_shared>>)
          tpu.yield
        }) : () -> ()
      } else {
      }
      %mul3A_278 = arith.constant 2 : i32
      %mul3A_279 = arith.muli %sub3A_250, %mul3A_278 : i32
      %add3A_280 = arith.addi %sub3A_96, %mul3A_279 : i32
      %add3A_281 = arith.constant 1 : i32
      %add3A_282 = arith.addi %add3A_280, %add3A_281 : i32
      %get3A_283 = arith.index_cast %add3A_282 : i32 to index
      %get3A_284 = arith.constant 0 : index
      %get3A_285 = tpu.vector_load %arg9[%get3A_283, %get3A_284] {strides = array<i32>} : memref<196x128xi32, #tpu.memory_space<vmem>>, vector<1x16xi32>,
      %get3A_286 = vector.shape_cast %get3A_285 : vector<1x16xi32> to vector<1x16xi32>
      %reshape3A_287 = vector.shape_cast %get3A_286 : vector<1x16xi32> to vector<16xi32>
      %get3A_288 = arith.index_cast %add3A_282 : i32 to index
      %get3A_289 = arith.constant 112 : index
      %get3A_290 = tpu.vector_load %arg9[%get3A_288, %get3A_289] {strides = array<i32>} : memref<196x128xi32, #tpu.memory_space<vmem>>, vector<1x16xi32>,
      %get3A_291 = vector.shape_cast %get3A_290 : vector<1x16xi32> to vector<1x16xi32>
      %reshape3A_292 = vector.shape_cast %get3A_291 : vector<1x16xi32> to vector<16xi32>
      %slice3A_293 = vector.extract_strided_slice %reshape3A_287 {offsets = [0], sizes = [1], strides = [1]} : vector<16xi32> to vector<1xi32>
      %squeeze3A_294 = vector.extract %slice3A_293[0] : i32 from vector<1xi32>
      %slice3A_295 = vector.extract_strided_slice %reshape3A_292 {offsets = [15], sizes = [1], strides = [1]} : vector<16xi32> to vector<1xi32>
      %squeeze3A_296 = vector.extract %slice3A_295[0] : i32 from vector<1xi32>
      %eq3A_297 = arith.cmpi eq, %squeeze3A_294, %squeeze3A_296 : i32
      %convert_element_type3A_298 = arith.extui %eq3A_297 : i1 to i32
      %cond3A_299 = arith.constant 0 : i32
      %cond3A_300 = arith.cmpi ne, %convert_element_type3A_298, %cond3A_299 : i32
      scf.if %cond3A_300 {
        %broadcast_in_dim3A_306 = arith.constant 0.000000e+00 : f32
        %broadcast_in_dim3A_307 = vector.broadcast %broadcast_in_dim3A_306 : f32 to vector<16xf32>
        %broadcast_in_dim3A_308 = arith.constant 0.000000e+00 : f32
        %broadcast_in_dim3A_309 = vector.broadcast %broadcast_in_dim3A_308 : f32 to vector<16xf32>
        %broadcast_in_dim3A_310 = arith.constant 0.000000e+00 : f32
        %broadcast_in_dim3A_311 = vector.broadcast %broadcast_in_dim3A_310 : f32 to vector<16xf32>
        %broadcast_in_dim3A_312 = arith.constant 0.000000e+00 : f32
        %broadcast_in_dim3A_313 = vector.broadcast %broadcast_in_dim3A_312 : f32 to vector<16xf32>
        %broadcast_in_dim3A_314 = arith.constant 0.000000e+00 : f32
        %broadcast_in_dim3A_315 = vector.broadcast %broadcast_in_dim3A_314 : f32 to vector<16xf32>
        %broadcast_in_dim3A_316 = arith.constant 0.000000e+00 : f32
        %broadcast_in_dim3A_317 = vector.broadcast %broadcast_in_dim3A_316 : f32 to vector<16xf32>
        %broadcast_in_dim3A_318 = arith.constant 0.000000e+00 : f32
        %broadcast_in_dim3A_319 = vector.broadcast %broadcast_in_dim3A_318 : f32 to vector<16xf32>
        %broadcast_in_dim3A_320 = arith.constant 0.000000e+00 : f32
        %broadcast_in_dim3A_321 = vector.broadcast %broadcast_in_dim3A_320 : f32 to vector<16xf32>
        %scan3A = arith.constant 0 : i32
        %scan3A_322 = arith.constant 32 : i32
        %scan3A_323 = arith.addi %scan3A, %scan3A_322 : i32
        %scan3A_324 = arith.constant 1 : i32
        %scan3A_325:8 = scf.for %scan3A_386 = %scan3A to %scan3A_323 step %scan3A_324 iter_args(%scan3A_387 = %broadcast_in_dim3A_307, %scan3A_388 = %broadcast_in_dim3A_309, %scan3A_389 = %broadcast_in_dim3A_311, %scan3A_390 = %broadcast_in_dim3A_313, %scan3A_391 = %broadcast_in_dim3A_315, %scan3A_392 = %broadcast_in_dim3A_317, %scan3A_393 = %broadcast_in_dim3A_319, %scan3A_394 = %broadcast_in_dim3A_321) -> (vector<16xf32>, vector<16xf32>, vector<16xf32>, vector<16xf32>, vector<16xf32>, vector<16xf32>, vector<16xf32>, vector<16xf32>)  : i32 {
          %mul3A_395 = arith.constant 4 : i32
          %mul3A_396 = arith.muli %mul3A_395, %scan3A_386 : i32
          %add3A_397 = arith.constant 128 : i32
          %add3A_398 = arith.addi %add3A_397, %mul3A_396 : i32
          %add3A_399 = arith.constant 0 : i32
          %add3A_400 = arith.addi %add3A_398, %add3A_399 : i32
          %get3A_401 = arith.constant 0 : i32
          %get3A_402 = arith.index_cast %get3A_401 : i32 to index
          %get3A_403 = arith.index_cast %add3A_400 : i32 to index
          %get3A_404 = arith.constant 0 : index
          %get3A_405 = tpu.vector_load %arg8[%get3A_402, %get3A_403, %get3A_404] {strides = array<i32>} : memref<2x256x128xf32, #tpu.memory_space<vmem>>, vector<1x1x16xf32>,
          %get3A_406 = vector.shape_cast %get3A_405 : vector<1x1x16xf32> to vector<1x16xf32>
          %reshape3A_407 = vector.shape_cast %get3A_406 : vector<1x16xf32> to vector<16xf32>
          %add3A_408 = arith.addf %scan3A_387, %reshape3A_407 : vector<16xf32>
          %get3A_409 = arith.constant 0 : i32
          %get3A_410 = arith.index_cast %get3A_409 : i32 to index
          %get3A_411 = arith.index_cast %add3A_400 : i32 to index
          %get3A_412 = arith.constant 16 : index
          %get3A_413 = tpu.vector_load %arg8[%get3A_410, %get3A_411, %get3A_412] {strides = array<i32>} : memref<2x256x128xf32, #tpu.memory_space<vmem>>, vector<1x1x16xf32>,
          %get3A_414 = vector.shape_cast %get3A_413 : vector<1x1x16xf32> to vector<1x16xf32>
          %reshape3A_415 = vector.shape_cast %get3A_414 : vector<1x16xf32> to vector<16xf32>
          %add3A_416 = arith.addf %scan3A_388, %reshape3A_415 : vector<16xf32>
          %get3A_417 = arith.constant 0 : i32
          %get3A_418 = arith.index_cast %get3A_417 : i32 to index
          %get3A_419 = arith.index_cast %add3A_400 : i32 to index
          %get3A_420 = arith.constant 32 : index
          %get3A_421 = tpu.vector_load %arg8[%get3A_418, %get3A_419, %get3A_420] {strides = array<i32>} : memref<2x256x128xf32, #tpu.memory_space<vmem>>, vector<1x1x16xf32>,
          %get3A_422 = vector.shape_cast %get3A_421 : vector<1x1x16xf32> to vector<1x16xf32>
          %reshape3A_423 = vector.shape_cast %get3A_422 : vector<1x16xf32> to vector<16xf32>
          %add3A_424 = arith.addf %scan3A_389, %reshape3A_423 : vector<16xf32>
          %get3A_425 = arith.constant 0 : i32
          %get3A_426 = arith.index_cast %get3A_425 : i32 to index
          %get3A_427 = arith.index_cast %add3A_400 : i32 to index
          %get3A_428 = arith.constant 48 : index
          %get3A_429 = tpu.vector_load %arg8[%get3A_426, %get3A_427, %get3A_428] {strides = array<i32>} : memref<2x256x128xf32, #tpu.memory_space<vmem>>, vector<1x1x16xf32>,
          %get3A_430 = vector.shape_cast %get3A_429 : vector<1x1x16xf32> to vector<1x16xf32>
          %reshape3A_431 = vector.shape_cast %get3A_430 : vector<1x16xf32> to vector<16xf32>
          %add3A_432 = arith.addf %scan3A_390, %reshape3A_431 : vector<16xf32>
          %get3A_433 = arith.constant 0 : i32
          %get3A_434 = arith.index_cast %get3A_433 : i32 to index
          %get3A_435 = arith.index_cast %add3A_400 : i32 to index
          %get3A_436 = arith.constant 64 : index
          %get3A_437 = tpu.vector_load %arg8[%get3A_434, %get3A_435, %get3A_436] {strides = array<i32>} : memref<2x256x128xf32, #tpu.memory_space<vmem>>, vector<1x1x16xf32>,
          %get3A_438 = vector.shape_cast %get3A_437 : vector<1x1x16xf32> to vector<1x16xf32>
          %reshape3A_439 = vector.shape_cast %get3A_438 : vector<1x16xf32> to vector<16xf32>
          %add3A_440 = arith.addf %scan3A_391, %reshape3A_439 : vector<16xf32>
          %get3A_441 = arith.constant 0 : i32
          %get3A_442 = arith.index_cast %get3A_441 : i32 to index
          %get3A_443 = arith.index_cast %add3A_400 : i32 to index
          %get3A_444 = arith.constant 80 : index
          %get3A_445 = tpu.vector_load %arg8[%get3A_442, %get3A_443, %get3A_444] {strides = array<i32>} : memref<2x256x128xf32, #tpu.memory_space<vmem>>, vector<1x1x16xf32>,
          %get3A_446 = vector.shape_cast %get3A_445 : vector<1x1x16xf32> to vector<1x16xf32>
          %reshape3A_447 = vector.shape_cast %get3A_446 : vector<1x16xf32> to vector<16xf32>
          %add3A_448 = arith.addf %scan3A_392, %reshape3A_447 : vector<16xf32>
          %get3A_449 = arith.constant 0 : i32
          %get3A_450 = arith.index_cast %get3A_449 : i32 to index
          %get3A_451 = arith.index_cast %add3A_400 : i32 to index
          %get3A_452 = arith.constant 96 : index
          %get3A_453 = tpu.vector_load %arg8[%get3A_450, %get3A_451, %get3A_452] {strides = array<i32>} : memref<2x256x128xf32, #tpu.memory_space<vmem>>, vector<1x1x16xf32>,
          %get3A_454 = vector.shape_cast %get3A_453 : vector<1x1x16xf32> to vector<1x16xf32>
          %reshape3A_455 = vector.shape_cast %get3A_454 : vector<1x16xf32> to vector<16xf32>
          %add3A_456 = arith.addf %scan3A_393, %reshape3A_455 : vector<16xf32>
          %get3A_457 = arith.constant 0 : i32
          %get3A_458 = arith.index_cast %get3A_457 : i32 to index
          %get3A_459 = arith.index_cast %add3A_400 : i32 to index
          %get3A_460 = arith.constant 112 : index
          %get3A_461 = tpu.vector_load %arg8[%get3A_458, %get3A_459, %get3A_460] {strides = array<i32>} : memref<2x256x128xf32, #tpu.memory_space<vmem>>, vector<1x1x16xf32>,
          %get3A_462 = vector.shape_cast %get3A_461 : vector<1x1x16xf32> to vector<1x16xf32>
          %reshape3A_463 = vector.shape_cast %get3A_462 : vector<1x16xf32> to vector<16xf32>
          %add3A_464 = arith.addf %scan3A_394, %reshape3A_463 : vector<16xf32>
          %mul3A_465 = arith.constant 4 : i32
          %mul3A_466 = arith.muli %mul3A_465, %scan3A_386 : i32
          %add3A_467 = arith.constant 128 : i32
          %add3A_468 = arith.addi %add3A_467, %mul3A_466 : i32
          %add3A_469 = arith.constant 1 : i32
          %add3A_470 = arith.addi %add3A_468, %add3A_469 : i32
          %get3A_471 = arith.constant 0 : i32
          %get3A_472 = arith.index_cast %get3A_471 : i32 to index
          %get3A_473 = arith.index_cast %add3A_470 : i32 to index
          %get3A_474 = arith.constant 0 : index
          %get3A_475 = tpu.vector_load %arg8[%get3A_472, %get3A_473, %get3A_474] {strides = array<i32>} : memref<2x256x128xf32, #tpu.memory_space<vmem>>, vector<1x1x16xf32>,
          %get3A_476 = vector.shape_cast %get3A_475 : vector<1x1x16xf32> to vector<1x16xf32>
          %reshape3A_477 = vector.shape_cast %get3A_476 : vector<1x16xf32> to vector<16xf32>
          %add3A_478 = arith.addf %add3A_408, %reshape3A_477 : vector<16xf32>
          %get3A_479 = arith.constant 0 : i32
          %get3A_480 = arith.index_cast %get3A_479 : i32 to index
          %get3A_481 = arith.index_cast %add3A_470 : i32 to index
          %get3A_482 = arith.constant 16 : index
          %get3A_483 = tpu.vector_load %arg8[%get3A_480, %get3A_481, %get3A_482] {strides = array<i32>} : memref<2x256x128xf32, #tpu.memory_space<vmem>>, vector<1x1x16xf32>,
          %get3A_484 = vector.shape_cast %get3A_483 : vector<1x1x16xf32> to vector<1x16xf32>
          %reshape3A_485 = vector.shape_cast %get3A_484 : vector<1x16xf32> to vector<16xf32>
          %add3A_486 = arith.addf %add3A_416, %reshape3A_485 : vector<16xf32>
          %get3A_487 = arith.constant 0 : i32
          %get3A_488 = arith.index_cast %get3A_487 : i32 to index
          %get3A_489 = arith.index_cast %add3A_470 : i32 to index
          %get3A_490 = arith.constant 32 : index
          %get3A_491 = tpu.vector_load %arg8[%get3A_488, %get3A_489, %get3A_490] {strides = array<i32>} : memref<2x256x128xf32, #tpu.memory_space<vmem>>, vector<1x1x16xf32>,
          %get3A_492 = vector.shape_cast %get3A_491 : vector<1x1x16xf32> to vector<1x16xf32>
          %reshape3A_493 = vector.shape_cast %get3A_492 : vector<1x16xf32> to vector<16xf32>
          %add3A_494 = arith.addf %add3A_424, %reshape3A_493 : vector<16xf32>
          %get3A_495 = arith.constant 0 : i32
          %get3A_496 = arith.index_cast %get3A_495 : i32 to index
          %get3A_497 = arith.index_cast %add3A_470 : i32 to index
          %get3A_498 = arith.constant 48 : index
          %get3A_499 = tpu.vector_load %arg8[%get3A_496, %get3A_497, %get3A_498] {strides = array<i32>} : memref<2x256x128xf32, #tpu.memory_space<vmem>>, vector<1x1x16xf32>,
          %get3A_500 = vector.shape_cast %get3A_499 : vector<1x1x16xf32> to vector<1x16xf32>
          %reshape3A_501 = vector.shape_cast %get3A_500 : vector<1x16xf32> to vector<16xf32>
          %add3A_502 = arith.addf %add3A_432, %reshape3A_501 : vector<16xf32>
          %get3A_503 = arith.constant 0 : i32
          %get3A_504 = arith.index_cast %get3A_503 : i32 to index
          %get3A_505 = arith.index_cast %add3A_470 : i32 to index
          %get3A_506 = arith.constant 64 : index
          %get3A_507 = tpu.vector_load %arg8[%get3A_504, %get3A_505, %get3A_506] {strides = array<i32>} : memref<2x256x128xf32, #tpu.memory_space<vmem>>, vector<1x1x16xf32>,
          %get3A_508 = vector.shape_cast %get3A_507 : vector<1x1x16xf32> to vector<1x16xf32>
          %reshape3A_509 = vector.shape_cast %get3A_508 : vector<1x16xf32> to vector<16xf32>
          %add3A_510 = arith.addf %add3A_440, %reshape3A_509 : vector<16xf32>
          %get3A_511 = arith.constant 0 : i32
          %get3A_512 = arith.index_cast %get3A_511 : i32 to index
          %get3A_513 = arith.index_cast %add3A_470 : i32 to index
          %get3A_514 = arith.constant 80 : index
          %get3A_515 = tpu.vector_load %arg8[%get3A_512, %get3A_513, %get3A_514] {strides = array<i32>} : memref<2x256x128xf32, #tpu.memory_space<vmem>>, vector<1x1x16xf32>,
          %get3A_516 = vector.shape_cast %get3A_515 : vector<1x1x16xf32> to vector<1x16xf32>
          %reshape3A_517 = vector.shape_cast %get3A_516 : vector<1x16xf32> to vector<16xf32>
          %add3A_518 = arith.addf %add3A_448, %reshape3A_517 : vector<16xf32>
          %get3A_519 = arith.constant 0 : i32
          %get3A_520 = arith.index_cast %get3A_519 : i32 to index
          %get3A_521 = arith.index_cast %add3A_470 : i32 to index
          %get3A_522 = arith.constant 96 : index
          %get3A_523 = tpu.vector_load %arg8[%get3A_520, %get3A_521, %get3A_522] {strides = array<i32>} : memref<2x256x128xf32, #tpu.memory_space<vmem>>, vector<1x1x16xf32>,
          %get3A_524 = vector.shape_cast %get3A_523 : vector<1x1x16xf32> to vector<1x16xf32>
          %reshape3A_525 = vector.shape_cast %get3A_524 : vector<1x16xf32> to vector<16xf32>
          %add3A_526 = arith.addf %add3A_456, %reshape3A_525 : vector<16xf32>
          %get3A_527 = arith.constant 0 : i32
          %get3A_528 = arith.index_cast %get3A_527 : i32 to index
          %get3A_529 = arith.index_cast %add3A_470 : i32 to index
          %get3A_530 = arith.constant 112 : index
          %get3A_531 = tpu.vector_load %arg8[%get3A_528, %get3A_529, %get3A_530] {strides = array<i32>} : memref<2x256x128xf32, #tpu.memory_space<vmem>>, vector<1x1x16xf32>,
          %get3A_532 = vector.shape_cast %get3A_531 : vector<1x1x16xf32> to vector<1x16xf32>
          %reshape3A_533 = vector.shape_cast %get3A_532 : vector<1x16xf32> to vector<16xf32>
          %add3A_534 = arith.addf %add3A_464, %reshape3A_533 : vector<16xf32>
          %mul3A_535 = arith.constant 4 : i32
          %mul3A_536 = arith.muli %mul3A_535, %scan3A_386 : i32
          %add3A_537 = arith.constant 128 : i32
          %add3A_538 = arith.addi %add3A_537, %mul3A_536 : i32
          %add3A_539 = arith.constant 2 : i32
          %add3A_540 = arith.addi %add3A_538, %add3A_539 : i32
          %get3A_541 = arith.constant 0 : i32
          %get3A_542 = arith.index_cast %get3A_541 : i32 to index
          %get3A_543 = arith.index_cast %add3A_540 : i32 to index
          %get3A_544 = arith.constant 0 : index
          %get3A_545 = tpu.vector_load %arg8[%get3A_542, %get3A_543, %get3A_544] {strides = array<i32>} : memref<2x256x128xf32, #tpu.memory_space<vmem>>, vector<1x1x16xf32>,
          %get3A_546 = vector.shape_cast %get3A_545 : vector<1x1x16xf32> to vector<1x16xf32>
          %reshape3A_547 = vector.shape_cast %get3A_546 : vector<1x16xf32> to vector<16xf32>
          %add3A_548 = arith.addf %add3A_478, %reshape3A_547 : vector<16xf32>
          %get3A_549 = arith.constant 0 : i32
          %get3A_550 = arith.index_cast %get3A_549 : i32 to index
          %get3A_551 = arith.index_cast %add3A_540 : i32 to index
          %get3A_552 = arith.constant 16 : index
          %get3A_553 = tpu.vector_load %arg8[%get3A_550, %get3A_551, %get3A_552] {strides = array<i32>} : memref<2x256x128xf32, #tpu.memory_space<vmem>>, vector<1x1x16xf32>,
          %get3A_554 = vector.shape_cast %get3A_553 : vector<1x1x16xf32> to vector<1x16xf32>
          %reshape3A_555 = vector.shape_cast %get3A_554 : vector<1x16xf32> to vector<16xf32>
          %add3A_556 = arith.addf %add3A_486, %reshape3A_555 : vector<16xf32>
          %get3A_557 = arith.constant 0 : i32
          %get3A_558 = arith.index_cast %get3A_557 : i32 to index
          %get3A_559 = arith.index_cast %add3A_540 : i32 to index
          %get3A_560 = arith.constant 32 : index
          %get3A_561 = tpu.vector_load %arg8[%get3A_558, %get3A_559, %get3A_560] {strides = array<i32>} : memref<2x256x128xf32, #tpu.memory_space<vmem>>, vector<1x1x16xf32>,
          %get3A_562 = vector.shape_cast %get3A_561 : vector<1x1x16xf32> to vector<1x16xf32>
          %reshape3A_563 = vector.shape_cast %get3A_562 : vector<1x16xf32> to vector<16xf32>
          %add3A_564 = arith.addf %add3A_494, %reshape3A_563 : vector<16xf32>
          %get3A_565 = arith.constant 0 : i32
          %get3A_566 = arith.index_cast %get3A_565 : i32 to index
          %get3A_567 = arith.index_cast %add3A_540 : i32 to index
          %get3A_568 = arith.constant 48 : index
          %get3A_569 = tpu.vector_load %arg8[%get3A_566, %get3A_567, %get3A_568] {strides = array<i32>} : memref<2x256x128xf32, #tpu.memory_space<vmem>>, vector<1x1x16xf32>,
          %get3A_570 = vector.shape_cast %get3A_569 : vector<1x1x16xf32> to vector<1x16xf32>
          %reshape3A_571 = vector.shape_cast %get3A_570 : vector<1x16xf32> to vector<16xf32>
          %add3A_572 = arith.addf %add3A_502, %reshape3A_571 : vector<16xf32>
          %get3A_573 = arith.constant 0 : i32
          %get3A_574 = arith.index_cast %get3A_573 : i32 to index
          %get3A_575 = arith.index_cast %add3A_540 : i32 to index
          %get3A_576 = arith.constant 64 : index
          %get3A_577 = tpu.vector_load %arg8[%get3A_574, %get3A_575, %get3A_576] {strides = array<i32>} : memref<2x256x128xf32, #tpu.memory_space<vmem>>, vector<1x1x16xf32>,
          %get3A_578 = vector.shape_cast %get3A_577 : vector<1x1x16xf32> to vector<1x16xf32>
          %reshape3A_579 = vector.shape_cast %get3A_578 : vector<1x16xf32> to vector<16xf32>
          %add3A_580 = arith.addf %add3A_510, %reshape3A_579 : vector<16xf32>
          %get3A_581 = arith.constant 0 : i32
          %get3A_582 = arith.index_cast %get3A_581 : i32 to index
          %get3A_583 = arith.index_cast %add3A_540 : i32 to index
          %get3A_584 = arith.constant 80 : index
          %get3A_585 = tpu.vector_load %arg8[%get3A_582, %get3A_583, %get3A_584] {strides = array<i32>} : memref<2x256x128xf32, #tpu.memory_space<vmem>>, vector<1x1x16xf32>,
          %get3A_586 = vector.shape_cast %get3A_585 : vector<1x1x16xf32> to vector<1x16xf32>
          %reshape3A_587 = vector.shape_cast %get3A_586 : vector<1x16xf32> to vector<16xf32>
          %add3A_588 = arith.addf %add3A_518, %reshape3A_587 : vector<16xf32>
          %get3A_589 = arith.constant 0 : i32
          %get3A_590 = arith.index_cast %get3A_589 : i32 to index
          %get3A_591 = arith.index_cast %add3A_540 : i32 to index
          %get3A_592 = arith.constant 96 : index
          %get3A_593 = tpu.vector_load %arg8[%get3A_590, %get3A_591, %get3A_592] {strides = array<i32>} : memref<2x256x128xf32, #tpu.memory_space<vmem>>, vector<1x1x16xf32>,
          %get3A_594 = vector.shape_cast %get3A_593 : vector<1x1x16xf32> to vector<1x16xf32>
          %reshape3A_595 = vector.shape_cast %get3A_594 : vector<1x16xf32> to vector<16xf32>
          %add3A_596 = arith.addf %add3A_526, %reshape3A_595 : vector<16xf32>
          %get3A_597 = arith.constant 0 : i32
          %get3A_598 = arith.index_cast %get3A_597 : i32 to index
          %get3A_599 = arith.index_cast %add3A_540 : i32 to index
          %get3A_600 = arith.constant 112 : index
          %get3A_601 = tpu.vector_load %arg8[%get3A_598, %get3A_599, %get3A_600] {strides = array<i32>} : memref<2x256x128xf32, #tpu.memory_space<vmem>>, vector<1x1x16xf32>,
          %get3A_602 = vector.shape_cast %get3A_601 : vector<1x1x16xf32> to vector<1x16xf32>
          %reshape3A_603 = vector.shape_cast %get3A_602 : vector<1x16xf32> to vector<16xf32>
          %add3A_604 = arith.addf %add3A_534, %reshape3A_603 : vector<16xf32>
          %mul3A_605 = arith.constant 4 : i32
          %mul3A_606 = arith.muli %mul3A_605, %scan3A_386 : i32
          %add3A_607 = arith.constant 128 : i32
          %add3A_608 = arith.addi %add3A_607, %mul3A_606 : i32
          %add3A_609 = arith.constant 3 : i32
          %add3A_610 = arith.addi %add3A_608, %add3A_609 : i32
          %get3A_611 = arith.constant 0 : i32
          %get3A_612 = arith.index_cast %get3A_611 : i32 to index
          %get3A_613 = arith.index_cast %add3A_610 : i32 to index
          %get3A_614 = arith.constant 0 : index
          %get3A_615 = tpu.vector_load %arg8[%get3A_612, %get3A_613, %get3A_614] {strides = array<i32>} : memref<2x256x128xf32, #tpu.memory_space<vmem>>, vector<1x1x16xf32>,
          %get3A_616 = vector.shape_cast %get3A_615 : vector<1x1x16xf32> to vector<1x16xf32>
          %reshape3A_617 = vector.shape_cast %get3A_616 : vector<1x16xf32> to vector<16xf32>
          %add3A_618 = arith.addf %add3A_548, %reshape3A_617 : vector<16xf32>
          %get3A_619 = arith.constant 0 : i32
          %get3A_620 = arith.index_cast %get3A_619 : i32 to index
          %get3A_621 = arith.index_cast %add3A_610 : i32 to index
          %get3A_622 = arith.constant 16 : index
          %get3A_623 = tpu.vector_load %arg8[%get3A_620, %get3A_621, %get3A_622] {strides = array<i32>} : memref<2x256x128xf32, #tpu.memory_space<vmem>>, vector<1x1x16xf32>,
          %get3A_624 = vector.shape_cast %get3A_623 : vector<1x1x16xf32> to vector<1x16xf32>
          %reshape3A_625 = vector.shape_cast %get3A_624 : vector<1x16xf32> to vector<16xf32>
          %add3A_626 = arith.addf %add3A_556, %reshape3A_625 : vector<16xf32>
          %get3A_627 = arith.constant 0 : i32
          %get3A_628 = arith.index_cast %get3A_627 : i32 to index
          %get3A_629 = arith.index_cast %add3A_610 : i32 to index
          %get3A_630 = arith.constant 32 : index
          %get3A_631 = tpu.vector_load %arg8[%get3A_628, %get3A_629, %get3A_630] {strides = array<i32>} : memref<2x256x128xf32, #tpu.memory_space<vmem>>, vector<1x1x16xf32>,
          %get3A_632 = vector.shape_cast %get3A_631 : vector<1x1x16xf32> to vector<1x16xf32>
          %reshape3A_633 = vector.shape_cast %get3A_632 : vector<1x16xf32> to vector<16xf32>
          %add3A_634 = arith.addf %add3A_564, %reshape3A_633 : vector<16xf32>
          %get3A_635 = arith.constant 0 : i32
          %get3A_636 = arith.index_cast %get3A_635 : i32 to index
          %get3A_637 = arith.index_cast %add3A_610 : i32 to index
          %get3A_638 = arith.constant 48 : index
          %get3A_639 = tpu.vector_load %arg8[%get3A_636, %get3A_637, %get3A_638] {strides = array<i32>} : memref<2x256x128xf32, #tpu.memory_space<vmem>>, vector<1x1x16xf32>,
          %get3A_640 = vector.shape_cast %get3A_639 : vector<1x1x16xf32> to vector<1x16xf32>
          %reshape3A_641 = vector.shape_cast %get3A_640 : vector<1x16xf32> to vector<16xf32>
          %add3A_642 = arith.addf %add3A_572, %reshape3A_641 : vector<16xf32>
          %get3A_643 = arith.constant 0 : i32
          %get3A_644 = arith.index_cast %get3A_643 : i32 to index
          %get3A_645 = arith.index_cast %add3A_610 : i32 to index
          %get3A_646 = arith.constant 64 : index
          %get3A_647 = tpu.vector_load %arg8[%get3A_644, %get3A_645, %get3A_646] {strides = array<i32>} : memref<2x256x128xf32, #tpu.memory_space<vmem>>, vector<1x1x16xf32>,
          %get3A_648 = vector.shape_cast %get3A_647 : vector<1x1x16xf32> to vector<1x16xf32>
          %reshape3A_649 = vector.shape_cast %get3A_648 : vector<1x16xf32> to vector<16xf32>
          %add3A_650 = arith.addf %add3A_580, %reshape3A_649 : vector<16xf32>
          %get3A_651 = arith.constant 0 : i32
          %get3A_652 = arith.index_cast %get3A_651 : i32 to index
          %get3A_653 = arith.index_cast %add3A_610 : i32 to index
          %get3A_654 = arith.constant 80 : index
          %get3A_655 = tpu.vector_load %arg8[%get3A_652, %get3A_653, %get3A_654] {strides = array<i32>} : memref<2x256x128xf32, #tpu.memory_space<vmem>>, vector<1x1x16xf32>,
          %get3A_656 = vector.shape_cast %get3A_655 : vector<1x1x16xf32> to vector<1x16xf32>
          %reshape3A_657 = vector.shape_cast %get3A_656 : vector<1x16xf32> to vector<16xf32>
          %add3A_658 = arith.addf %add3A_588, %reshape3A_657 : vector<16xf32>
          %get3A_659 = arith.constant 0 : i32
          %get3A_660 = arith.index_cast %get3A_659 : i32 to index
          %get3A_661 = arith.index_cast %add3A_610 : i32 to index
          %get3A_662 = arith.constant 96 : index
          %get3A_663 = tpu.vector_load %arg8[%get3A_660, %get3A_661, %get3A_662] {strides = array<i32>} : memref<2x256x128xf32, #tpu.memory_space<vmem>>, vector<1x1x16xf32>,
          %get3A_664 = vector.shape_cast %get3A_663 : vector<1x1x16xf32> to vector<1x16xf32>
          %reshape3A_665 = vector.shape_cast %get3A_664 : vector<1x16xf32> to vector<16xf32>
          %add3A_666 = arith.addf %add3A_596, %reshape3A_665 : vector<16xf32>
          %get3A_667 = arith.constant 0 : i32
          %get3A_668 = arith.index_cast %get3A_667 : i32 to index
          %get3A_669 = arith.index_cast %add3A_610 : i32 to index
          %get3A_670 = arith.constant 112 : index
          %get3A_671 = tpu.vector_load %arg8[%get3A_668, %get3A_669, %get3A_670] {strides = array<i32>} : memref<2x256x128xf32, #tpu.memory_space<vmem>>, vector<1x1x16xf32>,
          %get3A_672 = vector.shape_cast %get3A_671 : vector<1x1x16xf32> to vector<1x16xf32>
          %reshape3A_673 = vector.shape_cast %get3A_672 : vector<1x16xf32> to vector<16xf32>
          %add3A_674 = arith.addf %add3A_604, %reshape3A_673 : vector<16xf32>
          scf.yield %add3A_618, %add3A_626, %add3A_634, %add3A_642, %add3A_650, %add3A_658, %add3A_666, %add3A_674 : vector<16xf32>, vector<16xf32>, vector<16xf32>, vector<16xf32>, vector<16xf32>, vector<16xf32>, vector<16xf32>, vector<16xf32>
        }
        %scan3A_326 = arith.constant 32 : i32
        %swap3A_327 = arith.constant 1 : i32
        %swap3A_328 = arith.index_cast %swap3A_327 : i32 to index
        %swap3A_329 = arith.constant 0 : index
        %swap3A_330 = tpu.vector_load %arg11[%swap3A_328, %swap3A_329] {strides = array<i32>} : memref<16x128xf32, #tpu.memory_space<vmem>>, vector<1x16xf32>,
        %swap3A_331 = vector.shape_cast %swap3A_330 : vector<1x16xf32> to vector<16xf32>
        %swap3A_332 = vector.shape_cast %scan3A_325#0 : vector<16xf32> to vector<1x16xf32>
        tpu.vector_store %arg11[%swap3A_328, %swap3A_329], %swap3A_332 {strides = array<i32>} : memref<16x128xf32, #tpu.memory_space<vmem>>, vector<1x16xf32>,
        %swap3A_333 = arith.constant 1 : i32
        %swap3A_334 = arith.index_cast %swap3A_333 : i32 to index
        %swap3A_335 = arith.constant 16 : index
        %swap3A_336 = tpu.vector_load %arg11[%swap3A_334, %swap3A_335] {strides = array<i32>} : memref<16x128xf32, #tpu.memory_space<vmem>>, vector<1x16xf32>,
        %swap3A_337 = vector.shape_cast %swap3A_336 : vector<1x16xf32> to vector<16xf32>
        %swap3A_338 = vector.shape_cast %scan3A_325#1 : vector<16xf32> to vector<1x16xf32>
        tpu.vector_store %arg11[%swap3A_334, %swap3A_335], %swap3A_338 {strides = array<i32>} : memref<16x128xf32, #tpu.memory_space<vmem>>, vector<1x16xf32>,
        %swap3A_339 = arith.constant 1 : i32
        %swap3A_340 = arith.index_cast %swap3A_339 : i32 to index
        %swap3A_341 = arith.constant 32 : index
        %swap3A_342 = tpu.vector_load %arg11[%swap3A_340, %swap3A_341] {strides = array<i32>} : memref<16x128xf32, #tpu.memory_space<vmem>>, vector<1x16xf32>,
        %swap3A_343 = vector.shape_cast %swap3A_342 : vector<1x16xf32> to vector<16xf32>
        %swap3A_344 = vector.shape_cast %scan3A_325#2 : vector<16xf32> to vector<1x16xf32>
        tpu.vector_store %arg11[%swap3A_340, %swap3A_341], %swap3A_344 {strides = array<i32>} : memref<16x128xf32, #tpu.memory_space<vmem>>, vector<1x16xf32>,
        %swap3A_345 = arith.constant 1 : i32
        %swap3A_346 = arith.index_cast %swap3A_345 : i32 to index
        %swap3A_347 = arith.constant 48 : index
        %swap3A_348 = tpu.vector_load %arg11[%swap3A_346, %swap3A_347] {strides = array<i32>} : memref<16x128xf32, #tpu.memory_space<vmem>>, vector<1x16xf32>,
        %swap3A_349 = vector.shape_cast %swap3A_348 : vector<1x16xf32> to vector<16xf32>
        %swap3A_350 = vector.shape_cast %scan3A_325#3 : vector<16xf32> to vector<1x16xf32>
        tpu.vector_store %arg11[%swap3A_346, %swap3A_347], %swap3A_350 {strides = array<i32>} : memref<16x128xf32, #tpu.memory_space<vmem>>, vector<1x16xf32>,
        %swap3A_351 = arith.constant 1 : i32
        %swap3A_352 = arith.index_cast %swap3A_351 : i32 to index
        %swap3A_353 = arith.constant 64 : index
        %swap3A_354 = tpu.vector_load %arg11[%swap3A_352, %swap3A_353] {strides = array<i32>} : memref<16x128xf32, #tpu.memory_space<vmem>>, vector<1x16xf32>,
        %swap3A_355 = vector.shape_cast %swap3A_354 : vector<1x16xf32> to vector<16xf32>
        %swap3A_356 = vector.shape_cast %scan3A_325#4 : vector<16xf32> to vector<1x16xf32>
        tpu.vector_store %arg11[%swap3A_352, %swap3A_353], %swap3A_356 {strides = array<i32>} : memref<16x128xf32, #tpu.memory_space<vmem>>, vector<1x16xf32>,
        %swap3A_357 = arith.constant 1 : i32
        %swap3A_358 = arith.index_cast %swap3A_357 : i32 to index
        %swap3A_359 = arith.constant 80 : index
        %swap3A_360 = tpu.vector_load %arg11[%swap3A_358, %swap3A_359] {strides = array<i32>} : memref<16x128xf32, #tpu.memory_space<vmem>>, vector<1x16xf32>,
        %swap3A_361 = vector.shape_cast %swap3A_360 : vector<1x16xf32> to vector<16xf32>
        %swap3A_362 = vector.shape_cast %scan3A_325#5 : vector<16xf32> to vector<1x16xf32>
        tpu.vector_store %arg11[%swap3A_358, %swap3A_359], %swap3A_362 {strides = array<i32>} : memref<16x128xf32, #tpu.memory_space<vmem>>, vector<1x16xf32>,
        %swap3A_363 = arith.constant 1 : i32
        %swap3A_364 = arith.index_cast %swap3A_363 : i32 to index
        %swap3A_365 = arith.constant 96 : index
        %swap3A_366 = tpu.vector_load %arg11[%swap3A_364, %swap3A_365] {strides = array<i32>} : memref<16x128xf32, #tpu.memory_space<vmem>>, vector<1x16xf32>,
        %swap3A_367 = vector.shape_cast %swap3A_366 : vector<1x16xf32> to vector<16xf32>
        %swap3A_368 = vector.shape_cast %scan3A_325#6 : vector<16xf32> to vector<1x16xf32>
        tpu.vector_store %arg11[%swap3A_364, %swap3A_365], %swap3A_368 {strides = array<i32>} : memref<16x128xf32, #tpu.memory_space<vmem>>, vector<1x16xf32>,
        %swap3A_369 = arith.constant 1 : i32
        %swap3A_370 = arith.index_cast %swap3A_369 : i32 to index
        %swap3A_371 = arith.constant 112 : index
        %swap3A_372 = tpu.vector_load %arg11[%swap3A_370, %swap3A_371] {strides = array<i32>} : memref<16x128xf32, #tpu.memory_space<vmem>>, vector<1x16xf32>,
        %swap3A_373 = vector.shape_cast %swap3A_372 : vector<1x16xf32> to vector<16xf32>
        %swap3A_374 = vector.shape_cast %scan3A_325#7 : vector<16xf32> to vector<1x16xf32>
        tpu.vector_store %arg11[%swap3A_370, %swap3A_371], %swap3A_374 {strides = array<i32>} : memref<16x128xf32, #tpu.memory_space<vmem>>, vector<1x16xf32>,
        %eq3A_375 = arith.constant 1 : i32
        %eq3A_376 = vector.broadcast %eq3A_375 : i32 to vector<16xi32>
        %eq3A_377 = arith.cmpi eq, %iota3A, %eq3A_376 : vector<16xi32>
        %get3A_378 = arith.constant 0 : index
        %get3A_379 = tpu.vector_load %arg12[%get3A_378] {strides = array<i32>} : memref<16xi32, #tpu.memory_space<vmem>>, vector<16xi32>,
        %get3A_380 = vector.shape_cast %get3A_379 : vector<16xi32> to vector<16xi32>
        %select_n3A_381 = arith.select %eq3A_377, %reshape3A_287, %get3A_380 : vector<16xi1>, vector<16xi32>
        %swap3A_382 = arith.constant 0 : index
        %swap3A_383 = tpu.vector_load %arg12[%swap3A_382] {strides = array<i32>} : memref<16xi32, #tpu.memory_space<vmem>>, vector<16xi32>,
        %swap3A_384 = vector.shape_cast %swap3A_383 : vector<16xi32> to vector<16xi32>
        %swap3A_385 = vector.shape_cast %select_n3A_381 : vector<16xi32> to vector<16xi32>
        tpu.vector_store %arg12[%swap3A_382], %swap3A_385 {strides = array<i32>} : memref<16xi32, #tpu.memory_space<vmem>>, vector<16xi32>,
      } else {
      }
      %not3A_301 = arith.constant true
      %not3A_302 = arith.xori %eq3A_297, %not3A_301 : i1
      %convert_element_type3A_303 = arith.extui %not3A_302 : i1 to i32
      %cond3A_304 = arith.constant 0 : i32
      %cond3A_305 = arith.cmpi ne, %convert_element_type3A_303, %cond3A_304 : i32
      scf.if %cond3A_305 {
        %run_scoped3A = arith.constant 0 : i32
        "tpu.region"() ({
          %run_scoped3A_306 = tpu.sem_alloc : memref<!tpu.dma_semaphore, #tpu.memory_space<semaphore_mem>>
          %dma_start3A_307 = arith.constant 128 : i32
          %dma_start3A_308 = arith.constant 0 : i32
          %dma_start3A_309 = tpu.memref_slice %arg8[%run_scoped3A, %dma_start3A_307, %dma_start3A_308] : memref<2x256x128xf32, #tpu.memory_space<vmem>> -> memref<1x128x128xf32, #tpu.memory_space<vmem>>
          %dma_start3A_310 = tpu.memref_squeeze %dma_start3A_309 : memref<1x128x128xf32, #tpu.memory_space<vmem>> -> memref<128x128xf32, #tpu.memory_space<vmem>>
          %dma_start3A_311 = arith.constant 0 : i32
          %dma_start3A_312 = tpu.memref_slice %arg9[%add3A_282, %dma_start3A_311] : memref<196x128xi32, #tpu.memory_space<vmem>> -> memref<1x128xi32, #tpu.memory_space<vmem>>
          %dma_start3A_313 = tpu.memref_squeeze %dma_start3A_312 : memref<1x128xi32, #tpu.memory_space<vmem>> -> memref<128xi32, #tpu.memory_space<vmem>>
          %dma_start3A_314 = arith.constant 0 : i32
          %dma_start3A_315 = arith.constant 0 : i32
          %dma_start3A_316 = tpu.memref_slice %arg14[%dma_start3A_314, %dma_start3A_315] : memref<1032x128xf32, #tpu.memory_space<vmem_shared>> -> memref<1032x128xf32, #tpu.memory_space<vmem_shared>>
          tpu.enqueue_indirect_dma source(%dma_start3A_310 : memref<128x128xf32, #tpu.memory_space<vmem>>) target(%dma_start3A_316 : memref<1032x128xf32, #tpu.memory_space<vmem_shared>>) offsets(%dma_start3A_313 : memref<128xi32, #tpu.memory_space<vmem>>) semaphore(%run_scoped3A_306 : memref<!tpu.dma_semaphore, #tpu.memory_space<semaphore_mem>>) {add = true}
          %dma_wait3A_317 = arith.constant 128 : i32
          %dma_wait3A_318 = arith.constant 0 : i32
          %dma_wait3A_319 = tpu.memref_slice %arg8[%run_scoped3A, %dma_wait3A_317, %dma_wait3A_318] : memref<2x256x128xf32, #tpu.memory_space<vmem>> -> memref<1x128x128xf32, #tpu.memory_space<vmem>>
          %dma_wait3A_320 = tpu.memref_squeeze %dma_wait3A_319 : memref<1x128x128xf32, #tpu.memory_space<vmem>> -> memref<128x128xf32, #tpu.memory_space<vmem>>
          %dma_wait3A_321 = arith.constant 0 : i32
          %dma_wait3A_322 = tpu.memref_slice %arg9[%add3A_282, %dma_wait3A_321] : memref<196x128xi32, #tpu.memory_space<vmem>> -> memref<1x128xi32, #tpu.memory_space<vmem>>
          %dma_wait3A_323 = tpu.memref_squeeze %dma_wait3A_322 : memref<1x128xi32, #tpu.memory_space<vmem>> -> memref<128xi32, #tpu.memory_space<vmem>>
          %dma_wait3A_324 = arith.constant 0 : i32
          %dma_wait3A_325 = arith.constant 0 : i32
          %dma_wait3A_326 = tpu.memref_slice %arg14[%dma_wait3A_324, %dma_wait3A_325] : memref<1032x128xf32, #tpu.memory_space<vmem_shared>> -> memref<1032x128xf32, #tpu.memory_space<vmem_shared>>
          tpu.wait_indirect_dma semaphore(%run_scoped3A_306 : memref<!tpu.dma_semaphore, #tpu.memory_space<semaphore_mem>>) src(%dma_wait3A_320 : memref<128x128xf32, #tpu.memory_space<vmem>>) dst(%dma_wait3A_326 : memref<1032x128xf32, #tpu.memory_space<vmem_shared>>)
          tpu.yield
        }) : () -> ()
      } else {
      }
      "tpu.region"() ({
        %run_scoped3A = tpu.sem_alloc : memref<!tpu.dma_semaphore, #tpu.memory_space<semaphore_mem>>
        %dma_start3A_306 = arith.constant 0 : i32
        %dma_start3A_307 = arith.constant 0 : i32
        %dma_start3A_308 = tpu.memref_slice %arg14[%dma_start3A_306, %dma_start3A_307] : memref<1032x128xf32, #tpu.memory_space<vmem_shared>> -> memref<1032x128xf32, #tpu.memory_space<vmem_shared>>
        tpu.enqueue_indirect_dma source(%arg11 : memref<16x128xf32, #tpu.memory_space<vmem>>) target(%dma_start3A_308 : memref<1032x128xf32, #tpu.memory_space<vmem_shared>>) offsets(%arg12 : memref<16xi32, #tpu.memory_space<vmem>>) semaphore(%run_scoped3A : memref<!tpu.dma_semaphore, #tpu.memory_space<semaphore_mem>>) {add = true}
        %dma_wait3A_309 = arith.constant 0 : i32
        %dma_wait3A_310 = arith.constant 0 : i32
        %dma_wait3A_311 = tpu.memref_slice %arg14[%dma_wait3A_309, %dma_wait3A_310] : memref<1032x128xf32, #tpu.memory_space<vmem_shared>> -> memref<1032x128xf32, #tpu.memory_space<vmem_shared>>
        tpu.wait_indirect_dma semaphore(%run_scoped3A : memref<!tpu.dma_semaphore, #tpu.memory_space<semaphore_mem>>) src(%arg11 : memref<16x128xf32, #tpu.memory_space<vmem>>) dst(%dma_wait3A_311 : memref<1032x128xf32, #tpu.memory_space<vmem_shared>>)
        tpu.yield
      }) : () -> ()
    } else {
    }
    %eq3A_190 = arith.constant 0 : i32
    %eq3A_191 = arith.cmpi eq, %select_n3A_135, %eq3A_190 : i32
    %convert_element_type3A_192 = arith.extui %eq3A_191 : i1 to i32
    %cond3A_193 = arith.constant 0 : i32
    %cond3A_194 = arith.cmpi ne, %convert_element_type3A_192, %cond3A_193 : i32
    scf.if %cond3A_194 {
      %add3A_226 = arith.constant 0 : i32
      %add3A_227 = arith.addi %mul3A_34, %add3A_226 : i32
      %min3A_228 = arith.constant 319744 : i32
      %min3A_229 = arith.minsi %add3A_227, %min3A_228 : i32
      %dma_wait3A = arith.constant 0 : i32
      %dma_wait3A_230 = arith.constant 0 : i32
      %dma_wait3A_231 = arith.constant 0 : i32
      %dma_wait3A_232 = tpu.memref_slice %arg8[%dma_wait3A, %dma_wait3A_230, %dma_wait3A_231] : memref<2x256x128xf32, #tpu.memory_space<vmem>> -> memref<1x256x128xf32, #tpu.memory_space<vmem>>
      %dma_wait3A_233 = tpu.memref_squeeze %dma_wait3A_232 : memref<1x256x128xf32, #tpu.memory_space<vmem>> -> memref<256x128xf32, #tpu.memory_space<vmem>>
      %dma_wait3A_234 = arith.constant 0 : i32
      %dma_wait3A_235 = tpu.memref_slice %arg2[%min3A_229, %dma_wait3A_234] : memref<320000x128xf32, #tpu.memory_space<hbm>> -> memref<256x128xf32, #tpu.memory_space<hbm>>
      %dma_wait3A_236 = arith.constant 0 : i32
      %dma_wait3A_237 = arith.constant 0 : i32
      %dma_wait3A_238 = tpu.memref_slice %arg8[%dma_wait3A, %dma_wait3A_236, %dma_wait3A_237] : memref<2x256x128xf32, #tpu.memory_space<vmem>> -> memref<1x256x128xf32, #tpu.memory_space<vmem>>
      %dma_wait3A_239 = tpu.memref_squeeze %dma_wait3A_238 : memref<1x256x128xf32, #tpu.memory_space<vmem>> -> memref<256x128xf32, #tpu.memory_space<vmem>>
      %dma_wait3A_240 = arith.constant 0 : i32
      %dma_wait3A_241 = tpu.memref_slice %arg2[%min3A_229, %dma_wait3A_240] : memref<320000x128xf32, #tpu.memory_space<hbm>> -> memref<256x128xf32, #tpu.memory_space<hbm>>
      tpu.wait_dma2 semaphore(%arg15 : memref<!tpu.dma_semaphore, #tpu.memory_space<semaphore_mem>>) src(%dma_wait3A_241 : memref<256x128xf32, #tpu.memory_space<hbm>>) dst(%dma_wait3A_239 : memref<256x128xf32, #tpu.memory_space<vmem>>)
    } else {
    }
    %le3A = arith.constant 1 : i32
    %le3A_195 = arith.cmpi sle, %select_n3A_135, %le3A : i32
    %convert_element_type3A_196 = arith.extui %le3A_195 : i1 to i32
    %cond3A_197 = arith.constant 0 : i32
    %cond3A_198 = arith.cmpi ne, %convert_element_type3A_196, %cond3A_197 : i32
    scf.if %cond3A_198 {
      %add3A_226 = arith.constant 256 : i32
      %add3A_227 = arith.addi %mul3A_34, %add3A_226 : i32
      %min3A_228 = arith.constant 319744 : i32
      %min3A_229 = arith.minsi %add3A_227, %min3A_228 : i32
      %dma_wait3A = arith.constant 1 : i32
      %dma_wait3A_230 = arith.constant 0 : i32
      %dma_wait3A_231 = arith.constant 0 : i32
      %dma_wait3A_232 = tpu.memref_slice %arg8[%dma_wait3A, %dma_wait3A_230, %dma_wait3A_231] : memref<2x256x128xf32, #tpu.memory_space<vmem>> -> memref<1x256x128xf32, #tpu.memory_space<vmem>>
      %dma_wait3A_233 = tpu.memref_squeeze %dma_wait3A_232 : memref<1x256x128xf32, #tpu.memory_space<vmem>> -> memref<256x128xf32, #tpu.memory_space<vmem>>
      %dma_wait3A_234 = arith.constant 0 : i32
      %dma_wait3A_235 = tpu.memref_slice %arg2[%min3A_229, %dma_wait3A_234] : memref<320000x128xf32, #tpu.memory_space<hbm>> -> memref<256x128xf32, #tpu.memory_space<hbm>>
      %dma_wait3A_236 = arith.constant 0 : i32
      %dma_wait3A_237 = arith.constant 0 : i32
      %dma_wait3A_238 = tpu.memref_slice %arg8[%dma_wait3A, %dma_wait3A_236, %dma_wait3A_237] : memref<2x256x128xf32, #tpu.memory_space<vmem>> -> memref<1x256x128xf32, #tpu.memory_space<vmem>>
      %dma_wait3A_239 = tpu.memref_squeeze %dma_wait3A_238 : memref<1x256x128xf32, #tpu.memory_space<vmem>> -> memref<256x128xf32, #tpu.memory_space<vmem>>
      %dma_wait3A_240 = arith.constant 0 : i32
      %dma_wait3A_241 = tpu.memref_slice %arg2[%min3A_229, %dma_wait3A_240] : memref<320000x128xf32, #tpu.memory_space<hbm>> -> memref<256x128xf32, #tpu.memory_space<hbm>>
      tpu.wait_dma2 semaphore(%arg16 : memref<!tpu.dma_semaphore, #tpu.memory_space<semaphore_mem>>) src(%dma_wait3A_241 : memref<256x128xf32, #tpu.memory_space<hbm>>) dst(%dma_wait3A_239 : memref<256x128xf32, #tpu.memory_space<vmem>>)
    } else {
    }
    %jit3A_199 = arith.constant 2 : i32
    %eq3A_200 = arith.constant 0 : i32
    %eq3A_201 = arith.cmpi eq, %jit3A_199, %eq3A_200 : i32
    %jit3A_202 = arith.constant 1 : i32
    %select_n3A_203 = arith.select %eq3A_201, %jit3A_202, %jit3A_199 : i32
    %rem3A_204 = arith.remsi %add3A, %select_n3A_203 : i32
    %ne3A_205 = arith.constant 0 : i32
    %ne3A_206 = arith.cmpi ne, %rem3A_204, %ne3A_205 : i32
    %lt3A_207 = arith.constant 0 : i32
    %lt3A_208 = arith.cmpi slt, %rem3A_204, %lt3A_207 : i32
    %lt3A_209 = arith.constant 0 : i32
    %lt3A_210 = arith.cmpi slt, %select_n3A_203, %lt3A_209 : i32
    %ne3A_211 = arith.xori %lt3A_208, %lt3A_210 : i1
    %and3A_212 = arith.andi %ne3A_211, %ne3A_206 : i1
    %add3A_213 = arith.addi %rem3A_204, %select_n3A_203 : i32
    %select_n3A_214 = arith.select %and3A_212, %add3A_213, %rem3A_204 : i32
    %eq3A_215 = arith.constant 1 : i32
    %eq3A_216 = arith.cmpi eq, %select_n3A_214, %eq3A_215 : i32
    %convert_element_type3A_217 = arith.extui %eq3A_216 : i1 to i32
    %cond3A_218 = arith.constant 0 : i32
    %cond3A_219 = arith.cmpi ne, %convert_element_type3A_217, %cond3A_218 : i32
    scf.if %cond3A_219 {
      %sub3A_226 = arith.constant 1 : i32
      %sub3A_227 = arith.subi %add3A, %sub3A_226 : i32
      %add3A_228 = arith.addi %add3A_32, %sub3A_227 : i32
      %mul3A_229 = arith.constant 128 : i32
      %mul3A_230 = arith.muli %add3A_228, %mul3A_229 : i32
      %run_scoped3A = arith.constant 0 : i32
      "tpu.region"() ({
        %run_scoped3A_258 = tpu.sem_alloc : memref<!tpu.dma_semaphore, #tpu.memory_space<semaphore_mem>>
        %dma_start3A_259 = arith.constant 0 : i32
        %dma_start3A_260 = arith.constant 0 : i32
        %dma_start3A_261 = tpu.memref_slice %arg8[%run_scoped3A, %dma_start3A_259, %dma_start3A_260] : memref<2x256x128xf32, #tpu.memory_space<vmem>> -> memref<1x128x128xf32, #tpu.memory_space<vmem>>
        %dma_start3A_262 = tpu.memref_squeeze %dma_start3A_261 : memref<1x128x128xf32, #tpu.memory_space<vmem>> -> memref<128x128xf32, #tpu.memory_space<vmem>>
        %dma_start3A_263 = arith.constant 0 : i32
        %dma_start3A_264 = tpu.memref_slice %arg2[%mul3A_230, %dma_start3A_263] : memref<320000x128xf32, #tpu.memory_space<hbm>> -> memref<128x128xf32, #tpu.memory_space<hbm>>
        %dma_start3A_265 = arith.constant 0 : i32
        %dma_start3A_266 = arith.constant 0 : i32
        %dma_start3A_267 = tpu.memref_slice %arg8[%run_scoped3A, %dma_start3A_265, %dma_start3A_266] : memref<2x256x128xf32, #tpu.memory_space<vmem>> -> memref<1x128x128xf32, #tpu.memory_space<vmem>>
        %dma_start3A_268 = tpu.memref_squeeze %dma_start3A_267 : memref<1x128x128xf32, #tpu.memory_space<vmem>> -> memref<128x128xf32, #tpu.memory_space<vmem>>
        %dma_start3A_269 = arith.constant 0 : i32
        %dma_start3A_270 = tpu.memref_slice %arg2[%mul3A_230, %dma_start3A_269] : memref<320000x128xf32, #tpu.memory_space<hbm>> -> memref<128x128xf32, #tpu.memory_space<hbm>>
        tpu.enqueue_dma source(%dma_start3A_270 : memref<128x128xf32, #tpu.memory_space<hbm>>) target(%dma_start3A_268 : memref<128x128xf32, #tpu.memory_space<vmem>>) target_semaphore(%run_scoped3A_258 : memref<!tpu.dma_semaphore, #tpu.memory_space<semaphore_mem>>)
        %dma_wait3A = arith.constant 0 : i32
        %dma_wait3A_271 = arith.constant 0 : i32
        %dma_wait3A_272 = tpu.memref_slice %arg8[%run_scoped3A, %dma_wait3A, %dma_wait3A_271] : memref<2x256x128xf32, #tpu.memory_space<vmem>> -> memref<1x128x128xf32, #tpu.memory_space<vmem>>
        %dma_wait3A_273 = tpu.memref_squeeze %dma_wait3A_272 : memref<1x128x128xf32, #tpu.memory_space<vmem>> -> memref<128x128xf32, #tpu.memory_space<vmem>>
        %dma_wait3A_274 = arith.constant 0 : i32
        %dma_wait3A_275 = tpu.memref_slice %arg2[%mul3A_230, %dma_wait3A_274] : memref<320000x128xf32, #tpu.memory_space<hbm>> -> memref<128x128xf32, #tpu.memory_space<hbm>>
        %dma_wait3A_276 = arith.constant 0 : i32
        %dma_wait3A_277 = arith.constant 0 : i32
        %dma_wait3A_278 = tpu.memref_slice %arg8[%run_scoped3A, %dma_wait3A_276, %dma_wait3A_277] : memref<2x256x128xf32, #tpu.memory_space<vmem>> -> memref<1x128x128xf32, #tpu.memory_space<vmem>>
        %dma_wait3A_279 = tpu.memref_squeeze %dma_wait3A_278 : memref<1x128x128xf32, #tpu.memory_space<vmem>> -> memref<128x128xf32, #tpu.memory_space<vmem>>
        %dma_wait3A_280 = arith.constant 0 : i32
        %dma_wait3A_281 = tpu.memref_slice %arg2[%mul3A_230, %dma_wait3A_280] : memref<320000x128xf32, #tpu.memory_space<hbm>> -> memref<128x128xf32, #tpu.memory_space<hbm>>
        tpu.wait_dma2 semaphore(%run_scoped3A_258 : memref<!tpu.dma_semaphore, #tpu.memory_space<semaphore_mem>>) src(%dma_wait3A_281 : memref<128x128xf32, #tpu.memory_space<hbm>>) dst(%dma_wait3A_279 : memref<128x128xf32, #tpu.memory_space<vmem>>)
        tpu.yield
      }) : () -> ()
      %broadcast_in_dim3A = arith.constant 1024 : i32
      %broadcast_in_dim3A_231 = vector.broadcast %broadcast_in_dim3A : i32 to vector<16xi32>
      %swap3A = arith.constant 0 : index
      %swap3A_232 = tpu.vector_load %arg12[%swap3A] {strides = array<i32>} : memref<16xi32, #tpu.memory_space<vmem>>, vector<16xi32>,
      %swap3A_233 = vector.shape_cast %swap3A_232 : vector<16xi32> to vector<16xi32>
      %swap3A_234 = vector.shape_cast %broadcast_in_dim3A_231 : vector<16xi32> to vector<16xi32>
      tpu.vector_store %arg12[%swap3A], %swap3A_234 {strides = array<i32>} : memref<16xi32, #tpu.memory_space<vmem>>, vector<16xi32>,
      %add3A_235 = arith.addi %sub3A_96, %sub3A_227 : i32
      %get3A_236 = arith.index_cast %add3A_235 : i32 to index
      %get3A_237 = arith.constant 0 : index
      %get3A_238 = tpu.vector_load %arg9[%get3A_236, %get3A_237] {strides = array<i32>} : memref<196x128xi32, #tpu.memory_space<vmem>>, vector<1x16xi32>,
      %get3A_239 = vector.shape_cast %get3A_238 : vector<1x16xi32> to vector<1x16xi32>
      %reshape3A = vector.shape_cast %get3A_239 : vector<1x16xi32> to vector<16xi32>
      %get3A_240 = arith.index_cast %add3A_235 : i32 to index
      %get3A_241 = arith.constant 112 : index
      %get3A_242 = tpu.vector_load %arg9[%get3A_240, %get3A_241] {strides = array<i32>} : memref<196x128xi32, #tpu.memory_space<vmem>>, vector<1x16xi32>,
      %get3A_243 = vector.shape_cast %get3A_242 : vector<1x16xi32> to vector<1x16xi32>
      %reshape3A_244 = vector.shape_cast %get3A_243 : vector<1x16xi32> to vector<16xi32>
      %slice3A_245 = vector.extract_strided_slice %reshape3A {offsets = [0], sizes = [1], strides = [1]} : vector<16xi32> to vector<1xi32>
      %squeeze3A_246 = vector.extract %slice3A_245[0] : i32 from vector<1xi32>
      %slice3A_247 = vector.extract_strided_slice %reshape3A_244 {offsets = [15], sizes = [1], strides = [1]} : vector<16xi32> to vector<1xi32>
      %squeeze3A_248 = vector.extract %slice3A_247[0] : i32 from vector<1xi32>
      %eq3A_249 = arith.cmpi eq, %squeeze3A_246, %squeeze3A_248 : i32
      %convert_element_type3A_250 = arith.extui %eq3A_249 : i1 to i32
      %cond3A_251 = arith.constant 0 : i32
      %cond3A_252 = arith.cmpi ne, %convert_element_type3A_250, %cond3A_251 : i32
      scf.if %cond3A_252 {
        %broadcast_in_dim3A_258 = arith.constant 0.000000e+00 : f32
        %broadcast_in_dim3A_259 = vector.broadcast %broadcast_in_dim3A_258 : f32 to vector<16xf32>
        %broadcast_in_dim3A_260 = arith.constant 0.000000e+00 : f32
        %broadcast_in_dim3A_261 = vector.broadcast %broadcast_in_dim3A_260 : f32 to vector<16xf32>
        %broadcast_in_dim3A_262 = arith.constant 0.000000e+00 : f32
        %broadcast_in_dim3A_263 = vector.broadcast %broadcast_in_dim3A_262 : f32 to vector<16xf32>
        %broadcast_in_dim3A_264 = arith.constant 0.000000e+00 : f32
        %broadcast_in_dim3A_265 = vector.broadcast %broadcast_in_dim3A_264 : f32 to vector<16xf32>
        %broadcast_in_dim3A_266 = arith.constant 0.000000e+00 : f32
        %broadcast_in_dim3A_267 = vector.broadcast %broadcast_in_dim3A_266 : f32 to vector<16xf32>
        %broadcast_in_dim3A_268 = arith.constant 0.000000e+00 : f32
        %broadcast_in_dim3A_269 = vector.broadcast %broadcast_in_dim3A_268 : f32 to vector<16xf32>
        %broadcast_in_dim3A_270 = arith.constant 0.000000e+00 : f32
        %broadcast_in_dim3A_271 = vector.broadcast %broadcast_in_dim3A_270 : f32 to vector<16xf32>
        %broadcast_in_dim3A_272 = arith.constant 0.000000e+00 : f32
        %broadcast_in_dim3A_273 = vector.broadcast %broadcast_in_dim3A_272 : f32 to vector<16xf32>
        %scan3A = arith.constant 0 : i32
        %scan3A_274 = arith.constant 32 : i32
        %scan3A_275 = arith.addi %scan3A, %scan3A_274 : i32
        %scan3A_276 = arith.constant 1 : i32
        %scan3A_277:8 = scf.for %scan3A_338 = %scan3A to %scan3A_275 step %scan3A_276 iter_args(%scan3A_339 = %broadcast_in_dim3A_259, %scan3A_340 = %broadcast_in_dim3A_261, %scan3A_341 = %broadcast_in_dim3A_263, %scan3A_342 = %broadcast_in_dim3A_265, %scan3A_343 = %broadcast_in_dim3A_267, %scan3A_344 = %broadcast_in_dim3A_269, %scan3A_345 = %broadcast_in_dim3A_271, %scan3A_346 = %broadcast_in_dim3A_273) -> (vector<16xf32>, vector<16xf32>, vector<16xf32>, vector<16xf32>, vector<16xf32>, vector<16xf32>, vector<16xf32>, vector<16xf32>)  : i32 {
          %mul3A_347 = arith.constant 4 : i32
          %mul3A_348 = arith.muli %mul3A_347, %scan3A_338 : i32
          %add3A_349 = arith.constant 0 : i32
          %add3A_350 = arith.addi %add3A_349, %mul3A_348 : i32
          %add3A_351 = arith.constant 0 : i32
          %add3A_352 = arith.addi %add3A_350, %add3A_351 : i32
          %get3A_353 = arith.constant 0 : i32
          %get3A_354 = arith.index_cast %get3A_353 : i32 to index
          %get3A_355 = arith.index_cast %add3A_352 : i32 to index
          %get3A_356 = arith.constant 0 : index
          %get3A_357 = tpu.vector_load %arg8[%get3A_354, %get3A_355, %get3A_356] {strides = array<i32>} : memref<2x256x128xf32, #tpu.memory_space<vmem>>, vector<1x1x16xf32>,
          %get3A_358 = vector.shape_cast %get3A_357 : vector<1x1x16xf32> to vector<1x16xf32>
          %reshape3A_359 = vector.shape_cast %get3A_358 : vector<1x16xf32> to vector<16xf32>
          %add3A_360 = arith.addf %scan3A_339, %reshape3A_359 : vector<16xf32>
          %get3A_361 = arith.constant 0 : i32
          %get3A_362 = arith.index_cast %get3A_361 : i32 to index
          %get3A_363 = arith.index_cast %add3A_352 : i32 to index
          %get3A_364 = arith.constant 16 : index
          %get3A_365 = tpu.vector_load %arg8[%get3A_362, %get3A_363, %get3A_364] {strides = array<i32>} : memref<2x256x128xf32, #tpu.memory_space<vmem>>, vector<1x1x16xf32>,
          %get3A_366 = vector.shape_cast %get3A_365 : vector<1x1x16xf32> to vector<1x16xf32>
          %reshape3A_367 = vector.shape_cast %get3A_366 : vector<1x16xf32> to vector<16xf32>
          %add3A_368 = arith.addf %scan3A_340, %reshape3A_367 : vector<16xf32>
          %get3A_369 = arith.constant 0 : i32
          %get3A_370 = arith.index_cast %get3A_369 : i32 to index
          %get3A_371 = arith.index_cast %add3A_352 : i32 to index
          %get3A_372 = arith.constant 32 : index
          %get3A_373 = tpu.vector_load %arg8[%get3A_370, %get3A_371, %get3A_372] {strides = array<i32>} : memref<2x256x128xf32, #tpu.memory_space<vmem>>, vector<1x1x16xf32>,
          %get3A_374 = vector.shape_cast %get3A_373 : vector<1x1x16xf32> to vector<1x16xf32>
          %reshape3A_375 = vector.shape_cast %get3A_374 : vector<1x16xf32> to vector<16xf32>
          %add3A_376 = arith.addf %scan3A_341, %reshape3A_375 : vector<16xf32>
          %get3A_377 = arith.constant 0 : i32
          %get3A_378 = arith.index_cast %get3A_377 : i32 to index
          %get3A_379 = arith.index_cast %add3A_352 : i32 to index
          %get3A_380 = arith.constant 48 : index
          %get3A_381 = tpu.vector_load %arg8[%get3A_378, %get3A_379, %get3A_380] {strides = array<i32>} : memref<2x256x128xf32, #tpu.memory_space<vmem>>, vector<1x1x16xf32>,
          %get3A_382 = vector.shape_cast %get3A_381 : vector<1x1x16xf32> to vector<1x16xf32>
          %reshape3A_383 = vector.shape_cast %get3A_382 : vector<1x16xf32> to vector<16xf32>
          %add3A_384 = arith.addf %scan3A_342, %reshape3A_383 : vector<16xf32>
          %get3A_385 = arith.constant 0 : i32
          %get3A_386 = arith.index_cast %get3A_385 : i32 to index
          %get3A_387 = arith.index_cast %add3A_352 : i32 to index
          %get3A_388 = arith.constant 64 : index
          %get3A_389 = tpu.vector_load %arg8[%get3A_386, %get3A_387, %get3A_388] {strides = array<i32>} : memref<2x256x128xf32, #tpu.memory_space<vmem>>, vector<1x1x16xf32>,
          %get3A_390 = vector.shape_cast %get3A_389 : vector<1x1x16xf32> to vector<1x16xf32>
          %reshape3A_391 = vector.shape_cast %get3A_390 : vector<1x16xf32> to vector<16xf32>
          %add3A_392 = arith.addf %scan3A_343, %reshape3A_391 : vector<16xf32>
          %get3A_393 = arith.constant 0 : i32
          %get3A_394 = arith.index_cast %get3A_393 : i32 to index
          %get3A_395 = arith.index_cast %add3A_352 : i32 to index
          %get3A_396 = arith.constant 80 : index
          %get3A_397 = tpu.vector_load %arg8[%get3A_394, %get3A_395, %get3A_396] {strides = array<i32>} : memref<2x256x128xf32, #tpu.memory_space<vmem>>, vector<1x1x16xf32>,
          %get3A_398 = vector.shape_cast %get3A_397 : vector<1x1x16xf32> to vector<1x16xf32>
          %reshape3A_399 = vector.shape_cast %get3A_398 : vector<1x16xf32> to vector<16xf32>
          %add3A_400 = arith.addf %scan3A_344, %reshape3A_399 : vector<16xf32>
          %get3A_401 = arith.constant 0 : i32
          %get3A_402 = arith.index_cast %get3A_401 : i32 to index
          %get3A_403 = arith.index_cast %add3A_352 : i32 to index
          %get3A_404 = arith.constant 96 : index
          %get3A_405 = tpu.vector_load %arg8[%get3A_402, %get3A_403, %get3A_404] {strides = array<i32>} : memref<2x256x128xf32, #tpu.memory_space<vmem>>, vector<1x1x16xf32>,
          %get3A_406 = vector.shape_cast %get3A_405 : vector<1x1x16xf32> to vector<1x16xf32>
          %reshape3A_407 = vector.shape_cast %get3A_406 : vector<1x16xf32> to vector<16xf32>
          %add3A_408 = arith.addf %scan3A_345, %reshape3A_407 : vector<16xf32>
          %get3A_409 = arith.constant 0 : i32
          %get3A_410 = arith.index_cast %get3A_409 : i32 to index
          %get3A_411 = arith.index_cast %add3A_352 : i32 to index
          %get3A_412 = arith.constant 112 : index
          %get3A_413 = tpu.vector_load %arg8[%get3A_410, %get3A_411, %get3A_412] {strides = array<i32>} : memref<2x256x128xf32, #tpu.memory_space<vmem>>, vector<1x1x16xf32>,
          %get3A_414 = vector.shape_cast %get3A_413 : vector<1x1x16xf32> to vector<1x16xf32>
          %reshape3A_415 = vector.shape_cast %get3A_414 : vector<1x16xf32> to vector<16xf32>
          %add3A_416 = arith.addf %scan3A_346, %reshape3A_415 : vector<16xf32>
          %mul3A_417 = arith.constant 4 : i32
          %mul3A_418 = arith.muli %mul3A_417, %scan3A_338 : i32
          %add3A_419 = arith.constant 0 : i32
          %add3A_420 = arith.addi %add3A_419, %mul3A_418 : i32
          %add3A_421 = arith.constant 1 : i32
          %add3A_422 = arith.addi %add3A_420, %add3A_421 : i32
          %get3A_423 = arith.constant 0 : i32
          %get3A_424 = arith.index_cast %get3A_423 : i32 to index
          %get3A_425 = arith.index_cast %add3A_422 : i32 to index
          %get3A_426 = arith.constant 0 : index
          %get3A_427 = tpu.vector_load %arg8[%get3A_424, %get3A_425, %get3A_426] {strides = array<i32>} : memref<2x256x128xf32, #tpu.memory_space<vmem>>, vector<1x1x16xf32>,
          %get3A_428 = vector.shape_cast %get3A_427 : vector<1x1x16xf32> to vector<1x16xf32>
          %reshape3A_429 = vector.shape_cast %get3A_428 : vector<1x16xf32> to vector<16xf32>
          %add3A_430 = arith.addf %add3A_360, %reshape3A_429 : vector<16xf32>
          %get3A_431 = arith.constant 0 : i32
          %get3A_432 = arith.index_cast %get3A_431 : i32 to index
          %get3A_433 = arith.index_cast %add3A_422 : i32 to index
          %get3A_434 = arith.constant 16 : index
          %get3A_435 = tpu.vector_load %arg8[%get3A_432, %get3A_433, %get3A_434] {strides = array<i32>} : memref<2x256x128xf32, #tpu.memory_space<vmem>>, vector<1x1x16xf32>,
          %get3A_436 = vector.shape_cast %get3A_435 : vector<1x1x16xf32> to vector<1x16xf32>
          %reshape3A_437 = vector.shape_cast %get3A_436 : vector<1x16xf32> to vector<16xf32>
          %add3A_438 = arith.addf %add3A_368, %reshape3A_437 : vector<16xf32>
          %get3A_439 = arith.constant 0 : i32
          %get3A_440 = arith.index_cast %get3A_439 : i32 to index
          %get3A_441 = arith.index_cast %add3A_422 : i32 to index
          %get3A_442 = arith.constant 32 : index
          %get3A_443 = tpu.vector_load %arg8[%get3A_440, %get3A_441, %get3A_442] {strides = array<i32>} : memref<2x256x128xf32, #tpu.memory_space<vmem>>, vector<1x1x16xf32>,
          %get3A_444 = vector.shape_cast %get3A_443 : vector<1x1x16xf32> to vector<1x16xf32>
          %reshape3A_445 = vector.shape_cast %get3A_444 : vector<1x16xf32> to vector<16xf32>
          %add3A_446 = arith.addf %add3A_376, %reshape3A_445 : vector<16xf32>
          %get3A_447 = arith.constant 0 : i32
          %get3A_448 = arith.index_cast %get3A_447 : i32 to index
          %get3A_449 = arith.index_cast %add3A_422 : i32 to index
          %get3A_450 = arith.constant 48 : index
          %get3A_451 = tpu.vector_load %arg8[%get3A_448, %get3A_449, %get3A_450] {strides = array<i32>} : memref<2x256x128xf32, #tpu.memory_space<vmem>>, vector<1x1x16xf32>,
          %get3A_452 = vector.shape_cast %get3A_451 : vector<1x1x16xf32> to vector<1x16xf32>
          %reshape3A_453 = vector.shape_cast %get3A_452 : vector<1x16xf32> to vector<16xf32>
          %add3A_454 = arith.addf %add3A_384, %reshape3A_453 : vector<16xf32>
          %get3A_455 = arith.constant 0 : i32
          %get3A_456 = arith.index_cast %get3A_455 : i32 to index
          %get3A_457 = arith.index_cast %add3A_422 : i32 to index
          %get3A_458 = arith.constant 64 : index
          %get3A_459 = tpu.vector_load %arg8[%get3A_456, %get3A_457, %get3A_458] {strides = array<i32>} : memref<2x256x128xf32, #tpu.memory_space<vmem>>, vector<1x1x16xf32>,
          %get3A_460 = vector.shape_cast %get3A_459 : vector<1x1x16xf32> to vector<1x16xf32>
          %reshape3A_461 = vector.shape_cast %get3A_460 : vector<1x16xf32> to vector<16xf32>
          %add3A_462 = arith.addf %add3A_392, %reshape3A_461 : vector<16xf32>
          %get3A_463 = arith.constant 0 : i32
          %get3A_464 = arith.index_cast %get3A_463 : i32 to index
          %get3A_465 = arith.index_cast %add3A_422 : i32 to index
          %get3A_466 = arith.constant 80 : index
          %get3A_467 = tpu.vector_load %arg8[%get3A_464, %get3A_465, %get3A_466] {strides = array<i32>} : memref<2x256x128xf32, #tpu.memory_space<vmem>>, vector<1x1x16xf32>,
          %get3A_468 = vector.shape_cast %get3A_467 : vector<1x1x16xf32> to vector<1x16xf32>
          %reshape3A_469 = vector.shape_cast %get3A_468 : vector<1x16xf32> to vector<16xf32>
          %add3A_470 = arith.addf %add3A_400, %reshape3A_469 : vector<16xf32>
          %get3A_471 = arith.constant 0 : i32
          %get3A_472 = arith.index_cast %get3A_471 : i32 to index
          %get3A_473 = arith.index_cast %add3A_422 : i32 to index
          %get3A_474 = arith.constant 96 : index
          %get3A_475 = tpu.vector_load %arg8[%get3A_472, %get3A_473, %get3A_474] {strides = array<i32>} : memref<2x256x128xf32, #tpu.memory_space<vmem>>, vector<1x1x16xf32>,
          %get3A_476 = vector.shape_cast %get3A_475 : vector<1x1x16xf32> to vector<1x16xf32>
          %reshape3A_477 = vector.shape_cast %get3A_476 : vector<1x16xf32> to vector<16xf32>
          %add3A_478 = arith.addf %add3A_408, %reshape3A_477 : vector<16xf32>
          %get3A_479 = arith.constant 0 : i32
          %get3A_480 = arith.index_cast %get3A_479 : i32 to index
          %get3A_481 = arith.index_cast %add3A_422 : i32 to index
          %get3A_482 = arith.constant 112 : index
          %get3A_483 = tpu.vector_load %arg8[%get3A_480, %get3A_481, %get3A_482] {strides = array<i32>} : memref<2x256x128xf32, #tpu.memory_space<vmem>>, vector<1x1x16xf32>,
          %get3A_484 = vector.shape_cast %get3A_483 : vector<1x1x16xf32> to vector<1x16xf32>
          %reshape3A_485 = vector.shape_cast %get3A_484 : vector<1x16xf32> to vector<16xf32>
          %add3A_486 = arith.addf %add3A_416, %reshape3A_485 : vector<16xf32>
          %mul3A_487 = arith.constant 4 : i32
          %mul3A_488 = arith.muli %mul3A_487, %scan3A_338 : i32
          %add3A_489 = arith.constant 0 : i32
          %add3A_490 = arith.addi %add3A_489, %mul3A_488 : i32
          %add3A_491 = arith.constant 2 : i32
          %add3A_492 = arith.addi %add3A_490, %add3A_491 : i32
          %get3A_493 = arith.constant 0 : i32
          %get3A_494 = arith.index_cast %get3A_493 : i32 to index
          %get3A_495 = arith.index_cast %add3A_492 : i32 to index
          %get3A_496 = arith.constant 0 : index
          %get3A_497 = tpu.vector_load %arg8[%get3A_494, %get3A_495, %get3A_496] {strides = array<i32>} : memref<2x256x128xf32, #tpu.memory_space<vmem>>, vector<1x1x16xf32>,
          %get3A_498 = vector.shape_cast %get3A_497 : vector<1x1x16xf32> to vector<1x16xf32>
          %reshape3A_499 = vector.shape_cast %get3A_498 : vector<1x16xf32> to vector<16xf32>
          %add3A_500 = arith.addf %add3A_430, %reshape3A_499 : vector<16xf32>
          %get3A_501 = arith.constant 0 : i32
          %get3A_502 = arith.index_cast %get3A_501 : i32 to index
          %get3A_503 = arith.index_cast %add3A_492 : i32 to index
          %get3A_504 = arith.constant 16 : index
          %get3A_505 = tpu.vector_load %arg8[%get3A_502, %get3A_503, %get3A_504] {strides = array<i32>} : memref<2x256x128xf32, #tpu.memory_space<vmem>>, vector<1x1x16xf32>,
          %get3A_506 = vector.shape_cast %get3A_505 : vector<1x1x16xf32> to vector<1x16xf32>
          %reshape3A_507 = vector.shape_cast %get3A_506 : vector<1x16xf32> to vector<16xf32>
          %add3A_508 = arith.addf %add3A_438, %reshape3A_507 : vector<16xf32>
          %get3A_509 = arith.constant 0 : i32
          %get3A_510 = arith.index_cast %get3A_509 : i32 to index
          %get3A_511 = arith.index_cast %add3A_492 : i32 to index
          %get3A_512 = arith.constant 32 : index
          %get3A_513 = tpu.vector_load %arg8[%get3A_510, %get3A_511, %get3A_512] {strides = array<i32>} : memref<2x256x128xf32, #tpu.memory_space<vmem>>, vector<1x1x16xf32>,
          %get3A_514 = vector.shape_cast %get3A_513 : vector<1x1x16xf32> to vector<1x16xf32>
          %reshape3A_515 = vector.shape_cast %get3A_514 : vector<1x16xf32> to vector<16xf32>
          %add3A_516 = arith.addf %add3A_446, %reshape3A_515 : vector<16xf32>
          %get3A_517 = arith.constant 0 : i32
          %get3A_518 = arith.index_cast %get3A_517 : i32 to index
          %get3A_519 = arith.index_cast %add3A_492 : i32 to index
          %get3A_520 = arith.constant 48 : index
          %get3A_521 = tpu.vector_load %arg8[%get3A_518, %get3A_519, %get3A_520] {strides = array<i32>} : memref<2x256x128xf32, #tpu.memory_space<vmem>>, vector<1x1x16xf32>,
          %get3A_522 = vector.shape_cast %get3A_521 : vector<1x1x16xf32> to vector<1x16xf32>
          %reshape3A_523 = vector.shape_cast %get3A_522 : vector<1x16xf32> to vector<16xf32>
          %add3A_524 = arith.addf %add3A_454, %reshape3A_523 : vector<16xf32>
          %get3A_525 = arith.constant 0 : i32
          %get3A_526 = arith.index_cast %get3A_525 : i32 to index
          %get3A_527 = arith.index_cast %add3A_492 : i32 to index
          %get3A_528 = arith.constant 64 : index
          %get3A_529 = tpu.vector_load %arg8[%get3A_526, %get3A_527, %get3A_528] {strides = array<i32>} : memref<2x256x128xf32, #tpu.memory_space<vmem>>, vector<1x1x16xf32>,
          %get3A_530 = vector.shape_cast %get3A_529 : vector<1x1x16xf32> to vector<1x16xf32>
          %reshape3A_531 = vector.shape_cast %get3A_530 : vector<1x16xf32> to vector<16xf32>
          %add3A_532 = arith.addf %add3A_462, %reshape3A_531 : vector<16xf32>
          %get3A_533 = arith.constant 0 : i32
          %get3A_534 = arith.index_cast %get3A_533 : i32 to index
          %get3A_535 = arith.index_cast %add3A_492 : i32 to index
          %get3A_536 = arith.constant 80 : index
          %get3A_537 = tpu.vector_load %arg8[%get3A_534, %get3A_535, %get3A_536] {strides = array<i32>} : memref<2x256x128xf32, #tpu.memory_space<vmem>>, vector<1x1x16xf32>,
          %get3A_538 = vector.shape_cast %get3A_537 : vector<1x1x16xf32> to vector<1x16xf32>
          %reshape3A_539 = vector.shape_cast %get3A_538 : vector<1x16xf32> to vector<16xf32>
          %add3A_540 = arith.addf %add3A_470, %reshape3A_539 : vector<16xf32>
          %get3A_541 = arith.constant 0 : i32
          %get3A_542 = arith.index_cast %get3A_541 : i32 to index
          %get3A_543 = arith.index_cast %add3A_492 : i32 to index
          %get3A_544 = arith.constant 96 : index
          %get3A_545 = tpu.vector_load %arg8[%get3A_542, %get3A_543, %get3A_544] {strides = array<i32>} : memref<2x256x128xf32, #tpu.memory_space<vmem>>, vector<1x1x16xf32>,
          %get3A_546 = vector.shape_cast %get3A_545 : vector<1x1x16xf32> to vector<1x16xf32>
          %reshape3A_547 = vector.shape_cast %get3A_546 : vector<1x16xf32> to vector<16xf32>
          %add3A_548 = arith.addf %add3A_478, %reshape3A_547 : vector<16xf32>
          %get3A_549 = arith.constant 0 : i32
          %get3A_550 = arith.index_cast %get3A_549 : i32 to index
          %get3A_551 = arith.index_cast %add3A_492 : i32 to index
          %get3A_552 = arith.constant 112 : index
          %get3A_553 = tpu.vector_load %arg8[%get3A_550, %get3A_551, %get3A_552] {strides = array<i32>} : memref<2x256x128xf32, #tpu.memory_space<vmem>>, vector<1x1x16xf32>,
          %get3A_554 = vector.shape_cast %get3A_553 : vector<1x1x16xf32> to vector<1x16xf32>
          %reshape3A_555 = vector.shape_cast %get3A_554 : vector<1x16xf32> to vector<16xf32>
          %add3A_556 = arith.addf %add3A_486, %reshape3A_555 : vector<16xf32>
          %mul3A_557 = arith.constant 4 : i32
          %mul3A_558 = arith.muli %mul3A_557, %scan3A_338 : i32
          %add3A_559 = arith.constant 0 : i32
          %add3A_560 = arith.addi %add3A_559, %mul3A_558 : i32
          %add3A_561 = arith.constant 3 : i32
          %add3A_562 = arith.addi %add3A_560, %add3A_561 : i32
          %get3A_563 = arith.constant 0 : i32
          %get3A_564 = arith.index_cast %get3A_563 : i32 to index
          %get3A_565 = arith.index_cast %add3A_562 : i32 to index
          %get3A_566 = arith.constant 0 : index
          %get3A_567 = tpu.vector_load %arg8[%get3A_564, %get3A_565, %get3A_566] {strides = array<i32>} : memref<2x256x128xf32, #tpu.memory_space<vmem>>, vector<1x1x16xf32>,
          %get3A_568 = vector.shape_cast %get3A_567 : vector<1x1x16xf32> to vector<1x16xf32>
          %reshape3A_569 = vector.shape_cast %get3A_568 : vector<1x16xf32> to vector<16xf32>
          %add3A_570 = arith.addf %add3A_500, %reshape3A_569 : vector<16xf32>
          %get3A_571 = arith.constant 0 : i32
          %get3A_572 = arith.index_cast %get3A_571 : i32 to index
          %get3A_573 = arith.index_cast %add3A_562 : i32 to index
          %get3A_574 = arith.constant 16 : index
          %get3A_575 = tpu.vector_load %arg8[%get3A_572, %get3A_573, %get3A_574] {strides = array<i32>} : memref<2x256x128xf32, #tpu.memory_space<vmem>>, vector<1x1x16xf32>,
          %get3A_576 = vector.shape_cast %get3A_575 : vector<1x1x16xf32> to vector<1x16xf32>
          %reshape3A_577 = vector.shape_cast %get3A_576 : vector<1x16xf32> to vector<16xf32>
          %add3A_578 = arith.addf %add3A_508, %reshape3A_577 : vector<16xf32>
          %get3A_579 = arith.constant 0 : i32
          %get3A_580 = arith.index_cast %get3A_579 : i32 to index
          %get3A_581 = arith.index_cast %add3A_562 : i32 to index
          %get3A_582 = arith.constant 32 : index
          %get3A_583 = tpu.vector_load %arg8[%get3A_580, %get3A_581, %get3A_582] {strides = array<i32>} : memref<2x256x128xf32, #tpu.memory_space<vmem>>, vector<1x1x16xf32>,
          %get3A_584 = vector.shape_cast %get3A_583 : vector<1x1x16xf32> to vector<1x16xf32>
          %reshape3A_585 = vector.shape_cast %get3A_584 : vector<1x16xf32> to vector<16xf32>
          %add3A_586 = arith.addf %add3A_516, %reshape3A_585 : vector<16xf32>
          %get3A_587 = arith.constant 0 : i32
          %get3A_588 = arith.index_cast %get3A_587 : i32 to index
          %get3A_589 = arith.index_cast %add3A_562 : i32 to index
          %get3A_590 = arith.constant 48 : index
          %get3A_591 = tpu.vector_load %arg8[%get3A_588, %get3A_589, %get3A_590] {strides = array<i32>} : memref<2x256x128xf32, #tpu.memory_space<vmem>>, vector<1x1x16xf32>,
          %get3A_592 = vector.shape_cast %get3A_591 : vector<1x1x16xf32> to vector<1x16xf32>
          %reshape3A_593 = vector.shape_cast %get3A_592 : vector<1x16xf32> to vector<16xf32>
          %add3A_594 = arith.addf %add3A_524, %reshape3A_593 : vector<16xf32>
          %get3A_595 = arith.constant 0 : i32
          %get3A_596 = arith.index_cast %get3A_595 : i32 to index
          %get3A_597 = arith.index_cast %add3A_562 : i32 to index
          %get3A_598 = arith.constant 64 : index
          %get3A_599 = tpu.vector_load %arg8[%get3A_596, %get3A_597, %get3A_598] {strides = array<i32>} : memref<2x256x128xf32, #tpu.memory_space<vmem>>, vector<1x1x16xf32>,
          %get3A_600 = vector.shape_cast %get3A_599 : vector<1x1x16xf32> to vector<1x16xf32>
          %reshape3A_601 = vector.shape_cast %get3A_600 : vector<1x16xf32> to vector<16xf32>
          %add3A_602 = arith.addf %add3A_532, %reshape3A_601 : vector<16xf32>
          %get3A_603 = arith.constant 0 : i32
          %get3A_604 = arith.index_cast %get3A_603 : i32 to index
          %get3A_605 = arith.index_cast %add3A_562 : i32 to index
          %get3A_606 = arith.constant 80 : index
          %get3A_607 = tpu.vector_load %arg8[%get3A_604, %get3A_605, %get3A_606] {strides = array<i32>} : memref<2x256x128xf32, #tpu.memory_space<vmem>>, vector<1x1x16xf32>,
          %get3A_608 = vector.shape_cast %get3A_607 : vector<1x1x16xf32> to vector<1x16xf32>
          %reshape3A_609 = vector.shape_cast %get3A_608 : vector<1x16xf32> to vector<16xf32>
          %add3A_610 = arith.addf %add3A_540, %reshape3A_609 : vector<16xf32>
          %get3A_611 = arith.constant 0 : i32
          %get3A_612 = arith.index_cast %get3A_611 : i32 to index
          %get3A_613 = arith.index_cast %add3A_562 : i32 to index
          %get3A_614 = arith.constant 96 : index
          %get3A_615 = tpu.vector_load %arg8[%get3A_612, %get3A_613, %get3A_614] {strides = array<i32>} : memref<2x256x128xf32, #tpu.memory_space<vmem>>, vector<1x1x16xf32>,
          %get3A_616 = vector.shape_cast %get3A_615 : vector<1x1x16xf32> to vector<1x16xf32>
          %reshape3A_617 = vector.shape_cast %get3A_616 : vector<1x16xf32> to vector<16xf32>
          %add3A_618 = arith.addf %add3A_548, %reshape3A_617 : vector<16xf32>
          %get3A_619 = arith.constant 0 : i32
          %get3A_620 = arith.index_cast %get3A_619 : i32 to index
          %get3A_621 = arith.index_cast %add3A_562 : i32 to index
          %get3A_622 = arith.constant 112 : index
          %get3A_623 = tpu.vector_load %arg8[%get3A_620, %get3A_621, %get3A_622] {strides = array<i32>} : memref<2x256x128xf32, #tpu.memory_space<vmem>>, vector<1x1x16xf32>,
          %get3A_624 = vector.shape_cast %get3A_623 : vector<1x1x16xf32> to vector<1x16xf32>
          %reshape3A_625 = vector.shape_cast %get3A_624 : vector<1x16xf32> to vector<16xf32>
          %add3A_626 = arith.addf %add3A_556, %reshape3A_625 : vector<16xf32>
          scf.yield %add3A_570, %add3A_578, %add3A_586, %add3A_594, %add3A_602, %add3A_610, %add3A_618, %add3A_626 : vector<16xf32>, vector<16xf32>, vector<16xf32>, vector<16xf32>, vector<16xf32>, vector<16xf32>, vector<16xf32>, vector<16xf32>
        }
        %scan3A_278 = arith.constant 32 : i32
        %swap3A_279 = arith.constant 0 : i32
        %swap3A_280 = arith.index_cast %swap3A_279 : i32 to index
        %swap3A_281 = arith.constant 0 : index
        %swap3A_282 = tpu.vector_load %arg11[%swap3A_280, %swap3A_281] {strides = array<i32>} : memref<16x128xf32, #tpu.memory_space<vmem>>, vector<1x16xf32>,
        %swap3A_283 = vector.shape_cast %swap3A_282 : vector<1x16xf32> to vector<16xf32>
        %swap3A_284 = vector.shape_cast %scan3A_277#0 : vector<16xf32> to vector<1x16xf32>
        tpu.vector_store %arg11[%swap3A_280, %swap3A_281], %swap3A_284 {strides = array<i32>} : memref<16x128xf32, #tpu.memory_space<vmem>>, vector<1x16xf32>,
        %swap3A_285 = arith.constant 0 : i32
        %swap3A_286 = arith.index_cast %swap3A_285 : i32 to index
        %swap3A_287 = arith.constant 16 : index
        %swap3A_288 = tpu.vector_load %arg11[%swap3A_286, %swap3A_287] {strides = array<i32>} : memref<16x128xf32, #tpu.memory_space<vmem>>, vector<1x16xf32>,
        %swap3A_289 = vector.shape_cast %swap3A_288 : vector<1x16xf32> to vector<16xf32>
        %swap3A_290 = vector.shape_cast %scan3A_277#1 : vector<16xf32> to vector<1x16xf32>
        tpu.vector_store %arg11[%swap3A_286, %swap3A_287], %swap3A_290 {strides = array<i32>} : memref<16x128xf32, #tpu.memory_space<vmem>>, vector<1x16xf32>,
        %swap3A_291 = arith.constant 0 : i32
        %swap3A_292 = arith.index_cast %swap3A_291 : i32 to index
        %swap3A_293 = arith.constant 32 : index
        %swap3A_294 = tpu.vector_load %arg11[%swap3A_292, %swap3A_293] {strides = array<i32>} : memref<16x128xf32, #tpu.memory_space<vmem>>, vector<1x16xf32>,
        %swap3A_295 = vector.shape_cast %swap3A_294 : vector<1x16xf32> to vector<16xf32>
        %swap3A_296 = vector.shape_cast %scan3A_277#2 : vector<16xf32> to vector<1x16xf32>
        tpu.vector_store %arg11[%swap3A_292, %swap3A_293], %swap3A_296 {strides = array<i32>} : memref<16x128xf32, #tpu.memory_space<vmem>>, vector<1x16xf32>,
        %swap3A_297 = arith.constant 0 : i32
        %swap3A_298 = arith.index_cast %swap3A_297 : i32 to index
        %swap3A_299 = arith.constant 48 : index
        %swap3A_300 = tpu.vector_load %arg11[%swap3A_298, %swap3A_299] {strides = array<i32>} : memref<16x128xf32, #tpu.memory_space<vmem>>, vector<1x16xf32>,
        %swap3A_301 = vector.shape_cast %swap3A_300 : vector<1x16xf32> to vector<16xf32>
        %swap3A_302 = vector.shape_cast %scan3A_277#3 : vector<16xf32> to vector<1x16xf32>
        tpu.vector_store %arg11[%swap3A_298, %swap3A_299], %swap3A_302 {strides = array<i32>} : memref<16x128xf32, #tpu.memory_space<vmem>>, vector<1x16xf32>,
        %swap3A_303 = arith.constant 0 : i32
        %swap3A_304 = arith.index_cast %swap3A_303 : i32 to index
        %swap3A_305 = arith.constant 64 : index
        %swap3A_306 = tpu.vector_load %arg11[%swap3A_304, %swap3A_305] {strides = array<i32>} : memref<16x128xf32, #tpu.memory_space<vmem>>, vector<1x16xf32>,
        %swap3A_307 = vector.shape_cast %swap3A_306 : vector<1x16xf32> to vector<16xf32>
        %swap3A_308 = vector.shape_cast %scan3A_277#4 : vector<16xf32> to vector<1x16xf32>
        tpu.vector_store %arg11[%swap3A_304, %swap3A_305], %swap3A_308 {strides = array<i32>} : memref<16x128xf32, #tpu.memory_space<vmem>>, vector<1x16xf32>,
        %swap3A_309 = arith.constant 0 : i32
        %swap3A_310 = arith.index_cast %swap3A_309 : i32 to index
        %swap3A_311 = arith.constant 80 : index
        %swap3A_312 = tpu.vector_load %arg11[%swap3A_310, %swap3A_311] {strides = array<i32>} : memref<16x128xf32, #tpu.memory_space<vmem>>, vector<1x16xf32>,
        %swap3A_313 = vector.shape_cast %swap3A_312 : vector<1x16xf32> to vector<16xf32>
        %swap3A_314 = vector.shape_cast %scan3A_277#5 : vector<16xf32> to vector<1x16xf32>
        tpu.vector_store %arg11[%swap3A_310, %swap3A_311], %swap3A_314 {strides = array<i32>} : memref<16x128xf32, #tpu.memory_space<vmem>>, vector<1x16xf32>,
        %swap3A_315 = arith.constant 0 : i32
        %swap3A_316 = arith.index_cast %swap3A_315 : i32 to index
        %swap3A_317 = arith.constant 96 : index
        %swap3A_318 = tpu.vector_load %arg11[%swap3A_316, %swap3A_317] {strides = array<i32>} : memref<16x128xf32, #tpu.memory_space<vmem>>, vector<1x16xf32>,
        %swap3A_319 = vector.shape_cast %swap3A_318 : vector<1x16xf32> to vector<16xf32>
        %swap3A_320 = vector.shape_cast %scan3A_277#6 : vector<16xf32> to vector<1x16xf32>
        tpu.vector_store %arg11[%swap3A_316, %swap3A_317], %swap3A_320 {strides = array<i32>} : memref<16x128xf32, #tpu.memory_space<vmem>>, vector<1x16xf32>,
        %swap3A_321 = arith.constant 0 : i32
        %swap3A_322 = arith.index_cast %swap3A_321 : i32 to index
        %swap3A_323 = arith.constant 112 : index
        %swap3A_324 = tpu.vector_load %arg11[%swap3A_322, %swap3A_323] {strides = array<i32>} : memref<16x128xf32, #tpu.memory_space<vmem>>, vector<1x16xf32>,
        %swap3A_325 = vector.shape_cast %swap3A_324 : vector<1x16xf32> to vector<16xf32>
        %swap3A_326 = vector.shape_cast %scan3A_277#7 : vector<16xf32> to vector<1x16xf32>
        tpu.vector_store %arg11[%swap3A_322, %swap3A_323], %swap3A_326 {strides = array<i32>} : memref<16x128xf32, #tpu.memory_space<vmem>>, vector<1x16xf32>,
        %eq3A_327 = arith.constant 0 : i32
        %eq3A_328 = vector.broadcast %eq3A_327 : i32 to vector<16xi32>
        %eq3A_329 = arith.cmpi eq, %iota3A, %eq3A_328 : vector<16xi32>
        %get3A_330 = arith.constant 0 : index
        %get3A_331 = tpu.vector_load %arg12[%get3A_330] {strides = array<i32>} : memref<16xi32, #tpu.memory_space<vmem>>, vector<16xi32>,
        %get3A_332 = vector.shape_cast %get3A_331 : vector<16xi32> to vector<16xi32>
        %select_n3A_333 = arith.select %eq3A_329, %reshape3A, %get3A_332 : vector<16xi1>, vector<16xi32>
        %swap3A_334 = arith.constant 0 : index
        %swap3A_335 = tpu.vector_load %arg12[%swap3A_334] {strides = array<i32>} : memref<16xi32, #tpu.memory_space<vmem>>, vector<16xi32>,
        %swap3A_336 = vector.shape_cast %swap3A_335 : vector<16xi32> to vector<16xi32>
        %swap3A_337 = vector.shape_cast %select_n3A_333 : vector<16xi32> to vector<16xi32>
        tpu.vector_store %arg12[%swap3A_334], %swap3A_337 {strides = array<i32>} : memref<16xi32, #tpu.memory_space<vmem>>, vector<16xi32>,
      } else {
      }
      %not3A_253 = arith.constant true
      %not3A_254 = arith.xori %eq3A_249, %not3A_253 : i1
      %convert_element_type3A_255 = arith.extui %not3A_254 : i1 to i32
      %cond3A_256 = arith.constant 0 : i32
      %cond3A_257 = arith.cmpi ne, %convert_element_type3A_255, %cond3A_256 : i32
      scf.if %cond3A_257 {
        %run_scoped3A_258 = arith.constant 0 : i32
        "tpu.region"() ({
          %run_scoped3A_259 = tpu.sem_alloc : memref<!tpu.dma_semaphore, #tpu.memory_space<semaphore_mem>>
          %dma_start3A_260 = arith.constant 0 : i32
          %dma_start3A_261 = arith.constant 0 : i32
          %dma_start3A_262 = tpu.memref_slice %arg8[%run_scoped3A_258, %dma_start3A_260, %dma_start3A_261] : memref<2x256x128xf32, #tpu.memory_space<vmem>> -> memref<1x128x128xf32, #tpu.memory_space<vmem>>
          %dma_start3A_263 = tpu.memref_squeeze %dma_start3A_262 : memref<1x128x128xf32, #tpu.memory_space<vmem>> -> memref<128x128xf32, #tpu.memory_space<vmem>>
          %dma_start3A_264 = arith.constant 0 : i32
          %dma_start3A_265 = tpu.memref_slice %arg9[%add3A_235, %dma_start3A_264] : memref<196x128xi32, #tpu.memory_space<vmem>> -> memref<1x128xi32, #tpu.memory_space<vmem>>
          %dma_start3A_266 = tpu.memref_squeeze %dma_start3A_265 : memref<1x128xi32, #tpu.memory_space<vmem>> -> memref<128xi32, #tpu.memory_space<vmem>>
          %dma_start3A_267 = arith.constant 0 : i32
          %dma_start3A_268 = arith.constant 0 : i32
          %dma_start3A_269 = tpu.memref_slice %arg14[%dma_start3A_267, %dma_start3A_268] : memref<1032x128xf32, #tpu.memory_space<vmem_shared>> -> memref<1032x128xf32, #tpu.memory_space<vmem_shared>>
          tpu.enqueue_indirect_dma source(%dma_start3A_263 : memref<128x128xf32, #tpu.memory_space<vmem>>) target(%dma_start3A_269 : memref<1032x128xf32, #tpu.memory_space<vmem_shared>>) offsets(%dma_start3A_266 : memref<128xi32, #tpu.memory_space<vmem>>) semaphore(%run_scoped3A_259 : memref<!tpu.dma_semaphore, #tpu.memory_space<semaphore_mem>>) {add = true}
          %dma_wait3A = arith.constant 0 : i32
          %dma_wait3A_270 = arith.constant 0 : i32
          %dma_wait3A_271 = tpu.memref_slice %arg8[%run_scoped3A_258, %dma_wait3A, %dma_wait3A_270] : memref<2x256x128xf32, #tpu.memory_space<vmem>> -> memref<1x128x128xf32, #tpu.memory_space<vmem>>
          %dma_wait3A_272 = tpu.memref_squeeze %dma_wait3A_271 : memref<1x128x128xf32, #tpu.memory_space<vmem>> -> memref<128x128xf32, #tpu.memory_space<vmem>>
          %dma_wait3A_273 = arith.constant 0 : i32
          %dma_wait3A_274 = tpu.memref_slice %arg9[%add3A_235, %dma_wait3A_273] : memref<196x128xi32, #tpu.memory_space<vmem>> -> memref<1x128xi32, #tpu.memory_space<vmem>>
          %dma_wait3A_275 = tpu.memref_squeeze %dma_wait3A_274 : memref<1x128xi32, #tpu.memory_space<vmem>> -> memref<128xi32, #tpu.memory_space<vmem>>
          %dma_wait3A_276 = arith.constant 0 : i32
          %dma_wait3A_277 = arith.constant 0 : i32
          %dma_wait3A_278 = tpu.memref_slice %arg14[%dma_wait3A_276, %dma_wait3A_277] : memref<1032x128xf32, #tpu.memory_space<vmem_shared>> -> memref<1032x128xf32, #tpu.memory_space<vmem_shared>>
          tpu.wait_indirect_dma semaphore(%run_scoped3A_259 : memref<!tpu.dma_semaphore, #tpu.memory_space<semaphore_mem>>) src(%dma_wait3A_272 : memref<128x128xf32, #tpu.memory_space<vmem>>) dst(%dma_wait3A_278 : memref<1032x128xf32, #tpu.memory_space<vmem_shared>>)
          tpu.yield
        }) : () -> ()
      } else {
      }
      "tpu.region"() ({
        %run_scoped3A_258 = tpu.sem_alloc : memref<!tpu.dma_semaphore, #tpu.memory_space<semaphore_mem>>
        %dma_start3A_259 = arith.constant 0 : i32
        %dma_start3A_260 = arith.constant 0 : i32
        %dma_start3A_261 = tpu.memref_slice %arg14[%dma_start3A_259, %dma_start3A_260] : memref<1032x128xf32, #tpu.memory_space<vmem_shared>> -> memref<1032x128xf32, #tpu.memory_space<vmem_shared>>
        tpu.enqueue_indirect_dma source(%arg11 : memref<16x128xf32, #tpu.memory_space<vmem>>) target(%dma_start3A_261 : memref<1032x128xf32, #tpu.memory_space<vmem_shared>>) offsets(%arg12 : memref<16xi32, #tpu.memory_space<vmem>>) semaphore(%run_scoped3A_258 : memref<!tpu.dma_semaphore, #tpu.memory_space<semaphore_mem>>) {add = true}
        %dma_wait3A = arith.constant 0 : i32
        %dma_wait3A_262 = arith.constant 0 : i32
        %dma_wait3A_263 = tpu.memref_slice %arg14[%dma_wait3A, %dma_wait3A_262] : memref<1032x128xf32, #tpu.memory_space<vmem_shared>> -> memref<1032x128xf32, #tpu.memory_space<vmem_shared>>
        tpu.wait_indirect_dma semaphore(%run_scoped3A_258 : memref<!tpu.dma_semaphore, #tpu.memory_space<semaphore_mem>>) src(%arg11 : memref<16x128xf32, #tpu.memory_space<vmem>>) dst(%dma_wait3A_263 : memref<1032x128xf32, #tpu.memory_space<vmem_shared>>)
        tpu.yield
      }) : () -> ()
    } else {
    }
    %barrier3A_220 = arith.constant 0 : index
    tpu.barrier barrier_id(%barrier3A_220)
    %mul3A_221 = arith.constant 512 : i32
    %mul3A_222 = arith.muli %arg0, %mul3A_221 : i32
    %mul3A_223 = arith.constant 32 : i32
    %mul3A_224 = arith.muli %arg1, %mul3A_223 : i32
    %add3A_225 = arith.addi %mul3A_222, %mul3A_224 : i32
    "tpu.region"() ({
      %run_scoped3A = tpu.sem_alloc : memref<!tpu.dma_semaphore, #tpu.memory_space<semaphore_mem>>
      %dma_start3A_226 = arith.constant 0 : i32
      %dma_start3A_227 = arith.constant 0 : i32
      %dma_start3A_228 = tpu.memref_slice %arg10[%dma_start3A_226, %dma_start3A_227] : memref<64x128xf32, #tpu.memory_space<vmem>> -> memref<32x128xf32, #tpu.memory_space<vmem>>
      %dma_start3A_229 = arith.constant 0 : i32
      %dma_start3A_230 = tpu.memref_slice %arg14[%add3A_225, %dma_start3A_229] : memref<1032x128xf32, #tpu.memory_space<vmem_shared>> -> memref<32x128xf32, #tpu.memory_space<vmem_shared>>
      %dma_start3A_231 = arith.constant 0 : i32
      %dma_start3A_232 = arith.constant 0 : i32
      %dma_start3A_233 = tpu.memref_slice %arg10[%dma_start3A_231, %dma_start3A_232] : memref<64x128xf32, #tpu.memory_space<vmem>> -> memref<32x128xf32, #tpu.memory_space<vmem>>
      %dma_start3A_234 = arith.constant 0 : i32
      %dma_start3A_235 = tpu.memref_slice %arg14[%add3A_225, %dma_start3A_234] : memref<1032x128xf32, #tpu.memory_space<vmem_shared>> -> memref<32x128xf32, #tpu.memory_space<vmem_shared>>
      tpu.enqueue_dma source(%dma_start3A_235 : memref<32x128xf32, #tpu.memory_space<vmem_shared>>) target(%dma_start3A_233 : memref<32x128xf32, #tpu.memory_space<vmem>>) target_semaphore(%run_scoped3A : memref<!tpu.dma_semaphore, #tpu.memory_space<semaphore_mem>>)
      %dma_wait3A = arith.constant 0 : i32
      %dma_wait3A_236 = arith.constant 0 : i32
      %dma_wait3A_237 = tpu.memref_slice %arg10[%dma_wait3A, %dma_wait3A_236] : memref<64x128xf32, #tpu.memory_space<vmem>> -> memref<32x128xf32, #tpu.memory_space<vmem>>
      %dma_wait3A_238 = arith.constant 0 : i32
      %dma_wait3A_239 = tpu.memref_slice %arg14[%add3A_225, %dma_wait3A_238] : memref<1032x128xf32, #tpu.memory_space<vmem_shared>> -> memref<32x128xf32, #tpu.memory_space<vmem_shared>>
      %dma_wait3A_240 = arith.constant 0 : i32
      %dma_wait3A_241 = arith.constant 0 : i32
      %dma_wait3A_242 = tpu.memref_slice %arg10[%dma_wait3A_240, %dma_wait3A_241] : memref<64x128xf32, #tpu.memory_space<vmem>> -> memref<32x128xf32, #tpu.memory_space<vmem>>
      %dma_wait3A_243 = arith.constant 0 : i32
      %dma_wait3A_244 = tpu.memref_slice %arg14[%add3A_225, %dma_wait3A_243] : memref<1032x128xf32, #tpu.memory_space<vmem_shared>> -> memref<32x128xf32, #tpu.memory_space<vmem_shared>>
      tpu.wait_dma2 semaphore(%run_scoped3A : memref<!tpu.dma_semaphore, #tpu.memory_space<semaphore_mem>>) src(%dma_wait3A_244 : memref<32x128xf32, #tpu.memory_space<vmem_shared>>) dst(%dma_wait3A_242 : memref<32x128xf32, #tpu.memory_space<vmem>>)
      tpu.yield
    }) : () -> ()
    "tpu.region"() ({
      %run_scoped3A = tpu.sem_alloc : memref<!tpu.dma_semaphore, #tpu.memory_space<semaphore_mem>>
      %dma_start3A_226 = arith.constant 0 : i32
      %dma_start3A_227 = arith.constant 0 : i32
      %dma_start3A_228 = tpu.memref_slice %arg10[%dma_start3A_226, %dma_start3A_227] : memref<64x128xf32, #tpu.memory_space<vmem>> -> memref<32x128xf32, #tpu.memory_space<vmem>>
      %dma_start3A_229 = arith.constant 0 : i32
      %dma_start3A_230 = tpu.memref_slice %arg7[%add3A_225, %dma_start3A_229] : memref<1024x128xf32, #tpu.memory_space<hbm>> -> memref<32x128xf32, #tpu.memory_space<hbm>>
      %dma_start3A_231 = arith.constant 0 : i32
      %dma_start3A_232 = tpu.memref_slice %arg7[%add3A_225, %dma_start3A_231] : memref<1024x128xf32, #tpu.memory_space<hbm>> -> memref<32x128xf32, #tpu.memory_space<hbm>>
      %dma_start3A_233 = arith.constant 0 : i32
      %dma_start3A_234 = arith.constant 0 : i32
      %dma_start3A_235 = tpu.memref_slice %arg10[%dma_start3A_233, %dma_start3A_234] : memref<64x128xf32, #tpu.memory_space<vmem>> -> memref<32x128xf32, #tpu.memory_space<vmem>>
      tpu.enqueue_dma source(%dma_start3A_235 : memref<32x128xf32, #tpu.memory_space<vmem>>) target(%dma_start3A_232 : memref<32x128xf32, #tpu.memory_space<hbm>>) target_semaphore(%run_scoped3A : memref<!tpu.dma_semaphore, #tpu.memory_space<semaphore_mem>>)
      %dma_wait3A = arith.constant 0 : i32
      %dma_wait3A_236 = arith.constant 0 : i32
      %dma_wait3A_237 = tpu.memref_slice %arg10[%dma_wait3A, %dma_wait3A_236] : memref<64x128xf32, #tpu.memory_space<vmem>> -> memref<32x128xf32, #tpu.memory_space<vmem>>
      %dma_wait3A_238 = arith.constant 0 : i32
      %dma_wait3A_239 = tpu.memref_slice %arg7[%add3A_225, %dma_wait3A_238] : memref<1024x128xf32, #tpu.memory_space<hbm>> -> memref<32x128xf32, #tpu.memory_space<hbm>>
      %dma_wait3A_240 = arith.constant 0 : i32
      %dma_wait3A_241 = tpu.memref_slice %arg7[%add3A_225, %dma_wait3A_240] : memref<1024x128xf32, #tpu.memory_space<hbm>> -> memref<32x128xf32, #tpu.memory_space<hbm>>
      %dma_wait3A_242 = arith.constant 0 : i32
      %dma_wait3A_243 = arith.constant 0 : i32
      %dma_wait3A_244 = tpu.memref_slice %arg10[%dma_wait3A_242, %dma_wait3A_243] : memref<64x128xf32, #tpu.memory_space<vmem>> -> memref<32x128xf32, #tpu.memory_space<vmem>>
      tpu.wait_dma2 semaphore(%run_scoped3A : memref<!tpu.dma_semaphore, #tpu.memory_space<semaphore_mem>>) src(%dma_wait3A_244 : memref<32x128xf32, #tpu.memory_space<vmem>>) dst(%dma_wait3A_241 : memref<32x128xf32, #tpu.memory_space<hbm>>)
      tpu.yield
    }) : () -> ()
    return
  }
}

</mosaic_0001>

<sc_bundles>
// kernel: kernel.3.cloned.1.call-start
scs
__scs_entry_jumppad:
0x0: {  	(pc) =	sbr.rel $0x88, $3  }
0x1: {  	(tag) =	ssettag $0x0;
	lr =	simm.s32 $0x1  }
0x2: {  	[smem:$0x3F9E] =	sst lr;
	_ =	strace $0xD0000000  }
0x3: {  	_ = 	snop  }
0x4: {  	_ = 	snop  }
0x5: {  	_ = 	snop  }
0x6: {  	_ = 	snop  }
0x7: {  	_ = 	snop  }
__scs_overlays_trampoline_lowered:
0x8: {  	[smem:$0x3FAD] =	sst s0  }
0x9: {  	[smem:$0x3FAE] =	sst s1  }
0xa: {  	[smem:$0x3FAF] =	sst s2  }
0xb: {  	[smem:$0x3FB0] =	sst s3  }
0xc: {  	[smem:$0x3FB1] =	sst s4  }
0xd: {  	[smem:$0x3FB2] =	sst s5  }
0xe: {  	[smem:$0x3FB3] =	sst s6  }
0xf: {  	[smem:$0x3FB4] =	sst s7  }
0x10: {  	[smem:$0x3FB5] =	sst s8  }
0x11: {  	[smem:$0x3FB6] =	sst s9;
	s0 =	simm.s32 @!p0 $0x0  }
0x12: {  	s1 =	sld [smem:$0x3F9C];
	s0 =	simm.s32 @p0 $0x1  }
0x13: {  	[smem:$0x3FB7] =	sst s0;
	s0 =	simm.s32 @!p1 $0x0  }
0x14: {  	s2 =	sld [smem:$0x3F9B];
	s0 =	simm.s32 @p1 $0x1  }
0x15: {  	[smem:$0x3FB8] =	sst s0;
	s0 =	simm.s32 @!p2 $0x0  }
0x16: {  	s3 =	sld [smem:$0x3FDB];
	s0 =	simm.s32 @p2 $0x1  }
0x17: {  	s4 =	simm.s32 $0x1BF5;
	[smem:$0x3FBA] =	sst s0  }
0x18: {  	s0 =	sld [smem:$0x3F9D];
	_ =	swait.ge [sflag:s4], $0x0  }
0x19: {  	s7 =	sld [smem:$0x3F9E]  }
0x1a: {  	s8 =	sadd.s32 $0xFFFFE003, lr  }
0x1b: {  	s9 =	sadd.s32 $0xFFFFFEF7, lr;
	s5 =	simm.s32 $0xFFFFFFFF;
	p2 =	slt.u32 s8, $0xFFFFF086  }
0x1c: {  	p1 =	slt.u32 s9, $0xF7A;
	s5 =	simm.s32 @!p2 $0x0  }
0x1d: {  	s5 =	simm.s32 @p1 $0x1;
	p0 =	seq.s32 s7, s2  }
0x1e: {  	s7 =	smul.u32 @!p0 $0xF7A, s2;
	p2 =	seq.s32 @!p0 s5, $0x0  }
0x1f: {  	s9 =	smul.u32 $0xF7A, s1;
	s8 =	simm.s32 @!p0 $0x1BF5;
	p2 =	por !p2, p0  }
0x20: {  	[sflag:s8] =	ssyncset.s32 @!p0 $0xFFFFF086;
	s6 =	sadd.s32 @!p0 s3, s7;
	s7 =	simm.s32 @!p0 $0x108  }
0x21: {  	s3 =	sadd.s32 s3, s9;
	s6 =	sadd.s32 @!p0 $0x88, s6;
	s7 =	simm.s32 @p2 $0x1082  }
0x22: {  	[simem:s7], [sflag:s8] =	dma.local @!p0 [hbm:s6], $0xF7A  }
0x23: {  	s9 =	sor.u32 $0xD0000000, s2;
	s6 =	simm.s32 $0x108;
	_ =	swait.ge @!p0 [sflag:s8], $0x0  }
0x24: {  	s3 =	sadd.s32 $0x88, s3;
	s6 =	simm.s32 @!p1 $0x1082;
	[sflag:s4] =	ssyncset.s32 $0xFFFFF086  }
0x25: {  	[simem:s6], [sflag:s4] =	dma.local [hbm:s3], $0xF7A  }
0x26: {  	[smem:$0x3F9E] =	sst s1;
	(tag) =	ssettag s2;
	_ =	strace s9  }
0x27: {  	s1 =	sld [smem:$0x3FAE]  }
0x28: {  	s2 =	sld [smem:$0x3FAF]  }
0x29: {  	s4 =	sld [smem:$0x3FB1]  }
0x2a: {  	p0 =	seq.s32 s5, $0x0;
	s5 =	sld [smem:$0x3FB2]  }
0x2b: {  	s6 =	sld [smem:$0x3FB3]  }
0x2c: {  	s7 =	sld [smem:$0x3FB4]  }
0x2d: {  	s3 =	simm.s32 $0x108;
	s8 =	sld [smem:$0x3FB5]  }
0x2e: {  	s3 =	simm.s32 @!p0 $0x1082;
	s9 =	sld [smem:$0x3FB6]  }
0x2f: {  	lr =	sadd.s32 s0, s3;
	s0 =	sld [smem:$0x3FAD]  }
0x30: {  	s3 =	sld [smem:$0x3FB0]  }
0x31: {  	[smem:$0x3FB9] =	sst s10  }
0x32: {  	s10 =	sld [smem:$0x3FB7];
	_ =	sdelay $0x3  }
0x33: {  	p0 =	seq.s32 s10, $0x1;
	s10 =	sld [smem:$0x3FB9];
	_ =	sdelay $0x3  }
0x34: {  	[smem:$0x3FB9] =	sst s10  }
0x35: {  	s10 =	sld [smem:$0x3FB8];
	_ =	sdelay $0x3  }
0x36: {  	p1 =	seq.s32 s10, $0x1;
	s10 =	sld [smem:$0x3FB9];
	_ =	sdelay $0x3  }
0x37: {  	[smem:$0x3FB9] =	sst s10  }
0x38: {  	s10 =	sld [smem:$0x3FBA]  }
0x39: {  	_ = 	snop;
	(pc) =	sbr.ind lr, $3  }
0x3a: {  	_ = 	snop  }
0x3b: {  	_ = 	snop  }
0x3c: {  	p2 =	seq.s32 s10, $0x1;
	s10 =	sld [smem:$0x3FB9]  }
0x3d: {  	_ =	shalt  }
0x3e: {  	_ =	shalt  }
0x3f: {  	_ =	shalt  }
0x40: {  	_ =	shalt  }
0x41: {  	_ =	shalt  }
0x42: {  	_ =	shalt  }
0x43: {  	_ =	shalt  }
0x44: {  	_ =	shalt  }
0x45: {  	_ =	shalt  }
0x46: {  	_ =	shalt  }
0x47: {  	_ =	shalt  }
0x48: {  	_ =	shalt  }
0x49: {  	_ =	shalt  }
0x4a: {  	_ =	shalt  }
0x4b: {  	_ =	shalt  }
0x4c: {  	_ =	shalt  }
0x4d: {  	_ =	shalt  }
0x4e: {  	_ =	shalt  }
0x4f: {  	_ =	shalt  }
0x50: {  	_ =	shalt  }
0x51: {  	_ =	shalt  }
0x52: {  	_ =	shalt  }
0x53: {  	_ =	shalt  }
0x54: {  	_ =	shalt  }
0x55: {  	_ =	shalt  }
0x56: {  	_ =	shalt  }
0x57: {  	_ =	shalt  }
0x58: {  	_ =	shalt  }
0x59: {  	_ =	shalt  }
0x5a: {  	_ =	shalt  }
0x5b: {  	_ =	shalt  }
0x5c: {  	_ =	shalt  }
0x5d: {  	_ =	shalt  }
0x5e: {  	_ =	shalt  }
0x5f: {  	_ =	shalt  }
0x60: {  	_ =	shalt  }
0x61: {  	_ =	shalt  }
0x62: {  	_ =	shalt  }
0x63: {  	_ =	shalt  }
0x64: {  	_ =	shalt  }
0x65: {  	_ =	shalt  }
0x66: {  	_ =	shalt  }
0x67: {  	_ =	shalt  }
0x68: {  	_ =	shalt  }
0x69: {  	_ =	shalt  }
0x6a: {  	_ =	shalt  }
0x6b: {  	_ =	shalt  }
0x6c: {  	_ =	shalt  }
0x6d: {  	_ =	shalt  }
0x6e: {  	_ =	shalt  }
0x6f: {  	_ =	shalt  }
0x70: {  	_ =	shalt  }
0x71: {  	_ =	shalt  }
0x72: {  	_ =	shalt  }
0x73: {  	_ =	shalt  }
0x74: {  	_ =	shalt  }
0x75: {  	_ =	shalt  }
0x76: {  	_ =	shalt  }
0x77: {  	_ =	shalt  }
0x78: {  	_ =	shalt  }
0x79: {  	_ =	shalt  }
0x7a: {  	_ =	shalt  }
0x7b: {  	_ =	shalt  }
0x7c: {  	_ =	shalt  }
0x7d: {  	_ =	shalt  }
0x7e: {  	_ =	shalt  }
0x7f: {  	_ =	shalt  }
0x80: {  	_ =	shalt  }
0x81: {  	_ =	shalt  }
0x82: {  	_ =	shalt  }
0x83: {  	_ =	shalt  }
0x84: {  	_ =	shalt  }
0x85: {  	_ =	shalt  }
0x86: {  	_ =	shalt  }
0x87: {  	_ =	shalt  }
.Lfunc_end0:
.L_simem_size_0:
called_computation_lowered:
.L_overlay_start_0:
0x88: {  	s2 =	sld [smem:$0x3FD9]  }
0x89: {  	s3 =	sld [smem:$0x3FFE];
	_ =	sdelay $0x1  }
0x8a: {  	s1 =	srdreg.scid  }
0x8b: {  	s0 =	sand.u32 $0x1, s1  }
0x8c: {  	s17 =	sshll.u32 s0, $0xA;
	s2 =	sadd.s32 s3, s2  }
0x8d: {  	s2 =	sadd.s32 s2, s17  }
0x8e: {  	[smem:$0x3FC5] =	sst s2  }
0x8f: {  	_ = 	snop  }
0x90: {  	s2 =	sld [smem:$0x3FC9]  }
0x91: {  	s18 =	sld [smem:$0x3FC8]  }
0x92: {  	s4 =	sld [smem:$0x3FC7]  }
0x93: {  	s5 =	sld [smem:$0x3FD0];
	(tm) =	ssettm $0x1  }
0x94: {  	s6 =	sld [smem:$0x3FFB];
	_ =	sdelay $0x3  }
0x95: {  	_ =	strace s6  }
0x96: {  	s6 =	sld [smem:$0x3FFC];
	_ =	sdelay $0x3  }
0x97: {  	_ =	strace s6  }
0x98: {  	s6 =	sld [smem:$0x3FFD];
	_ =	sdelay $0x3  }
0x99: {  	_ =	strace s6  }
0x9a: {  	_ =	strace $0x8FFFFFFF  }
0x9b: {  	s19 =	sld [smem:$0x3FDB];
	_ =	sdelay $0x1  }
0x9c: {  	s7 =	simm.s32 $_scs_section_size  }
0x9d: {  	s8 =	simm.s32 $_size__tile_overlayer_lowered;
	s9 =	simm.s32 $_tile_overlayer_lowered  }
0x9e: {  	s22 =	simm.s32 $0x1BFF;
	s21 =	sshll.u32 s9, $0x1;
	s6 =	sadd.s32 s7, s19  }
0x9f: {  	s10 =	simm.s32 $0x0;
	s20 =	sshll.u32 s8, $0x1;
	s8 =	sadd.s32 s21, s6  }
0xa0: {  	[timem:s10], [sflag:s22] =	dma.local [hbm:s8], s20  }
0xa1: {  	_ =	swait.ge [sflag:s22], s20  }
0xa2: {  	s7 =	ssub.s32 $0x0, s20;
	[sflag:s22] =	ssyncset.done $0x0  }
0xa3: {  	[sflag:s22] =	ssyncadd.s32 s7;
	_ =	sdelay $0x1  }
0xa4: {  	s23 =	simm.s32 $0x1B8B  }
0xa5: {  	_ =	swait.ge [sflag:s23], $0x1  }
0xa6: {  	[sflag:s23] =	ssyncset.done $0x0  }
0xa7: {  	s25 =	simm.s32 $0x1B8E;
	s24 =	sld [smem:$0x3FFE];
	[sflag:s23] =	ssyncadd.s32 $0xFFFFFFFF  }
0xa8: {  	s26 =	simm.s32 $execute0_lowered;
	[smem:$0x3FD2] =	sst s25  }
0xa9: {  	s8 =	sshll.u32 s26, $0x1;
	_ =	strace $0x80000046;
	[dreg:$0x1] =	wrdreg $0xFFFFFFFF  }
0xaa: {  	s28 =	simm.s32 $_size_execute0_lowered;
	s6 =	sadd.s32 s6, s8;
	[dreg:$0x0] =	wrdreg $0x0  }
0xab: {  	s8 =	sshll.u32 s28, $0x1;
	[dreg:$0x2] =	wrdreg s6  }
0xac: {  	[dreg:$0x3] =	wrdreg s8  }
0xad: {  	[dreg:$0x4] =	wrdreg $0xC0  }
0xae: {  	_ =	task [dreg:s10], $0x5FFFF  }
0xaf: {  	[dreg:$0x1] =	wrdreg $0xFFFFFFFF  }
0xb0: {  	[dreg:$0x0] =	wrdreg $0x60  }
0xb1: {  	[dreg:$0x2] =	wrdreg s18  }
0xb2: {  	[dreg:$0x3] =	wrdreg s4  }
0xb3: {  	[dreg:$0x4] =	wrdreg s2  }
0xb4: {  	[dreg:$0x5] =	wrdreg s24  }
0xb5: {  	[dreg:$0x6] =	wrdreg s5  }
0xb6: {  	[dreg:$0x7] =	wrdreg $0x18D000  }
0xb7: {  	[dreg:$0x8] =	wrdreg $0x9  }
0xb8: {  	_ =	task.clear_ibuf [dreg:s10], $0x9FFFF;
	_ =	strace $0x90000046  }
0xb9: {  	s29 =	simm.s32 $0x9;
	_ =	strace $0x80000048  }
0xba: {  	_ =	swait.ge [sflag:s29], $0x1  }
0xbb: {  	[sflag:s29] =	ssyncadd.s32 $0xFFFFFFFF  }
0xbc: {  	_ =	strace $0x90000048  }
0xbd: {  	_ =	sfence  }
0xbe: {  	s30 =	sld [smem:$0x0];
	_ =	sdelay $0x2  }
0xbf: {  	s31 =	sshll.u32 s1, $0xD;
	s1 =	sshrl.u32 s1, $0x2  }
0xc0: {  	s3 =	sand.u32 $0x4000, s31;
	s1 =	sadd.s32 s1, s30  }
0xc1: {  	s0 =	sor.u32 s3, s0;
	s1 =	sshll.u32 s1, $0x11  }
0xc2: {  	s0 =	sor.u32 s1, s0  }
0xc3: {  	s0 =	sadd.s32 $0x8F2B, s0  }
0xc4: {  	[sflag:s0] =	ssyncadd.remote.s32 $0x1  }
0xc5: {  	_ =	sfence.sel $0xFFFF  }
0xc6: {  	[dreg:$0x0] =	wrdreg $0xFFFFFFFF;
	(pc) =	sbr.abs _section_cstart, $3  }
0xc7: {  	[dreg:$0x1] =	wrdreg $0xFFFFFFFF  }
0xc8: {  	_ =	task.clear_ibuf [dreg:s10], $0x2FFFF;
	_ =	strace $0x9FFFFFFF  }
0xc9: {  	(tm) =	ssettm $0x7FFFFFFF  }
tec
execute0_lowered:
.L_overlay_start_1:
0x0: {  	(tag) =	ssettag $0x1  }
0x1: {  	s0 =	rddreg [dreg:$0x0]  }
0x2: {  	s11 =	rddreg [dreg:$0x1]  }
0x3: {  	s1 =	rddreg [dreg:$0x2]  }
0x4: {  	s2 =	rddreg [dreg:$0x3]  }
0x5: {  	s6 =	rddreg [dreg:$0x4]  }
0x6: {  	s3 =	rddreg [dreg:$0x5];
	s5 =	srdreg.scid;
	s4 =	simm.s32 $0x0  }
0x7: {  	s14 =	simm.s32 $0x3;
	s15 =	simm.s32 $0x1;
	s16 =	simm.s32 $0x8000  }
0x8: {  	s19 =	simm.s32 $0x16400;
	s20 =	simm.s32 $0x2;
	s21 =	simm.s32 $0x10  }
0x9: {  	s28 =	simm.s32 $0x0;
	s7 =	sand.u32 $0x1, s5;
	[smem:$0x7FF] =	sst s4  }
0xa: {  	s9 =	sadd.s32 $0x400, s2;
	s2 =	sadd.s32 $0x200, s2;
	s5 =	stileid.u32  }
0xb: {  	s23 =	sadd.s32 $0x9C00, s11;
	_ =	strace $0x80000047;
	[dreg:$0x7] =	wrdreg s2  }
0xc: {  	s8 =	ssub.s32 $0x2, s7;
	p0 =	seq.s32 s7, $0x0;
	[dreg:$0x8] =	wrdreg s23  }
0xd: {  	p2 =	slt.u32 s5, $0x8;
	s7 =	sshll.u32 s7, $0x9;
	s24 =	sshll.u32 s5, $0x5  }
0xe: {  	s25 =	sshll.u32 s5, $0xA;
	s26 =	sshll.u32 s5, $0xD;
	s23 =	simm.s32 $0x18400  }
0xf: {  	s10 =	sshrl.u32 s8, $0x1;
	p1 =	por !p0, !p0;
	s7 =	sor.u32 s24, s7  }
0x10: {  	s24 =	simm.s32 $0x80;
	s22 =	ssub.s32 s8, s10;
	p1 =	por @!p2 p0, p0  }
.Ltmp0:
0x11: {  	s8 =	sadd.s32 s1, s25;
	s29 =	sshll.u32 s7, $0x7;
	(pc) =	sbr.rel .LBB2_1-.Ltmp0, $4  }
0x12: {  	s1 =	sadd.s32 s26, s3;
	s31 =	sshll.u32 s7, $0x4;
	s25 =	simm.s32 $0xC000  }
0x13: {  	s26 =	simm.s32 $0x4000;
	[dreg:$0x9] =	wrdreg s1;
	s30 =	sadd.s32 s29, s3  }
0x14: {  	v0 =	vimm.s32 $0x400;
	vm0 =	vmmov $0x1;
	s1 =	sadd.s32 s6, s31;
	s12 =	smax.u32 s22, $0x1;
	[dreg:$0xa] =	wrdreg s30  }
0x15: {  	vm1 =	vcmask $0x308;
	vm2 =	vcmask $0x70C;
	vm3 =	vcmask $0xB10;
	s8 =	smov.u32 @p1 s9;
	s22 =	simm.s32 $0x18C00;
	[dreg:$0xb] =	wrdreg s1  }
.LBB2_45:
0x16: {  	s1 =	sadd.s32 $0x10000, s1  }
0x17: {  	[spmem:s3] =	stream.indirect.scatter.add.f32 [tilespmem:s4], [sflag:$0x3], $0x80, s1, s24, $0xb8;
	[tilespmem:$0x1AD40] =	vst v63  }
0x18: {  	_ =	swait.ge [sflag:s14], $0x4000  }
0x19: {  	[sflag:s14] =	ssyncset.done $0x0  }
0x1a: {  	[sflag:s14] =	ssyncadd.s32 $0xFFFFC000  }
.LBB2_46:
0x1b: {  	[spmem:s3] =	stream.indirect.scatter.add.f32 [tilespmem:s23], [sflag:$0x3], $0x80, s22, s21, $0xb8;
	[tilespmem:$0x1AD40] =	vst v63  }
0x1c: {  	_ =	swait.ge [sflag:s14], $0x800  }
0x1d: {  	[sflag:s14] =	ssyncset.done $0x0  }
0x1e: {  	[sflag:s14] =	ssyncadd.s32 $0xFFFFF800  }
.LBB2_47:
0x1f: {  	[bflag:$0x0] =	sbarrier.arrive $0xFFFF  }
0x20: {  	s1 =	rddreg [dreg:$0xa]  }
0x21: {  	[tilespmem:s19], [sflag:$0x3] =	stream.linear.gather [spmem:s1], $0x1000, $0x38;
	[tilespmem:$0x1AD40] =	vst v63  }
0x22: {  	s28 =	sadd.s32 $0x1, s28;
	_ =	swait.ge [sflag:s14], $0x1000  }
0x23: {  	p1 =	sne.s32 s28, s12;
	[sflag:s14] =	ssyncset.done $0x0  }
.Ltmp1:
0x24: {  	s31 =	rddreg [dreg:$0xb];
	[sflag:s14] =	ssyncadd.s32 $0xFFFFF000;
	(pc) =	sbr.rel @!p1 .LBB2_48-.Ltmp1, $4  }
0x25: {  	[hbm4b:s31+s4] =	stream.linear.scatter [tilespmem:s19], [sflag:$0x3], $0x1000, $0x38;
	[tilespmem:$0x1AD40] =	vst v63  }
0x26: {  	_ =	swait.ge [sflag:s14], $0x1000  }
0x27: {  	[sflag:s14] =	ssyncset.done $0x0  }
0x28: {  	[sflag:s14] =	ssyncadd.s32 $0xFFFFF000  }
.LBB2_1:
0x29: {  	s1 =	rddreg [dreg:$0x7];
	s2 =	simm.s32 $0x18C80  }
0x2a: {  	[tilespmem:s2], [sflag:$0x3] =	stream.linear.gather [hbm4b:s1+s4], $0x80, $0x38;
	[tilespmem:$0x1AD40] =	vst v63  }
0x2b: {  	_ =	swait.ge [sflag:s14], $0x80  }
0x2c: {  	[sflag:s14] =	ssyncset.done $0x0  }
0x2d: {  	[sflag:s14] =	ssyncadd.s32 $0xFFFFFF80  }
0x2e: {  	v1 =	vld [tilespmem:$0x18C80];
	_ =	sdelay $0x4  }
0x2f: {  	(v2sf) =	vpush v1, $0x0  }
0x30: {  	(v2sf) =	vpush v1, $0x1;
	_ =	sdelay $0xd  }
0x31: {  	s1 =	spop (v2sf)  }
0x32: {  	s2 =	spop (v2sf)  }
0x33: {  	s6 =	ssub.s32 $0x9C4, s2  }
0x34: {  	s6 =	smov.u32 @p0 s1  }
0x35: {  	s1 =	sand.u32 $0xF, s6  }
0x36: {  	s7 =	sshra.s32 s6, $0x1F;
	p1 =	slt.s32 s6, $0x1;
	p2 =	sne.s32 s1, $0x0  }
0x37: {  	s17 =	sshrl.u32 s7, $0x1C;
	p1 =	por !p1, !p2  }
0x38: {  	s7 =	simm.s32 $0x1;
	s1 =	sadd.s32 s17, s6;
	p1 =	por !p1, !p1  }
0x39: {  	s1 =	sshra.s32 s1, $0x4;
	s7 =	simm.s32 @!p1 $0x0  }
0x3a: {  	s1 =	ssub.s32 s1, s7  }
0x3b: {  	s7 =	sshll.u32 s1, $0x4  }
0x3c: {  	s18 =	smul.u32 s5, s1;
	s6 =	ssub.s32 s6, s7  }
0x3d: {  	s2 =	simm.s32 @p0 $0x0;
	p1 =	slt.s32 s5, s6  }
0x3e: {  	s2 =	sadd.s32 s2, s18;
	s6 =	smov.u32 @p1 s5  }
0x3f: {  	s29 =	sadd.s32 s6, s2  }
0x40: {  	s13 =	sshll.u32 s29, $0x7  }
0x41: {  	p2 =	slt.s32 s13, $0x4E100;
	s2 =	smov.u32 s13  }
0x42: {  	s2 =	simm.s32 @!p2 $0x4E100  }
0x43: {  	s2 =	sshll.u32 s2, $0x4  }
0x44: {  	s2 =	sadd.s32 s0, s2  }
0x45: {  	[tilespmem:s4], [sflag:$0x1] =	stream.linear.gather [hbm4b:s2+s4], $0x8000, $0x38;
	[tilespmem:$0x1AD40] =	vst v63  }
0x46: {  	s2 =	sadd.s32 $0x100, s13  }
0x47: {  	p2 =	slt.s32 s2, $0x4E100  }
0x48: {  	s9 =	sand.u32 $0x7, s29;
	s6 =	sshra.s32 s29, $0x1F;
	s2 =	simm.s32 @!p2 $0x4E100  }
0x49: {  	p6 =	slt.s32 s29, $0x1;
	p3 =	sne.s32 s9, $0x0;
	s2 =	sshll.u32 s2, $0x4  }
0x4a: {  	s10 =	sshrl.u32 s6, $0x1D;
	p2 =	por !p6, !p3;
	s2 =	sadd.s32 s0, s2  }
0x4b: {  	[tilespmem:s16], [sflag:$0x2] =	stream.linear.gather [hbm4b:s2+s4], $0x8000, $0x38;
	[tilespmem:$0x1AD40] =	vst v63  }
0x4c: {  	s6 =	simm.s32 $0x1;
	p2 =	por !p2, !p2;
	s2 =	sadd.s32 s10, s29  }
0x4d: {  	s6 =	simm.s32 @!p2 $0x0;
	s2 =	sshrl.u32 s2, $0x3  }
0x4e: {  	s2 =	ssub.s32 s2, s6  }
0x4f: {  	s2 =	sshll.u32 s2, $0x3  }
0x50: {  	p2 =	slt.s32 s2, $0x900  }
0x51: {  	s2 =	simm.s32 @!p2 $0x900  }
0x52: {  	s17 =	rddreg [dreg:$0x1];
	s11 =	sshll.u32 s2, $0x4  }
0x53: {  	s18 =	simm.s32 $0x10000;
	s6 =	sadd.s32 s17, s11  }
0x54: {  	[tilespmem:s18], [sflag:$0x3] =	stream.linear.gather [hbm4b:s6+s4], $0x6000, $0x38;
	[tilespmem:$0x1AD40] =	vst v63  }
0x55: {  	s6 =	simm.s32 $0x1  }
0x56: {  	_ =	swait.ge [sflag:s14], $0x6000;
	s6 =	simm.s32 @!p1 $0x0  }
0x57: {  	s9 =	simm.s32 $0x16000;
	[sflag:s14] =	ssyncset.done $0x0;
	s30 =	sadd.s32 s6, s1  }
0x58: {  	s7 =	rddreg [dreg:$0x8];
	[sflag:s14] =	ssyncadd.s32 $0xFFFFA000;
	s11 =	sshrl.u32 s30, $0x1F  }
0x59: {  	[tilespmem:s9], [sflag:$0x3] =	stream.linear.gather [hbm4b:s7+s4], $0x200, $0x38;
	[tilespmem:$0x1AD40] =	vst v63  }
0x5a: {  	s1 =	sadd.s32 s11, s30  }
0x5b: {  	_ =	swait.ge [sflag:s14], $0x200;
	s17 =	sand.u32 $0xFFFFFFFE, s1  }
0x5c: {  	p3 =	slt.s32 s30, $0x1;
	[sflag:s14] =	ssyncset.done $0x0;
	p4 =	sne.s32 s30, s17  }
0x5d: {  	[sflag:s14] =	ssyncadd.s32 $0xFFFFFE00;
	p1 =	por !p3, !p4  }
0x5e: {  	[tilespmem:s19], [sflag:$0x3] =	stream.linear.gather [hbm4b:s8+s4], $0x2000, $0x38;
	[tilespmem:$0x1AD40] =	vst v63  }
0x5f: {  	s6 =	simm.s32 $0x1;
	p1 =	por !p1, !p1  }
0x60: {  	s1 =	sshra.s32 s1, $0x1;
	_ =	swait.ge [sflag:s14], $0x2000;
	s6 =	simm.s32 @!p1 $0x0  }
0x61: {  	[sflag:s14] =	ssyncset.done $0x0;
	s1 =	ssub.s32 s1, s6  }
0x62: {  	s10 =	rddreg [dreg:$0x9];
	[sflag:s14] =	ssyncadd.s32 $0xFFFFE000;
	s6 =	sshrl.u32 s1, $0x1F  }
0x63: {  	[spmem:s10] =	stream.linear.scatter [tilespmem:s19], [sflag:$0x3], $0x2000, $0x38;
	[tilespmem:$0x1AD40] =	vst v63  }
0x64: {  	s6 =	sadd.s32 s6, s1  }
0x65: {  	s18 =	sand.u32 $0xFFFFFFFE, s6  }
0x66: {  	p5 =	slt.s32 s1, $0x1;
	p6 =	sne.s32 s1, s18  }
0x67: {  	p1 =	por !p5, !p6  }
0x68: {  	s7 =	simm.s32 $0x1;
	p1 =	por !p1, !p1  }
0x69: {  	s6 =	sshra.s32 s6, $0x1;
	s7 =	simm.s32 @!p1 $0x0  }
0x6a: {  	s17 =	ssub.s32 s6, s7  }
0x6b: {  	p1 =	slt.s32 s17, $0x1  }
.Ltmp2:
0x6c: {  	_ =	swait.ge [sflag:s14], $0x2000;
	(pc) =	sbr.rel @p1 .LBB2_24-.Ltmp2, $4  }
0x6d: {  	[sflag:s14] =	ssyncset.done $0x0  }
0x6e: {  	[sflag:s14] =	ssyncadd.s32 $0xFFFFE000  }
0x6f: {  	[bflag:$0x0] =	sbarrier.arrive $0xFFFF  }
0x70: {  	s31 =	ssub.s32 s29, s2  }
.Ltmp3:
0x71: {  	(pc) =	sbr.rel .LBB2_3-.Ltmp3, $2  }
0x72: {  	_ =	sdelay $0x2  }
0x73: {  	s18 =	sadd.s32 $0x2, s31;
	s2 =	simm.s32 $0x0;
	s6 =	simm.s32 $0x0  }
.LBB2_22:
0x74: {  	s7 =	sadd.s32 $0x10080, s7  }
0x75: {  	[spmem:s3] =	stream.indirect.scatter.add.f32 [tilespmem:s25], [sflag:$0x3], $0x80, s7, s24, $0xb8;
	[tilespmem:$0x1AD40] =	vst v63  }
0x76: {  	_ =	swait.ge [sflag:s14], $0x4000  }
0x77: {  	[sflag:s14] =	ssyncset.done $0x0  }
0x78: {  	[sflag:s14] =	ssyncadd.s32 $0xFFFFC000  }
.LBB2_23:
0x79: {  	s7 =	sadd.s32 $0x3, s9  }
0x7a: {  	p1 =	sge.s32 s7, s1  }
0x7b: {  	s7 =	sshll.u32 @!p1 s7, $0x8  }
0x7c: {  	s7 =	sadd.s32 @!p1 s13, s7  }
0x7d: {  	p2 =	slt.s32 @!p1 s7, $0x4E100  }
0x7e: {  	p2 =	por !p2, p1  }
0x7f: {  	s7 =	simm.s32 @p2 $0x4E100  }
0x80: {  	s6 =	sadd.s32 $0x1, s6;
	s7 =	sshll.u32 @!p1 s7, $0x4  }
0x81: {  	s9 =	simm.s32 @!p1 $0x0;
	s10 =	simm.s32 @!p1 $0x8000;
	s7 =	sadd.s32 @!p1 s0, s7  }
0x82: {  	[tilespmem:s10], [sflag:$0x2] =	stream.linear.gather @!p1 [hbm4b:s7+s9], $0x8000, $0x38;
	[tilespmem:$0x1AD40] =	vst v63  }
0x83: {  	p1 =	sne.s32 s6, s17  }
.Ltmp4:
0x84: {  	_ = 	snop;
	(pc) =	sbr.rel @!p1 .LBB2_24-.Ltmp4, $4  }
0x85: {  	[spmem:s3] =	stream.indirect.scatter.add.f32 [tilespmem:s23], [sflag:$0x3], $0x80, s22, s21, $0xb8;
	[tilespmem:$0x1AD40] =	vst v63  }
0x86: {  	_ =	swait.ge [sflag:s14], $0x800  }
0x87: {  	[sflag:s14] =	ssyncset.done $0x0  }
0x88: {  	[sflag:s14] =	ssyncadd.s32 $0xFFFFF800  }
.LBB2_3:
0x89: {  	[tilespmem:$0x18C00] =	vst v0;
	s7 =	sshll.u32 s6, $0x2  }
0x8a: {  	_ =	swait.ge [sflag:s15], $0x8000;
	s9 =	sadd.s32 s31, s7  }
0x8b: {  	[sflag:s15] =	ssyncset.done $0x0;
	s9 =	sshll.u32 s9, $0x9  }
0x8c: {  	[sflag:s15] =	ssyncadd.s32 $0xFFFF8000;
	s9 =	sshra.s32 s9, $0x2  }
0x8d: {  	v1 =	vld [tilespmem:s9+$0x10000]  }
0x8e: {  	v2 =	vld [tilespmem:s9+$0x10070];
	_ =	sdelay $0x3  }
0x8f: {  	(v2sf) =	vpush v1, $0x0  }
0x90: {  	(v2sf) =	vpush v2, $0xF;
	_ =	sdelay $0xd  }
0x91: {  	s10 =	spop (v2sf)  }
0x92: {  	s11 =	spop (v2sf)  }
0x93: {  	p1 =	sne.s32 s10, s11  }
.Ltmp5:
0x94: {  	_ = 	snop;
	(pc) =	sbr.rel @p1 .LBB2_7-.Ltmp5, $2  }
0x95: {  	_ =	sdelay $0x2  }
0x96: {  	v4 =	vimm.f32 $0.0e+00  }
0x97: {  	s10 =	sshra.s32 s2, $0x2  }
0x98: {  	v5 =	vld [tilespmem:s10+$0x180]  }
0x99: {  	v7 =	vld [tilespmem:s10+$0x190]  }
0x9a: {  	v8 =	vld [tilespmem:s10+$0x1A0]  }
0x9b: {  	v9 =	vld [tilespmem:s10+$0x1B0]  }
0x9c: {  	v2 =	vld [tilespmem:s10+$0x1C0]  }
0x9d: {  	v3 =	vld [tilespmem:s10+$0x1D0]  }
0x9e: {  	v15 =	vld [tilespmem:s10+$0x100]  }
0x9f: {  	v17 =	vld [tilespmem:s10+$0x110]  }
0xa0: {  	v14 =	vld [tilespmem:s10+$0x120]  }
0xa1: {  	v16 =	vld [tilespmem:s10+$0x130]  }
0xa2: {  	v6 =	vld [tilespmem:s10+$0x140]  }
0xa3: {  	v11 =	vld [tilespmem:s10+$0x80]  }
0xa4: {  	v12 =	vld [tilespmem:s10+$0x90]  }
0xa5: {  	v13 =	vld [tilespmem:s10+$0x0]  }
0xa6: {  	v19 =	vld [tilespmem:s10+$0x10]  }
0xa7: {  	v20 =	vld [tilespmem:s10+$0x20]  }
0xa8: {  	v21 =	vld [tilespmem:s10+$0x30]  }
0xa9: {  	v22 =	vld [tilespmem:s10+$0xA0]  }
0xaa: {  	v26 =	vld [tilespmem:s10+$0xB0]  }
0xab: {  	v10 =	vld [tilespmem:s10+$0x150]  }
0xac: {  	v18 =	vld [tilespmem:s10+$0xC0];
	v13 =	vadd.f32 v13, v4;
	v24 =	vadd.f32 v19, v4  }
0xad: {  	v19 =	vld [tilespmem:s10+$0xD0];
	v25 =	vadd.f32 v20, v4;
	v27 =	vadd.f32 v21, v4  }
0xae: {  	v20 =	vld [tilespmem:s10+$0x40];
	v23 =	vadd.f32 v11, v13;
	v24 =	vadd.f32 v12, v24  }
0xaf: {  	v21 =	vld [tilespmem:s10+$0x50];
	v25 =	vadd.f32 v22, v25;
	v26 =	vadd.f32 v26, v27  }
0xb0: {  	s11 =	sadd.s32 $0x800, s2;
	v22 =	vld [tilespmem:s10+$0x60];
	v13 =	vimm.f32 $0.0e+00;
	v12 =	vimm.f32 $0.0e+00;
	v11 =	vimm.f32 $0.0e+00  }
.LBB2_5:
0xb1: {  	p1 =	sne.s32 s11, $0xF800;
	v27 =	vld [tilespmem:s10+$0x70];
	v15 =	vadd.f32 v15, v23;
	v17 =	vadd.f32 v17, v24  }
0xb2: {  	v23 =	vld [tilespmem:s10+$0xE0];
	v14 =	vadd.f32 v14, v25;
	v16 =	vadd.f32 v16, v26  }
0xb3: {  	v24 =	vld [tilespmem:s10+$0xF0];
	v25 =	vadd.f32 v5, v15;
	v26 =	vadd.f32 v7, v17  }
0xb4: {  	v15 =	vld [tilespmem:s10+$0x160];
	v28 =	vadd.f32 v8, v14;
	v29 =	vadd.f32 v9, v16  }
0xb5: {  	v4 =	vadd.f32 v20, v4;
	v5 =	vadd.f32 v21, v13;
	v9 =	vld [tilespmem:s10+$0x170]  }
0xb6: {  	v7 =	vadd.f32 v22, v12;
	v8 =	vadd.f32 v27, v11;
	v11 =	vld [tilespmem:s10+$0x1E0]  }
0xb7: {  	v4 =	vadd.f32 v18, v4;
	v12 =	vadd.f32 v19, v5;
	v14 =	vld [tilespmem:s10+$0x1F0];
	s10 =	sshra.s32 s11, $0x2  }
0xb8: {  	v13 =	vadd.f32 v23, v7;
	v5 =	vld [tilespmem:s10+$0x180];
	v16 =	vadd.f32 v24, v8  }
0xb9: {  	v4 =	vadd.f32 v6, v4;
	v6 =	vadd.f32 v10, v12;
	v7 =	vld [tilespmem:s10+$0x190]  }
0xba: {  	v10 =	vadd.f32 v15, v13;
	v8 =	vld [tilespmem:s10+$0x1A0];
	v15 =	vadd.f32 v9, v16  }
0xbb: {  	v4 =	vadd.f32 v2, v4;
	v13 =	vadd.f32 v3, v6;
	v9 =	vld [tilespmem:s10+$0x1B0]  }
0xbc: {  	v12 =	vadd.f32 v11, v10;
	v2 =	vld [tilespmem:s10+$0x1C0];
	v11 =	vadd.f32 v14, v15  }
0xbd: {  	v3 =	vld [tilespmem:s10+$0x1D0]  }
0xbe: {  	v15 =	vld [tilespmem:s10+$0x100]  }
0xbf: {  	v17 =	vld [tilespmem:s10+$0x110]  }
0xc0: {  	v14 =	vld [tilespmem:s10+$0x120]  }
0xc1: {  	v16 =	vld [tilespmem:s10+$0x130]  }
0xc2: {  	v6 =	vld [tilespmem:s10+$0x140]  }
0xc3: {  	v10 =	vld [tilespmem:s10+$0x150]  }
0xc4: {  	v22 =	vld [tilespmem:s10+$0x80]  }
0xc5: {  	v24 =	vld [tilespmem:s10+$0x90]  }
0xc6: {  	v19 =	vld [tilespmem:s10+$0x0]  }
0xc7: {  	v20 =	vld [tilespmem:s10+$0x10]  }
0xc8: {  	v21 =	vld [tilespmem:s10+$0x20]  }
0xc9: {  	v23 =	vld [tilespmem:s10+$0x30]  }
0xca: {  	v27 =	vld [tilespmem:s10+$0xA0]  }
0xcb: {  	v30 =	vld [tilespmem:s10+$0xB0]  }
.Ltmp6:
0xcc: {  	v18 =	vld [tilespmem:s10+$0xC0];
	(pc) =	sbr.rel @p1 .LBB2_5-.Ltmp6, $4  }
0xcd: {  	v25 =	vadd.f32 v19, v25;
	v26 =	vadd.f32 v20, v26;
	v19 =	vld [tilespmem:s10+$0xD0]  }
0xce: {  	v28 =	vadd.f32 v21, v28;
	v29 =	vadd.f32 v23, v29;
	v20 =	vld [tilespmem:s10+$0x40]  }
0xcf: {  	v23 =	vadd.f32 v22, v25;
	v24 =	vadd.f32 v24, v26;
	v21 =	vld [tilespmem:s10+$0x50]  }
0xd0: {  	s11 =	sadd.s32 $0x800, s11;
	v25 =	vadd.f32 v27, v28;
	v22 =	vld [tilespmem:s10+$0x60];
	v26 =	vadd.f32 v30, v29  }
0xd1: {  	v27 =	vld [tilespmem:s10+$0x70]  }
0xd2: {  	v15 =	vadd.f32 v15, v23;
	v17 =	vadd.f32 v17, v24;
	v53 =	vld [tilespmem:s10+$0xE0]  }
0xd3: {  	v54 =	vld [tilespmem:s10+$0xF0];
	v14 =	vadd.f32 v14, v25;
	v16 =	vadd.f32 v16, v26  }
0xd4: {  	v55 =	vld [tilespmem:s10+$0x160];
	v5 =	vadd.f32 v5, v15;
	v7 =	vadd.f32 v7, v17  }
0xd5: {  	v56 =	vld [tilespmem:s10+$0x170];
	v4 =	vadd.f32 v20, v4;
	v8 =	vadd.f32 v8, v14  }
0xd6: {  	v62 =	vld [tilespmem:$0x18C00];
	v9 =	vadd.f32 v9, v16;
	v13 =	vadd.f32 v21, v13  }
0xd7: {  	v57 =	vld [tilespmem:s10+$0x1E0];
	v12 =	vadd.f32 v22, v12;
	v4 =	vadd.f32 v18, v4  }
0xd8: {  	v58 =	vld [tilespmem:s10+$0x1F0];
	[tilespmem:$0x18400] =	vst v5;
	v11 =	vadd.f32 v27, v11;
	v13 =	vadd.f32 v19, v13  }
0xd9: {  	[tilespmem:$0x18410] =	vst v7;
	v12 =	vadd.f32 v53, v12;
	v4 =	vadd.f32 v6, v4  }
0xda: {  	[tilespmem:$0x18420] =	vst v8;
	v59 =	vadd.f32 v54, v11;
	v60 =	vadd.f32 v10, v13  }
0xdb: {  	[tilespmem:$0x18430] =	vst v9;
	v1 =	vsel vm0, v1, v62;
	v61 =	vadd.f32 v55, v12;
	v2 =	vadd.f32 v2, v4  }
.Ltmp7:
0xdc: {  	[tilespmem:$0x18C00] =	vst v1;
	v5 =	vadd.f32 v56, v59;
	v3 =	vadd.f32 v3, v60;
	(pc) =	sbr.rel .LBB2_8-.Ltmp7, $4  }
0xdd: {  	v63 =	vadd.f32 v57, v61;
	[tilespmem:$0x18440] =	vst v2  }
0xde: {  	v2 =	vadd.f32 v58, v5;
	[tilespmem:$0x18450] =	vst v3  }
0xdf: {  	[tilespmem:$0x18460] =	vst v63  }
0xe0: {  	[tilespmem:$0x18470] =	vst v2  }
.LBB2_7:
0xe1: {  	s10 =	sadd.s32 $0x10000, s9  }
0xe2: {  	[spmem:s3] =	stream.indirect.scatter.add.f32 [tilespmem:s4], [sflag:$0x3], $0x80, s10, s24, $0xb8;
	[tilespmem:$0x1AD40] =	vst v63  }
0xe3: {  	_ =	swait.ge [sflag:s14], $0x4000  }
0xe4: {  	[sflag:s14] =	ssyncset.done $0x0  }
0xe5: {  	[sflag:s14] =	ssyncadd.s32 $0xFFFFC000  }
.LBB2_8:
0xe6: {  	v1 =	vld [tilespmem:s9+$0x10080]  }
0xe7: {  	v2 =	vld [tilespmem:s9+$0x100F0];
	_ =	sdelay $0x3  }
0xe8: {  	(v2sf) =	vpush v1, $0x0  }
0xe9: {  	(v2sf) =	vpush v2, $0xF;
	_ =	sdelay $0xd  }
0xea: {  	s10 =	spop (v2sf)  }
0xeb: {  	s11 =	spop (v2sf)  }
0xec: {  	p1 =	sne.s32 s10, s11  }
.Ltmp8:
0xed: {  	_ = 	snop;
	(pc) =	sbr.rel @p1 .LBB2_12-.Ltmp8, $1  }
0xee: {  	_ =	sdelay $0x3  }
0xef: {  	s9 =	simm.s32 $0x0  }
0xf0: {  	v4 =	vld [tilespmem:s9+$0x4180]  }
0xf1: {  	v6 =	vld [tilespmem:s9+$0x4190]  }
0xf2: {  	v7 =	vld [tilespmem:s9+$0x41A0]  }
0xf3: {  	v8 =	vld [tilespmem:s9+$0x41B0]  }
0xf4: {  	v2 =	vld [tilespmem:s9+$0x41C0]  }
0xf5: {  	v3 =	vld [tilespmem:s9+$0x41D0]  }
0xf6: {  	v15 =	vld [tilespmem:s9+$0x4100]  }
0xf7: {  	v17 =	vld [tilespmem:s9+$0x4110]  }
0xf8: {  	v14 =	vld [tilespmem:s9+$0x4120]  }
0xf9: {  	v16 =	vld [tilespmem:s9+$0x4130]  }
0xfa: {  	v5 =	vld [tilespmem:s9+$0x4140]  }
0xfb: {  	v11 =	vld [tilespmem:s9+$0x4080]  }
0xfc: {  	v12 =	vld [tilespmem:s9+$0x4090]  }
0xfd: {  	v13 =	vld [tilespmem:s9+$0x4000]  }
0xfe: {  	v19 =	vld [tilespmem:s9+$0x4010]  }
0xff: {  	v20 =	vld [tilespmem:s9+$0x4020]  }
0x100: {  	v21 =	vld [tilespmem:s9+$0x4030]  }
0x101: {  	v22 =	vld [tilespmem:s9+$0x40A0]  }
0x102: {  	v26 =	vld [tilespmem:s9+$0x40B0]  }
0x103: {  	v10 =	vimm.f32 $0.0e+00;
	v9 =	vld [tilespmem:s9+$0x4150]  }
0x104: {  	v18 =	vld [tilespmem:s9+$0x40C0];
	v13 =	vadd.f32 v13, v10;
	v24 =	vadd.f32 v19, v10  }
0x105: {  	v19 =	vld [tilespmem:s9+$0x40D0];
	v25 =	vadd.f32 v20, v10;
	v27 =	vadd.f32 v21, v10  }
0x106: {  	v20 =	vld [tilespmem:s9+$0x4040];
	v23 =	vadd.f32 v11, v13;
	v24 =	vadd.f32 v12, v24  }
0x107: {  	v21 =	vld [tilespmem:s9+$0x4050];
	v25 =	vadd.f32 v22, v25;
	v26 =	vadd.f32 v26, v27  }
0x108: {  	s10 =	simm.s32 $0x800;
	v22 =	vld [tilespmem:s9+$0x4060];
	v13 =	vimm.f32 $0.0e+00;
	v12 =	vimm.f32 $0.0e+00;
	v11 =	vimm.f32 $0.0e+00  }
.LBB2_10:
0x109: {  	p1 =	sne.s32 s10, $0xF800;
	v27 =	vld [tilespmem:s9+$0x4070];
	v15 =	vadd.f32 v15, v23;
	v17 =	vadd.f32 v17, v24  }
0x10a: {  	v23 =	vld [tilespmem:s9+$0x40E0];
	v14 =	vadd.f32 v14, v25;
	v16 =	vadd.f32 v16, v26  }
0x10b: {  	v24 =	vld [tilespmem:s9+$0x40F0];
	v25 =	vadd.f32 v4, v15;
	v26 =	vadd.f32 v6, v17  }
0x10c: {  	v15 =	vld [tilespmem:s9+$0x4160];
	v28 =	vadd.f32 v7, v14;
	v29 =	vadd.f32 v8, v16  }
0x10d: {  	v4 =	vadd.f32 v20, v10;
	v6 =	vadd.f32 v21, v13;
	v8 =	vld [tilespmem:s9+$0x4170]  }
0x10e: {  	v7 =	vadd.f32 v22, v12;
	v10 =	vadd.f32 v27, v11;
	v11 =	vld [tilespmem:s9+$0x41E0]  }
0x10f: {  	v12 =	vadd.f32 v18, v4;
	v13 =	vadd.f32 v19, v6;
	v14 =	vld [tilespmem:s9+$0x41F0];
	s9 =	sshra.s32 s10, $0x2  }
0x110: {  	v16 =	vadd.f32 v23, v7;
	v4 =	vld [tilespmem:s9+$0x4180];
	v10 =	vadd.f32 v24, v10  }
0x111: {  	v5 =	vadd.f32 v5, v12;
	v9 =	vadd.f32 v9, v13;
	v6 =	vld [tilespmem:s9+$0x4190]  }
0x112: {  	v12 =	vadd.f32 v15, v16;
	v7 =	vld [tilespmem:s9+$0x41A0];
	v15 =	vadd.f32 v8, v10  }
0x113: {  	v10 =	vadd.f32 v2, v5;
	v13 =	vadd.f32 v3, v9;
	v8 =	vld [tilespmem:s9+$0x41B0]  }
0x114: {  	v12 =	vadd.f32 v11, v12;
	v2 =	vld [tilespmem:s9+$0x41C0];
	v11 =	vadd.f32 v14, v15  }
0x115: {  	v3 =	vld [tilespmem:s9+$0x41D0]  }
0x116: {  	v15 =	vld [tilespmem:s9+$0x4100]  }
0x117: {  	v17 =	vld [tilespmem:s9+$0x4110]  }
0x118: {  	v14 =	vld [tilespmem:s9+$0x4120]  }
0x119: {  	v16 =	vld [tilespmem:s9+$0x4130]  }
0x11a: {  	v5 =	vld [tilespmem:s9+$0x4140]  }
0x11b: {  	v9 =	vld [tilespmem:s9+$0x4150]  }
0x11c: {  	v22 =	vld [tilespmem:s9+$0x4080]  }
0x11d: {  	v24 =	vld [tilespmem:s9+$0x4090]  }
0x11e: {  	v19 =	vld [tilespmem:s9+$0x4000]  }
0x11f: {  	v20 =	vld [tilespmem:s9+$0x4010]  }
0x120: {  	v21 =	vld [tilespmem:s9+$0x4020]  }
0x121: {  	v23 =	vld [tilespmem:s9+$0x4030]  }
0x122: {  	v27 =	vld [tilespmem:s9+$0x40A0]  }
0x123: {  	v30 =	vld [tilespmem:s9+$0x40B0]  }
.Ltmp9:
0x124: {  	v18 =	vld [tilespmem:s9+$0x40C0];
	(pc) =	sbr.rel @p1 .LBB2_10-.Ltmp9, $4  }
0x125: {  	v25 =	vadd.f32 v19, v25;
	v26 =	vadd.f32 v20, v26;
	v19 =	vld [tilespmem:s9+$0x40D0]  }
0x126: {  	v28 =	vadd.f32 v21, v28;
	v29 =	vadd.f32 v23, v29;
	v20 =	vld [tilespmem:s9+$0x4040]  }
0x127: {  	v23 =	vadd.f32 v22, v25;
	v24 =	vadd.f32 v24, v26;
	v21 =	vld [tilespmem:s9+$0x4050]  }
0x128: {  	s10 =	sadd.s32 $0x800, s10;
	v25 =	vadd.f32 v27, v28;
	v22 =	vld [tilespmem:s9+$0x4060];
	v26 =	vadd.f32 v30, v29  }
0x129: {  	v27 =	vld [tilespmem:s9+$0x4070]  }
0x12a: {  	v15 =	vadd.f32 v15, v23;
	v17 =	vadd.f32 v17, v24;
	v55 =	vld [tilespmem:s9+$0x40E0]  }
0x12b: {  	v56 =	vld [tilespmem:s9+$0x40F0];
	v14 =	vadd.f32 v14, v25;
	v16 =	vadd.f32 v16, v26  }
0x12c: {  	v57 =	vld [tilespmem:s9+$0x4160];
	v4 =	vadd.f32 v4, v15;
	v6 =	vadd.f32 v6, v17  }
0x12d: {  	v58 =	vld [tilespmem:s9+$0x4170];
	v10 =	vadd.f32 v20, v10;
	v7 =	vadd.f32 v7, v14  }
0x12e: {  	v63 =	vld [tilespmem:$0x18C00];
	v8 =	vadd.f32 v8, v16;
	v13 =	vadd.f32 v21, v13  }
0x12f: {  	v59 =	vld [tilespmem:s9+$0x41E0];
	v12 =	vadd.f32 v22, v12;
	v10 =	vadd.f32 v18, v10  }
0x130: {  	v60 =	vld [tilespmem:s9+$0x41F0];
	[tilespmem:$0x18480] =	vst v4;
	v11 =	vadd.f32 v27, v11;
	v13 =	vadd.f32 v19, v13  }
0x131: {  	[tilespmem:$0x18490] =	vst v6;
	v12 =	vadd.f32 v55, v12;
	v5 =	vadd.f32 v5, v10  }
0x132: {  	[tilespmem:$0x184A0] =	vst v7;
	v61 =	vadd.f32 v56, v11;
	v9 =	vadd.f32 v9, v13  }
0x133: {  	[tilespmem:$0x184B0] =	vst v8;
	v1 =	vsel vm1, v63, v1;
	v62 =	vadd.f32 v57, v12;
	v2 =	vadd.f32 v2, v5  }
.Ltmp10:
0x134: {  	[tilespmem:$0x18C00] =	vst v1;
	v4 =	vadd.f32 v58, v61;
	v3 =	vadd.f32 v3, v9;
	(pc) =	sbr.rel .LBB2_13-.Ltmp10, $4  }
0x135: {  	v6 =	vadd.f32 v59, v62;
	[tilespmem:$0x184C0] =	vst v2  }
0x136: {  	v2 =	vadd.f32 v60, v4;
	[tilespmem:$0x184D0] =	vst v3  }
0x137: {  	[tilespmem:$0x184E0] =	vst v6  }
0x138: {  	[tilespmem:$0x184F0] =	vst v2  }
.LBB2_12:
0x139: {  	s9 =	sadd.s32 $0x10080, s9  }
0x13a: {  	[spmem:s3] =	stream.indirect.scatter.add.f32 [tilespmem:s26], [sflag:$0x3], $0x80, s9, s24, $0xb8;
	[tilespmem:$0x1AD40] =	vst v63  }
0x13b: {  	_ =	swait.ge [sflag:s14], $0x4000  }
0x13c: {  	[sflag:s14] =	ssyncset.done $0x0  }
0x13d: {  	[sflag:s14] =	ssyncadd.s32 $0xFFFFC000  }
.LBB2_13:
0x13e: {  	s9 =	sshll.u32 s6, $0x1  }
0x13f: {  	s10 =	sadd.s32 $0x2, s9  }
0x140: {  	p1 =	sge.s32 s10, s1  }
0x141: {  	s10 =	sshll.u32 @!p1 s10, $0x8  }
0x142: {  	s10 =	sadd.s32 @!p1 s13, s10  }
0x143: {  	p2 =	slt.s32 @!p1 s10, $0x4E100  }
0x144: {  	p2 =	por !p2, p1  }
0x145: {  	s10 =	simm.s32 @p2 $0x4E100  }
0x146: {  	s10 =	sshll.u32 @!p1 s10, $0x4  }
0x147: {  	s11 =	simm.s32 @!p1 $0x0;
	s10 =	sadd.s32 @!p1 s0, s10  }
0x148: {  	[tilespmem:s11], [sflag:$0x1] =	stream.linear.gather @!p1 [hbm4b:s10+s11], $0x8000, $0x38;
	[tilespmem:$0x1AD40] =	vst v63  }
0x149: {  	s7 =	sadd.s32 s7, s18;
	_ =	swait.ge [sflag:s20], $0x8000  }
0x14a: {  	s7 =	sshll.u32 s7, $0x9;
	[sflag:s20] =	ssyncset.done $0x0  }
0x14b: {  	s7 =	sshra.s32 s7, $0x2;
	[sflag:s20] =	ssyncadd.s32 $0xFFFF8000  }
0x14c: {  	v1 =	vld [tilespmem:s7+$0x10000]  }
0x14d: {  	v2 =	vld [tilespmem:s7+$0x10070];
	_ =	sdelay $0x3  }
0x14e: {  	(v2sf) =	vpush v1, $0x0  }
0x14f: {  	(v2sf) =	vpush v2, $0xF;
	_ =	sdelay $0xd  }
0x150: {  	s10 =	spop (v2sf)  }
0x151: {  	s11 =	spop (v2sf)  }
0x152: {  	p1 =	sne.s32 s10, s11  }
.Ltmp11:
0x153: {  	_ = 	snop;
	(pc) =	sbr.rel @p1 .LBB2_17-.Ltmp11, $1  }
0x154: {  	_ =	sdelay $0x3  }
0x155: {  	s10 =	simm.s32 $0x0  }
0x156: {  	v4 =	vld [tilespmem:s10+$0x8180]  }
0x157: {  	v6 =	vld [tilespmem:s10+$0x8190]  }
0x158: {  	v7 =	vld [tilespmem:s10+$0x81A0]  }
0x159: {  	v8 =	vld [tilespmem:s10+$0x81B0]  }
0x15a: {  	v2 =	vld [tilespmem:s10+$0x81C0]  }
0x15b: {  	v3 =	vld [tilespmem:s10+$0x81D0]  }
0x15c: {  	v15 =	vld [tilespmem:s10+$0x8100]  }
0x15d: {  	v17 =	vld [tilespmem:s10+$0x8110]  }
0x15e: {  	v14 =	vld [tilespmem:s10+$0x8120]  }
0x15f: {  	v16 =	vld [tilespmem:s10+$0x8130]  }
0x160: {  	v5 =	vld [tilespmem:s10+$0x8140]  }
0x161: {  	v11 =	vld [tilespmem:s10+$0x8080]  }
0x162: {  	v12 =	vld [tilespmem:s10+$0x8090]  }
0x163: {  	v13 =	vld [tilespmem:s10+$0x8000]  }
0x164: {  	v19 =	vld [tilespmem:s10+$0x8010]  }
0x165: {  	v20 =	vld [tilespmem:s10+$0x8020]  }
0x166: {  	v21 =	vld [tilespmem:s10+$0x8030]  }
0x167: {  	v22 =	vld [tilespmem:s10+$0x80A0]  }
0x168: {  	v26 =	vld [tilespmem:s10+$0x80B0]  }
0x169: {  	v10 =	vimm.f32 $0.0e+00;
	v9 =	vld [tilespmem:s10+$0x8150]  }
0x16a: {  	v18 =	vld [tilespmem:s10+$0x80C0];
	v13 =	vadd.f32 v13, v10;
	v24 =	vadd.f32 v19, v10  }
0x16b: {  	v19 =	vld [tilespmem:s10+$0x80D0];
	v25 =	vadd.f32 v20, v10;
	v27 =	vadd.f32 v21, v10  }
0x16c: {  	v20 =	vld [tilespmem:s10+$0x8040];
	v23 =	vadd.f32 v11, v13;
	v24 =	vadd.f32 v12, v24  }
0x16d: {  	v21 =	vld [tilespmem:s10+$0x8050];
	v25 =	vadd.f32 v22, v25;
	v26 =	vadd.f32 v26, v27  }
0x16e: {  	s11 =	simm.s32 $0x800;
	v22 =	vld [tilespmem:s10+$0x8060];
	v13 =	vimm.f32 $0.0e+00;
	v12 =	vimm.f32 $0.0e+00;
	v11 =	vimm.f32 $0.0e+00  }
.LBB2_15:
0x16f: {  	p1 =	sne.s32 s11, $0xF800;
	v27 =	vld [tilespmem:s10+$0x8070];
	v15 =	vadd.f32 v15, v23;
	v17 =	vadd.f32 v17, v24  }
0x170: {  	v23 =	vld [tilespmem:s10+$0x80E0];
	v14 =	vadd.f32 v14, v25;
	v16 =	vadd.f32 v16, v26  }
0x171: {  	v24 =	vld [tilespmem:s10+$0x80F0];
	v25 =	vadd.f32 v4, v15;
	v26 =	vadd.f32 v6, v17  }
0x172: {  	v15 =	vld [tilespmem:s10+$0x8160];
	v28 =	vadd.f32 v7, v14;
	v29 =	vadd.f32 v8, v16  }
0x173: {  	v4 =	vadd.f32 v20, v10;
	v6 =	vadd.f32 v21, v13;
	v8 =	vld [tilespmem:s10+$0x8170]  }
0x174: {  	v7 =	vadd.f32 v22, v12;
	v10 =	vadd.f32 v27, v11;
	v11 =	vld [tilespmem:s10+$0x81E0]  }
0x175: {  	v12 =	vadd.f32 v18, v4;
	v13 =	vadd.f32 v19, v6;
	v14 =	vld [tilespmem:s10+$0x81F0];
	s10 =	sshra.s32 s11, $0x2  }
0x176: {  	v16 =	vadd.f32 v23, v7;
	v4 =	vld [tilespmem:s10+$0x8180];
	v10 =	vadd.f32 v24, v10  }
0x177: {  	v5 =	vadd.f32 v5, v12;
	v9 =	vadd.f32 v9, v13;
	v6 =	vld [tilespmem:s10+$0x8190]  }
0x178: {  	v12 =	vadd.f32 v15, v16;
	v7 =	vld [tilespmem:s10+$0x81A0];
	v15 =	vadd.f32 v8, v10  }
0x179: {  	v10 =	vadd.f32 v2, v5;
	v13 =	vadd.f32 v3, v9;
	v8 =	vld [tilespmem:s10+$0x81B0]  }
0x17a: {  	v12 =	vadd.f32 v11, v12;
	v2 =	vld [tilespmem:s10+$0x81C0];
	v11 =	vadd.f32 v14, v15  }
0x17b: {  	v3 =	vld [tilespmem:s10+$0x81D0]  }
0x17c: {  	v15 =	vld [tilespmem:s10+$0x8100]  }
0x17d: {  	v17 =	vld [tilespmem:s10+$0x8110]  }
0x17e: {  	v14 =	vld [tilespmem:s10+$0x8120]  }
0x17f: {  	v16 =	vld [tilespmem:s10+$0x8130]  }
0x180: {  	v5 =	vld [tilespmem:s10+$0x8140]  }
0x181: {  	v9 =	vld [tilespmem:s10+$0x8150]  }
0x182: {  	v22 =	vld [tilespmem:s10+$0x8080]  }
0x183: {  	v24 =	vld [tilespmem:s10+$0x8090]  }
0x184: {  	v19 =	vld [tilespmem:s10+$0x8000]  }
0x185: {  	v20 =	vld [tilespmem:s10+$0x8010]  }
0x186: {  	v21 =	vld [tilespmem:s10+$0x8020]  }
0x187: {  	v23 =	vld [tilespmem:s10+$0x8030]  }
0x188: {  	v27 =	vld [tilespmem:s10+$0x80A0]  }
0x189: {  	v30 =	vld [tilespmem:s10+$0x80B0]  }
.Ltmp12:
0x18a: {  	v18 =	vld [tilespmem:s10+$0x80C0];
	(pc) =	sbr.rel @p1 .LBB2_15-.Ltmp12, $4  }
0x18b: {  	v25 =	vadd.f32 v19, v25;
	v26 =	vadd.f32 v20, v26;
	v19 =	vld [tilespmem:s10+$0x80D0]  }
0x18c: {  	v28 =	vadd.f32 v21, v28;
	v29 =	vadd.f32 v23, v29;
	v20 =	vld [tilespmem:s10+$0x8040]  }
0x18d: {  	v23 =	vadd.f32 v22, v25;
	v24 =	vadd.f32 v24, v26;
	v21 =	vld [tilespmem:s10+$0x8050]  }
0x18e: {  	s11 =	sadd.s32 $0x800, s11;
	v25 =	vadd.f32 v27, v28;
	v22 =	vld [tilespmem:s10+$0x8060];
	v26 =	vadd.f32 v30, v29  }
0x18f: {  	v27 =	vld [tilespmem:s10+$0x8070]  }
0x190: {  	v15 =	vadd.f32 v15, v23;
	v17 =	vadd.f32 v17, v24;
	v55 =	vld [tilespmem:s10+$0x80E0]  }
0x191: {  	v56 =	vld [tilespmem:s10+$0x80F0];
	v14 =	vadd.f32 v14, v25;
	v16 =	vadd.f32 v16, v26  }
0x192: {  	v57 =	vld [tilespmem:s10+$0x8160];
	v4 =	vadd.f32 v4, v15;
	v6 =	vadd.f32 v6, v17  }
0x193: {  	v58 =	vld [tilespmem:s10+$0x8170];
	v10 =	vadd.f32 v20, v10;
	v7 =	vadd.f32 v7, v14  }
0x194: {  	v63 =	vld [tilespmem:$0x18C00];
	v8 =	vadd.f32 v8, v16;
	v13 =	vadd.f32 v21, v13  }
0x195: {  	v59 =	vld [tilespmem:s10+$0x81E0];
	v12 =	vadd.f32 v22, v12;
	v10 =	vadd.f32 v18, v10  }
0x196: {  	v60 =	vld [tilespmem:s10+$0x81F0];
	[tilespmem:$0x18500] =	vst v4;
	v11 =	vadd.f32 v27, v11;
	v13 =	vadd.f32 v19, v13  }
0x197: {  	[tilespmem:$0x18510] =	vst v6;
	v12 =	vadd.f32 v55, v12;
	v5 =	vadd.f32 v5, v10  }
0x198: {  	[tilespmem:$0x18520] =	vst v7;
	v61 =	vadd.f32 v56, v11;
	v9 =	vadd.f32 v9, v13  }
0x199: {  	[tilespmem:$0x18530] =	vst v8;
	v1 =	vsel vm2, v63, v1;
	v62 =	vadd.f32 v57, v12;
	v2 =	vadd.f32 v2, v5  }
.Ltmp13:
0x19a: {  	[tilespmem:$0x18C00] =	vst v1;
	v4 =	vadd.f32 v58, v61;
	v3 =	vadd.f32 v3, v9;
	(pc) =	sbr.rel .LBB2_18-.Ltmp13, $4  }
0x19b: {  	v6 =	vadd.f32 v59, v62;
	[tilespmem:$0x18540] =	vst v2  }
0x19c: {  	v2 =	vadd.f32 v60, v4;
	[tilespmem:$0x18550] =	vst v3  }
0x19d: {  	[tilespmem:$0x18560] =	vst v6  }
0x19e: {  	[tilespmem:$0x18570] =	vst v2  }
.LBB2_17:
0x19f: {  	s10 =	sadd.s32 $0x10000, s7  }
0x1a0: {  	[spmem:s3] =	stream.indirect.scatter.add.f32 [tilespmem:s16], [sflag:$0x3], $0x80, s10, s24, $0xb8;
	[tilespmem:$0x1AD40] =	vst v63  }
0x1a1: {  	_ =	swait.ge [sflag:s14], $0x4000  }
0x1a2: {  	[sflag:s14] =	ssyncset.done $0x0  }
0x1a3: {  	[sflag:s14] =	ssyncadd.s32 $0xFFFFC000  }
.LBB2_18:
0x1a4: {  	v1 =	vld [tilespmem:s7+$0x10080]  }
0x1a5: {  	v2 =	vld [tilespmem:s7+$0x100F0];
	_ =	sdelay $0x3  }
0x1a6: {  	(v2sf) =	vpush v1, $0x0  }
0x1a7: {  	(v2sf) =	vpush v2, $0xF;
	_ =	sdelay $0xd  }
0x1a8: {  	s10 =	spop (v2sf)  }
0x1a9: {  	s11 =	spop (v2sf)  }
0x1aa: {  	p1 =	sne.s32 s10, s11  }
.Ltmp14:
0x1ab: {  	_ = 	snop;
	(pc) =	sbr.rel @p1 .LBB2_22-.Ltmp14, $1  }
0x1ac: {  	_ =	sdelay $0x3  }
0x1ad: {  	s7 =	simm.s32 $0x0  }
0x1ae: {  	v4 =	vld [tilespmem:s7+$0xC180]  }
0x1af: {  	v6 =	vld [tilespmem:s7+$0xC190]  }
0x1b0: {  	v7 =	vld [tilespmem:s7+$0xC1A0]  }
0x1b1: {  	v8 =	vld [tilespmem:s7+$0xC1B0]  }
0x1b2: {  	v2 =	vld [tilespmem:s7+$0xC1C0]  }
0x1b3: {  	v3 =	vld [tilespmem:s7+$0xC1D0]  }
0x1b4: {  	v15 =	vld [tilespmem:s7+$0xC100]  }
0x1b5: {  	v17 =	vld [tilespmem:s7+$0xC110]  }
0x1b6: {  	v14 =	vld [tilespmem:s7+$0xC120]  }
0x1b7: {  	v16 =	vld [tilespmem:s7+$0xC130]  }
0x1b8: {  	v5 =	vld [tilespmem:s7+$0xC140]  }
0x1b9: {  	v11 =	vld [tilespmem:s7+$0xC080]  }
0x1ba: {  	v12 =	vld [tilespmem:s7+$0xC090]  }
0x1bb: {  	v13 =	vld [tilespmem:s7+$0xC000]  }
0x1bc: {  	v19 =	vld [tilespmem:s7+$0xC010]  }
0x1bd: {  	v20 =	vld [tilespmem:s7+$0xC020]  }
0x1be: {  	v21 =	vld [tilespmem:s7+$0xC030]  }
0x1bf: {  	v22 =	vld [tilespmem:s7+$0xC0A0]  }
0x1c0: {  	v26 =	vld [tilespmem:s7+$0xC0B0]  }
0x1c1: {  	v10 =	vimm.f32 $0.0e+00;
	v9 =	vld [tilespmem:s7+$0xC150]  }
0x1c2: {  	v18 =	vld [tilespmem:s7+$0xC0C0];
	v13 =	vadd.f32 v13, v10;
	v24 =	vadd.f32 v19, v10  }
0x1c3: {  	v19 =	vld [tilespmem:s7+$0xC0D0];
	v25 =	vadd.f32 v20, v10;
	v27 =	vadd.f32 v21, v10  }
0x1c4: {  	v20 =	vld [tilespmem:s7+$0xC040];
	v23 =	vadd.f32 v11, v13;
	v24 =	vadd.f32 v12, v24  }
0x1c5: {  	v21 =	vld [tilespmem:s7+$0xC050];
	v25 =	vadd.f32 v22, v25;
	v26 =	vadd.f32 v26, v27  }
0x1c6: {  	s10 =	simm.s32 $0x800;
	v22 =	vld [tilespmem:s7+$0xC060];
	v13 =	vimm.f32 $0.0e+00;
	v12 =	vimm.f32 $0.0e+00;
	v11 =	vimm.f32 $0.0e+00  }
.LBB2_20:
0x1c7: {  	p1 =	sne.s32 s10, $0xF800;
	v27 =	vld [tilespmem:s7+$0xC070];
	v15 =	vadd.f32 v15, v23;
	v17 =	vadd.f32 v17, v24  }
0x1c8: {  	v23 =	vld [tilespmem:s7+$0xC0E0];
	v14 =	vadd.f32 v14, v25;
	v16 =	vadd.f32 v16, v26  }
0x1c9: {  	v24 =	vld [tilespmem:s7+$0xC0F0];
	v25 =	vadd.f32 v4, v15;
	v26 =	vadd.f32 v6, v17  }
0x1ca: {  	v15 =	vld [tilespmem:s7+$0xC160];
	v28 =	vadd.f32 v7, v14;
	v29 =	vadd.f32 v8, v16  }
0x1cb: {  	v4 =	vadd.f32 v20, v10;
	v6 =	vadd.f32 v21, v13;
	v8 =	vld [tilespmem:s7+$0xC170]  }
0x1cc: {  	v7 =	vadd.f32 v22, v12;
	v10 =	vadd.f32 v27, v11;
	v11 =	vld [tilespmem:s7+$0xC1E0]  }
0x1cd: {  	v12 =	vadd.f32 v18, v4;
	v13 =	vadd.f32 v19, v6;
	v14 =	vld [tilespmem:s7+$0xC1F0];
	s7 =	sshra.s32 s10, $0x2  }
0x1ce: {  	v16 =	vadd.f32 v23, v7;
	v4 =	vld [tilespmem:s7+$0xC180];
	v10 =	vadd.f32 v24, v10  }
0x1cf: {  	v5 =	vadd.f32 v5, v12;
	v9 =	vadd.f32 v9, v13;
	v6 =	vld [tilespmem:s7+$0xC190]  }
0x1d0: {  	v12 =	vadd.f32 v15, v16;
	v7 =	vld [tilespmem:s7+$0xC1A0];
	v15 =	vadd.f32 v8, v10  }
0x1d1: {  	v10 =	vadd.f32 v2, v5;
	v13 =	vadd.f32 v3, v9;
	v8 =	vld [tilespmem:s7+$0xC1B0]  }
0x1d2: {  	v12 =	vadd.f32 v11, v12;
	v2 =	vld [tilespmem:s7+$0xC1C0];
	v11 =	vadd.f32 v14, v15  }
0x1d3: {  	v3 =	vld [tilespmem:s7+$0xC1D0]  }
0x1d4: {  	v15 =	vld [tilespmem:s7+$0xC100]  }
0x1d5: {  	v17 =	vld [tilespmem:s7+$0xC110]  }
0x1d6: {  	v14 =	vld [tilespmem:s7+$0xC120]  }
0x1d7: {  	v16 =	vld [tilespmem:s7+$0xC130]  }
0x1d8: {  	v5 =	vld [tilespmem:s7+$0xC140]  }
0x1d9: {  	v9 =	vld [tilespmem:s7+$0xC150]  }
0x1da: {  	v22 =	vld [tilespmem:s7+$0xC080]  }
0x1db: {  	v24 =	vld [tilespmem:s7+$0xC090]  }
0x1dc: {  	v19 =	vld [tilespmem:s7+$0xC000]  }
0x1dd: {  	v20 =	vld [tilespmem:s7+$0xC010]  }
0x1de: {  	v21 =	vld [tilespmem:s7+$0xC020]  }
0x1df: {  	v23 =	vld [tilespmem:s7+$0xC030]  }
0x1e0: {  	v27 =	vld [tilespmem:s7+$0xC0A0]  }
0x1e1: {  	v30 =	vld [tilespmem:s7+$0xC0B0]  }
.Ltmp15:
0x1e2: {  	v18 =	vld [tilespmem:s7+$0xC0C0];
	(pc) =	sbr.rel @p1 .LBB2_20-.Ltmp15, $4  }
0x1e3: {  	v25 =	vadd.f32 v19, v25;
	v26 =	vadd.f32 v20, v26;
	v19 =	vld [tilespmem:s7+$0xC0D0]  }
0x1e4: {  	v28 =	vadd.f32 v21, v28;
	v29 =	vadd.f32 v23, v29;
	v20 =	vld [tilespmem:s7+$0xC040]  }
0x1e5: {  	v23 =	vadd.f32 v22, v25;
	v24 =	vadd.f32 v24, v26;
	v21 =	vld [tilespmem:s7+$0xC050]  }
0x1e6: {  	s10 =	sadd.s32 $0x800, s10;
	v25 =	vadd.f32 v27, v28;
	v22 =	vld [tilespmem:s7+$0xC060];
	v26 =	vadd.f32 v30, v29  }
0x1e7: {  	v27 =	vld [tilespmem:s7+$0xC070]  }
0x1e8: {  	v15 =	vadd.f32 v15, v23;
	v17 =	vadd.f32 v17, v24;
	v55 =	vld [tilespmem:s7+$0xC0E0]  }
0x1e9: {  	v56 =	vld [tilespmem:s7+$0xC0F0];
	v14 =	vadd.f32 v14, v25;
	v16 =	vadd.f32 v16, v26  }
0x1ea: {  	v57 =	vld [tilespmem:s7+$0xC160];
	v4 =	vadd.f32 v4, v15;
	v6 =	vadd.f32 v6, v17  }
0x1eb: {  	v58 =	vld [tilespmem:s7+$0xC170];
	v10 =	vadd.f32 v20, v10;
	v7 =	vadd.f32 v7, v14  }
0x1ec: {  	v63 =	vld [tilespmem:$0x18C00];
	v8 =	vadd.f32 v8, v16;
	v13 =	vadd.f32 v21, v13  }
0x1ed: {  	v59 =	vld [tilespmem:s7+$0xC1E0];
	v12 =	vadd.f32 v22, v12;
	v10 =	vadd.f32 v18, v10  }
0x1ee: {  	v60 =	vld [tilespmem:s7+$0xC1F0];
	[tilespmem:$0x18580] =	vst v4;
	v11 =	vadd.f32 v27, v11;
	v13 =	vadd.f32 v19, v13  }
0x1ef: {  	[tilespmem:$0x18590] =	vst v6;
	v12 =	vadd.f32 v55, v12;
	v5 =	vadd.f32 v5, v10  }
0x1f0: {  	[tilespmem:$0x185A0] =	vst v7;
	v61 =	vadd.f32 v56, v11;
	v9 =	vadd.f32 v9, v13  }
0x1f1: {  	[tilespmem:$0x185B0] =	vst v8;
	v1 =	vsel vm3, v63, v1;
	v62 =	vadd.f32 v57, v12;
	v2 =	vadd.f32 v2, v5  }
.Ltmp16:
0x1f2: {  	[tilespmem:$0x18C00] =	vst v1;
	v4 =	vadd.f32 v58, v61;
	v3 =	vadd.f32 v3, v9;
	(pc) =	sbr.rel .LBB2_23-.Ltmp16, $4  }
0x1f3: {  	v6 =	vadd.f32 v59, v62;
	[tilespmem:$0x185C0] =	vst v2  }
0x1f4: {  	v2 =	vadd.f32 v60, v4;
	[tilespmem:$0x185D0] =	vst v3  }
0x1f5: {  	[tilespmem:$0x185E0] =	vst v6  }
0x1f6: {  	[tilespmem:$0x185F0] =	vst v2  }
.LBB2_24:
0x1f7: {  	s2 =	sand.u32 $0x1, s1  }
0x1f8: {  	p1 =	seq.s32 s2, $0x0  }
.Ltmp17:
0x1f9: {  	_ = 	snop;
	(pc) =	sbr.rel @p1 .LBB2_36-.Ltmp17, $1  }
0x1fa: {  	_ =	sdelay $0x3  }
0x1fb: {  	s2 =	sshll.u32 s1, $0x1  }
0x1fc: {  	_ =	swait.ge [sflag:s15], $0x8000;
	s2 =	sadd.s32 s31, s2  }
0x1fd: {  	[sflag:s15] =	ssyncset.done $0x0;
	s2 =	sshll.u32 s2, $0x9  }
0x1fe: {  	[sflag:s15] =	ssyncadd.s32 $0xFFFF8000;
	s2 =	sadd.s32 $0xFFFFFC00, s2  }
0x1ff: {  	[tilespmem:$0x18C00] =	vst v0;
	s2 =	sshra.s32 s2, $0x2  }
0x200: {  	v1 =	vld [tilespmem:s2+$0x10000]  }
0x201: {  	v2 =	vld [tilespmem:s2+$0x10070];
	_ =	sdelay $0x3  }
0x202: {  	(v2sf) =	vpush v1, $0x0  }
0x203: {  	(v2sf) =	vpush v2, $0xF;
	_ =	sdelay $0xd  }
0x204: {  	s6 =	spop (v2sf)  }
0x205: {  	s7 =	spop (v2sf)  }
0x206: {  	p1 =	sne.s32 s6, s7  }
.Ltmp18:
0x207: {  	_ = 	snop;
	(pc) =	sbr.rel @p1 .LBB2_29-.Ltmp18, $1  }
0x208: {  	_ =	sdelay $0x3  }
0x209: {  	s6 =	simm.s32 $0x0  }
0x20a: {  	v4 =	vld [tilespmem:s6+$0x180]  }
0x20b: {  	v6 =	vld [tilespmem:s6+$0x190]  }
0x20c: {  	v7 =	vld [tilespmem:s6+$0x1A0]  }
0x20d: {  	v8 =	vld [tilespmem:s6+$0x1B0]  }
0x20e: {  	v2 =	vld [tilespmem:s6+$0x1C0]  }
0x20f: {  	v3 =	vld [tilespmem:s6+$0x1D0]  }
0x210: {  	v15 =	vld [tilespmem:s6+$0x100]  }
0x211: {  	v17 =	vld [tilespmem:s6+$0x110]  }
0x212: {  	v14 =	vld [tilespmem:s6+$0x120]  }
0x213: {  	v16 =	vld [tilespmem:s6+$0x130]  }
0x214: {  	v5 =	vld [tilespmem:s6+$0x140]  }
0x215: {  	v11 =	vld [tilespmem:s6+$0x80]  }
0x216: {  	v12 =	vld [tilespmem:s6+$0x90]  }
0x217: {  	v13 =	vld [tilespmem:s6+$0x0]  }
0x218: {  	v19 =	vld [tilespmem:s6+$0x10]  }
0x219: {  	v20 =	vld [tilespmem:s6+$0x20]  }
0x21a: {  	v21 =	vld [tilespmem:s6+$0x30]  }
0x21b: {  	v22 =	vld [tilespmem:s6+$0xA0]  }
0x21c: {  	v26 =	vld [tilespmem:s6+$0xB0]  }
0x21d: {  	v10 =	vimm.f32 $0.0e+00;
	v9 =	vld [tilespmem:s6+$0x150]  }
0x21e: {  	v18 =	vld [tilespmem:s6+$0xC0];
	v13 =	vadd.f32 v13, v10;
	v24 =	vadd.f32 v19, v10  }
0x21f: {  	v19 =	vld [tilespmem:s6+$0xD0];
	v25 =	vadd.f32 v20, v10;
	v27 =	vadd.f32 v21, v10  }
0x220: {  	v20 =	vld [tilespmem:s6+$0x40];
	v23 =	vadd.f32 v11, v13;
	v24 =	vadd.f32 v12, v24  }
0x221: {  	v21 =	vld [tilespmem:s6+$0x50];
	v25 =	vadd.f32 v22, v25;
	v26 =	vadd.f32 v26, v27  }
0x222: {  	s7 =	simm.s32 $0x800;
	v22 =	vld [tilespmem:s6+$0x60];
	v13 =	vimm.f32 $0.0e+00;
	v12 =	vimm.f32 $0.0e+00;
	v11 =	vimm.f32 $0.0e+00  }
.LBB2_27:
0x223: {  	p1 =	sne.s32 s7, $0xF800;
	v27 =	vld [tilespmem:s6+$0x70];
	v15 =	vadd.f32 v15, v23;
	v17 =	vadd.f32 v17, v24  }
0x224: {  	v23 =	vld [tilespmem:s6+$0xE0];
	v14 =	vadd.f32 v14, v25;
	v16 =	vadd.f32 v16, v26  }
0x225: {  	v24 =	vld [tilespmem:s6+$0xF0];
	v25 =	vadd.f32 v4, v15;
	v26 =	vadd.f32 v6, v17  }
0x226: {  	v15 =	vld [tilespmem:s6+$0x160];
	v28 =	vadd.f32 v7, v14;
	v29 =	vadd.f32 v8, v16  }
0x227: {  	v4 =	vadd.f32 v20, v10;
	v6 =	vadd.f32 v21, v13;
	v8 =	vld [tilespmem:s6+$0x170]  }
0x228: {  	v7 =	vadd.f32 v22, v12;
	v10 =	vadd.f32 v27, v11;
	v11 =	vld [tilespmem:s6+$0x1E0]  }
0x229: {  	v12 =	vadd.f32 v18, v4;
	v13 =	vadd.f32 v19, v6;
	v14 =	vld [tilespmem:s6+$0x1F0];
	s6 =	sshra.s32 s7, $0x2  }
0x22a: {  	v16 =	vadd.f32 v23, v7;
	v4 =	vld [tilespmem:s6+$0x180];
	v10 =	vadd.f32 v24, v10  }
0x22b: {  	v5 =	vadd.f32 v5, v12;
	v9 =	vadd.f32 v9, v13;
	v6 =	vld [tilespmem:s6+$0x190]  }
0x22c: {  	v12 =	vadd.f32 v15, v16;
	v7 =	vld [tilespmem:s6+$0x1A0];
	v15 =	vadd.f32 v8, v10  }
0x22d: {  	v10 =	vadd.f32 v2, v5;
	v13 =	vadd.f32 v3, v9;
	v8 =	vld [tilespmem:s6+$0x1B0]  }
0x22e: {  	v12 =	vadd.f32 v11, v12;
	v2 =	vld [tilespmem:s6+$0x1C0];
	v11 =	vadd.f32 v14, v15  }
0x22f: {  	v3 =	vld [tilespmem:s6+$0x1D0]  }
0x230: {  	v15 =	vld [tilespmem:s6+$0x100]  }
0x231: {  	v17 =	vld [tilespmem:s6+$0x110]  }
0x232: {  	v14 =	vld [tilespmem:s6+$0x120]  }
0x233: {  	v16 =	vld [tilespmem:s6+$0x130]  }
0x234: {  	v5 =	vld [tilespmem:s6+$0x140]  }
0x235: {  	v9 =	vld [tilespmem:s6+$0x150]  }
0x236: {  	v22 =	vld [tilespmem:s6+$0x80]  }
0x237: {  	v24 =	vld [tilespmem:s6+$0x90]  }
0x238: {  	v19 =	vld [tilespmem:s6+$0x0]  }
0x239: {  	v20 =	vld [tilespmem:s6+$0x10]  }
0x23a: {  	v21 =	vld [tilespmem:s6+$0x20]  }
0x23b: {  	v23 =	vld [tilespmem:s6+$0x30]  }
0x23c: {  	v27 =	vld [tilespmem:s6+$0xA0]  }
0x23d: {  	v30 =	vld [tilespmem:s6+$0xB0]  }
.Ltmp19:
0x23e: {  	v18 =	vld [tilespmem:s6+$0xC0];
	(pc) =	sbr.rel @p1 .LBB2_27-.Ltmp19, $4  }
0x23f: {  	v25 =	vadd.f32 v19, v25;
	v26 =	vadd.f32 v20, v26;
	v19 =	vld [tilespmem:s6+$0xD0]  }
0x240: {  	v28 =	vadd.f32 v21, v28;
	v29 =	vadd.f32 v23, v29;
	v20 =	vld [tilespmem:s6+$0x40]  }
0x241: {  	v23 =	vadd.f32 v22, v25;
	v24 =	vadd.f32 v24, v26;
	v21 =	vld [tilespmem:s6+$0x50]  }
0x242: {  	s7 =	sadd.s32 $0x800, s7;
	v25 =	vadd.f32 v27, v28;
	v22 =	vld [tilespmem:s6+$0x60];
	v26 =	vadd.f32 v30, v29  }
0x243: {  	v27 =	vld [tilespmem:s6+$0x70]  }
0x244: {  	v15 =	vadd.f32 v15, v23;
	v17 =	vadd.f32 v17, v24;
	v55 =	vld [tilespmem:s6+$0xE0]  }
0x245: {  	v56 =	vld [tilespmem:s6+$0xF0];
	v14 =	vadd.f32 v14, v25;
	v16 =	vadd.f32 v16, v26  }
0x246: {  	v57 =	vld [tilespmem:s6+$0x160];
	v4 =	vadd.f32 v4, v15;
	v6 =	vadd.f32 v6, v17  }
0x247: {  	v58 =	vld [tilespmem:s6+$0x170];
	v10 =	vadd.f32 v20, v10;
	v7 =	vadd.f32 v7, v14  }
0x248: {  	v63 =	vld [tilespmem:$0x18C00];
	v8 =	vadd.f32 v8, v16;
	v13 =	vadd.f32 v21, v13  }
0x249: {  	v59 =	vld [tilespmem:s6+$0x1E0];
	v12 =	vadd.f32 v22, v12;
	v10 =	vadd.f32 v18, v10  }
0x24a: {  	v60 =	vld [tilespmem:s6+$0x1F0];
	[tilespmem:$0x18400] =	vst v4;
	v11 =	vadd.f32 v27, v11;
	v13 =	vadd.f32 v19, v13  }
0x24b: {  	[tilespmem:$0x18410] =	vst v6;
	v12 =	vadd.f32 v55, v12;
	v5 =	vadd.f32 v5, v10  }
0x24c: {  	[tilespmem:$0x18420] =	vst v7;
	v61 =	vadd.f32 v56, v11;
	v9 =	vadd.f32 v9, v13  }
0x24d: {  	[tilespmem:$0x18430] =	vst v8;
	v1 =	vsel vm0, v1, v63;
	v62 =	vadd.f32 v57, v12;
	v2 =	vadd.f32 v2, v5  }
.Ltmp20:
0x24e: {  	[tilespmem:$0x18C00] =	vst v1;
	v4 =	vadd.f32 v58, v61;
	v3 =	vadd.f32 v3, v9;
	(pc) =	sbr.rel .LBB2_30-.Ltmp20, $4  }
0x24f: {  	v6 =	vadd.f32 v59, v62;
	[tilespmem:$0x18440] =	vst v2  }
0x250: {  	v2 =	vadd.f32 v60, v4;
	[tilespmem:$0x18450] =	vst v3  }
0x251: {  	[tilespmem:$0x18460] =	vst v6  }
0x252: {  	[tilespmem:$0x18470] =	vst v2  }
.LBB2_29:
0x253: {  	s6 =	sadd.s32 $0x10000, s2  }
0x254: {  	[spmem:s3] =	stream.indirect.scatter.add.f32 [tilespmem:s4], [sflag:$0x3], $0x80, s6, s24, $0xb8;
	[tilespmem:$0x1AD40] =	vst v63  }
0x255: {  	_ =	swait.ge [sflag:s14], $0x4000  }
0x256: {  	[sflag:s14] =	ssyncset.done $0x0  }
0x257: {  	[sflag:s14] =	ssyncadd.s32 $0xFFFFC000  }
.LBB2_30:
0x258: {  	v1 =	vld [tilespmem:s2+$0x10080]  }
0x259: {  	v2 =	vld [tilespmem:s2+$0x100F0];
	_ =	sdelay $0x3  }
0x25a: {  	(v2sf) =	vpush v1, $0x0  }
0x25b: {  	(v2sf) =	vpush v2, $0xF;
	_ =	sdelay $0xd  }
0x25c: {  	s6 =	spop (v2sf)  }
0x25d: {  	s7 =	spop (v2sf)  }
0x25e: {  	p1 =	sne.s32 s6, s7  }
.Ltmp21:
0x25f: {  	_ = 	snop;
	(pc) =	sbr.rel @p1 .LBB2_34-.Ltmp21, $1  }
0x260: {  	_ =	sdelay $0x3  }
0x261: {  	s2 =	simm.s32 $0x0  }
0x262: {  	v4 =	vld [tilespmem:s2+$0x4180]  }
0x263: {  	v6 =	vld [tilespmem:s2+$0x4190]  }
0x264: {  	v7 =	vld [tilespmem:s2+$0x41A0]  }
0x265: {  	v8 =	vld [tilespmem:s2+$0x41B0]  }
0x266: {  	v2 =	vld [tilespmem:s2+$0x41C0]  }
0x267: {  	v3 =	vld [tilespmem:s2+$0x41D0]  }
0x268: {  	v15 =	vld [tilespmem:s2+$0x4100]  }
0x269: {  	v17 =	vld [tilespmem:s2+$0x4110]  }
0x26a: {  	v14 =	vld [tilespmem:s2+$0x4120]  }
0x26b: {  	v16 =	vld [tilespmem:s2+$0x4130]  }
0x26c: {  	v5 =	vld [tilespmem:s2+$0x4140]  }
0x26d: {  	v11 =	vld [tilespmem:s2+$0x4080]  }
0x26e: {  	v12 =	vld [tilespmem:s2+$0x4090]  }
0x26f: {  	v13 =	vld [tilespmem:s2+$0x4000]  }
0x270: {  	v19 =	vld [tilespmem:s2+$0x4010]  }
0x271: {  	v20 =	vld [tilespmem:s2+$0x4020]  }
0x272: {  	v21 =	vld [tilespmem:s2+$0x4030]  }
0x273: {  	v22 =	vld [tilespmem:s2+$0x40A0]  }
0x274: {  	v26 =	vld [tilespmem:s2+$0x40B0]  }
0x275: {  	v10 =	vimm.f32 $0.0e+00;
	v9 =	vld [tilespmem:s2+$0x4150]  }
0x276: {  	v18 =	vld [tilespmem:s2+$0x40C0];
	v13 =	vadd.f32 v13, v10;
	v24 =	vadd.f32 v19, v10  }
0x277: {  	v19 =	vld [tilespmem:s2+$0x40D0];
	v25 =	vadd.f32 v20, v10;
	v27 =	vadd.f32 v21, v10  }
0x278: {  	v20 =	vld [tilespmem:s2+$0x4040];
	v23 =	vadd.f32 v11, v13;
	v24 =	vadd.f32 v12, v24  }
0x279: {  	v21 =	vld [tilespmem:s2+$0x4050];
	v25 =	vadd.f32 v22, v25;
	v26 =	vadd.f32 v26, v27  }
0x27a: {  	s6 =	simm.s32 $0x800;
	v22 =	vld [tilespmem:s2+$0x4060];
	v13 =	vimm.f32 $0.0e+00;
	v12 =	vimm.f32 $0.0e+00;
	v11 =	vimm.f32 $0.0e+00  }
.LBB2_32:
0x27b: {  	p1 =	sne.s32 s6, $0xF800;
	v27 =	vld [tilespmem:s2+$0x4070];
	v15 =	vadd.f32 v15, v23;
	v17 =	vadd.f32 v17, v24  }
0x27c: {  	v23 =	vld [tilespmem:s2+$0x40E0];
	v14 =	vadd.f32 v14, v25;
	v16 =	vadd.f32 v16, v26  }
0x27d: {  	v24 =	vld [tilespmem:s2+$0x40F0];
	v25 =	vadd.f32 v4, v15;
	v26 =	vadd.f32 v6, v17  }
0x27e: {  	v15 =	vld [tilespmem:s2+$0x4160];
	v28 =	vadd.f32 v7, v14;
	v29 =	vadd.f32 v8, v16  }
0x27f: {  	v4 =	vadd.f32 v20, v10;
	v6 =	vadd.f32 v21, v13;
	v8 =	vld [tilespmem:s2+$0x4170]  }
0x280: {  	v7 =	vadd.f32 v22, v12;
	v10 =	vadd.f32 v27, v11;
	v11 =	vld [tilespmem:s2+$0x41E0]  }
0x281: {  	v12 =	vadd.f32 v18, v4;
	v13 =	vadd.f32 v19, v6;
	v14 =	vld [tilespmem:s2+$0x41F0];
	s2 =	sshra.s32 s6, $0x2  }
0x282: {  	v16 =	vadd.f32 v23, v7;
	v4 =	vld [tilespmem:s2+$0x4180];
	v10 =	vadd.f32 v24, v10  }
0x283: {  	v5 =	vadd.f32 v5, v12;
	v9 =	vadd.f32 v9, v13;
	v6 =	vld [tilespmem:s2+$0x4190]  }
0x284: {  	v12 =	vadd.f32 v15, v16;
	v7 =	vld [tilespmem:s2+$0x41A0];
	v15 =	vadd.f32 v8, v10  }
0x285: {  	v10 =	vadd.f32 v2, v5;
	v13 =	vadd.f32 v3, v9;
	v8 =	vld [tilespmem:s2+$0x41B0]  }
0x286: {  	v12 =	vadd.f32 v11, v12;
	v2 =	vld [tilespmem:s2+$0x41C0];
	v11 =	vadd.f32 v14, v15  }
0x287: {  	v3 =	vld [tilespmem:s2+$0x41D0]  }
0x288: {  	v15 =	vld [tilespmem:s2+$0x4100]  }
0x289: {  	v17 =	vld [tilespmem:s2+$0x4110]  }
0x28a: {  	v14 =	vld [tilespmem:s2+$0x4120]  }
0x28b: {  	v16 =	vld [tilespmem:s2+$0x4130]  }
0x28c: {  	v5 =	vld [tilespmem:s2+$0x4140]  }
0x28d: {  	v9 =	vld [tilespmem:s2+$0x4150]  }
0x28e: {  	v22 =	vld [tilespmem:s2+$0x4080]  }
0x28f: {  	v24 =	vld [tilespmem:s2+$0x4090]  }
0x290: {  	v19 =	vld [tilespmem:s2+$0x4000]  }
0x291: {  	v20 =	vld [tilespmem:s2+$0x4010]  }
0x292: {  	v21 =	vld [tilespmem:s2+$0x4020]  }
0x293: {  	v23 =	vld [tilespmem:s2+$0x4030]  }
0x294: {  	v27 =	vld [tilespmem:s2+$0x40A0]  }
0x295: {  	v30 =	vld [tilespmem:s2+$0x40B0]  }
.Ltmp22:
0x296: {  	v18 =	vld [tilespmem:s2+$0x40C0];
	(pc) =	sbr.rel @p1 .LBB2_32-.Ltmp22, $4  }
0x297: {  	v25 =	vadd.f32 v19, v25;
	v26 =	vadd.f32 v20, v26;
	v19 =	vld [tilespmem:s2+$0x40D0]  }
0x298: {  	v28 =	vadd.f32 v21, v28;
	v29 =	vadd.f32 v23, v29;
	v20 =	vld [tilespmem:s2+$0x4040]  }
0x299: {  	v23 =	vadd.f32 v22, v25;
	v24 =	vadd.f32 v24, v26;
	v21 =	vld [tilespmem:s2+$0x4050]  }
0x29a: {  	s6 =	sadd.s32 $0x800, s6;
	v25 =	vadd.f32 v27, v28;
	v22 =	vld [tilespmem:s2+$0x4060];
	v26 =	vadd.f32 v30, v29  }
0x29b: {  	v27 =	vld [tilespmem:s2+$0x4070]  }
0x29c: {  	v15 =	vadd.f32 v15, v23;
	v17 =	vadd.f32 v17, v24;
	v55 =	vld [tilespmem:s2+$0x40E0]  }
0x29d: {  	v56 =	vld [tilespmem:s2+$0x40F0];
	v14 =	vadd.f32 v14, v25;
	v16 =	vadd.f32 v16, v26  }
0x29e: {  	v57 =	vld [tilespmem:s2+$0x4160];
	v4 =	vadd.f32 v4, v15;
	v6 =	vadd.f32 v6, v17  }
0x29f: {  	v58 =	vld [tilespmem:s2+$0x4170];
	v10 =	vadd.f32 v20, v10;
	v7 =	vadd.f32 v7, v14  }
0x2a0: {  	v63 =	vld [tilespmem:$0x18C00];
	v8 =	vadd.f32 v8, v16;
	v13 =	vadd.f32 v21, v13  }
0x2a1: {  	v59 =	vld [tilespmem:s2+$0x41E0];
	v12 =	vadd.f32 v22, v12;
	v10 =	vadd.f32 v18, v10  }
0x2a2: {  	v60 =	vld [tilespmem:s2+$0x41F0];
	[tilespmem:$0x18480] =	vst v4;
	v11 =	vadd.f32 v27, v11;
	v13 =	vadd.f32 v19, v13  }
0x2a3: {  	[tilespmem:$0x18490] =	vst v6;
	v12 =	vadd.f32 v55, v12;
	v5 =	vadd.f32 v5, v10  }
0x2a4: {  	[tilespmem:$0x184A0] =	vst v7;
	v61 =	vadd.f32 v56, v11;
	v9 =	vadd.f32 v9, v13  }
0x2a5: {  	[tilespmem:$0x184B0] =	vst v8;
	v1 =	vsel vm1, v63, v1;
	v62 =	vadd.f32 v57, v12;
	v2 =	vadd.f32 v2, v5  }
.Ltmp23:
0x2a6: {  	[tilespmem:$0x18C00] =	vst v1;
	v4 =	vadd.f32 v58, v61;
	v3 =	vadd.f32 v3, v9;
	(pc) =	sbr.rel .LBB2_35-.Ltmp23, $4  }
0x2a7: {  	v6 =	vadd.f32 v59, v62;
	[tilespmem:$0x184C0] =	vst v2  }
0x2a8: {  	v2 =	vadd.f32 v60, v4;
	[tilespmem:$0x184D0] =	vst v3  }
0x2a9: {  	[tilespmem:$0x184E0] =	vst v6  }
0x2aa: {  	[tilespmem:$0x184F0] =	vst v2  }
.LBB2_34:
0x2ab: {  	s2 =	sadd.s32 $0x10080, s2  }
0x2ac: {  	[spmem:s3] =	stream.indirect.scatter.add.f32 [tilespmem:s26], [sflag:$0x3], $0x80, s2, s24, $0xb8;
	[tilespmem:$0x1AD40] =	vst v63  }
0x2ad: {  	_ =	swait.ge [sflag:s14], $0x4000  }
0x2ae: {  	[sflag:s14] =	ssyncset.done $0x0  }
0x2af: {  	[sflag:s14] =	ssyncadd.s32 $0xFFFFC000  }
.LBB2_35:
0x2b0: {  	[spmem:s3] =	stream.indirect.scatter.add.f32 [tilespmem:s23], [sflag:$0x3], $0x80, s22, s21, $0xb8;
	[tilespmem:$0x1AD40] =	vst v63  }
0x2b1: {  	_ =	swait.ge [sflag:s14], $0x800  }
0x2b2: {  	[sflag:s14] =	ssyncset.done $0x0  }
0x2b3: {  	[sflag:s14] =	ssyncadd.s32 $0xFFFFF800  }
.LBB2_36:
0x2b4: {  	p1 =	sne.s32 s1, $0x0  }
.Ltmp24:
0x2b5: {  	_ = 	snop;
	(pc) =	sbr.rel @!p1 .LBB2_37-.Ltmp24, $1  }
0x2b6: {  	_ =	sdelay $0x3  }
0x2b7: {  	p1 =	sgt.s32 s1, $0x1  }
.Ltmp25:
0x2b8: {  	_ = 	snop;
	(pc) =	sbr.rel @p1 .LBB2_40-.Ltmp25, $4  }
.Ltmp26:
0x2b9: {  	_ = 	snop;
	(pc) =	sbr.rel @!p1 .LBB2_39-.Ltmp26, $4  }
0x2ba: {  	_ = 	snop  }
0x2bb: {  	_ = 	snop  }
0x2bc: {  	_ = 	snop  }
0x2bd: {  	_ = 	snop  }
.LBB2_37:
0x2be: {  	_ =	swait.ge [sflag:s15], $0x8000  }
0x2bf: {  	[sflag:s15] =	ssyncset.done $0x0  }
0x2c0: {  	[sflag:s15] =	ssyncadd.s32 $0xFFFF8000  }
.LBB2_39:
0x2c1: {  	_ =	swait.ge [sflag:s20], $0x8000  }
0x2c2: {  	[sflag:s20] =	ssyncset.done $0x0  }
0x2c3: {  	[sflag:s20] =	ssyncadd.s32 $0xFFFF8000  }
.LBB2_40:
0x2c4: {  	s1 =	sand.u32 $0x1, s30  }
0x2c5: {  	p1 =	seq.s32 s1, $0x0  }
.Ltmp27:
0x2c6: {  	_ = 	snop;
	(pc) =	sbr.rel @p1 .LBB2_47-.Ltmp27, $1  }
0x2c7: {  	_ =	sdelay $0x3  }
0x2c8: {  	s1 =	sadd.s32 $0xFFFFFFFF, s30  }
0x2c9: {  	s2 =	sadd.s32 s29, s1  }
0x2ca: {  	s2 =	sshll.u32 s2, $0xB  }
0x2cb: {  	s2 =	sand.u32 $0x1FFFF800, s2  }
0x2cc: {  	s6 =	sadd.s32 s0, s2;
	s2 =	simm.s32 $0x0  }
0x2cd: {  	[tilespmem:s2], [sflag:$0x3] =	stream.linear.gather [hbm4b:s6+s2], $0x4000, $0x38;
	[tilespmem:$0x1AD40] =	vst v63  }
0x2ce: {  	_ =	swait.ge [sflag:s14], $0x4000  }
0x2cf: {  	s1 =	sadd.s32 s1, s31;
	[sflag:s14] =	ssyncset.done $0x0  }
0x2d0: {  	s1 =	sshll.u32 s1, $0x9;
	[sflag:s14] =	ssyncadd.s32 $0xFFFFC000  }
0x2d1: {  	s1 =	sshra.s32 s1, $0x2;
	[tilespmem:$0x18C00] =	vst v0  }
0x2d2: {  	v1 =	vld [tilespmem:s1+$0x10000]  }
0x2d3: {  	v2 =	vld [tilespmem:s1+$0x10070];
	_ =	sdelay $0x3  }
0x2d4: {  	(v2sf) =	vpush v1, $0x0  }
0x2d5: {  	(v2sf) =	vpush v2, $0xF;
	_ =	sdelay $0xd  }
0x2d6: {  	s31 =	spop (v2sf)  }
0x2d7: {  	s7 =	spop (v2sf)  }
0x2d8: {  	p1 =	sne.s32 s31, s7  }
.Ltmp28:
0x2d9: {  	_ = 	snop;
	(pc) =	sbr.rel @p1 .LBB2_45-.Ltmp28, $2  }
0x2da: {  	_ =	sdelay $0x2  }
0x2db: {  	v4 =	vimm.f32 $0.0e+00  }
0x2dc: {  	s1 =	sshra.s32 s2, $0x2  }
0x2dd: {  	v5 =	vld [tilespmem:s1+$0x180]  }
0x2de: {  	v7 =	vld [tilespmem:s1+$0x190]  }
0x2df: {  	v8 =	vld [tilespmem:s1+$0x1A0]  }
0x2e0: {  	v9 =	vld [tilespmem:s1+$0x1B0]  }
0x2e1: {  	v2 =	vld [tilespmem:s1+$0x1C0]  }
0x2e2: {  	v3 =	vld [tilespmem:s1+$0x1D0]  }
0x2e3: {  	v15 =	vld [tilespmem:s1+$0x100]  }
0x2e4: {  	v17 =	vld [tilespmem:s1+$0x110]  }
0x2e5: {  	v14 =	vld [tilespmem:s1+$0x120]  }
0x2e6: {  	v16 =	vld [tilespmem:s1+$0x130]  }
0x2e7: {  	v6 =	vld [tilespmem:s1+$0x140]  }
0x2e8: {  	v11 =	vld [tilespmem:s1+$0x80]  }
0x2e9: {  	v12 =	vld [tilespmem:s1+$0x90]  }
0x2ea: {  	v13 =	vld [tilespmem:s1+$0x0]  }
0x2eb: {  	v19 =	vld [tilespmem:s1+$0x10]  }
0x2ec: {  	v20 =	vld [tilespmem:s1+$0x20]  }
0x2ed: {  	v21 =	vld [tilespmem:s1+$0x30]  }
0x2ee: {  	v22 =	vld [tilespmem:s1+$0xA0]  }
0x2ef: {  	v26 =	vld [tilespmem:s1+$0xB0]  }
0x2f0: {  	v10 =	vld [tilespmem:s1+$0x150]  }
0x2f1: {  	v18 =	vld [tilespmem:s1+$0xC0];
	v13 =	vadd.f32 v13, v4;
	v24 =	vadd.f32 v19, v4  }
0x2f2: {  	v19 =	vld [tilespmem:s1+$0xD0];
	v25 =	vadd.f32 v20, v4;
	v27 =	vadd.f32 v21, v4  }
0x2f3: {  	v20 =	vld [tilespmem:s1+$0x40];
	v23 =	vadd.f32 v11, v13;
	v24 =	vadd.f32 v12, v24  }
0x2f4: {  	v21 =	vld [tilespmem:s1+$0x50];
	v25 =	vadd.f32 v22, v25;
	v26 =	vadd.f32 v26, v27  }
0x2f5: {  	s2 =	sadd.s32 $0x800, s2;
	v22 =	vld [tilespmem:s1+$0x60];
	v13 =	vimm.f32 $0.0e+00;
	v12 =	vimm.f32 $0.0e+00;
	v11 =	vimm.f32 $0.0e+00  }
.LBB2_43:
0x2f6: {  	p1 =	sne.s32 s2, $0xF800;
	v27 =	vld [tilespmem:s1+$0x70];
	v15 =	vadd.f32 v15, v23;
	v17 =	vadd.f32 v17, v24  }
0x2f7: {  	v23 =	vld [tilespmem:s1+$0xE0];
	v14 =	vadd.f32 v14, v25;
	v16 =	vadd.f32 v16, v26  }
0x2f8: {  	v24 =	vld [tilespmem:s1+$0xF0];
	v25 =	vadd.f32 v5, v15;
	v26 =	vadd.f32 v7, v17  }
0x2f9: {  	v15 =	vld [tilespmem:s1+$0x160];
	v28 =	vadd.f32 v8, v14;
	v29 =	vadd.f32 v9, v16  }
0x2fa: {  	v4 =	vadd.f32 v20, v4;
	v5 =	vadd.f32 v21, v13;
	v9 =	vld [tilespmem:s1+$0x170]  }
0x2fb: {  	v7 =	vadd.f32 v22, v12;
	v8 =	vadd.f32 v27, v11;
	v11 =	vld [tilespmem:s1+$0x1E0]  }
0x2fc: {  	v4 =	vadd.f32 v18, v4;
	v12 =	vadd.f32 v19, v5;
	v14 =	vld [tilespmem:s1+$0x1F0];
	s1 =	sshra.s32 s2, $0x2  }
0x2fd: {  	v13 =	vadd.f32 v23, v7;
	v5 =	vld [tilespmem:s1+$0x180];
	v16 =	vadd.f32 v24, v8  }
0x2fe: {  	v4 =	vadd.f32 v6, v4;
	v6 =	vadd.f32 v10, v12;
	v7 =	vld [tilespmem:s1+$0x190]  }
0x2ff: {  	v10 =	vadd.f32 v15, v13;
	v8 =	vld [tilespmem:s1+$0x1A0];
	v15 =	vadd.f32 v9, v16  }
0x300: {  	v4 =	vadd.f32 v2, v4;
	v13 =	vadd.f32 v3, v6;
	v9 =	vld [tilespmem:s1+$0x1B0]  }
0x301: {  	v12 =	vadd.f32 v11, v10;
	v2 =	vld [tilespmem:s1+$0x1C0];
	v11 =	vadd.f32 v14, v15  }
0x302: {  	v3 =	vld [tilespmem:s1+$0x1D0]  }
0x303: {  	v15 =	vld [tilespmem:s1+$0x100]  }
0x304: {  	v17 =	vld [tilespmem:s1+$0x110]  }
0x305: {  	v14 =	vld [tilespmem:s1+$0x120]  }
0x306: {  	v16 =	vld [tilespmem:s1+$0x130]  }
0x307: {  	v6 =	vld [tilespmem:s1+$0x140]  }
0x308: {  	v10 =	vld [tilespmem:s1+$0x150]  }
0x309: {  	v22 =	vld [tilespmem:s1+$0x80]  }
0x30a: {  	v24 =	vld [tilespmem:s1+$0x90]  }
0x30b: {  	v19 =	vld [tilespmem:s1+$0x0]  }
0x30c: {  	v20 =	vld [tilespmem:s1+$0x10]  }
0x30d: {  	v21 =	vld [tilespmem:s1+$0x20]  }
0x30e: {  	v23 =	vld [tilespmem:s1+$0x30]  }
0x30f: {  	v27 =	vld [tilespmem:s1+$0xA0]  }
0x310: {  	v30 =	vld [tilespmem:s1+$0xB0]  }
.Ltmp29:
0x311: {  	v18 =	vld [tilespmem:s1+$0xC0];
	(pc) =	sbr.rel @p1 .LBB2_43-.Ltmp29, $4  }
0x312: {  	v25 =	vadd.f32 v19, v25;
	v26 =	vadd.f32 v20, v26;
	v19 =	vld [tilespmem:s1+$0xD0]  }
0x313: {  	v28 =	vadd.f32 v21, v28;
	v29 =	vadd.f32 v23, v29;
	v20 =	vld [tilespmem:s1+$0x40]  }
0x314: {  	v23 =	vadd.f32 v22, v25;
	v24 =	vadd.f32 v24, v26;
	v21 =	vld [tilespmem:s1+$0x50]  }
0x315: {  	s2 =	sadd.s32 $0x800, s2;
	v25 =	vadd.f32 v27, v28;
	v22 =	vld [tilespmem:s1+$0x60];
	v26 =	vadd.f32 v30, v29  }
0x316: {  	v27 =	vld [tilespmem:s1+$0x70]  }
0x317: {  	v15 =	vadd.f32 v15, v23;
	v17 =	vadd.f32 v17, v24;
	v53 =	vld [tilespmem:s1+$0xE0]  }
0x318: {  	v54 =	vld [tilespmem:s1+$0xF0];
	v14 =	vadd.f32 v14, v25;
	v16 =	vadd.f32 v16, v26  }
0x319: {  	v55 =	vld [tilespmem:s1+$0x160];
	v5 =	vadd.f32 v5, v15;
	v7 =	vadd.f32 v7, v17  }
0x31a: {  	v56 =	vld [tilespmem:s1+$0x170];
	v4 =	vadd.f32 v20, v4;
	v8 =	vadd.f32 v8, v14  }
0x31b: {  	v62 =	vld [tilespmem:$0x18C00];
	v9 =	vadd.f32 v9, v16;
	v13 =	vadd.f32 v21, v13  }
0x31c: {  	v57 =	vld [tilespmem:s1+$0x1E0];
	v12 =	vadd.f32 v22, v12;
	v4 =	vadd.f32 v18, v4  }
0x31d: {  	v58 =	vld [tilespmem:s1+$0x1F0];
	[tilespmem:$0x18400] =	vst v5;
	v11 =	vadd.f32 v27, v11;
	v13 =	vadd.f32 v19, v13  }
0x31e: {  	[tilespmem:$0x18410] =	vst v7;
	v12 =	vadd.f32 v53, v12;
	v4 =	vadd.f32 v6, v4  }
0x31f: {  	[tilespmem:$0x18420] =	vst v8;
	v59 =	vadd.f32 v54, v11;
	v60 =	vadd.f32 v10, v13  }
0x320: {  	[tilespmem:$0x18430] =	vst v9;
	v1 =	vsel vm0, v1, v62;
	v61 =	vadd.f32 v55, v12;
	v2 =	vadd.f32 v2, v4  }
.Ltmp30:
0x321: {  	[tilespmem:$0x18C00] =	vst v1;
	v5 =	vadd.f32 v56, v59;
	v3 =	vadd.f32 v3, v60;
	(pc) =	sbr.rel .LBB2_46-.Ltmp30, $4  }
0x322: {  	v63 =	vadd.f32 v57, v61;
	[tilespmem:$0x18440] =	vst v2  }
0x323: {  	v2 =	vadd.f32 v58, v5;
	[tilespmem:$0x18450] =	vst v3  }
0x324: {  	[tilespmem:$0x18460] =	vst v63  }
0x325: {  	[tilespmem:$0x18470] =	vst v2  }
.LBB2_48:
0x326: {  	_ =	sfence.sel $0x180000  }
0x327: {  	[bflag:$0x0] =	sbarrier.arrive $0xFFFF  }
0x328: {  	_ =	strace $0x90000047  }
0x329: {  	[bflag:$0x2] =	sbarrier.arrive $0xFFFF  }
0x32a: {  	p0 =	sne.s32 s5, $0x0;
	s0 =	rddreg [dreg:$0x6]  }
0x32b: {  	s0 =	sadd.s32 @!p0 $0x100000, s0  }
0x32c: {  	[sflag:s0] =	ssyncadd.tile.s32 @!p0 $0x1;
	_ =	shalt  }
.Lfunc_end2:
_tile_overlayer_lowered:
.L_overlay_start_2:
0x32d: {  	(tag) =	ssettag $0x2  }
0x32e: {  	s0 =	rddreg [dreg:$0x0];
	s2 =	stileid.u32  }
0x32f: {  	s1 =	rddreg [dreg:$0x1];
	p0 =	sne.s32 s2, $0x0  }
0x330: {  	s3 =	rddreg [dreg:$0x2];
	[bflag:$0x3] =	sbarrier.arrive $0xFFFF;
	s2 =	simm.s32 @!p0 $0x1C03  }
0x331: {  	[timem:s3], [sflag:s2] =	dma.local @!p0 [hbm:s0], s1  }
0x332: {  	s0 =	simm.s32 @!p0 $0x3  }
0x333: {  	_ =	swait.ge @!p0 [sflag:s0], s1  }
0x334: {  	s1 =	ssub.s32 @!p0 $0x0, s1;
	[sflag:s0] =	ssyncset.done @!p0 $0x0  }
0x335: {  	[sflag:s0] =	ssyncadd.s32 @!p0 s1  }
0x336: {  	[bflag:$0x3] =	sbarrier.arrive $0xFFFF  }
0x337: {  	_ =	shalt  }

</sc_bundles>
